<compile_context>
chip_gen: v7x
topology: tpu7x:2x2x1
jax: 0.10.2.dev20260603
libtpu: 0.0.44.dev20260713+nightly
codegen_flags: <defaults>
</compile_context>

<pallas_src>
import functools

import jax
import jax.numpy as jnp
from jax import lax
from jax.experimental import pallas as pl
from jax.experimental.pallas import tpu as pltpu
from jax.experimental.pallas import tpu_sc as plsc

NC = 2
NS = 16
NW = NC * NS
L = 16

N = 10000
E = 320000
D = 128
B = 4096

EK = 128
NB = 2
EPT = 10240
CH = EPT // EK
GP = 16
NG = CH // GP
NPAD = 10240
HR = 80
HC = 128
NR = 10240
RPT = NR // NS
B_PER = B // NW
BLK = 2000


def _mesh():
    return plsc.VectorSubcoreMesh(core_axis_name="c", subcore_axis_name="s")


_SC_PARAMS = pltpu.CompilerParams(needs_layout_passes=False)


@functools.partial(
    pl.kernel,
    out_type=jax.ShapeDtypeStruct((NC, HR, HC), jnp.float32),
    mesh=_mesh(),
    compiler_params=_SC_PARAMS,
    scratch_types=[
        pltpu.VMEM((HR, HC), jnp.float32),
        pltpu.VMEM((CH, EK), jnp.int32),
        pltpu.VMEM((HR,), jnp.int32),
        pltpu.VMEM((8, HC), jnp.float32),
        pltpu.VMEM_SHARED((HR, HC), jnp.float32),
        pltpu.SemaphoreType.DMA,
    ],
)
def _deg_sc(ep_hbm, deg_hbm, hist, dblk, ridx, zrow, shacc, sem):
    cid = lax.axis_index("c")
    sid = lax.axis_index("s")
    w = cid * NS + sid
    pltpu.async_copy(ep_hbm.at[1, w], dblk, sem)
    z16 = jnp.zeros((L,), jnp.float32)
    ones16 = jnp.ones((L,), jnp.float32)
    iota16 = lax.iota(jnp.int32, L)
    for j in range(HR // L):
        ridx[pl.ds(j * L, L)] = iota16 + j * L
    for r in range(8):
        for j in range(HC // L):
            zrow[r, pl.ds(j * L, L)] = z16

    @pl.loop(0, HR)
    def _zh(r):
        for j in range(HC // L):
            hist[r, pl.ds(j * L, L)] = z16

    @pl.when(sid < 10)
    def _zs():
        pltpu.sync_copy(zrow, shacc.at[pl.ds(sid * 8, 8)])

    plsc.subcore_barrier()
    pltpu.make_async_copy(ep_hbm.at[1, w], dblk, sem).wait()

    @pl.loop(0, CH)
    def _edges(r):
        for j in range(EK // L):
            idx = dblk[r, pl.ds(j * L, L)]
            qr = lax.shift_right_logical(idx, 7)
            qc = lax.bitwise_and(idx, 127)
            plsc.addupdate_scatter(hist, [qr, qc], ones16)

    pltpu.sync_copy(hist, shacc.at[ridx], add=True)
    plsc.subcore_barrier()

    @pl.when(sid < 10)
    def _wb():
        pltpu.sync_copy(shacc.at[pl.ds(sid * 8, 8)],
                        deg_hbm.at[cid, pl.ds(sid * 8, 8)])


@functools.partial(
    pl.kernel,
    out_type=jax.ShapeDtypeStruct((NC, NR, D), jnp.float32),
    mesh=_mesh(),
    compiler_params=_SC_PARAMS,
    scratch_types=[
        pltpu.VMEM((2, GP, EK), jnp.int32),
        pltpu.VMEM((2, GP, EK), jnp.int32),
        pltpu.VMEM((EK, D), jnp.float32),
        pltpu.VMEM((EK, D), jnp.float32),
        pltpu.VMEM_SHARED((NR, D), jnp.float32),
        pltpu.SemaphoreType.DMA,
        pltpu.SemaphoreType.DMA,
        pltpu.SemaphoreType.DMA,
        pltpu.SemaphoreType.DMA,
        pltpu.SemaphoreType.DMA,
        pltpu.SemaphoreType.DMA,
    ],
)
def _scatter_sc(ep_hbm, u_hbm, zp_hbm, sbuf, dbuf, r0, r1,
                acc, sem_i, sem_z, sg0, sg1, ss0, ss1):
    cid = lax.axis_index("c")
    sid = lax.axis_index("s")
    w = cid * NS + sid
    rows = (r0, r1)
    sgs = (sg0, sg1)
    sss = (ss0, ss1)
    pltpu.async_copy(ep_hbm.at[0, w, pl.ds(0, GP)], sbuf.at[0], sem_i)
    pltpu.async_copy(ep_hbm.at[1, w, pl.ds(0, GP)], dbuf.at[0], sem_i)
    z16 = jnp.zeros((L,), jnp.float32)

    @pl.loop(0, EK)
    def _zr(r):
        for cc in range(D // L):
            r1[r, pl.ds(cc * L, L)] = z16

    row0 = sid * RPT
    for k in range(RPT // EK):
        pltpu.async_copy(r1, acc.at[pl.ds(row0 + k * EK, EK)], sem_z)
    pltpu.make_async_copy(ep_hbm.at[0, w, pl.ds(0, GP)], sbuf.at[0],
                          sem_i).wait()
    pltpu.make_async_copy(ep_hbm.at[1, w, pl.ds(0, GP)], dbuf.at[0],
                          sem_i).wait()
    pltpu.async_copy(ep_hbm.at[0, w, pl.ds(GP, GP)], sbuf.at[1], sem_i)
    pltpu.async_copy(ep_hbm.at[1, w, pl.ds(GP, GP)], dbuf.at[1], sem_i)
    pltpu.async_copy(u_hbm.at[sbuf.at[0, 0]], r0, sg0)
    for k in range(RPT // EK):
        pltpu.make_async_copy(r1, acc.at[pl.ds(row0, EK)], sem_z).wait()
    pltpu.async_copy(u_hbm.at[sbuf.at[0, 1]], r1, sg1)
    plsc.subcore_barrier()

    @pl.loop(0, NG)
    def _group(g):
        p = lax.rem(g, 2)

        @pl.when(g > 0)
        def _ipf():
            pltpu.make_async_copy(ep_hbm.at[0, w, pl.ds(0, GP)], sbuf.at[0],
                                  sem_i).wait()
            pltpu.make_async_copy(ep_hbm.at[1, w, pl.ds(0, GP)], dbuf.at[0],
                                  sem_i).wait()

            @pl.when(g + 1 < NG)
            def _pf():
                pltpu.async_copy(ep_hbm.at[0, w, pl.ds((g + 1) * GP, GP)],
                                 sbuf.at[1 - p], sem_i)
                pltpu.async_copy(ep_hbm.at[1, w, pl.ds((g + 1) * GP, GP)],
                                 dbuf.at[1 - p], sem_i)

        for j in range(GP):
            b = j % NB
            if j < NB:
                @pl.when(g > 0)
                def _free():
                    pltpu.make_async_copy(rows[b], acc.at[dbuf.at[0, 0]],
                                          sss[b]).wait()
                    pltpu.async_copy(u_hbm.at[sbuf.at[p, j]], rows[b],
                                     sgs[b])
            else:
                pltpu.make_async_copy(rows[b], acc.at[dbuf.at[0, 0]],
                                      sss[b]).wait()
                pltpu.async_copy(u_hbm.at[sbuf.at[p, j]], rows[b], sgs[b])
            if j >= NB - 1:
                bb = (j - NB + 1) % NB
                pltpu.make_async_copy(u_hbm.at[sbuf.at[0, 0]],
                                      rows[bb], sgs[bb]).wait()
                pltpu.async_copy(rows[bb], acc.at[dbuf.at[p, j - NB + 1]],
                                 sss[bb], add=True)
        for j in range(GP - NB + 1, GP):
            bl = j % NB
            pltpu.make_async_copy(u_hbm.at[sbuf.at[0, 0]], rows[bl],
                                  sgs[bl]).wait()
            pltpu.async_copy(rows[bl], acc.at[dbuf.at[p, j]], sss[bl],
                             add=True)

    for b in range(NB):
        pltpu.make_async_copy(rows[b], acc.at[dbuf.at[0, 0]], sss[b]).wait()
    plsc.subcore_barrier()
    pltpu.sync_copy(acc.at[pl.ds(row0, RPT)],
                    zp_hbm.at[cid, pl.ds(row0, RPT)])


@functools.partial(
    pl.kernel,
    out_type=jax.ShapeDtypeStruct((B, D), jnp.float32),
    mesh=_mesh(),
    compiler_params=_SC_PARAMS,
    scratch_types=[
        pltpu.VMEM((B_PER,), jnp.int32),
        pltpu.VMEM((B_PER, D), jnp.float32),
        pltpu.SemaphoreType.DMA,
    ],
)
def _gather_sc(o_hbm, users_hbm, out_hbm, idx, rows, sem):
    cid = lax.axis_index("c")
    sid = lax.axis_index("s")
    base = (cid * NS + sid) * B_PER
    pltpu.sync_copy(users_hbm.at[pl.ds(base, B_PER)], idx)
    pltpu.async_copy(o_hbm.at[idx], rows, sem).wait()
    pltpu.sync_copy(rows, out_hbm.at[pl.ds(base, B_PER)])


def _tc_layer1(x, W1, dcol):
    def body(x_ref, w_ref, dc_ref, u_ref):
        dinv = lax.rsqrt(dc_ref[...])
        u_ref[...] = dinv * jnp.dot(x_ref[...], w_ref[...],
                                    preferred_element_type=jnp.float32)

    return pl.pallas_call(
        body,
        grid=(N // BLK,),
        in_specs=[
            pl.BlockSpec((BLK, D), lambda i: (i, 0)),
            pl.BlockSpec((D, D), lambda i: (0, 0)),
            pl.BlockSpec((BLK, 1), lambda i: (i, 0)),
        ],
        out_specs=pl.BlockSpec((BLK, D), lambda i: (i, 0)),
        out_shape=jax.ShapeDtypeStruct((N, D), jnp.float32),
    )(x, W1, dcol)


def _tc_mid(z1, u1, dcol, b1, W2):
    def body(za_ref, zb_ref, u_ref, dc_ref, b_ref, w_ref, u2_ref):
        dinv = lax.rsqrt(dc_ref[...])
        h = jnp.tanh(dinv * (za_ref[0] + zb_ref[0] + u_ref[...]) + b_ref[...])
        u2_ref[...] = dinv * jnp.dot(h, w_ref[...],
                                     preferred_element_type=jnp.float32)

    return pl.pallas_call(
        body,
        grid=(N // BLK,),
        in_specs=[
            pl.BlockSpec((1, BLK, D), lambda i: (0, i, 0)),
            pl.BlockSpec((1, BLK, D), lambda i: (1, i, 0)),
            pl.BlockSpec((BLK, D), lambda i: (i, 0)),
            pl.BlockSpec((BLK, 1), lambda i: (i, 0)),
            pl.BlockSpec((1, D), lambda i: (0, 0)),
            pl.BlockSpec((D, D), lambda i: (0, 0)),
        ],
        out_specs=pl.BlockSpec((BLK, D), lambda i: (i, 0)),
        out_shape=jax.ShapeDtypeStruct((N, D), jnp.float32),
    )(z1, z1, u1, dcol, b1, W2)


def _tc_final(z2, u2, dcol, b2):
    def body(za_ref, zb_ref, u_ref, dc_ref, b_ref, o_ref):
        o_ref[...] = jnp.tanh(
            lax.rsqrt(dc_ref[...]) * (za_ref[0] + zb_ref[0] + u_ref[...])
            + b_ref[...])

    return pl.pallas_call(
        body,
        grid=(N // BLK,),
        in_specs=[
            pl.BlockSpec((1, BLK, D), lambda i: (0, i, 0)),
            pl.BlockSpec((1, BLK, D), lambda i: (1, i, 0)),
            pl.BlockSpec((BLK, D), lambda i: (i, 0)),
            pl.BlockSpec((BLK, 1), lambda i: (i, 0)),
            pl.BlockSpec((1, D), lambda i: (0, 0)),
        ],
        out_specs=pl.BlockSpec((BLK, D), lambda i: (i, 0)),
        out_shape=jax.ShapeDtypeStruct((N, D), jnp.float32),
    )(z2, z2, u2, dcol, b2)


def _pad_edges(edge_index):
    pad = EPT - E // NW
    tpad = jnp.arange(pad, dtype=jnp.int32)[None, None, :]
    wids = jnp.arange(NW, dtype=jnp.int32)[None, :, None]
    kind = jnp.arange(2, dtype=jnp.int32)[:, None, None]
    pads = jnp.where(kind == 0,
                     (tpad + wids * 37) % N,
                     N + (tpad + wids * 7) % (NR - N))
    e2 = edge_index.reshape(2, NW, E // NW)
    return jnp.concatenate([e2, pads], axis=2).reshape(2, NW, CH, EK)


def kernel(users, x, edge_index, W1, b1, W2, b2):
    ep = _pad_edges(edge_index)
    degp = _deg_sc(ep).reshape(NC, NPAD)
    dcol = (degp[0, :N] + degp[1, :N] + 1.0).reshape(N, 1)
    u1 = _tc_layer1(x, W1, dcol)
    z1 = _scatter_sc(ep, u1)
    u2 = _tc_mid(z1, u1, dcol, b1.reshape(1, D), W2)
    z2 = _scatter_sc(ep, u2)
    o = _tc_final(z2, u2, dcol, b2.reshape(1, D))
    return _gather_sc(o, users)

# --- scband reference (transcript-rebuilt; emitter-appended) ---
"""Pipeline reference for scband-gnncomponent-4887672783266 (READ-ONLY COPY).

The authoritative reference and input builder live on the scoring server;
editing this copy changes nothing except your own understanding.
"""

import jax, jax.numpy as jnp
import numpy as np

N = 10000
E = 320000
D = 128
B = 4096


def setup_inputs(seed: int = 0) -> dict:
    key = jax.random.key(seed)
    k1, k2, k3, k4, k5 = jax.random.split(key, 5)
    x = jax.random.normal(k1, (N, D), dtype=jnp.float32)
    edge_index = jax.random.randint(k2, (2, E), 0, N, dtype=jnp.int32)
    users = jax.random.randint(k3, (B,), 0, N, dtype=jnp.int32)
    s = 1.0 / np.sqrt(D)
    W1 = jax.random.uniform(k4, (D, D), dtype=jnp.float32, minval=-s, maxval=s)
    b1 = jnp.zeros((D,), dtype=jnp.float32)
    W2 = jax.random.uniform(k5, (D, D), dtype=jnp.float32, minval=-s, maxval=s)
    b2 = jnp.zeros((D,), dtype=jnp.float32)
    return {"users": users, "x": x, "edge_index": edge_index,
            "W1": W1, "b1": b1, "W2": W2, "b2": b2}


def gcn_conv(x, edge_index, W, b):
    # PyG GCNConv: out = D^{-1/2} (A + I) D^{-1/2} (X W) + b
    n = x.shape[0]
    loop = jnp.arange(n, dtype=edge_index.dtype)
    src = jnp.concatenate([edge_index[0], loop])
    dst = jnp.concatenate([edge_index[1], loop])
    deg = jnp.zeros((n,), dtype=x.dtype).at[dst].add(1.0)
    dinv = jax.lax.rsqrt(deg)  # deg >= 1 because of self loops
    norm = dinv[src] * dinv[dst]
    xw = x @ W
    msg = xw[src] * norm[:, None]
    out = jax.ops.segment_sum(msg, dst, num_segments=n)
    return out + b


def reference(users, x, edge_index, W1, b1, W2, b2):
    # dropout(p=0.2) is identity in eval mode
    h = jnp.tanh(gcn_conv(x, edge_index, W1, b1))
    out = jnp.tanh(gcn_conv(h, edge_index, W2, b2))
    return out[users]

if __name__ == "__main__":
    import jax
    _d = setup_inputs()
    print(jax.jit(kernel)(*tuple(_d.values())))

</pallas_src>

<mosaic_0001>
#map = affine_map<(d0, d1) -> (0, 0, 0, 0)>
#map1 = affine_map<(d0, d1) -> (0, 0, 0)>
module attributes {stable_mosaic.version = 14 : i64} {
  func.func @_deg_sc(%arg0: i32, %arg1: i32, %arg2: memref<2x32x80x128xi32, #tpu.memory_space<hbm>>, %arg3: memref<2x80x128xf32, #tpu.memory_space<hbm>>, %arg4: memref<80x128xf32, #tpu.memory_space<vmem>>, %arg5: memref<80x128xi32, #tpu.memory_space<vmem>>, %arg6: memref<80xi32, #tpu.memory_space<vmem>>, %arg7: memref<8x128xf32, #tpu.memory_space<vmem>>, %arg8: memref<80x128xf32, #tpu.memory_space<vmem_shared>>, %arg9: memref<!tpu.dma_semaphore, #tpu.memory_space<semaphore_mem>>) attributes {dimension_semantics = [#tpu.dimension_semantics<core_parallel>, #tpu.dimension_semantics<subcore_parallel>], iteration_bounds = array<i64: 2, 16>, scalar_prefetch = 0 : i64, scratch_operands = 6 : i64, tpu.core_type = #tpu.core_type<sc_vector_subcore>, window_params = [{transform_indices = #map}, {transform_indices = #map1}]} {
    %mul3A = arith.constant 16 : i32
    %mul3A_0 = arith.muli %arg0, %mul3A : i32
    %add3A = arith.addi %mul3A_0, %arg1 : i32
    %dma_start3A = arith.constant 1 : i32
    %dma_start3A_1 = arith.constant 0 : i32
    %dma_start3A_2 = arith.constant 0 : i32
    %dma_start3A_3 = tpu.memref_slice %arg2[%dma_start3A, %add3A, %dma_start3A_1, %dma_start3A_2] : memref<2x32x80x128xi32, #tpu.memory_space<hbm>> -> memref<1x1x80x128xi32, #tpu.memory_space<hbm>>
    %dma_start3A_4 = tpu.memref_squeeze %dma_start3A_3 : memref<1x1x80x128xi32, #tpu.memory_space<hbm>> -> memref<80x128xi32, #tpu.memory_space<hbm>>
    %dma_start3A_5 = arith.constant 0 : i32
    %dma_start3A_6 = arith.constant 0 : i32
    %dma_start3A_7 = tpu.memref_slice %arg2[%dma_start3A, %add3A, %dma_start3A_5, %dma_start3A_6] : memref<2x32x80x128xi32, #tpu.memory_space<hbm>> -> memref<1x1x80x128xi32, #tpu.memory_space<hbm>>
    %dma_start3A_8 = tpu.memref_squeeze %dma_start3A_7 : memref<1x1x80x128xi32, #tpu.memory_space<hbm>> -> memref<80x128xi32, #tpu.memory_space<hbm>>
    tpu.enqueue_dma source(%dma_start3A_8 : memref<80x128xi32, #tpu.memory_space<hbm>>) target(%arg5 : memref<80x128xi32, #tpu.memory_space<vmem>>) target_semaphore(%arg9 : memref<!tpu.dma_semaphore, #tpu.memory_space<semaphore_mem>>)
    %broadcast_in_dim3A = arith.constant 0.000000e+00 : f32
    %broadcast_in_dim3A_9 = vector.broadcast %broadcast_in_dim3A : f32 to vector<16xf32>
    %broadcast_in_dim3A_10 = arith.constant 1.000000e+00 : f32
    %broadcast_in_dim3A_11 = vector.broadcast %broadcast_in_dim3A_10 : f32 to vector<16xf32>
    %iota3A = tpu.iota {dimensions = array<i32: 0>} : vector<16xi32>
    %add3A_12 = arith.constant 0 : i32
    %add3A_13 = vector.broadcast %add3A_12 : i32 to vector<16xi32>
    %add3A_14 = arith.addi %iota3A, %add3A_13 : vector<16xi32>
    %swap3A = arith.constant 0 : index
    %swap3A_15 = tpu.vector_load %arg6[%swap3A] {strides = array<i32>} : memref<80xi32, #tpu.memory_space<vmem>>, vector<16xi32>,
    tpu.vector_store %arg6[%swap3A], %add3A_14 {strides = array<i32>} : memref<80xi32, #tpu.memory_space<vmem>>, vector<16xi32>,
    %add3A_16 = arith.constant 16 : i32
    %add3A_17 = vector.broadcast %add3A_16 : i32 to vector<16xi32>
    %add3A_18 = arith.addi %iota3A, %add3A_17 : vector<16xi32>
    %swap3A_19 = arith.constant 16 : index
    %swap3A_20 = tpu.vector_load %arg6[%swap3A_19] {strides = array<i32>} : memref<80xi32, #tpu.memory_space<vmem>>, vector<16xi32>,
    tpu.vector_store %arg6[%swap3A_19], %add3A_18 {strides = array<i32>} : memref<80xi32, #tpu.memory_space<vmem>>, vector<16xi32>,
    %add3A_21 = arith.constant 32 : i32
    %add3A_22 = vector.broadcast %add3A_21 : i32 to vector<16xi32>
    %add3A_23 = arith.addi %iota3A, %add3A_22 : vector<16xi32>
    %swap3A_24 = arith.constant 32 : index
    %swap3A_25 = tpu.vector_load %arg6[%swap3A_24] {strides = array<i32>} : memref<80xi32, #tpu.memory_space<vmem>>, vector<16xi32>,
    tpu.vector_store %arg6[%swap3A_24], %add3A_23 {strides = array<i32>} : memref<80xi32, #tpu.memory_space<vmem>>, vector<16xi32>,
    %add3A_26 = arith.constant 48 : i32
    %add3A_27 = vector.broadcast %add3A_26 : i32 to vector<16xi32>
    %add3A_28 = arith.addi %iota3A, %add3A_27 : vector<16xi32>
    %swap3A_29 = arith.constant 48 : index
    %swap3A_30 = tpu.vector_load %arg6[%swap3A_29] {strides = array<i32>} : memref<80xi32, #tpu.memory_space<vmem>>, vector<16xi32>,
    tpu.vector_store %arg6[%swap3A_29], %add3A_28 {strides = array<i32>} : memref<80xi32, #tpu.memory_space<vmem>>, vector<16xi32>,
    %add3A_31 = arith.constant 64 : i32
    %add3A_32 = vector.broadcast %add3A_31 : i32 to vector<16xi32>
    %add3A_33 = arith.addi %iota3A, %add3A_32 : vector<16xi32>
    %swap3A_34 = arith.constant 64 : index
    %swap3A_35 = tpu.vector_load %arg6[%swap3A_34] {strides = array<i32>} : memref<80xi32, #tpu.memory_space<vmem>>, vector<16xi32>,
    tpu.vector_store %arg6[%swap3A_34], %add3A_33 {strides = array<i32>} : memref<80xi32, #tpu.memory_space<vmem>>, vector<16xi32>,
    %swap3A_36 = arith.constant 0 : i32
    %swap3A_37 = arith.index_cast %swap3A_36 : i32 to index
    %swap3A_38 = arith.constant 0 : index
    %swap3A_39 = tpu.vector_load %arg7[%swap3A_37, %swap3A_38] {strides = array<i32>} : memref<8x128xf32, #tpu.memory_space<vmem>>, vector<16xf32>,
    tpu.vector_store %arg7[%swap3A_37, %swap3A_38], %broadcast_in_dim3A_9 {strides = array<i32>} : memref<8x128xf32, #tpu.memory_space<vmem>>, vector<16xf32>,
    %swap3A_40 = arith.constant 0 : i32
    %swap3A_41 = arith.index_cast %swap3A_40 : i32 to index
    %swap3A_42 = arith.constant 16 : index
    %swap3A_43 = tpu.vector_load %arg7[%swap3A_41, %swap3A_42] {strides = array<i32>} : memref<8x128xf32, #tpu.memory_space<vmem>>, vector<16xf32>,
    tpu.vector_store %arg7[%swap3A_41, %swap3A_42], %broadcast_in_dim3A_9 {strides = array<i32>} : memref<8x128xf32, #tpu.memory_space<vmem>>, vector<16xf32>,
    %swap3A_44 = arith.constant 0 : i32
    %swap3A_45 = arith.index_cast %swap3A_44 : i32 to index
    %swap3A_46 = arith.constant 32 : index
    %swap3A_47 = tpu.vector_load %arg7[%swap3A_45, %swap3A_46] {strides = array<i32>} : memref<8x128xf32, #tpu.memory_space<vmem>>, vector<16xf32>,
    tpu.vector_store %arg7[%swap3A_45, %swap3A_46], %broadcast_in_dim3A_9 {strides = array<i32>} : memref<8x128xf32, #tpu.memory_space<vmem>>, vector<16xf32>,
    %swap3A_48 = arith.constant 0 : i32
    %swap3A_49 = arith.index_cast %swap3A_48 : i32 to index
    %swap3A_50 = arith.constant 48 : index
    %swap3A_51 = tpu.vector_load %arg7[%swap3A_49, %swap3A_50] {strides = array<i32>} : memref<8x128xf32, #tpu.memory_space<vmem>>, vector<16xf32>,
    tpu.vector_store %arg7[%swap3A_49, %swap3A_50], %broadcast_in_dim3A_9 {strides = array<i32>} : memref<8x128xf32, #tpu.memory_space<vmem>>, vector<16xf32>,
    %swap3A_52 = arith.constant 0 : i32
    %swap3A_53 = arith.index_cast %swap3A_52 : i32 to index
    %swap3A_54 = arith.constant 64 : index
    %swap3A_55 = tpu.vector_load %arg7[%swap3A_53, %swap3A_54] {strides = array<i32>} : memref<8x128xf32, #tpu.memory_space<vmem>>, vector<16xf32>,
    tpu.vector_store %arg7[%swap3A_53, %swap3A_54], %broadcast_in_dim3A_9 {strides = array<i32>} : memref<8x128xf32, #tpu.memory_space<vmem>>, vector<16xf32>,
    %swap3A_56 = arith.constant 0 : i32
    %swap3A_57 = arith.index_cast %swap3A_56 : i32 to index
    %swap3A_58 = arith.constant 80 : index
    %swap3A_59 = tpu.vector_load %arg7[%swap3A_57, %swap3A_58] {strides = array<i32>} : memref<8x128xf32, #tpu.memory_space<vmem>>, vector<16xf32>,
    tpu.vector_store %arg7[%swap3A_57, %swap3A_58], %broadcast_in_dim3A_9 {strides = array<i32>} : memref<8x128xf32, #tpu.memory_space<vmem>>, vector<16xf32>,
    %swap3A_60 = arith.constant 0 : i32
    %swap3A_61 = arith.index_cast %swap3A_60 : i32 to index
    %swap3A_62 = arith.constant 96 : index
    %swap3A_63 = tpu.vector_load %arg7[%swap3A_61, %swap3A_62] {strides = array<i32>} : memref<8x128xf32, #tpu.memory_space<vmem>>, vector<16xf32>,
    tpu.vector_store %arg7[%swap3A_61, %swap3A_62], %broadcast_in_dim3A_9 {strides = array<i32>} : memref<8x128xf32, #tpu.memory_space<vmem>>, vector<16xf32>,
    %swap3A_64 = arith.constant 0 : i32
    %swap3A_65 = arith.index_cast %swap3A_64 : i32 to index
    %swap3A_66 = arith.constant 112 : index
    %swap3A_67 = tpu.vector_load %arg7[%swap3A_65, %swap3A_66] {strides = array<i32>} : memref<8x128xf32, #tpu.memory_space<vmem>>, vector<16xf32>,
    tpu.vector_store %arg7[%swap3A_65, %swap3A_66], %broadcast_in_dim3A_9 {strides = array<i32>} : memref<8x128xf32, #tpu.memory_space<vmem>>, vector<16xf32>,
    %swap3A_68 = arith.constant 1 : i32
    %swap3A_69 = arith.index_cast %swap3A_68 : i32 to index
    %swap3A_70 = arith.constant 0 : index
    %swap3A_71 = tpu.vector_load %arg7[%swap3A_69, %swap3A_70] {strides = array<i32>} : memref<8x128xf32, #tpu.memory_space<vmem>>, vector<16xf32>,
    tpu.vector_store %arg7[%swap3A_69, %swap3A_70], %broadcast_in_dim3A_9 {strides = array<i32>} : memref<8x128xf32, #tpu.memory_space<vmem>>, vector<16xf32>,
    %swap3A_72 = arith.constant 1 : i32
    %swap3A_73 = arith.index_cast %swap3A_72 : i32 to index
    %swap3A_74 = arith.constant 16 : index
    %swap3A_75 = tpu.vector_load %arg7[%swap3A_73, %swap3A_74] {strides = array<i32>} : memref<8x128xf32, #tpu.memory_space<vmem>>, vector<16xf32>,
    tpu.vector_store %arg7[%swap3A_73, %swap3A_74], %broadcast_in_dim3A_9 {strides = array<i32>} : memref<8x128xf32, #tpu.memory_space<vmem>>, vector<16xf32>,
    %swap3A_76 = arith.constant 1 : i32
    %swap3A_77 = arith.index_cast %swap3A_76 : i32 to index
    %swap3A_78 = arith.constant 32 : index
    %swap3A_79 = tpu.vector_load %arg7[%swap3A_77, %swap3A_78] {strides = array<i32>} : memref<8x128xf32, #tpu.memory_space<vmem>>, vector<16xf32>,
    tpu.vector_store %arg7[%swap3A_77, %swap3A_78], %broadcast_in_dim3A_9 {strides = array<i32>} : memref<8x128xf32, #tpu.memory_space<vmem>>, vector<16xf32>,
    %swap3A_80 = arith.constant 1 : i32
    %swap3A_81 = arith.index_cast %swap3A_80 : i32 to index
    %swap3A_82 = arith.constant 48 : index
    %swap3A_83 = tpu.vector_load %arg7[%swap3A_81, %swap3A_82] {strides = array<i32>} : memref<8x128xf32, #tpu.memory_space<vmem>>, vector<16xf32>,
    tpu.vector_store %arg7[%swap3A_81, %swap3A_82], %broadcast_in_dim3A_9 {strides = array<i32>} : memref<8x128xf32, #tpu.memory_space<vmem>>, vector<16xf32>,
    %swap3A_84 = arith.constant 1 : i32
    %swap3A_85 = arith.index_cast %swap3A_84 : i32 to index
    %swap3A_86 = arith.constant 64 : index
    %swap3A_87 = tpu.vector_load %arg7[%swap3A_85, %swap3A_86] {strides = array<i32>} : memref<8x128xf32, #tpu.memory_space<vmem>>, vector<16xf32>,
    tpu.vector_store %arg7[%swap3A_85, %swap3A_86], %broadcast_in_dim3A_9 {strides = array<i32>} : memref<8x128xf32, #tpu.memory_space<vmem>>, vector<16xf32>,
    %swap3A_88 = arith.constant 1 : i32
    %swap3A_89 = arith.index_cast %swap3A_88 : i32 to index
    %swap3A_90 = arith.constant 80 : index
    %swap3A_91 = tpu.vector_load %arg7[%swap3A_89, %swap3A_90] {strides = array<i32>} : memref<8x128xf32, #tpu.memory_space<vmem>>, vector<16xf32>,
    tpu.vector_store %arg7[%swap3A_89, %swap3A_90], %broadcast_in_dim3A_9 {strides = array<i32>} : memref<8x128xf32, #tpu.memory_space<vmem>>, vector<16xf32>,
    %swap3A_92 = arith.constant 1 : i32
    %swap3A_93 = arith.index_cast %swap3A_92 : i32 to index
    %swap3A_94 = arith.constant 96 : index
    %swap3A_95 = tpu.vector_load %arg7[%swap3A_93, %swap3A_94] {strides = array<i32>} : memref<8x128xf32, #tpu.memory_space<vmem>>, vector<16xf32>,
    tpu.vector_store %arg7[%swap3A_93, %swap3A_94], %broadcast_in_dim3A_9 {strides = array<i32>} : memref<8x128xf32, #tpu.memory_space<vmem>>, vector<16xf32>,
    %swap3A_96 = arith.constant 1 : i32
    %swap3A_97 = arith.index_cast %swap3A_96 : i32 to index
    %swap3A_98 = arith.constant 112 : index
    %swap3A_99 = tpu.vector_load %arg7[%swap3A_97, %swap3A_98] {strides = array<i32>} : memref<8x128xf32, #tpu.memory_space<vmem>>, vector<16xf32>,
    tpu.vector_store %arg7[%swap3A_97, %swap3A_98], %broadcast_in_dim3A_9 {strides = array<i32>} : memref<8x128xf32, #tpu.memory_space<vmem>>, vector<16xf32>,
    %swap3A_100 = arith.constant 2 : i32
    %swap3A_101 = arith.index_cast %swap3A_100 : i32 to index
    %swap3A_102 = arith.constant 0 : index
    %swap3A_103 = tpu.vector_load %arg7[%swap3A_101, %swap3A_102] {strides = array<i32>} : memref<8x128xf32, #tpu.memory_space<vmem>>, vector<16xf32>,
    tpu.vector_store %arg7[%swap3A_101, %swap3A_102], %broadcast_in_dim3A_9 {strides = array<i32>} : memref<8x128xf32, #tpu.memory_space<vmem>>, vector<16xf32>,
    %swap3A_104 = arith.constant 2 : i32
    %swap3A_105 = arith.index_cast %swap3A_104 : i32 to index
    %swap3A_106 = arith.constant 16 : index
    %swap3A_107 = tpu.vector_load %arg7[%swap3A_105, %swap3A_106] {strides = array<i32>} : memref<8x128xf32, #tpu.memory_space<vmem>>, vector<16xf32>,
    tpu.vector_store %arg7[%swap3A_105, %swap3A_106], %broadcast_in_dim3A_9 {strides = array<i32>} : memref<8x128xf32, #tpu.memory_space<vmem>>, vector<16xf32>,
    %swap3A_108 = arith.constant 2 : i32
    %swap3A_109 = arith.index_cast %swap3A_108 : i32 to index
    %swap3A_110 = arith.constant 32 : index
    %swap3A_111 = tpu.vector_load %arg7[%swap3A_109, %swap3A_110] {strides = array<i32>} : memref<8x128xf32, #tpu.memory_space<vmem>>, vector<16xf32>,
    tpu.vector_store %arg7[%swap3A_109, %swap3A_110], %broadcast_in_dim3A_9 {strides = array<i32>} : memref<8x128xf32, #tpu.memory_space<vmem>>, vector<16xf32>,
    %swap3A_112 = arith.constant 2 : i32
    %swap3A_113 = arith.index_cast %swap3A_112 : i32 to index
    %swap3A_114 = arith.constant 48 : index
    %swap3A_115 = tpu.vector_load %arg7[%swap3A_113, %swap3A_114] {strides = array<i32>} : memref<8x128xf32, #tpu.memory_space<vmem>>, vector<16xf32>,
    tpu.vector_store %arg7[%swap3A_113, %swap3A_114], %broadcast_in_dim3A_9 {strides = array<i32>} : memref<8x128xf32, #tpu.memory_space<vmem>>, vector<16xf32>,
    %swap3A_116 = arith.constant 2 : i32
    %swap3A_117 = arith.index_cast %swap3A_116 : i32 to index
    %swap3A_118 = arith.constant 64 : index
    %swap3A_119 = tpu.vector_load %arg7[%swap3A_117, %swap3A_118] {strides = array<i32>} : memref<8x128xf32, #tpu.memory_space<vmem>>, vector<16xf32>,
    tpu.vector_store %arg7[%swap3A_117, %swap3A_118], %broadcast_in_dim3A_9 {strides = array<i32>} : memref<8x128xf32, #tpu.memory_space<vmem>>, vector<16xf32>,
    %swap3A_120 = arith.constant 2 : i32
    %swap3A_121 = arith.index_cast %swap3A_120 : i32 to index
    %swap3A_122 = arith.constant 80 : index
    %swap3A_123 = tpu.vector_load %arg7[%swap3A_121, %swap3A_122] {strides = array<i32>} : memref<8x128xf32, #tpu.memory_space<vmem>>, vector<16xf32>,
    tpu.vector_store %arg7[%swap3A_121, %swap3A_122], %broadcast_in_dim3A_9 {strides = array<i32>} : memref<8x128xf32, #tpu.memory_space<vmem>>, vector<16xf32>,
    %swap3A_124 = arith.constant 2 : i32
    %swap3A_125 = arith.index_cast %swap3A_124 : i32 to index
    %swap3A_126 = arith.constant 96 : index
    %swap3A_127 = tpu.vector_load %arg7[%swap3A_125, %swap3A_126] {strides = array<i32>} : memref<8x128xf32, #tpu.memory_space<vmem>>, vector<16xf32>,
    tpu.vector_store %arg7[%swap3A_125, %swap3A_126], %broadcast_in_dim3A_9 {strides = array<i32>} : memref<8x128xf32, #tpu.memory_space<vmem>>, vector<16xf32>,
    %swap3A_128 = arith.constant 2 : i32
    %swap3A_129 = arith.index_cast %swap3A_128 : i32 to index
    %swap3A_130 = arith.constant 112 : index
    %swap3A_131 = tpu.vector_load %arg7[%swap3A_129, %swap3A_130] {strides = array<i32>} : memref<8x128xf32, #tpu.memory_space<vmem>>, vector<16xf32>,
    tpu.vector_store %arg7[%swap3A_129, %swap3A_130], %broadcast_in_dim3A_9 {strides = array<i32>} : memref<8x128xf32, #tpu.memory_space<vmem>>, vector<16xf32>,
    %swap3A_132 = arith.constant 3 : i32
    %swap3A_133 = arith.index_cast %swap3A_132 : i32 to index
    %swap3A_134 = arith.constant 0 : index
    %swap3A_135 = tpu.vector_load %arg7[%swap3A_133, %swap3A_134] {strides = array<i32>} : memref<8x128xf32, #tpu.memory_space<vmem>>, vector<16xf32>,
    tpu.vector_store %arg7[%swap3A_133, %swap3A_134], %broadcast_in_dim3A_9 {strides = array<i32>} : memref<8x128xf32, #tpu.memory_space<vmem>>, vector<16xf32>,
    %swap3A_136 = arith.constant 3 : i32
    %swap3A_137 = arith.index_cast %swap3A_136 : i32 to index
    %swap3A_138 = arith.constant 16 : index
    %swap3A_139 = tpu.vector_load %arg7[%swap3A_137, %swap3A_138] {strides = array<i32>} : memref<8x128xf32, #tpu.memory_space<vmem>>, vector<16xf32>,
    tpu.vector_store %arg7[%swap3A_137, %swap3A_138], %broadcast_in_dim3A_9 {strides = array<i32>} : memref<8x128xf32, #tpu.memory_space<vmem>>, vector<16xf32>,
    %swap3A_140 = arith.constant 3 : i32
    %swap3A_141 = arith.index_cast %swap3A_140 : i32 to index
    %swap3A_142 = arith.constant 32 : index
    %swap3A_143 = tpu.vector_load %arg7[%swap3A_141, %swap3A_142] {strides = array<i32>} : memref<8x128xf32, #tpu.memory_space<vmem>>, vector<16xf32>,
    tpu.vector_store %arg7[%swap3A_141, %swap3A_142], %broadcast_in_dim3A_9 {strides = array<i32>} : memref<8x128xf32, #tpu.memory_space<vmem>>, vector<16xf32>,
    %swap3A_144 = arith.constant 3 : i32
    %swap3A_145 = arith.index_cast %swap3A_144 : i32 to index
    %swap3A_146 = arith.constant 48 : index
    %swap3A_147 = tpu.vector_load %arg7[%swap3A_145, %swap3A_146] {strides = array<i32>} : memref<8x128xf32, #tpu.memory_space<vmem>>, vector<16xf32>,
    tpu.vector_store %arg7[%swap3A_145, %swap3A_146], %broadcast_in_dim3A_9 {strides = array<i32>} : memref<8x128xf32, #tpu.memory_space<vmem>>, vector<16xf32>,
    %swap3A_148 = arith.constant 3 : i32
    %swap3A_149 = arith.index_cast %swap3A_148 : i32 to index
    %swap3A_150 = arith.constant 64 : index
    %swap3A_151 = tpu.vector_load %arg7[%swap3A_149, %swap3A_150] {strides = array<i32>} : memref<8x128xf32, #tpu.memory_space<vmem>>, vector<16xf32>,
    tpu.vector_store %arg7[%swap3A_149, %swap3A_150], %broadcast_in_dim3A_9 {strides = array<i32>} : memref<8x128xf32, #tpu.memory_space<vmem>>, vector<16xf32>,
    %swap3A_152 = arith.constant 3 : i32
    %swap3A_153 = arith.index_cast %swap3A_152 : i32 to index
    %swap3A_154 = arith.constant 80 : index
    %swap3A_155 = tpu.vector_load %arg7[%swap3A_153, %swap3A_154] {strides = array<i32>} : memref<8x128xf32, #tpu.memory_space<vmem>>, vector<16xf32>,
    tpu.vector_store %arg7[%swap3A_153, %swap3A_154], %broadcast_in_dim3A_9 {strides = array<i32>} : memref<8x128xf32, #tpu.memory_space<vmem>>, vector<16xf32>,
    %swap3A_156 = arith.constant 3 : i32
    %swap3A_157 = arith.index_cast %swap3A_156 : i32 to index
    %swap3A_158 = arith.constant 96 : index
    %swap3A_159 = tpu.vector_load %arg7[%swap3A_157, %swap3A_158] {strides = array<i32>} : memref<8x128xf32, #tpu.memory_space<vmem>>, vector<16xf32>,
    tpu.vector_store %arg7[%swap3A_157, %swap3A_158], %broadcast_in_dim3A_9 {strides = array<i32>} : memref<8x128xf32, #tpu.memory_space<vmem>>, vector<16xf32>,
    %swap3A_160 = arith.constant 3 : i32
    %swap3A_161 = arith.index_cast %swap3A_160 : i32 to index
    %swap3A_162 = arith.constant 112 : index
    %swap3A_163 = tpu.vector_load %arg7[%swap3A_161, %swap3A_162] {strides = array<i32>} : memref<8x128xf32, #tpu.memory_space<vmem>>, vector<16xf32>,
    tpu.vector_store %arg7[%swap3A_161, %swap3A_162], %broadcast_in_dim3A_9 {strides = array<i32>} : memref<8x128xf32, #tpu.memory_space<vmem>>, vector<16xf32>,
    %swap3A_164 = arith.constant 4 : i32
    %swap3A_165 = arith.index_cast %swap3A_164 : i32 to index
    %swap3A_166 = arith.constant 0 : index
    %swap3A_167 = tpu.vector_load %arg7[%swap3A_165, %swap3A_166] {strides = array<i32>} : memref<8x128xf32, #tpu.memory_space<vmem>>, vector<16xf32>,
    tpu.vector_store %arg7[%swap3A_165, %swap3A_166], %broadcast_in_dim3A_9 {strides = array<i32>} : memref<8x128xf32, #tpu.memory_space<vmem>>, vector<16xf32>,
    %swap3A_168 = arith.constant 4 : i32
    %swap3A_169 = arith.index_cast %swap3A_168 : i32 to index
    %swap3A_170 = arith.constant 16 : index
    %swap3A_171 = tpu.vector_load %arg7[%swap3A_169, %swap3A_170] {strides = array<i32>} : memref<8x128xf32, #tpu.memory_space<vmem>>, vector<16xf32>,
    tpu.vector_store %arg7[%swap3A_169, %swap3A_170], %broadcast_in_dim3A_9 {strides = array<i32>} : memref<8x128xf32, #tpu.memory_space<vmem>>, vector<16xf32>,
    %swap3A_172 = arith.constant 4 : i32
    %swap3A_173 = arith.index_cast %swap3A_172 : i32 to index
    %swap3A_174 = arith.constant 32 : index
    %swap3A_175 = tpu.vector_load %arg7[%swap3A_173, %swap3A_174] {strides = array<i32>} : memref<8x128xf32, #tpu.memory_space<vmem>>, vector<16xf32>,
    tpu.vector_store %arg7[%swap3A_173, %swap3A_174], %broadcast_in_dim3A_9 {strides = array<i32>} : memref<8x128xf32, #tpu.memory_space<vmem>>, vector<16xf32>,
    %swap3A_176 = arith.constant 4 : i32
    %swap3A_177 = arith.index_cast %swap3A_176 : i32 to index
    %swap3A_178 = arith.constant 48 : index
    %swap3A_179 = tpu.vector_load %arg7[%swap3A_177, %swap3A_178] {strides = array<i32>} : memref<8x128xf32, #tpu.memory_space<vmem>>, vector<16xf32>,
    tpu.vector_store %arg7[%swap3A_177, %swap3A_178], %broadcast_in_dim3A_9 {strides = array<i32>} : memref<8x128xf32, #tpu.memory_space<vmem>>, vector<16xf32>,
    %swap3A_180 = arith.constant 4 : i32
    %swap3A_181 = arith.index_cast %swap3A_180 : i32 to index
    %swap3A_182 = arith.constant 64 : index
    %swap3A_183 = tpu.vector_load %arg7[%swap3A_181, %swap3A_182] {strides = array<i32>} : memref<8x128xf32, #tpu.memory_space<vmem>>, vector<16xf32>,
    tpu.vector_store %arg7[%swap3A_181, %swap3A_182], %broadcast_in_dim3A_9 {strides = array<i32>} : memref<8x128xf32, #tpu.memory_space<vmem>>, vector<16xf32>,
    %swap3A_184 = arith.constant 4 : i32
    %swap3A_185 = arith.index_cast %swap3A_184 : i32 to index
    %swap3A_186 = arith.constant 80 : index
    %swap3A_187 = tpu.vector_load %arg7[%swap3A_185, %swap3A_186] {strides = array<i32>} : memref<8x128xf32, #tpu.memory_space<vmem>>, vector<16xf32>,
    tpu.vector_store %arg7[%swap3A_185, %swap3A_186], %broadcast_in_dim3A_9 {strides = array<i32>} : memref<8x128xf32, #tpu.memory_space<vmem>>, vector<16xf32>,
    %swap3A_188 = arith.constant 4 : i32
    %swap3A_189 = arith.index_cast %swap3A_188 : i32 to index
    %swap3A_190 = arith.constant 96 : index
    %swap3A_191 = tpu.vector_load %arg7[%swap3A_189, %swap3A_190] {strides = array<i32>} : memref<8x128xf32, #tpu.memory_space<vmem>>, vector<16xf32>,
    tpu.vector_store %arg7[%swap3A_189, %swap3A_190], %broadcast_in_dim3A_9 {strides = array<i32>} : memref<8x128xf32, #tpu.memory_space<vmem>>, vector<16xf32>,
    %swap3A_192 = arith.constant 4 : i32
    %swap3A_193 = arith.index_cast %swap3A_192 : i32 to index
    %swap3A_194 = arith.constant 112 : index
    %swap3A_195 = tpu.vector_load %arg7[%swap3A_193, %swap3A_194] {strides = array<i32>} : memref<8x128xf32, #tpu.memory_space<vmem>>, vector<16xf32>,
    tpu.vector_store %arg7[%swap3A_193, %swap3A_194], %broadcast_in_dim3A_9 {strides = array<i32>} : memref<8x128xf32, #tpu.memory_space<vmem>>, vector<16xf32>,
    %swap3A_196 = arith.constant 5 : i32
    %swap3A_197 = arith.index_cast %swap3A_196 : i32 to index
    %swap3A_198 = arith.constant 0 : index
    %swap3A_199 = tpu.vector_load %arg7[%swap3A_197, %swap3A_198] {strides = array<i32>} : memref<8x128xf32, #tpu.memory_space<vmem>>, vector<16xf32>,
    tpu.vector_store %arg7[%swap3A_197, %swap3A_198], %broadcast_in_dim3A_9 {strides = array<i32>} : memref<8x128xf32, #tpu.memory_space<vmem>>, vector<16xf32>,
    %swap3A_200 = arith.constant 5 : i32
    %swap3A_201 = arith.index_cast %swap3A_200 : i32 to index
    %swap3A_202 = arith.constant 16 : index
    %swap3A_203 = tpu.vector_load %arg7[%swap3A_201, %swap3A_202] {strides = array<i32>} : memref<8x128xf32, #tpu.memory_space<vmem>>, vector<16xf32>,
    tpu.vector_store %arg7[%swap3A_201, %swap3A_202], %broadcast_in_dim3A_9 {strides = array<i32>} : memref<8x128xf32, #tpu.memory_space<vmem>>, vector<16xf32>,
    %swap3A_204 = arith.constant 5 : i32
    %swap3A_205 = arith.index_cast %swap3A_204 : i32 to index
    %swap3A_206 = arith.constant 32 : index
    %swap3A_207 = tpu.vector_load %arg7[%swap3A_205, %swap3A_206] {strides = array<i32>} : memref<8x128xf32, #tpu.memory_space<vmem>>, vector<16xf32>,
    tpu.vector_store %arg7[%swap3A_205, %swap3A_206], %broadcast_in_dim3A_9 {strides = array<i32>} : memref<8x128xf32, #tpu.memory_space<vmem>>, vector<16xf32>,
    %swap3A_208 = arith.constant 5 : i32
    %swap3A_209 = arith.index_cast %swap3A_208 : i32 to index
    %swap3A_210 = arith.constant 48 : index
    %swap3A_211 = tpu.vector_load %arg7[%swap3A_209, %swap3A_210] {strides = array<i32>} : memref<8x128xf32, #tpu.memory_space<vmem>>, vector<16xf32>,
    tpu.vector_store %arg7[%swap3A_209, %swap3A_210], %broadcast_in_dim3A_9 {strides = array<i32>} : memref<8x128xf32, #tpu.memory_space<vmem>>, vector<16xf32>,
    %swap3A_212 = arith.constant 5 : i32
    %swap3A_213 = arith.index_cast %swap3A_212 : i32 to index
    %swap3A_214 = arith.constant 64 : index
    %swap3A_215 = tpu.vector_load %arg7[%swap3A_213, %swap3A_214] {strides = array<i32>} : memref<8x128xf32, #tpu.memory_space<vmem>>, vector<16xf32>,
    tpu.vector_store %arg7[%swap3A_213, %swap3A_214], %broadcast_in_dim3A_9 {strides = array<i32>} : memref<8x128xf32, #tpu.memory_space<vmem>>, vector<16xf32>,
    %swap3A_216 = arith.constant 5 : i32
    %swap3A_217 = arith.index_cast %swap3A_216 : i32 to index
    %swap3A_218 = arith.constant 80 : index
    %swap3A_219 = tpu.vector_load %arg7[%swap3A_217, %swap3A_218] {strides = array<i32>} : memref<8x128xf32, #tpu.memory_space<vmem>>, vector<16xf32>,
    tpu.vector_store %arg7[%swap3A_217, %swap3A_218], %broadcast_in_dim3A_9 {strides = array<i32>} : memref<8x128xf32, #tpu.memory_space<vmem>>, vector<16xf32>,
    %swap3A_220 = arith.constant 5 : i32
    %swap3A_221 = arith.index_cast %swap3A_220 : i32 to index
    %swap3A_222 = arith.constant 96 : index
    %swap3A_223 = tpu.vector_load %arg7[%swap3A_221, %swap3A_222] {strides = array<i32>} : memref<8x128xf32, #tpu.memory_space<vmem>>, vector<16xf32>,
    tpu.vector_store %arg7[%swap3A_221, %swap3A_222], %broadcast_in_dim3A_9 {strides = array<i32>} : memref<8x128xf32, #tpu.memory_space<vmem>>, vector<16xf32>,
    %swap3A_224 = arith.constant 5 : i32
    %swap3A_225 = arith.index_cast %swap3A_224 : i32 to index
    %swap3A_226 = arith.constant 112 : index
    %swap3A_227 = tpu.vector_load %arg7[%swap3A_225, %swap3A_226] {strides = array<i32>} : memref<8x128xf32, #tpu.memory_space<vmem>>, vector<16xf32>,
    tpu.vector_store %arg7[%swap3A_225, %swap3A_226], %broadcast_in_dim3A_9 {strides = array<i32>} : memref<8x128xf32, #tpu.memory_space<vmem>>, vector<16xf32>,
    %swap3A_228 = arith.constant 6 : i32
    %swap3A_229 = arith.index_cast %swap3A_228 : i32 to index
    %swap3A_230 = arith.constant 0 : index
    %swap3A_231 = tpu.vector_load %arg7[%swap3A_229, %swap3A_230] {strides = array<i32>} : memref<8x128xf32, #tpu.memory_space<vmem>>, vector<16xf32>,
    tpu.vector_store %arg7[%swap3A_229, %swap3A_230], %broadcast_in_dim3A_9 {strides = array<i32>} : memref<8x128xf32, #tpu.memory_space<vmem>>, vector<16xf32>,
    %swap3A_232 = arith.constant 6 : i32
    %swap3A_233 = arith.index_cast %swap3A_232 : i32 to index
    %swap3A_234 = arith.constant 16 : index
    %swap3A_235 = tpu.vector_load %arg7[%swap3A_233, %swap3A_234] {strides = array<i32>} : memref<8x128xf32, #tpu.memory_space<vmem>>, vector<16xf32>,
    tpu.vector_store %arg7[%swap3A_233, %swap3A_234], %broadcast_in_dim3A_9 {strides = array<i32>} : memref<8x128xf32, #tpu.memory_space<vmem>>, vector<16xf32>,
    %swap3A_236 = arith.constant 6 : i32
    %swap3A_237 = arith.index_cast %swap3A_236 : i32 to index
    %swap3A_238 = arith.constant 32 : index
    %swap3A_239 = tpu.vector_load %arg7[%swap3A_237, %swap3A_238] {strides = array<i32>} : memref<8x128xf32, #tpu.memory_space<vmem>>, vector<16xf32>,
    tpu.vector_store %arg7[%swap3A_237, %swap3A_238], %broadcast_in_dim3A_9 {strides = array<i32>} : memref<8x128xf32, #tpu.memory_space<vmem>>, vector<16xf32>,
    %swap3A_240 = arith.constant 6 : i32
    %swap3A_241 = arith.index_cast %swap3A_240 : i32 to index
    %swap3A_242 = arith.constant 48 : index
    %swap3A_243 = tpu.vector_load %arg7[%swap3A_241, %swap3A_242] {strides = array<i32>} : memref<8x128xf32, #tpu.memory_space<vmem>>, vector<16xf32>,
    tpu.vector_store %arg7[%swap3A_241, %swap3A_242], %broadcast_in_dim3A_9 {strides = array<i32>} : memref<8x128xf32, #tpu.memory_space<vmem>>, vector<16xf32>,
    %swap3A_244 = arith.constant 6 : i32
    %swap3A_245 = arith.index_cast %swap3A_244 : i32 to index
    %swap3A_246 = arith.constant 64 : index
    %swap3A_247 = tpu.vector_load %arg7[%swap3A_245, %swap3A_246] {strides = array<i32>} : memref<8x128xf32, #tpu.memory_space<vmem>>, vector<16xf32>,
    tpu.vector_store %arg7[%swap3A_245, %swap3A_246], %broadcast_in_dim3A_9 {strides = array<i32>} : memref<8x128xf32, #tpu.memory_space<vmem>>, vector<16xf32>,
    %swap3A_248 = arith.constant 6 : i32
    %swap3A_249 = arith.index_cast %swap3A_248 : i32 to index
    %swap3A_250 = arith.constant 80 : index
    %swap3A_251 = tpu.vector_load %arg7[%swap3A_249, %swap3A_250] {strides = array<i32>} : memref<8x128xf32, #tpu.memory_space<vmem>>, vector<16xf32>,
    tpu.vector_store %arg7[%swap3A_249, %swap3A_250], %broadcast_in_dim3A_9 {strides = array<i32>} : memref<8x128xf32, #tpu.memory_space<vmem>>, vector<16xf32>,
    %swap3A_252 = arith.constant 6 : i32
    %swap3A_253 = arith.index_cast %swap3A_252 : i32 to index
    %swap3A_254 = arith.constant 96 : index
    %swap3A_255 = tpu.vector_load %arg7[%swap3A_253, %swap3A_254] {strides = array<i32>} : memref<8x128xf32, #tpu.memory_space<vmem>>, vector<16xf32>,
    tpu.vector_store %arg7[%swap3A_253, %swap3A_254], %broadcast_in_dim3A_9 {strides = array<i32>} : memref<8x128xf32, #tpu.memory_space<vmem>>, vector<16xf32>,
    %swap3A_256 = arith.constant 6 : i32
    %swap3A_257 = arith.index_cast %swap3A_256 : i32 to index
    %swap3A_258 = arith.constant 112 : index
    %swap3A_259 = tpu.vector_load %arg7[%swap3A_257, %swap3A_258] {strides = array<i32>} : memref<8x128xf32, #tpu.memory_space<vmem>>, vector<16xf32>,
    tpu.vector_store %arg7[%swap3A_257, %swap3A_258], %broadcast_in_dim3A_9 {strides = array<i32>} : memref<8x128xf32, #tpu.memory_space<vmem>>, vector<16xf32>,
    %swap3A_260 = arith.constant 7 : i32
    %swap3A_261 = arith.index_cast %swap3A_260 : i32 to index
    %swap3A_262 = arith.constant 0 : index
    %swap3A_263 = tpu.vector_load %arg7[%swap3A_261, %swap3A_262] {strides = array<i32>} : memref<8x128xf32, #tpu.memory_space<vmem>>, vector<16xf32>,
    tpu.vector_store %arg7[%swap3A_261, %swap3A_262], %broadcast_in_dim3A_9 {strides = array<i32>} : memref<8x128xf32, #tpu.memory_space<vmem>>, vector<16xf32>,
    %swap3A_264 = arith.constant 7 : i32
    %swap3A_265 = arith.index_cast %swap3A_264 : i32 to index
    %swap3A_266 = arith.constant 16 : index
    %swap3A_267 = tpu.vector_load %arg7[%swap3A_265, %swap3A_266] {strides = array<i32>} : memref<8x128xf32, #tpu.memory_space<vmem>>, vector<16xf32>,
    tpu.vector_store %arg7[%swap3A_265, %swap3A_266], %broadcast_in_dim3A_9 {strides = array<i32>} : memref<8x128xf32, #tpu.memory_space<vmem>>, vector<16xf32>,
    %swap3A_268 = arith.constant 7 : i32
    %swap3A_269 = arith.index_cast %swap3A_268 : i32 to index
    %swap3A_270 = arith.constant 32 : index
    %swap3A_271 = tpu.vector_load %arg7[%swap3A_269, %swap3A_270] {strides = array<i32>} : memref<8x128xf32, #tpu.memory_space<vmem>>, vector<16xf32>,
    tpu.vector_store %arg7[%swap3A_269, %swap3A_270], %broadcast_in_dim3A_9 {strides = array<i32>} : memref<8x128xf32, #tpu.memory_space<vmem>>, vector<16xf32>,
    %swap3A_272 = arith.constant 7 : i32
    %swap3A_273 = arith.index_cast %swap3A_272 : i32 to index
    %swap3A_274 = arith.constant 48 : index
    %swap3A_275 = tpu.vector_load %arg7[%swap3A_273, %swap3A_274] {strides = array<i32>} : memref<8x128xf32, #tpu.memory_space<vmem>>, vector<16xf32>,
    tpu.vector_store %arg7[%swap3A_273, %swap3A_274], %broadcast_in_dim3A_9 {strides = array<i32>} : memref<8x128xf32, #tpu.memory_space<vmem>>, vector<16xf32>,
    %swap3A_276 = arith.constant 7 : i32
    %swap3A_277 = arith.index_cast %swap3A_276 : i32 to index
    %swap3A_278 = arith.constant 64 : index
    %swap3A_279 = tpu.vector_load %arg7[%swap3A_277, %swap3A_278] {strides = array<i32>} : memref<8x128xf32, #tpu.memory_space<vmem>>, vector<16xf32>,
    tpu.vector_store %arg7[%swap3A_277, %swap3A_278], %broadcast_in_dim3A_9 {strides = array<i32>} : memref<8x128xf32, #tpu.memory_space<vmem>>, vector<16xf32>,
    %swap3A_280 = arith.constant 7 : i32
    %swap3A_281 = arith.index_cast %swap3A_280 : i32 to index
    %swap3A_282 = arith.constant 80 : index
    %swap3A_283 = tpu.vector_load %arg7[%swap3A_281, %swap3A_282] {strides = array<i32>} : memref<8x128xf32, #tpu.memory_space<vmem>>, vector<16xf32>,
    tpu.vector_store %arg7[%swap3A_281, %swap3A_282], %broadcast_in_dim3A_9 {strides = array<i32>} : memref<8x128xf32, #tpu.memory_space<vmem>>, vector<16xf32>,
    %swap3A_284 = arith.constant 7 : i32
    %swap3A_285 = arith.index_cast %swap3A_284 : i32 to index
    %swap3A_286 = arith.constant 96 : index
    %swap3A_287 = tpu.vector_load %arg7[%swap3A_285, %swap3A_286] {strides = array<i32>} : memref<8x128xf32, #tpu.memory_space<vmem>>, vector<16xf32>,
    tpu.vector_store %arg7[%swap3A_285, %swap3A_286], %broadcast_in_dim3A_9 {strides = array<i32>} : memref<8x128xf32, #tpu.memory_space<vmem>>, vector<16xf32>,
    %swap3A_288 = arith.constant 7 : i32
    %swap3A_289 = arith.index_cast %swap3A_288 : i32 to index
    %swap3A_290 = arith.constant 112 : index
    %swap3A_291 = tpu.vector_load %arg7[%swap3A_289, %swap3A_290] {strides = array<i32>} : memref<8x128xf32, #tpu.memory_space<vmem>>, vector<16xf32>,
    tpu.vector_store %arg7[%swap3A_289, %swap3A_290], %broadcast_in_dim3A_9 {strides = array<i32>} : memref<8x128xf32, #tpu.memory_space<vmem>>, vector<16xf32>,
    %scan3A = arith.constant 0 : i32
    %scan3A_292 = arith.constant 80 : i32
    %scan3A_293 = arith.addi %scan3A, %scan3A_292 : i32
    %scan3A_294 = arith.constant 1 : i32
    scf.for %scan3A_317 = %scan3A to %scan3A_293 step %scan3A_294  : i32 {
      %mul3A_318 = arith.constant 1 : i32
      %mul3A_319 = arith.muli %scan3A_317, %mul3A_318 : i32
      %add3A_320 = arith.constant 0 : i32
      %add3A_321 = arith.addi %add3A_320, %mul3A_319 : i32
      %swap3A_322 = arith.index_cast %add3A_321 : i32 to index
      %swap3A_323 = arith.constant 0 : index
      %swap3A_324 = tpu.vector_load %arg4[%swap3A_322, %swap3A_323] {strides = array<i32>} : memref<80x128xf32, #tpu.memory_space<vmem>>, vector<16xf32>,
      tpu.vector_store %arg4[%swap3A_322, %swap3A_323], %broadcast_in_dim3A_9 {strides = array<i32>} : memref<80x128xf32, #tpu.memory_space<vmem>>, vector<16xf32>,
      %swap3A_325 = arith.index_cast %add3A_321 : i32 to index
      %swap3A_326 = arith.constant 16 : index
      %swap3A_327 = tpu.vector_load %arg4[%swap3A_325, %swap3A_326] {strides = array<i32>} : memref<80x128xf32, #tpu.memory_space<vmem>>, vector<16xf32>,
      tpu.vector_store %arg4[%swap3A_325, %swap3A_326], %broadcast_in_dim3A_9 {strides = array<i32>} : memref<80x128xf32, #tpu.memory_space<vmem>>, vector<16xf32>,
      %swap3A_328 = arith.index_cast %add3A_321 : i32 to index
      %swap3A_329 = arith.constant 32 : index
      %swap3A_330 = tpu.vector_load %arg4[%swap3A_328, %swap3A_329] {strides = array<i32>} : memref<80x128xf32, #tpu.memory_space<vmem>>, vector<16xf32>,
      tpu.vector_store %arg4[%swap3A_328, %swap3A_329], %broadcast_in_dim3A_9 {strides = array<i32>} : memref<80x128xf32, #tpu.memory_space<vmem>>, vector<16xf32>,
      %swap3A_331 = arith.index_cast %add3A_321 : i32 to index
      %swap3A_332 = arith.constant 48 : index
      %swap3A_333 = tpu.vector_load %arg4[%swap3A_331, %swap3A_332] {strides = array<i32>} : memref<80x128xf32, #tpu.memory_space<vmem>>, vector<16xf32>,
      tpu.vector_store %arg4[%swap3A_331, %swap3A_332], %broadcast_in_dim3A_9 {strides = array<i32>} : memref<80x128xf32, #tpu.memory_space<vmem>>, vector<16xf32>,
      %swap3A_334 = arith.index_cast %add3A_321 : i32 to index
      %swap3A_335 = arith.constant 64 : index
      %swap3A_336 = tpu.vector_load %arg4[%swap3A_334, %swap3A_335] {strides = array<i32>} : memref<80x128xf32, #tpu.memory_space<vmem>>, vector<16xf32>,
      tpu.vector_store %arg4[%swap3A_334, %swap3A_335], %broadcast_in_dim3A_9 {strides = array<i32>} : memref<80x128xf32, #tpu.memory_space<vmem>>, vector<16xf32>,
      %swap3A_337 = arith.index_cast %add3A_321 : i32 to index
      %swap3A_338 = arith.constant 80 : index
      %swap3A_339 = tpu.vector_load %arg4[%swap3A_337, %swap3A_338] {strides = array<i32>} : memref<80x128xf32, #tpu.memory_space<vmem>>, vector<16xf32>,
      tpu.vector_store %arg4[%swap3A_337, %swap3A_338], %broadcast_in_dim3A_9 {strides = array<i32>} : memref<80x128xf32, #tpu.memory_space<vmem>>, vector<16xf32>,
      %swap3A_340 = arith.index_cast %add3A_321 : i32 to index
      %swap3A_341 = arith.constant 96 : index
      %swap3A_342 = tpu.vector_load %arg4[%swap3A_340, %swap3A_341] {strides = array<i32>} : memref<80x128xf32, #tpu.memory_space<vmem>>, vector<16xf32>,
      tpu.vector_store %arg4[%swap3A_340, %swap3A_341], %broadcast_in_dim3A_9 {strides = array<i32>} : memref<80x128xf32, #tpu.memory_space<vmem>>, vector<16xf32>,
      %swap3A_343 = arith.index_cast %add3A_321 : i32 to index
      %swap3A_344 = arith.constant 112 : index
      %swap3A_345 = tpu.vector_load %arg4[%swap3A_343, %swap3A_344] {strides = array<i32>} : memref<80x128xf32, #tpu.memory_space<vmem>>, vector<16xf32>,
      tpu.vector_store %arg4[%swap3A_343, %swap3A_344], %broadcast_in_dim3A_9 {strides = array<i32>} : memref<80x128xf32, #tpu.memory_space<vmem>>, vector<16xf32>,
    }
    %scan3A_295 = arith.constant 80 : i32
    %lt3A = arith.constant 10 : i32
    %lt3A_296 = arith.cmpi slt, %arg1, %lt3A : i32
    %convert_element_type3A = arith.extui %lt3A_296 : i1 to i32
    %cond3A = arith.constant 0 : i32
    %cond3A_297 = arith.cmpi ne, %convert_element_type3A, %cond3A : i32
    scf.if %cond3A_297 {
      %mul3A_317 = arith.constant 8 : i32
      %mul3A_318 = arith.muli %arg1, %mul3A_317 : i32
      "tpu.region"() ({
        %run_scoped3A = tpu.sem_alloc : memref<!tpu.dma_semaphore, #tpu.memory_space<semaphore_mem>>
        %dma_start3A_319 = arith.constant 0 : i32
        %dma_start3A_320 = tpu.memref_slice %arg8[%mul3A_318, %dma_start3A_319] : memref<80x128xf32, #tpu.memory_space<vmem_shared>> -> memref<8x128xf32, #tpu.memory_space<vmem_shared>>
        %dma_start3A_321 = arith.constant 0 : i32
        %dma_start3A_322 = tpu.memref_slice %arg8[%mul3A_318, %dma_start3A_321] : memref<80x128xf32, #tpu.memory_space<vmem_shared>> -> memref<8x128xf32, #tpu.memory_space<vmem_shared>>
        tpu.enqueue_dma source(%arg7 : memref<8x128xf32, #tpu.memory_space<vmem>>) target(%dma_start3A_322 : memref<8x128xf32, #tpu.memory_space<vmem_shared>>) target_semaphore(%run_scoped3A : memref<!tpu.dma_semaphore, #tpu.memory_space<semaphore_mem>>)
        %dma_wait3A_323 = arith.constant 0 : i32
        %dma_wait3A_324 = tpu.memref_slice %arg8[%mul3A_318, %dma_wait3A_323] : memref<80x128xf32, #tpu.memory_space<vmem_shared>> -> memref<8x128xf32, #tpu.memory_space<vmem_shared>>
        %dma_wait3A_325 = arith.constant 0 : i32
        %dma_wait3A_326 = tpu.memref_slice %arg8[%mul3A_318, %dma_wait3A_325] : memref<80x128xf32, #tpu.memory_space<vmem_shared>> -> memref<8x128xf32, #tpu.memory_space<vmem_shared>>
        tpu.wait_dma2 semaphore(%run_scoped3A : memref<!tpu.dma_semaphore, #tpu.memory_space<semaphore_mem>>) src(%arg7 : memref<8x128xf32, #tpu.memory_space<vmem>>) dst(%dma_wait3A_326 : memref<8x128xf32, #tpu.memory_space<vmem_shared>>)
        tpu.yield
      }) : () -> ()
    } else {
    }
    %barrier3A = arith.constant 0 : index
    tpu.barrier barrier_id(%barrier3A)
    %dma_wait3A = arith.constant 1 : i32
    %dma_wait3A_298 = arith.constant 0 : i32
    %dma_wait3A_299 = arith.constant 0 : i32
    %dma_wait3A_300 = tpu.memref_slice %arg2[%dma_wait3A, %add3A, %dma_wait3A_298, %dma_wait3A_299] : memref<2x32x80x128xi32, #tpu.memory_space<hbm>> -> memref<1x1x80x128xi32, #tpu.memory_space<hbm>>
    %dma_wait3A_301 = tpu.memref_squeeze %dma_wait3A_300 : memref<1x1x80x128xi32, #tpu.memory_space<hbm>> -> memref<80x128xi32, #tpu.memory_space<hbm>>
    %dma_wait3A_302 = arith.constant 0 : i32
    %dma_wait3A_303 = arith.constant 0 : i32
    %dma_wait3A_304 = tpu.memref_slice %arg2[%dma_wait3A, %add3A, %dma_wait3A_302, %dma_wait3A_303] : memref<2x32x80x128xi32, #tpu.memory_space<hbm>> -> memref<1x1x80x128xi32, #tpu.memory_space<hbm>>
    %dma_wait3A_305 = tpu.memref_squeeze %dma_wait3A_304 : memref<1x1x80x128xi32, #tpu.memory_space<hbm>> -> memref<80x128xi32, #tpu.memory_space<hbm>>
    tpu.wait_dma2 semaphore(%arg9 : memref<!tpu.dma_semaphore, #tpu.memory_space<semaphore_mem>>) src(%dma_wait3A_305 : memref<80x128xi32, #tpu.memory_space<hbm>>) dst(%arg5 : memref<80x128xi32, #tpu.memory_space<vmem>>)
    %scan3A_306 = arith.constant 0 : i32
    %scan3A_307 = arith.constant 80 : i32
    %scan3A_308 = arith.addi %scan3A_306, %scan3A_307 : i32
    %scan3A_309 = arith.constant 1 : i32
    scf.for %scan3A_317 = %scan3A_306 to %scan3A_308 step %scan3A_309  : i32 {
      %mul3A_318 = arith.constant 1 : i32
      %mul3A_319 = arith.muli %scan3A_317, %mul3A_318 : i32
      %add3A_320 = arith.constant 0 : i32
      %add3A_321 = arith.addi %add3A_320, %mul3A_319 : i32
      %get3A = arith.index_cast %add3A_321 : i32 to index
      %get3A_322 = arith.constant 0 : index
      %get3A_323 = tpu.vector_load %arg5[%get3A, %get3A_322] {strides = array<i32>} : memref<80x128xi32, #tpu.memory_space<vmem>>, vector<16xi32>,
      %shift_right_logical3A = arith.constant 7 : i32
      %shift_right_logical3A_324 = vector.broadcast %shift_right_logical3A : i32 to vector<16xi32>
      %shift_right_logical3A_325 = arith.shrui %get3A_323, %shift_right_logical3A_324 : vector<16xi32>
      %and3A = arith.constant 127 : i32
      %and3A_326 = vector.broadcast %and3A : i32 to vector<16xi32>
      %and3A_327 = arith.andi %get3A_323, %and3A_326 : vector<16xi32>
      tpu.vector_store_idx %arg4[%shift_right_logical3A_325, %and3A_327], %broadcast_in_dim3A_11 {add = true} : memref<80x128xf32, #tpu.memory_space<vmem>>[vector<16xi32>, vector<16xi32>], vector<16xf32>,
      %get3A_328 = arith.index_cast %add3A_321 : i32 to index
      %get3A_329 = arith.constant 16 : index
      %get3A_330 = tpu.vector_load %arg5[%get3A_328, %get3A_329] {strides = array<i32>} : memref<80x128xi32, #tpu.memory_space<vmem>>, vector<16xi32>,
      %shift_right_logical3A_331 = arith.constant 7 : i32
      %shift_right_logical3A_332 = vector.broadcast %shift_right_logical3A_331 : i32 to vector<16xi32>
      %shift_right_logical3A_333 = arith.shrui %get3A_330, %shift_right_logical3A_332 : vector<16xi32>
      %and3A_334 = arith.constant 127 : i32
      %and3A_335 = vector.broadcast %and3A_334 : i32 to vector<16xi32>
      %and3A_336 = arith.andi %get3A_330, %and3A_335 : vector<16xi32>
      tpu.vector_store_idx %arg4[%shift_right_logical3A_333, %and3A_336], %broadcast_in_dim3A_11 {add = true} : memref<80x128xf32, #tpu.memory_space<vmem>>[vector<16xi32>, vector<16xi32>], vector<16xf32>,
      %get3A_337 = arith.index_cast %add3A_321 : i32 to index
      %get3A_338 = arith.constant 32 : index
      %get3A_339 = tpu.vector_load %arg5[%get3A_337, %get3A_338] {strides = array<i32>} : memref<80x128xi32, #tpu.memory_space<vmem>>, vector<16xi32>,
      %shift_right_logical3A_340 = arith.constant 7 : i32
      %shift_right_logical3A_341 = vector.broadcast %shift_right_logical3A_340 : i32 to vector<16xi32>
      %shift_right_logical3A_342 = arith.shrui %get3A_339, %shift_right_logical3A_341 : vector<16xi32>
      %and3A_343 = arith.constant 127 : i32
      %and3A_344 = vector.broadcast %and3A_343 : i32 to vector<16xi32>
      %and3A_345 = arith.andi %get3A_339, %and3A_344 : vector<16xi32>
      tpu.vector_store_idx %arg4[%shift_right_logical3A_342, %and3A_345], %broadcast_in_dim3A_11 {add = true} : memref<80x128xf32, #tpu.memory_space<vmem>>[vector<16xi32>, vector<16xi32>], vector<16xf32>,
      %get3A_346 = arith.index_cast %add3A_321 : i32 to index
      %get3A_347 = arith.constant 48 : index
      %get3A_348 = tpu.vector_load %arg5[%get3A_346, %get3A_347] {strides = array<i32>} : memref<80x128xi32, #tpu.memory_space<vmem>>, vector<16xi32>,
      %shift_right_logical3A_349 = arith.constant 7 : i32
      %shift_right_logical3A_350 = vector.broadcast %shift_right_logical3A_349 : i32 to vector<16xi32>
      %shift_right_logical3A_351 = arith.shrui %get3A_348, %shift_right_logical3A_350 : vector<16xi32>
      %and3A_352 = arith.constant 127 : i32
      %and3A_353 = vector.broadcast %and3A_352 : i32 to vector<16xi32>
      %and3A_354 = arith.andi %get3A_348, %and3A_353 : vector<16xi32>
      tpu.vector_store_idx %arg4[%shift_right_logical3A_351, %and3A_354], %broadcast_in_dim3A_11 {add = true} : memref<80x128xf32, #tpu.memory_space<vmem>>[vector<16xi32>, vector<16xi32>], vector<16xf32>,
      %get3A_355 = arith.index_cast %add3A_321 : i32 to index
      %get3A_356 = arith.constant 64 : index
      %get3A_357 = tpu.vector_load %arg5[%get3A_355, %get3A_356] {strides = array<i32>} : memref<80x128xi32, #tpu.memory_space<vmem>>, vector<16xi32>,
      %shift_right_logical3A_358 = arith.constant 7 : i32
      %shift_right_logical3A_359 = vector.broadcast %shift_right_logical3A_358 : i32 to vector<16xi32>
      %shift_right_logical3A_360 = arith.shrui %get3A_357, %shift_right_logical3A_359 : vector<16xi32>
      %and3A_361 = arith.constant 127 : i32
      %and3A_362 = vector.broadcast %and3A_361 : i32 to vector<16xi32>
      %and3A_363 = arith.andi %get3A_357, %and3A_362 : vector<16xi32>
      tpu.vector_store_idx %arg4[%shift_right_logical3A_360, %and3A_363], %broadcast_in_dim3A_11 {add = true} : memref<80x128xf32, #tpu.memory_space<vmem>>[vector<16xi32>, vector<16xi32>], vector<16xf32>,
      %get3A_364 = arith.index_cast %add3A_321 : i32 to index
      %get3A_365 = arith.constant 80 : index
      %get3A_366 = tpu.vector_load %arg5[%get3A_364, %get3A_365] {strides = array<i32>} : memref<80x128xi32, #tpu.memory_space<vmem>>, vector<16xi32>,
      %shift_right_logical3A_367 = arith.constant 7 : i32
      %shift_right_logical3A_368 = vector.broadcast %shift_right_logical3A_367 : i32 to vector<16xi32>
      %shift_right_logical3A_369 = arith.shrui %get3A_366, %shift_right_logical3A_368 : vector<16xi32>
      %and3A_370 = arith.constant 127 : i32
      %and3A_371 = vector.broadcast %and3A_370 : i32 to vector<16xi32>
      %and3A_372 = arith.andi %get3A_366, %and3A_371 : vector<16xi32>
      tpu.vector_store_idx %arg4[%shift_right_logical3A_369, %and3A_372], %broadcast_in_dim3A_11 {add = true} : memref<80x128xf32, #tpu.memory_space<vmem>>[vector<16xi32>, vector<16xi32>], vector<16xf32>,
      %get3A_373 = arith.index_cast %add3A_321 : i32 to index
      %get3A_374 = arith.constant 96 : index
      %get3A_375 = tpu.vector_load %arg5[%get3A_373, %get3A_374] {strides = array<i32>} : memref<80x128xi32, #tpu.memory_space<vmem>>, vector<16xi32>,
      %shift_right_logical3A_376 = arith.constant 7 : i32
      %shift_right_logical3A_377 = vector.broadcast %shift_right_logical3A_376 : i32 to vector<16xi32>
      %shift_right_logical3A_378 = arith.shrui %get3A_375, %shift_right_logical3A_377 : vector<16xi32>
      %and3A_379 = arith.constant 127 : i32
      %and3A_380 = vector.broadcast %and3A_379 : i32 to vector<16xi32>
      %and3A_381 = arith.andi %get3A_375, %and3A_380 : vector<16xi32>
      tpu.vector_store_idx %arg4[%shift_right_logical3A_378, %and3A_381], %broadcast_in_dim3A_11 {add = true} : memref<80x128xf32, #tpu.memory_space<vmem>>[vector<16xi32>, vector<16xi32>], vector<16xf32>,
      %get3A_382 = arith.index_cast %add3A_321 : i32 to index
      %get3A_383 = arith.constant 112 : index
      %get3A_384 = tpu.vector_load %arg5[%get3A_382, %get3A_383] {strides = array<i32>} : memref<80x128xi32, #tpu.memory_space<vmem>>, vector<16xi32>,
      %shift_right_logical3A_385 = arith.constant 7 : i32
      %shift_right_logical3A_386 = vector.broadcast %shift_right_logical3A_385 : i32 to vector<16xi32>
      %shift_right_logical3A_387 = arith.shrui %get3A_384, %shift_right_logical3A_386 : vector<16xi32>
      %and3A_388 = arith.constant 127 : i32
      %and3A_389 = vector.broadcast %and3A_388 : i32 to vector<16xi32>
      %and3A_390 = arith.andi %get3A_384, %and3A_389 : vector<16xi32>
      tpu.vector_store_idx %arg4[%shift_right_logical3A_387, %and3A_390], %broadcast_in_dim3A_11 {add = true} : memref<80x128xf32, #tpu.memory_space<vmem>>[vector<16xi32>, vector<16xi32>], vector<16xf32>,
    }
    %scan3A_310 = arith.constant 80 : i32
    "tpu.region"() ({
      %run_scoped3A = tpu.sem_alloc : memref<!tpu.dma_semaphore, #tpu.memory_space<semaphore_mem>>
      %dma_start3A_317 = arith.constant 0 : i32
      %dma_start3A_318 = arith.constant 0 : i32
      %dma_start3A_319 = tpu.memref_slice %arg8[%dma_start3A_317, %dma_start3A_318] : memref<80x128xf32, #tpu.memory_space<vmem_shared>> -> memref<80x128xf32, #tpu.memory_space<vmem_shared>>
      tpu.enqueue_indirect_dma source(%arg4 : memref<80x128xf32, #tpu.memory_space<vmem>>) target(%dma_start3A_319 : memref<80x128xf32, #tpu.memory_space<vmem_shared>>) offsets(%arg6 : memref<80xi32, #tpu.memory_space<vmem>>) semaphore(%run_scoped3A : memref<!tpu.dma_semaphore, #tpu.memory_space<semaphore_mem>>) {add = true}
      %dma_wait3A_320 = arith.constant 0 : i32
      %dma_wait3A_321 = arith.constant 0 : i32
      %dma_wait3A_322 = tpu.memref_slice %arg8[%dma_wait3A_320, %dma_wait3A_321] : memref<80x128xf32, #tpu.memory_space<vmem_shared>> -> memref<80x128xf32, #tpu.memory_space<vmem_shared>>
      tpu.wait_indirect_dma semaphore(%run_scoped3A : memref<!tpu.dma_semaphore, #tpu.memory_space<semaphore_mem>>) src(%arg4 : memref<80x128xf32, #tpu.memory_space<vmem>>) dst(%dma_wait3A_322 : memref<80x128xf32, #tpu.memory_space<vmem_shared>>)
      tpu.yield
    }) : () -> ()
    %barrier3A_311 = arith.constant 0 : index
    tpu.barrier barrier_id(%barrier3A_311)
    %lt3A_312 = arith.constant 10 : i32
    %lt3A_313 = arith.cmpi slt, %arg1, %lt3A_312 : i32
    %convert_element_type3A_314 = arith.extui %lt3A_313 : i1 to i32
    %cond3A_315 = arith.constant 0 : i32
    %cond3A_316 = arith.cmpi ne, %convert_element_type3A_314, %cond3A_315 : i32
    scf.if %cond3A_316 {
      %mul3A_317 = arith.constant 8 : i32
      %mul3A_318 = arith.muli %arg1, %mul3A_317 : i32
      %mul3A_319 = arith.constant 8 : i32
      %mul3A_320 = arith.muli %arg1, %mul3A_319 : i32
      "tpu.region"() ({
        %run_scoped3A = tpu.sem_alloc : memref<!tpu.dma_semaphore, #tpu.memory_space<semaphore_mem>>
        %dma_start3A_321 = arith.constant 0 : i32
        %dma_start3A_322 = tpu.memref_slice %arg3[%arg0, %mul3A_320, %dma_start3A_321] : memref<2x80x128xf32, #tpu.memory_space<hbm>> -> memref<1x8x128xf32, #tpu.memory_space<hbm>>
        %dma_start3A_323 = tpu.memref_squeeze %dma_start3A_322 : memref<1x8x128xf32, #tpu.memory_space<hbm>> -> memref<8x128xf32, #tpu.memory_space<hbm>>
        %dma_start3A_324 = arith.constant 0 : i32
        %dma_start3A_325 = tpu.memref_slice %arg8[%mul3A_318, %dma_start3A_324] : memref<80x128xf32, #tpu.memory_space<vmem_shared>> -> memref<8x128xf32, #tpu.memory_space<vmem_shared>>
        tpu.enqueue_dma source(%dma_start3A_325 : memref<8x128xf32, #tpu.memory_space<vmem_shared>>) target(%dma_start3A_323 : memref<8x128xf32, #tpu.memory_space<hbm>>) target_semaphore(%run_scoped3A : memref<!tpu.dma_semaphore, #tpu.memory_space<semaphore_mem>>)
        %dma_wait3A_326 = arith.constant 0 : i32
        %dma_wait3A_327 = tpu.memref_slice %arg3[%arg0, %mul3A_320, %dma_wait3A_326] : memref<2x80x128xf32, #tpu.memory_space<hbm>> -> memref<1x8x128xf32, #tpu.memory_space<hbm>>
        %dma_wait3A_328 = tpu.memref_squeeze %dma_wait3A_327 : memref<1x8x128xf32, #tpu.memory_space<hbm>> -> memref<8x128xf32, #tpu.memory_space<hbm>>
        %dma_wait3A_329 = arith.constant 0 : i32
        %dma_wait3A_330 = tpu.memref_slice %arg8[%mul3A_318, %dma_wait3A_329] : memref<80x128xf32, #tpu.memory_space<vmem_shared>> -> memref<8x128xf32, #tpu.memory_space<vmem_shared>>
        tpu.wait_dma2 semaphore(%run_scoped3A : memref<!tpu.dma_semaphore, #tpu.memory_space<semaphore_mem>>) src(%dma_wait3A_330 : memref<8x128xf32, #tpu.memory_space<vmem_shared>>) dst(%dma_wait3A_328 : memref<8x128xf32, #tpu.memory_space<hbm>>)
        tpu.yield
      }) : () -> ()
    } else {
    }
    return
  }
}

#map = affine_map<(d0, d1) -> (0, 0)>
#map1 = affine_map<(d0, d1) -> (0)>
module attributes {stable_mosaic.version = 14 : i64} {
  func.func @_gather_sc(%arg0: i32, %arg1: i32, %arg2: memref<10000x128xf32, #tpu.memory_space<hbm>>, %arg3: memref<4096xi32, #tpu.memory_space<hbm>>, %arg4: memref<4096x128xf32, #tpu.memory_space<hbm>>, %arg5: memref<128xi32, #tpu.memory_space<vmem>>, %arg6: memref<128x128xf32, #tpu.memory_space<vmem>>, %arg7: memref<!tpu.dma_semaphore, #tpu.memory_space<semaphore_mem>>) attributes {dimension_semantics = [#tpu.dimension_semantics<core_parallel>, #tpu.dimension_semantics<subcore_parallel>], iteration_bounds = array<i64: 2, 16>, scalar_prefetch = 0 : i64, scratch_operands = 3 : i64, tpu.core_type = #tpu.core_type<sc_vector_subcore>, window_params = [{transform_indices = #map}, {transform_indices = #map1}, {transform_indices = #map}]} {
    %mul3A = arith.constant 16 : i32
    %mul3A_0 = arith.muli %arg0, %mul3A : i32
    %add3A = arith.addi %mul3A_0, %arg1 : i32
    %mul3A_1 = arith.constant 128 : i32
    %mul3A_2 = arith.muli %add3A, %mul3A_1 : i32
    "tpu.region"() ({
      %run_scoped3A = tpu.sem_alloc : memref<!tpu.dma_semaphore, #tpu.memory_space<semaphore_mem>>
      %dma_start3A_7 = tpu.memref_slice %arg3[%mul3A_2] : memref<4096xi32, #tpu.memory_space<hbm>> -> memref<128xi32, #tpu.memory_space<hbm>>
      %dma_start3A_8 = tpu.memref_slice %arg3[%mul3A_2] : memref<4096xi32, #tpu.memory_space<hbm>> -> memref<128xi32, #tpu.memory_space<hbm>>
      tpu.enqueue_dma source(%dma_start3A_8 : memref<128xi32, #tpu.memory_space<hbm>>) target(%arg5 : memref<128xi32, #tpu.memory_space<vmem>>) target_semaphore(%run_scoped3A : memref<!tpu.dma_semaphore, #tpu.memory_space<semaphore_mem>>)
      %dma_wait3A_9 = tpu.memref_slice %arg3[%mul3A_2] : memref<4096xi32, #tpu.memory_space<hbm>> -> memref<128xi32, #tpu.memory_space<hbm>>
      %dma_wait3A_10 = tpu.memref_slice %arg3[%mul3A_2] : memref<4096xi32, #tpu.memory_space<hbm>> -> memref<128xi32, #tpu.memory_space<hbm>>
      tpu.wait_dma2 semaphore(%run_scoped3A : memref<!tpu.dma_semaphore, #tpu.memory_space<semaphore_mem>>) src(%dma_wait3A_10 : memref<128xi32, #tpu.memory_space<hbm>>) dst(%arg5 : memref<128xi32, #tpu.memory_space<vmem>>)
      tpu.yield
    }) : () -> ()
    %dma_start3A = arith.constant 0 : i32
    %dma_start3A_3 = arith.constant 0 : i32
    %dma_start3A_4 = tpu.memref_slice %arg2[%dma_start3A, %dma_start3A_3] : memref<10000x128xf32, #tpu.memory_space<hbm>> -> memref<10000x128xf32, #tpu.memory_space<hbm>>
    tpu.enqueue_indirect_dma source(%dma_start3A_4 : memref<10000x128xf32, #tpu.memory_space<hbm>>) target(%arg6 : memref<128x128xf32, #tpu.memory_space<vmem>>) offsets(%arg5 : memref<128xi32, #tpu.memory_space<vmem>>) semaphore(%arg7 : memref<!tpu.dma_semaphore, #tpu.memory_space<semaphore_mem>>)
    %dma_wait3A = arith.constant 0 : i32
    %dma_wait3A_5 = arith.constant 0 : i32
    %dma_wait3A_6 = tpu.memref_slice %arg2[%dma_wait3A, %dma_wait3A_5] : memref<10000x128xf32, #tpu.memory_space<hbm>> -> memref<10000x128xf32, #tpu.memory_space<hbm>>
    tpu.wait_indirect_dma semaphore(%arg7 : memref<!tpu.dma_semaphore, #tpu.memory_space<semaphore_mem>>) src(%dma_wait3A_6 : memref<10000x128xf32, #tpu.memory_space<hbm>>) dst(%arg6 : memref<128x128xf32, #tpu.memory_space<vmem>>)
    "tpu.region"() ({
      %run_scoped3A = tpu.sem_alloc : memref<!tpu.dma_semaphore, #tpu.memory_space<semaphore_mem>>
      %dma_start3A_7 = arith.constant 0 : i32
      %dma_start3A_8 = tpu.memref_slice %arg4[%mul3A_2, %dma_start3A_7] : memref<4096x128xf32, #tpu.memory_space<hbm>> -> memref<128x128xf32, #tpu.memory_space<hbm>>
      %dma_start3A_9 = arith.constant 0 : i32
      %dma_start3A_10 = tpu.memref_slice %arg4[%mul3A_2, %dma_start3A_9] : memref<4096x128xf32, #tpu.memory_space<hbm>> -> memref<128x128xf32, #tpu.memory_space<hbm>>
      tpu.enqueue_dma source(%arg6 : memref<128x128xf32, #tpu.memory_space<vmem>>) target(%dma_start3A_10 : memref<128x128xf32, #tpu.memory_space<hbm>>) target_semaphore(%run_scoped3A : memref<!tpu.dma_semaphore, #tpu.memory_space<semaphore_mem>>)
      %dma_wait3A_11 = arith.constant 0 : i32
      %dma_wait3A_12 = tpu.memref_slice %arg4[%mul3A_2, %dma_wait3A_11] : memref<4096x128xf32, #tpu.memory_space<hbm>> -> memref<128x128xf32, #tpu.memory_space<hbm>>
      %dma_wait3A_13 = arith.constant 0 : i32
      %dma_wait3A_14 = tpu.memref_slice %arg4[%mul3A_2, %dma_wait3A_13] : memref<4096x128xf32, #tpu.memory_space<hbm>> -> memref<128x128xf32, #tpu.memory_space<hbm>>
      tpu.wait_dma2 semaphore(%run_scoped3A : memref<!tpu.dma_semaphore, #tpu.memory_space<semaphore_mem>>) src(%arg6 : memref<128x128xf32, #tpu.memory_space<vmem>>) dst(%dma_wait3A_14 : memref<128x128xf32, #tpu.memory_space<hbm>>)
      tpu.yield
    }) : () -> ()
    return
  }
}

#map = affine_map<(d0, d1) -> (0, 0, 0, 0)>
#map1 = affine_map<(d0, d1) -> (0, 0)>
#map2 = affine_map<(d0, d1) -> (0, 0, 0)>
module attributes {stable_mosaic.version = 14 : i64} {
  func.func @_scatter_sc(%arg0: i32, %arg1: i32, %arg2: memref<2x32x80x128xi32, #tpu.memory_space<hbm>>, %arg3: memref<10000x128xf32, #tpu.memory_space<hbm>>, %arg4: memref<2x10240x128xf32, #tpu.memory_space<hbm>>, %arg5: memref<2x16x128xi32, #tpu.memory_space<vmem>>, %arg6: memref<2x16x128xi32, #tpu.memory_space<vmem>>, %arg7: memref<128x128xf32, #tpu.memory_space<vmem>>, %arg8: memref<128x128xf32, #tpu.memory_space<vmem>>, %arg9: memref<10240x128xf32, #tpu.memory_space<vmem_shared>>, %arg10: memref<!tpu.dma_semaphore, #tpu.memory_space<semaphore_mem>>, %arg11: memref<!tpu.dma_semaphore, #tpu.memory_space<semaphore_mem>>, %arg12: memref<!tpu.dma_semaphore, #tpu.memory_space<semaphore_mem>>, %arg13: memref<!tpu.dma_semaphore, #tpu.memory_space<semaphore_mem>>, %arg14: memref<!tpu.dma_semaphore, #tpu.memory_space<semaphore_mem>>, %arg15: memref<!tpu.dma_semaphore, #tpu.memory_space<semaphore_mem>>) attributes {dimension_semantics = [#tpu.dimension_semantics<core_parallel>, #tpu.dimension_semantics<subcore_parallel>], iteration_bounds = array<i64: 2, 16>, scalar_prefetch = 0 : i64, scratch_operands = 11 : i64, tpu.core_type = #tpu.core_type<sc_vector_subcore>, window_params = [{transform_indices = #map}, {transform_indices = #map1}, {transform_indices = #map2}]} {
    %mul3A = arith.constant 16 : i32
    %mul3A_0 = arith.muli %arg0, %mul3A : i32
    %add3A = arith.addi %mul3A_0, %arg1 : i32
    %dma_start3A = arith.constant 0 : i32
    %dma_start3A_1 = arith.constant 0 : i32
    %dma_start3A_2 = arith.constant 0 : i32
    %dma_start3A_3 = arith.constant 0 : i32
    %dma_start3A_4 = tpu.memref_slice %arg5[%dma_start3A_1, %dma_start3A_2, %dma_start3A_3] : memref<2x16x128xi32, #tpu.memory_space<vmem>> -> memref<1x16x128xi32, #tpu.memory_space<vmem>>
    %dma_start3A_5 = tpu.memref_squeeze %dma_start3A_4 : memref<1x16x128xi32, #tpu.memory_space<vmem>> -> memref<16x128xi32, #tpu.memory_space<vmem>>
    %dma_start3A_6 = arith.constant 0 : i32
    %dma_start3A_7 = arith.constant 0 : i32
    %dma_start3A_8 = tpu.memref_slice %arg2[%dma_start3A, %add3A, %dma_start3A_6, %dma_start3A_7] : memref<2x32x80x128xi32, #tpu.memory_space<hbm>> -> memref<1x1x16x128xi32, #tpu.memory_space<hbm>>
    %dma_start3A_9 = tpu.memref_squeeze %dma_start3A_8 : memref<1x1x16x128xi32, #tpu.memory_space<hbm>> -> memref<16x128xi32, #tpu.memory_space<hbm>>
    %dma_start3A_10 = arith.constant 0 : i32
    %dma_start3A_11 = arith.constant 0 : i32
    %dma_start3A_12 = tpu.memref_slice %arg5[%dma_start3A_1, %dma_start3A_10, %dma_start3A_11] : memref<2x16x128xi32, #tpu.memory_space<vmem>> -> memref<1x16x128xi32, #tpu.memory_space<vmem>>
    %dma_start3A_13 = tpu.memref_squeeze %dma_start3A_12 : memref<1x16x128xi32, #tpu.memory_space<vmem>> -> memref<16x128xi32, #tpu.memory_space<vmem>>
    %dma_start3A_14 = arith.constant 0 : i32
    %dma_start3A_15 = arith.constant 0 : i32
    %dma_start3A_16 = tpu.memref_slice %arg2[%dma_start3A, %add3A, %dma_start3A_14, %dma_start3A_15] : memref<2x32x80x128xi32, #tpu.memory_space<hbm>> -> memref<1x1x16x128xi32, #tpu.memory_space<hbm>>
    %dma_start3A_17 = tpu.memref_squeeze %dma_start3A_16 : memref<1x1x16x128xi32, #tpu.memory_space<hbm>> -> memref<16x128xi32, #tpu.memory_space<hbm>>
    tpu.enqueue_dma source(%dma_start3A_17 : memref<16x128xi32, #tpu.memory_space<hbm>>) target(%dma_start3A_13 : memref<16x128xi32, #tpu.memory_space<vmem>>) target_semaphore(%arg10 : memref<!tpu.dma_semaphore, #tpu.memory_space<semaphore_mem>>)
    %dma_start3A_18 = arith.constant 1 : i32
    %dma_start3A_19 = arith.constant 0 : i32
    %dma_start3A_20 = arith.constant 0 : i32
    %dma_start3A_21 = arith.constant 0 : i32
    %dma_start3A_22 = tpu.memref_slice %arg6[%dma_start3A_19, %dma_start3A_20, %dma_start3A_21] : memref<2x16x128xi32, #tpu.memory_space<vmem>> -> memref<1x16x128xi32, #tpu.memory_space<vmem>>
    %dma_start3A_23 = tpu.memref_squeeze %dma_start3A_22 : memref<1x16x128xi32, #tpu.memory_space<vmem>> -> memref<16x128xi32, #tpu.memory_space<vmem>>
    %dma_start3A_24 = arith.constant 0 : i32
    %dma_start3A_25 = arith.constant 0 : i32
    %dma_start3A_26 = tpu.memref_slice %arg2[%dma_start3A_18, %add3A, %dma_start3A_24, %dma_start3A_25] : memref<2x32x80x128xi32, #tpu.memory_space<hbm>> -> memref<1x1x16x128xi32, #tpu.memory_space<hbm>>
    %dma_start3A_27 = tpu.memref_squeeze %dma_start3A_26 : memref<1x1x16x128xi32, #tpu.memory_space<hbm>> -> memref<16x128xi32, #tpu.memory_space<hbm>>
    %dma_start3A_28 = arith.constant 0 : i32
    %dma_start3A_29 = arith.constant 0 : i32
    %dma_start3A_30 = tpu.memref_slice %arg6[%dma_start3A_19, %dma_start3A_28, %dma_start3A_29] : memref<2x16x128xi32, #tpu.memory_space<vmem>> -> memref<1x16x128xi32, #tpu.memory_space<vmem>>
    %dma_start3A_31 = tpu.memref_squeeze %dma_start3A_30 : memref<1x16x128xi32, #tpu.memory_space<vmem>> -> memref<16x128xi32, #tpu.memory_space<vmem>>
    %dma_start3A_32 = arith.constant 0 : i32
    %dma_start3A_33 = arith.constant 0 : i32
    %dma_start3A_34 = tpu.memref_slice %arg2[%dma_start3A_18, %add3A, %dma_start3A_32, %dma_start3A_33] : memref<2x32x80x128xi32, #tpu.memory_space<hbm>> -> memref<1x1x16x128xi32, #tpu.memory_space<hbm>>
    %dma_start3A_35 = tpu.memref_squeeze %dma_start3A_34 : memref<1x1x16x128xi32, #tpu.memory_space<hbm>> -> memref<16x128xi32, #tpu.memory_space<hbm>>
    tpu.enqueue_dma source(%dma_start3A_35 : memref<16x128xi32, #tpu.memory_space<hbm>>) target(%dma_start3A_31 : memref<16x128xi32, #tpu.memory_space<vmem>>) target_semaphore(%arg10 : memref<!tpu.dma_semaphore, #tpu.memory_space<semaphore_mem>>)
    %broadcast_in_dim3A = arith.constant 0.000000e+00 : f32
    %broadcast_in_dim3A_36 = vector.broadcast %broadcast_in_dim3A : f32 to vector<16xf32>
    %scan3A = arith.constant 0 : i32
    %scan3A_37 = arith.constant 128 : i32
    %scan3A_38 = arith.addi %scan3A, %scan3A_37 : i32
    %scan3A_39 = arith.constant 1 : i32
    scf.for %scan3A_202 = %scan3A to %scan3A_38 step %scan3A_39  : i32 {
      %mul3A_203 = arith.constant 1 : i32
      %mul3A_204 = arith.muli %scan3A_202, %mul3A_203 : i32
      %add3A_205 = arith.constant 0 : i32
      %add3A_206 = arith.addi %add3A_205, %mul3A_204 : i32
      %swap3A = arith.index_cast %add3A_206 : i32 to index
      %swap3A_207 = arith.constant 0 : index
      %swap3A_208 = tpu.vector_load %arg8[%swap3A, %swap3A_207] {strides = array<i32>} : memref<128x128xf32, #tpu.memory_space<vmem>>, vector<16xf32>,
      tpu.vector_store %arg8[%swap3A, %swap3A_207], %broadcast_in_dim3A_36 {strides = array<i32>} : memref<128x128xf32, #tpu.memory_space<vmem>>, vector<16xf32>,
      %swap3A_209 = arith.index_cast %add3A_206 : i32 to index
      %swap3A_210 = arith.constant 16 : index
      %swap3A_211 = tpu.vector_load %arg8[%swap3A_209, %swap3A_210] {strides = array<i32>} : memref<128x128xf32, #tpu.memory_space<vmem>>, vector<16xf32>,
      tpu.vector_store %arg8[%swap3A_209, %swap3A_210], %broadcast_in_dim3A_36 {strides = array<i32>} : memref<128x128xf32, #tpu.memory_space<vmem>>, vector<16xf32>,
      %swap3A_212 = arith.index_cast %add3A_206 : i32 to index
      %swap3A_213 = arith.constant 32 : index
      %swap3A_214 = tpu.vector_load %arg8[%swap3A_212, %swap3A_213] {strides = array<i32>} : memref<128x128xf32, #tpu.memory_space<vmem>>, vector<16xf32>,
      tpu.vector_store %arg8[%swap3A_212, %swap3A_213], %broadcast_in_dim3A_36 {strides = array<i32>} : memref<128x128xf32, #tpu.memory_space<vmem>>, vector<16xf32>,
      %swap3A_215 = arith.index_cast %add3A_206 : i32 to index
      %swap3A_216 = arith.constant 48 : index
      %swap3A_217 = tpu.vector_load %arg8[%swap3A_215, %swap3A_216] {strides = array<i32>} : memref<128x128xf32, #tpu.memory_space<vmem>>, vector<16xf32>,
      tpu.vector_store %arg8[%swap3A_215, %swap3A_216], %broadcast_in_dim3A_36 {strides = array<i32>} : memref<128x128xf32, #tpu.memory_space<vmem>>, vector<16xf32>,
      %swap3A_218 = arith.index_cast %add3A_206 : i32 to index
      %swap3A_219 = arith.constant 64 : index
      %swap3A_220 = tpu.vector_load %arg8[%swap3A_218, %swap3A_219] {strides = array<i32>} : memref<128x128xf32, #tpu.memory_space<vmem>>, vector<16xf32>,
      tpu.vector_store %arg8[%swap3A_218, %swap3A_219], %broadcast_in_dim3A_36 {strides = array<i32>} : memref<128x128xf32, #tpu.memory_space<vmem>>, vector<16xf32>,
      %swap3A_221 = arith.index_cast %add3A_206 : i32 to index
      %swap3A_222 = arith.constant 80 : index
      %swap3A_223 = tpu.vector_load %arg8[%swap3A_221, %swap3A_222] {strides = array<i32>} : memref<128x128xf32, #tpu.memory_space<vmem>>, vector<16xf32>,
      tpu.vector_store %arg8[%swap3A_221, %swap3A_222], %broadcast_in_dim3A_36 {strides = array<i32>} : memref<128x128xf32, #tpu.memory_space<vmem>>, vector<16xf32>,
      %swap3A_224 = arith.index_cast %add3A_206 : i32 to index
      %swap3A_225 = arith.constant 96 : index
      %swap3A_226 = tpu.vector_load %arg8[%swap3A_224, %swap3A_225] {strides = array<i32>} : memref<128x128xf32, #tpu.memory_space<vmem>>, vector<16xf32>,
      tpu.vector_store %arg8[%swap3A_224, %swap3A_225], %broadcast_in_dim3A_36 {strides = array<i32>} : memref<128x128xf32, #tpu.memory_space<vmem>>, vector<16xf32>,
      %swap3A_227 = arith.index_cast %add3A_206 : i32 to index
      %swap3A_228 = arith.constant 112 : index
      %swap3A_229 = tpu.vector_load %arg8[%swap3A_227, %swap3A_228] {strides = array<i32>} : memref<128x128xf32, #tpu.memory_space<vmem>>, vector<16xf32>,
      tpu.vector_store %arg8[%swap3A_227, %swap3A_228], %broadcast_in_dim3A_36 {strides = array<i32>} : memref<128x128xf32, #tpu.memory_space<vmem>>, vector<16xf32>,
    }
    %scan3A_40 = arith.constant 128 : i32
    %mul3A_41 = arith.constant 640 : i32
    %mul3A_42 = arith.muli %arg1, %mul3A_41 : i32
    %add3A_43 = arith.constant 0 : i32
    %add3A_44 = arith.addi %mul3A_42, %add3A_43 : i32
    %dma_start3A_45 = arith.constant 0 : i32
    %dma_start3A_46 = tpu.memref_slice %arg9[%add3A_44, %dma_start3A_45] : memref<10240x128xf32, #tpu.memory_space<vmem_shared>> -> memref<128x128xf32, #tpu.memory_space<vmem_shared>>
    %dma_start3A_47 = arith.constant 0 : i32
    %dma_start3A_48 = tpu.memref_slice %arg9[%add3A_44, %dma_start3A_47] : memref<10240x128xf32, #tpu.memory_space<vmem_shared>> -> memref<128x128xf32, #tpu.memory_space<vmem_shared>>
    tpu.enqueue_dma source(%arg8 : memref<128x128xf32, #tpu.memory_space<vmem>>) target(%dma_start3A_48 : memref<128x128xf32, #tpu.memory_space<vmem_shared>>) target_semaphore(%arg11 : memref<!tpu.dma_semaphore, #tpu.memory_space<semaphore_mem>>)
    %add3A_49 = arith.constant 128 : i32
    %add3A_50 = arith.addi %mul3A_42, %add3A_49 : i32
    %dma_start3A_51 = arith.constant 0 : i32
    %dma_start3A_52 = tpu.memref_slice %arg9[%add3A_50, %dma_start3A_51] : memref<10240x128xf32, #tpu.memory_space<vmem_shared>> -> memref<128x128xf32, #tpu.memory_space<vmem_shared>>
    %dma_start3A_53 = arith.constant 0 : i32
    %dma_start3A_54 = tpu.memref_slice %arg9[%add3A_50, %dma_start3A_53] : memref<10240x128xf32, #tpu.memory_space<vmem_shared>> -> memref<128x128xf32, #tpu.memory_space<vmem_shared>>
    tpu.enqueue_dma source(%arg8 : memref<128x128xf32, #tpu.memory_space<vmem>>) target(%dma_start3A_54 : memref<128x128xf32, #tpu.memory_space<vmem_shared>>) target_semaphore(%arg11 : memref<!tpu.dma_semaphore, #tpu.memory_space<semaphore_mem>>)
    %add3A_55 = arith.constant 256 : i32
    %add3A_56 = arith.addi %mul3A_42, %add3A_55 : i32
    %dma_start3A_57 = arith.constant 0 : i32
    %dma_start3A_58 = tpu.memref_slice %arg9[%add3A_56, %dma_start3A_57] : memref<10240x128xf32, #tpu.memory_space<vmem_shared>> -> memref<128x128xf32, #tpu.memory_space<vmem_shared>>
    %dma_start3A_59 = arith.constant 0 : i32
    %dma_start3A_60 = tpu.memref_slice %arg9[%add3A_56, %dma_start3A_59] : memref<10240x128xf32, #tpu.memory_space<vmem_shared>> -> memref<128x128xf32, #tpu.memory_space<vmem_shared>>
    tpu.enqueue_dma source(%arg8 : memref<128x128xf32, #tpu.memory_space<vmem>>) target(%dma_start3A_60 : memref<128x128xf32, #tpu.memory_space<vmem_shared>>) target_semaphore(%arg11 : memref<!tpu.dma_semaphore, #tpu.memory_space<semaphore_mem>>)
    %add3A_61 = arith.constant 384 : i32
    %add3A_62 = arith.addi %mul3A_42, %add3A_61 : i32
    %dma_start3A_63 = arith.constant 0 : i32
    %dma_start3A_64 = tpu.memref_slice %arg9[%add3A_62, %dma_start3A_63] : memref<10240x128xf32, #tpu.memory_space<vmem_shared>> -> memref<128x128xf32, #tpu.memory_space<vmem_shared>>
    %dma_start3A_65 = arith.constant 0 : i32
    %dma_start3A_66 = tpu.memref_slice %arg9[%add3A_62, %dma_start3A_65] : memref<10240x128xf32, #tpu.memory_space<vmem_shared>> -> memref<128x128xf32, #tpu.memory_space<vmem_shared>>
    tpu.enqueue_dma source(%arg8 : memref<128x128xf32, #tpu.memory_space<vmem>>) target(%dma_start3A_66 : memref<128x128xf32, #tpu.memory_space<vmem_shared>>) target_semaphore(%arg11 : memref<!tpu.dma_semaphore, #tpu.memory_space<semaphore_mem>>)
    %add3A_67 = arith.constant 512 : i32
    %add3A_68 = arith.addi %mul3A_42, %add3A_67 : i32
    %dma_start3A_69 = arith.constant 0 : i32
    %dma_start3A_70 = tpu.memref_slice %arg9[%add3A_68, %dma_start3A_69] : memref<10240x128xf32, #tpu.memory_space<vmem_shared>> -> memref<128x128xf32, #tpu.memory_space<vmem_shared>>
    %dma_start3A_71 = arith.constant 0 : i32
    %dma_start3A_72 = tpu.memref_slice %arg9[%add3A_68, %dma_start3A_71] : memref<10240x128xf32, #tpu.memory_space<vmem_shared>> -> memref<128x128xf32, #tpu.memory_space<vmem_shared>>
    tpu.enqueue_dma source(%arg8 : memref<128x128xf32, #tpu.memory_space<vmem>>) target(%dma_start3A_72 : memref<128x128xf32, #tpu.memory_space<vmem_shared>>) target_semaphore(%arg11 : memref<!tpu.dma_semaphore, #tpu.memory_space<semaphore_mem>>)
    %dma_wait3A = arith.constant 0 : i32
    %dma_wait3A_73 = arith.constant 0 : i32
    %dma_wait3A_74 = arith.constant 0 : i32
    %dma_wait3A_75 = arith.constant 0 : i32
    %dma_wait3A_76 = tpu.memref_slice %arg5[%dma_wait3A_73, %dma_wait3A_74, %dma_wait3A_75] : memref<2x16x128xi32, #tpu.memory_space<vmem>> -> memref<1x16x128xi32, #tpu.memory_space<vmem>>
    %dma_wait3A_77 = tpu.memref_squeeze %dma_wait3A_76 : memref<1x16x128xi32, #tpu.memory_space<vmem>> -> memref<16x128xi32, #tpu.memory_space<vmem>>
    %dma_wait3A_78 = arith.constant 0 : i32
    %dma_wait3A_79 = arith.constant 0 : i32
    %dma_wait3A_80 = tpu.memref_slice %arg2[%dma_wait3A, %add3A, %dma_wait3A_78, %dma_wait3A_79] : memref<2x32x80x128xi32, #tpu.memory_space<hbm>> -> memref<1x1x16x128xi32, #tpu.memory_space<hbm>>
    %dma_wait3A_81 = tpu.memref_squeeze %dma_wait3A_80 : memref<1x1x16x128xi32, #tpu.memory_space<hbm>> -> memref<16x128xi32, #tpu.memory_space<hbm>>
    %dma_wait3A_82 = arith.constant 0 : i32
    %dma_wait3A_83 = arith.constant 0 : i32
    %dma_wait3A_84 = tpu.memref_slice %arg5[%dma_wait3A_73, %dma_wait3A_82, %dma_wait3A_83] : memref<2x16x128xi32, #tpu.memory_space<vmem>> -> memref<1x16x128xi32, #tpu.memory_space<vmem>>
    %dma_wait3A_85 = tpu.memref_squeeze %dma_wait3A_84 : memref<1x16x128xi32, #tpu.memory_space<vmem>> -> memref<16x128xi32, #tpu.memory_space<vmem>>
    %dma_wait3A_86 = arith.constant 0 : i32
    %dma_wait3A_87 = arith.constant 0 : i32
    %dma_wait3A_88 = tpu.memref_slice %arg2[%dma_wait3A, %add3A, %dma_wait3A_86, %dma_wait3A_87] : memref<2x32x80x128xi32, #tpu.memory_space<hbm>> -> memref<1x1x16x128xi32, #tpu.memory_space<hbm>>
    %dma_wait3A_89 = tpu.memref_squeeze %dma_wait3A_88 : memref<1x1x16x128xi32, #tpu.memory_space<hbm>> -> memref<16x128xi32, #tpu.memory_space<hbm>>
    tpu.wait_dma2 semaphore(%arg10 : memref<!tpu.dma_semaphore, #tpu.memory_space<semaphore_mem>>) src(%dma_wait3A_89 : memref<16x128xi32, #tpu.memory_space<hbm>>) dst(%dma_wait3A_85 : memref<16x128xi32, #tpu.memory_space<vmem>>)
    %dma_wait3A_90 = arith.constant 1 : i32
    %dma_wait3A_91 = arith.constant 0 : i32
    %dma_wait3A_92 = arith.constant 0 : i32
    %dma_wait3A_93 = arith.constant 0 : i32
    %dma_wait3A_94 = tpu.memref_slice %arg6[%dma_wait3A_91, %dma_wait3A_92, %dma_wait3A_93] : memref<2x16x128xi32, #tpu.memory_space<vmem>> -> memref<1x16x128xi32, #tpu.memory_space<vmem>>
    %dma_wait3A_95 = tpu.memref_squeeze %dma_wait3A_94 : memref<1x16x128xi32, #tpu.memory_space<vmem>> -> memref<16x128xi32, #tpu.memory_space<vmem>>
    %dma_wait3A_96 = arith.constant 0 : i32
    %dma_wait3A_97 = arith.constant 0 : i32
    %dma_wait3A_98 = tpu.memref_slice %arg2[%dma_wait3A_90, %add3A, %dma_wait3A_96, %dma_wait3A_97] : memref<2x32x80x128xi32, #tpu.memory_space<hbm>> -> memref<1x1x16x128xi32, #tpu.memory_space<hbm>>
    %dma_wait3A_99 = tpu.memref_squeeze %dma_wait3A_98 : memref<1x1x16x128xi32, #tpu.memory_space<hbm>> -> memref<16x128xi32, #tpu.memory_space<hbm>>
    %dma_wait3A_100 = arith.constant 0 : i32
    %dma_wait3A_101 = arith.constant 0 : i32
    %dma_wait3A_102 = tpu.memref_slice %arg6[%dma_wait3A_91, %dma_wait3A_100, %dma_wait3A_101] : memref<2x16x128xi32, #tpu.memory_space<vmem>> -> memref<1x16x128xi32, #tpu.memory_space<vmem>>
    %dma_wait3A_103 = tpu.memref_squeeze %dma_wait3A_102 : memref<1x16x128xi32, #tpu.memory_space<vmem>> -> memref<16x128xi32, #tpu.memory_space<vmem>>
    %dma_wait3A_104 = arith.constant 0 : i32
    %dma_wait3A_105 = arith.constant 0 : i32
    %dma_wait3A_106 = tpu.memref_slice %arg2[%dma_wait3A_90, %add3A, %dma_wait3A_104, %dma_wait3A_105] : memref<2x32x80x128xi32, #tpu.memory_space<hbm>> -> memref<1x1x16x128xi32, #tpu.memory_space<hbm>>
    %dma_wait3A_107 = tpu.memref_squeeze %dma_wait3A_106 : memref<1x1x16x128xi32, #tpu.memory_space<hbm>> -> memref<16x128xi32, #tpu.memory_space<hbm>>
    tpu.wait_dma2 semaphore(%arg10 : memref<!tpu.dma_semaphore, #tpu.memory_space<semaphore_mem>>) src(%dma_wait3A_107 : memref<16x128xi32, #tpu.memory_space<hbm>>) dst(%dma_wait3A_103 : memref<16x128xi32, #tpu.memory_space<vmem>>)
    %dma_start3A_108 = arith.constant 0 : i32
    %dma_start3A_109 = arith.constant 1 : i32
    %dma_start3A_110 = arith.constant 0 : i32
    %dma_start3A_111 = arith.constant 0 : i32
    %dma_start3A_112 = tpu.memref_slice %arg5[%dma_start3A_109, %dma_start3A_110, %dma_start3A_111] : memref<2x16x128xi32, #tpu.memory_space<vmem>> -> memref<1x16x128xi32, #tpu.memory_space<vmem>>
    %dma_start3A_113 = tpu.memref_squeeze %dma_start3A_112 : memref<1x16x128xi32, #tpu.memory_space<vmem>> -> memref<16x128xi32, #tpu.memory_space<vmem>>
    %dma_start3A_114 = arith.constant 16 : i32
    %dma_start3A_115 = arith.constant 0 : i32
    %dma_start3A_116 = tpu.memref_slice %arg2[%dma_start3A_108, %add3A, %dma_start3A_114, %dma_start3A_115] : memref<2x32x80x128xi32, #tpu.memory_space<hbm>> -> memref<1x1x16x128xi32, #tpu.memory_space<hbm>>
    %dma_start3A_117 = tpu.memref_squeeze %dma_start3A_116 : memref<1x1x16x128xi32, #tpu.memory_space<hbm>> -> memref<16x128xi32, #tpu.memory_space<hbm>>
    %dma_start3A_118 = arith.constant 0 : i32
    %dma_start3A_119 = arith.constant 0 : i32
    %dma_start3A_120 = tpu.memref_slice %arg5[%dma_start3A_109, %dma_start3A_118, %dma_start3A_119] : memref<2x16x128xi32, #tpu.memory_space<vmem>> -> memref<1x16x128xi32, #tpu.memory_space<vmem>>
    %dma_start3A_121 = tpu.memref_squeeze %dma_start3A_120 : memref<1x16x128xi32, #tpu.memory_space<vmem>> -> memref<16x128xi32, #tpu.memory_space<vmem>>
    %dma_start3A_122 = arith.constant 16 : i32
    %dma_start3A_123 = arith.constant 0 : i32
    %dma_start3A_124 = tpu.memref_slice %arg2[%dma_start3A_108, %add3A, %dma_start3A_122, %dma_start3A_123] : memref<2x32x80x128xi32, #tpu.memory_space<hbm>> -> memref<1x1x16x128xi32, #tpu.memory_space<hbm>>
    %dma_start3A_125 = tpu.memref_squeeze %dma_start3A_124 : memref<1x1x16x128xi32, #tpu.memory_space<hbm>> -> memref<16x128xi32, #tpu.memory_space<hbm>>
    tpu.enqueue_dma source(%dma_start3A_125 : memref<16x128xi32, #tpu.memory_space<hbm>>) target(%dma_start3A_121 : memref<16x128xi32, #tpu.memory_space<vmem>>) target_semaphore(%arg10 : memref<!tpu.dma_semaphore, #tpu.memory_space<semaphore_mem>>)
    %dma_start3A_126 = arith.constant 1 : i32
    %dma_start3A_127 = arith.constant 1 : i32
    %dma_start3A_128 = arith.constant 0 : i32
    %dma_start3A_129 = arith.constant 0 : i32
    %dma_start3A_130 = tpu.memref_slice %arg6[%dma_start3A_127, %dma_start3A_128, %dma_start3A_129] : memref<2x16x128xi32, #tpu.memory_space<vmem>> -> memref<1x16x128xi32, #tpu.memory_space<vmem>>
    %dma_start3A_131 = tpu.memref_squeeze %dma_start3A_130 : memref<1x16x128xi32, #tpu.memory_space<vmem>> -> memref<16x128xi32, #tpu.memory_space<vmem>>
    %dma_start3A_132 = arith.constant 16 : i32
    %dma_start3A_133 = arith.constant 0 : i32
    %dma_start3A_134 = tpu.memref_slice %arg2[%dma_start3A_126, %add3A, %dma_start3A_132, %dma_start3A_133] : memref<2x32x80x128xi32, #tpu.memory_space<hbm>> -> memref<1x1x16x128xi32, #tpu.memory_space<hbm>>
    %dma_start3A_135 = tpu.memref_squeeze %dma_start3A_134 : memref<1x1x16x128xi32, #tpu.memory_space<hbm>> -> memref<16x128xi32, #tpu.memory_space<hbm>>
    %dma_start3A_136 = arith.constant 0 : i32
    %dma_start3A_137 = arith.constant 0 : i32
    %dma_start3A_138 = tpu.memref_slice %arg6[%dma_start3A_127, %dma_start3A_136, %dma_start3A_137] : memref<2x16x128xi32, #tpu.memory_space<vmem>> -> memref<1x16x128xi32, #tpu.memory_space<vmem>>
    %dma_start3A_139 = tpu.memref_squeeze %dma_start3A_138 : memref<1x16x128xi32, #tpu.memory_space<vmem>> -> memref<16x128xi32, #tpu.memory_space<vmem>>
    %dma_start3A_140 = arith.constant 16 : i32
    %dma_start3A_141 = arith.constant 0 : i32
    %dma_start3A_142 = tpu.memref_slice %arg2[%dma_start3A_126, %add3A, %dma_start3A_140, %dma_start3A_141] : memref<2x32x80x128xi32, #tpu.memory_space<hbm>> -> memref<1x1x16x128xi32, #tpu.memory_space<hbm>>
    %dma_start3A_143 = tpu.memref_squeeze %dma_start3A_142 : memref<1x1x16x128xi32, #tpu.memory_space<hbm>> -> memref<16x128xi32, #tpu.memory_space<hbm>>
    tpu.enqueue_dma source(%dma_start3A_143 : memref<16x128xi32, #tpu.memory_space<hbm>>) target(%dma_start3A_139 : memref<16x128xi32, #tpu.memory_space<vmem>>) target_semaphore(%arg10 : memref<!tpu.dma_semaphore, #tpu.memory_space<semaphore_mem>>)
    %dma_start3A_144 = arith.constant 0 : i32
    %dma_start3A_145 = arith.constant 0 : i32
    %dma_start3A_146 = arith.constant 0 : i32
    %dma_start3A_147 = tpu.memref_slice %arg5[%dma_start3A_144, %dma_start3A_145, %dma_start3A_146] : memref<2x16x128xi32, #tpu.memory_space<vmem>> -> memref<1x1x128xi32, #tpu.memory_space<vmem>>
    %dma_start3A_148 = tpu.memref_squeeze %dma_start3A_147 : memref<1x1x128xi32, #tpu.memory_space<vmem>> -> memref<128xi32, #tpu.memory_space<vmem>>
    %dma_start3A_149 = arith.constant 0 : i32
    %dma_start3A_150 = arith.constant 0 : i32
    %dma_start3A_151 = tpu.memref_slice %arg3[%dma_start3A_149, %dma_start3A_150] : memref<10000x128xf32, #tpu.memory_space<hbm>> -> memref<10000x128xf32, #tpu.memory_space<hbm>>
    tpu.enqueue_indirect_dma source(%dma_start3A_151 : memref<10000x128xf32, #tpu.memory_space<hbm>>) target(%arg7 : memref<128x128xf32, #tpu.memory_space<vmem>>) offsets(%dma_start3A_148 : memref<128xi32, #tpu.memory_space<vmem>>) semaphore(%arg12 : memref<!tpu.dma_semaphore, #tpu.memory_space<semaphore_mem>>)
    %dma_wait3A_152 = arith.constant 0 : i32
    %dma_wait3A_153 = tpu.memref_slice %arg9[%mul3A_42, %dma_wait3A_152] : memref<10240x128xf32, #tpu.memory_space<vmem_shared>> -> memref<128x128xf32, #tpu.memory_space<vmem_shared>>
    %dma_wait3A_154 = arith.constant 0 : i32
    %dma_wait3A_155 = tpu.memref_slice %arg9[%mul3A_42, %dma_wait3A_154] : memref<10240x128xf32, #tpu.memory_space<vmem_shared>> -> memref<128x128xf32, #tpu.memory_space<vmem_shared>>
    tpu.wait_dma2 semaphore(%arg11 : memref<!tpu.dma_semaphore, #tpu.memory_space<semaphore_mem>>) src(%arg8 : memref<128x128xf32, #tpu.memory_space<vmem>>) dst(%dma_wait3A_155 : memref<128x128xf32, #tpu.memory_space<vmem_shared>>)
    %dma_wait3A_156 = arith.constant 0 : i32
    %dma_wait3A_157 = tpu.memref_slice %arg9[%mul3A_42, %dma_wait3A_156] : memref<10240x128xf32, #tpu.memory_space<vmem_shared>> -> memref<128x128xf32, #tpu.memory_space<vmem_shared>>
    %dma_wait3A_158 = arith.constant 0 : i32
    %dma_wait3A_159 = tpu.memref_slice %arg9[%mul3A_42, %dma_wait3A_158] : memref<10240x128xf32, #tpu.memory_space<vmem_shared>> -> memref<128x128xf32, #tpu.memory_space<vmem_shared>>
    tpu.wait_dma2 semaphore(%arg11 : memref<!tpu.dma_semaphore, #tpu.memory_space<semaphore_mem>>) src(%arg8 : memref<128x128xf32, #tpu.memory_space<vmem>>) dst(%dma_wait3A_159 : memref<128x128xf32, #tpu.memory_space<vmem_shared>>)
    %dma_wait3A_160 = arith.constant 0 : i32
    %dma_wait3A_161 = tpu.memref_slice %arg9[%mul3A_42, %dma_wait3A_160] : memref<10240x128xf32, #tpu.memory_space<vmem_shared>> -> memref<128x128xf32, #tpu.memory_space<vmem_shared>>
    %dma_wait3A_162 = arith.constant 0 : i32
    %dma_wait3A_163 = tpu.memref_slice %arg9[%mul3A_42, %dma_wait3A_162] : memref<10240x128xf32, #tpu.memory_space<vmem_shared>> -> memref<128x128xf32, #tpu.memory_space<vmem_shared>>
    tpu.wait_dma2 semaphore(%arg11 : memref<!tpu.dma_semaphore, #tpu.memory_space<semaphore_mem>>) src(%arg8 : memref<128x128xf32, #tpu.memory_space<vmem>>) dst(%dma_wait3A_163 : memref<128x128xf32, #tpu.memory_space<vmem_shared>>)
    %dma_wait3A_164 = arith.constant 0 : i32
    %dma_wait3A_165 = tpu.memref_slice %arg9[%mul3A_42, %dma_wait3A_164] : memref<10240x128xf32, #tpu.memory_space<vmem_shared>> -> memref<128x128xf32, #tpu.memory_space<vmem_shared>>
    %dma_wait3A_166 = arith.constant 0 : i32
    %dma_wait3A_167 = tpu.memref_slice %arg9[%mul3A_42, %dma_wait3A_166] : memref<10240x128xf32, #tpu.memory_space<vmem_shared>> -> memref<128x128xf32, #tpu.memory_space<vmem_shared>>
    tpu.wait_dma2 semaphore(%arg11 : memref<!tpu.dma_semaphore, #tpu.memory_space<semaphore_mem>>) src(%arg8 : memref<128x128xf32, #tpu.memory_space<vmem>>) dst(%dma_wait3A_167 : memref<128x128xf32, #tpu.memory_space<vmem_shared>>)
    %dma_wait3A_168 = arith.constant 0 : i32
    %dma_wait3A_169 = tpu.memref_slice %arg9[%mul3A_42, %dma_wait3A_168] : memref<10240x128xf32, #tpu.memory_space<vmem_shared>> -> memref<128x128xf32, #tpu.memory_space<vmem_shared>>
    %dma_wait3A_170 = arith.constant 0 : i32
    %dma_wait3A_171 = tpu.memref_slice %arg9[%mul3A_42, %dma_wait3A_170] : memref<10240x128xf32, #tpu.memory_space<vmem_shared>> -> memref<128x128xf32, #tpu.memory_space<vmem_shared>>
    tpu.wait_dma2 semaphore(%arg11 : memref<!tpu.dma_semaphore, #tpu.memory_space<semaphore_mem>>) src(%arg8 : memref<128x128xf32, #tpu.memory_space<vmem>>) dst(%dma_wait3A_171 : memref<128x128xf32, #tpu.memory_space<vmem_shared>>)
    %dma_start3A_172 = arith.constant 0 : i32
    %dma_start3A_173 = arith.constant 1 : i32
    %dma_start3A_174 = arith.constant 0 : i32
    %dma_start3A_175 = tpu.memref_slice %arg5[%dma_start3A_172, %dma_start3A_173, %dma_start3A_174] : memref<2x16x128xi32, #tpu.memory_space<vmem>> -> memref<1x1x128xi32, #tpu.memory_space<vmem>>
    %dma_start3A_176 = tpu.memref_squeeze %dma_start3A_175 : memref<1x1x128xi32, #tpu.memory_space<vmem>> -> memref<128xi32, #tpu.memory_space<vmem>>
    %dma_start3A_177 = arith.constant 0 : i32
    %dma_start3A_178 = arith.constant 0 : i32
    %dma_start3A_179 = tpu.memref_slice %arg3[%dma_start3A_177, %dma_start3A_178] : memref<10000x128xf32, #tpu.memory_space<hbm>> -> memref<10000x128xf32, #tpu.memory_space<hbm>>
    tpu.enqueue_indirect_dma source(%dma_start3A_179 : memref<10000x128xf32, #tpu.memory_space<hbm>>) target(%arg8 : memref<128x128xf32, #tpu.memory_space<vmem>>) offsets(%dma_start3A_176 : memref<128xi32, #tpu.memory_space<vmem>>) semaphore(%arg13 : memref<!tpu.dma_semaphore, #tpu.memory_space<semaphore_mem>>)
    %barrier3A = arith.constant 0 : index
    tpu.barrier barrier_id(%barrier3A)
    %scan3A_180 = arith.constant 0 : i32
    %scan3A_181 = arith.constant 5 : i32
    %scan3A_182 = arith.addi %scan3A_180, %scan3A_181 : i32
    %scan3A_183 = arith.constant 1 : i32
    scf.for %scan3A_202 = %scan3A_180 to %scan3A_182 step %scan3A_183  : i32 {
      %mul3A_203 = arith.constant 1 : i32
      %mul3A_204 = arith.muli %scan3A_202, %mul3A_203 : i32
      %add3A_205 = arith.constant 0 : i32
      %add3A_206 = arith.addi %add3A_205, %mul3A_204 : i32
      %rem3A = arith.constant 2 : i32
      %rem3A_207 = arith.remsi %add3A_206, %rem3A : i32
      %gt3A = arith.constant 0 : i32
      %gt3A_208 = arith.cmpi sgt, %add3A_206, %gt3A : i32
      %convert_element_type3A = arith.extui %gt3A_208 : i1 to i32
      %cond3A = arith.constant 0 : i32
      %cond3A_209 = arith.cmpi ne, %convert_element_type3A, %cond3A : i32
      scf.if %cond3A_209 {
        %dma_wait3A_670 = arith.constant 0 : i32
        %dma_wait3A_671 = arith.constant 0 : i32
        %dma_wait3A_672 = arith.constant 0 : i32
        %dma_wait3A_673 = arith.constant 0 : i32
        %dma_wait3A_674 = tpu.memref_slice %arg5[%dma_wait3A_671, %dma_wait3A_672, %dma_wait3A_673] : memref<2x16x128xi32, #tpu.memory_space<vmem>> -> memref<1x16x128xi32, #tpu.memory_space<vmem>>
        %dma_wait3A_675 = tpu.memref_squeeze %dma_wait3A_674 : memref<1x16x128xi32, #tpu.memory_space<vmem>> -> memref<16x128xi32, #tpu.memory_space<vmem>>
        %dma_wait3A_676 = arith.constant 0 : i32
        %dma_wait3A_677 = arith.constant 0 : i32
        %dma_wait3A_678 = tpu.memref_slice %arg2[%dma_wait3A_670, %add3A, %dma_wait3A_676, %dma_wait3A_677] : memref<2x32x80x128xi32, #tpu.memory_space<hbm>> -> memref<1x1x16x128xi32, #tpu.memory_space<hbm>>
        %dma_wait3A_679 = tpu.memref_squeeze %dma_wait3A_678 : memref<1x1x16x128xi32, #tpu.memory_space<hbm>> -> memref<16x128xi32, #tpu.memory_space<hbm>>
        %dma_wait3A_680 = arith.constant 0 : i32
        %dma_wait3A_681 = arith.constant 0 : i32
        %dma_wait3A_682 = tpu.memref_slice %arg5[%dma_wait3A_671, %dma_wait3A_680, %dma_wait3A_681] : memref<2x16x128xi32, #tpu.memory_space<vmem>> -> memref<1x16x128xi32, #tpu.memory_space<vmem>>
        %dma_wait3A_683 = tpu.memref_squeeze %dma_wait3A_682 : memref<1x16x128xi32, #tpu.memory_space<vmem>> -> memref<16x128xi32, #tpu.memory_space<vmem>>
        %dma_wait3A_684 = arith.constant 0 : i32
        %dma_wait3A_685 = arith.constant 0 : i32
        %dma_wait3A_686 = tpu.memref_slice %arg2[%dma_wait3A_670, %add3A, %dma_wait3A_684, %dma_wait3A_685] : memref<2x32x80x128xi32, #tpu.memory_space<hbm>> -> memref<1x1x16x128xi32, #tpu.memory_space<hbm>>
        %dma_wait3A_687 = tpu.memref_squeeze %dma_wait3A_686 : memref<1x1x16x128xi32, #tpu.memory_space<hbm>> -> memref<16x128xi32, #tpu.memory_space<hbm>>
        tpu.wait_dma2 semaphore(%arg10 : memref<!tpu.dma_semaphore, #tpu.memory_space<semaphore_mem>>) src(%dma_wait3A_687 : memref<16x128xi32, #tpu.memory_space<hbm>>) dst(%dma_wait3A_683 : memref<16x128xi32, #tpu.memory_space<vmem>>)
        %dma_wait3A_688 = arith.constant 1 : i32
        %dma_wait3A_689 = arith.constant 0 : i32
        %dma_wait3A_690 = arith.constant 0 : i32
        %dma_wait3A_691 = arith.constant 0 : i32
        %dma_wait3A_692 = tpu.memref_slice %arg6[%dma_wait3A_689, %dma_wait3A_690, %dma_wait3A_691] : memref<2x16x128xi32, #tpu.memory_space<vmem>> -> memref<1x16x128xi32, #tpu.memory_space<vmem>>
        %dma_wait3A_693 = tpu.memref_squeeze %dma_wait3A_692 : memref<1x16x128xi32, #tpu.memory_space<vmem>> -> memref<16x128xi32, #tpu.memory_space<vmem>>
        %dma_wait3A_694 = arith.constant 0 : i32
        %dma_wait3A_695 = arith.constant 0 : i32
        %dma_wait3A_696 = tpu.memref_slice %arg2[%dma_wait3A_688, %add3A, %dma_wait3A_694, %dma_wait3A_695] : memref<2x32x80x128xi32, #tpu.memory_space<hbm>> -> memref<1x1x16x128xi32, #tpu.memory_space<hbm>>
        %dma_wait3A_697 = tpu.memref_squeeze %dma_wait3A_696 : memref<1x1x16x128xi32, #tpu.memory_space<hbm>> -> memref<16x128xi32, #tpu.memory_space<hbm>>
        %dma_wait3A_698 = arith.constant 0 : i32
        %dma_wait3A_699 = arith.constant 0 : i32
        %dma_wait3A_700 = tpu.memref_slice %arg6[%dma_wait3A_689, %dma_wait3A_698, %dma_wait3A_699] : memref<2x16x128xi32, #tpu.memory_space<vmem>> -> memref<1x16x128xi32, #tpu.memory_space<vmem>>
        %dma_wait3A_701 = tpu.memref_squeeze %dma_wait3A_700 : memref<1x16x128xi32, #tpu.memory_space<vmem>> -> memref<16x128xi32, #tpu.memory_space<vmem>>
        %dma_wait3A_702 = arith.constant 0 : i32
        %dma_wait3A_703 = arith.constant 0 : i32
        %dma_wait3A_704 = tpu.memref_slice %arg2[%dma_wait3A_688, %add3A, %dma_wait3A_702, %dma_wait3A_703] : memref<2x32x80x128xi32, #tpu.memory_space<hbm>> -> memref<1x1x16x128xi32, #tpu.memory_space<hbm>>
        %dma_wait3A_705 = tpu.memref_squeeze %dma_wait3A_704 : memref<1x1x16x128xi32, #tpu.memory_space<hbm>> -> memref<16x128xi32, #tpu.memory_space<hbm>>
        tpu.wait_dma2 semaphore(%arg10 : memref<!tpu.dma_semaphore, #tpu.memory_space<semaphore_mem>>) src(%dma_wait3A_705 : memref<16x128xi32, #tpu.memory_space<hbm>>) dst(%dma_wait3A_701 : memref<16x128xi32, #tpu.memory_space<vmem>>)
        %add3A_706 = arith.constant 1 : i32
        %add3A_707 = arith.addi %add3A_206, %add3A_706 : i32
        %lt3A = arith.constant 5 : i32
        %lt3A_708 = arith.cmpi slt, %add3A_707, %lt3A : i32
        %convert_element_type3A_709 = arith.extui %lt3A_708 : i1 to i32
        %cond3A_710 = arith.constant 0 : i32
        %cond3A_711 = arith.cmpi ne, %convert_element_type3A_709, %cond3A_710 : i32
        scf.if %cond3A_711 {
          %add3A_712 = arith.constant 1 : i32
          %add3A_713 = arith.addi %add3A_206, %add3A_712 : i32
          %mul3A_714 = arith.constant 16 : i32
          %mul3A_715 = arith.muli %add3A_713, %mul3A_714 : i32
          %sub3A = arith.constant 1 : i32
          %sub3A_716 = arith.subi %sub3A, %rem3A_207 : i32
          %dma_start3A_717 = arith.constant 0 : i32
          %dma_start3A_718 = arith.constant 0 : i32
          %dma_start3A_719 = arith.constant 0 : i32
          %dma_start3A_720 = tpu.memref_slice %arg5[%sub3A_716, %dma_start3A_718, %dma_start3A_719] : memref<2x16x128xi32, #tpu.memory_space<vmem>> -> memref<1x16x128xi32, #tpu.memory_space<vmem>>
          %dma_start3A_721 = tpu.memref_squeeze %dma_start3A_720 : memref<1x16x128xi32, #tpu.memory_space<vmem>> -> memref<16x128xi32, #tpu.memory_space<vmem>>
          %dma_start3A_722 = arith.constant 0 : i32
          %dma_start3A_723 = tpu.memref_slice %arg2[%dma_start3A_717, %add3A, %mul3A_715, %dma_start3A_722] : memref<2x32x80x128xi32, #tpu.memory_space<hbm>> -> memref<1x1x16x128xi32, #tpu.memory_space<hbm>>
          %dma_start3A_724 = tpu.memref_squeeze %dma_start3A_723 : memref<1x1x16x128xi32, #tpu.memory_space<hbm>> -> memref<16x128xi32, #tpu.memory_space<hbm>>
          %dma_start3A_725 = arith.constant 0 : i32
          %dma_start3A_726 = arith.constant 0 : i32
          %dma_start3A_727 = tpu.memref_slice %arg5[%sub3A_716, %dma_start3A_725, %dma_start3A_726] : memref<2x16x128xi32, #tpu.memory_space<vmem>> -> memref<1x16x128xi32, #tpu.memory_space<vmem>>
          %dma_start3A_728 = tpu.memref_squeeze %dma_start3A_727 : memref<1x16x128xi32, #tpu.memory_space<vmem>> -> memref<16x128xi32, #tpu.memory_space<vmem>>
          %dma_start3A_729 = arith.constant 0 : i32
          %dma_start3A_730 = tpu.memref_slice %arg2[%dma_start3A_717, %add3A, %mul3A_715, %dma_start3A_729] : memref<2x32x80x128xi32, #tpu.memory_space<hbm>> -> memref<1x1x16x128xi32, #tpu.memory_space<hbm>>
          %dma_start3A_731 = tpu.memref_squeeze %dma_start3A_730 : memref<1x1x16x128xi32, #tpu.memory_space<hbm>> -> memref<16x128xi32, #tpu.memory_space<hbm>>
          tpu.enqueue_dma source(%dma_start3A_731 : memref<16x128xi32, #tpu.memory_space<hbm>>) target(%dma_start3A_728 : memref<16x128xi32, #tpu.memory_space<vmem>>) target_semaphore(%arg10 : memref<!tpu.dma_semaphore, #tpu.memory_space<semaphore_mem>>)
          %add3A_732 = arith.constant 1 : i32
          %add3A_733 = arith.addi %add3A_206, %add3A_732 : i32
          %mul3A_734 = arith.constant 16 : i32
          %mul3A_735 = arith.muli %add3A_733, %mul3A_734 : i32
          %sub3A_736 = arith.constant 1 : i32
          %sub3A_737 = arith.subi %sub3A_736, %rem3A_207 : i32
          %dma_start3A_738 = arith.constant 1 : i32
          %dma_start3A_739 = arith.constant 0 : i32
          %dma_start3A_740 = arith.constant 0 : i32
          %dma_start3A_741 = tpu.memref_slice %arg6[%sub3A_737, %dma_start3A_739, %dma_start3A_740] : memref<2x16x128xi32, #tpu.memory_space<vmem>> -> memref<1x16x128xi32, #tpu.memory_space<vmem>>
          %dma_start3A_742 = tpu.memref_squeeze %dma_start3A_741 : memref<1x16x128xi32, #tpu.memory_space<vmem>> -> memref<16x128xi32, #tpu.memory_space<vmem>>
          %dma_start3A_743 = arith.constant 0 : i32
          %dma_start3A_744 = tpu.memref_slice %arg2[%dma_start3A_738, %add3A, %mul3A_735, %dma_start3A_743] : memref<2x32x80x128xi32, #tpu.memory_space<hbm>> -> memref<1x1x16x128xi32, #tpu.memory_space<hbm>>
          %dma_start3A_745 = tpu.memref_squeeze %dma_start3A_744 : memref<1x1x16x128xi32, #tpu.memory_space<hbm>> -> memref<16x128xi32, #tpu.memory_space<hbm>>
          %dma_start3A_746 = arith.constant 0 : i32
          %dma_start3A_747 = arith.constant 0 : i32
          %dma_start3A_748 = tpu.memref_slice %arg6[%sub3A_737, %dma_start3A_746, %dma_start3A_747] : memref<2x16x128xi32, #tpu.memory_space<vmem>> -> memref<1x16x128xi32, #tpu.memory_space<vmem>>
          %dma_start3A_749 = tpu.memref_squeeze %dma_start3A_748 : memref<1x16x128xi32, #tpu.memory_space<vmem>> -> memref<16x128xi32, #tpu.memory_space<vmem>>
          %dma_start3A_750 = arith.constant 0 : i32
          %dma_start3A_751 = tpu.memref_slice %arg2[%dma_start3A_738, %add3A, %mul3A_735, %dma_start3A_750] : memref<2x32x80x128xi32, #tpu.memory_space<hbm>> -> memref<1x1x16x128xi32, #tpu.memory_space<hbm>>
          %dma_start3A_752 = tpu.memref_squeeze %dma_start3A_751 : memref<1x1x16x128xi32, #tpu.memory_space<hbm>> -> memref<16x128xi32, #tpu.memory_space<hbm>>
          tpu.enqueue_dma source(%dma_start3A_752 : memref<16x128xi32, #tpu.memory_space<hbm>>) target(%dma_start3A_749 : memref<16x128xi32, #tpu.memory_space<vmem>>) target_semaphore(%arg10 : memref<!tpu.dma_semaphore, #tpu.memory_space<semaphore_mem>>)
        } else {
        }
      } else {
      }
      %gt3A_210 = arith.constant 0 : i32
      %gt3A_211 = arith.cmpi sgt, %add3A_206, %gt3A_210 : i32
      %convert_element_type3A_212 = arith.extui %gt3A_211 : i1 to i32
      %cond3A_213 = arith.constant 0 : i32
      %cond3A_214 = arith.cmpi ne, %convert_element_type3A_212, %cond3A_213 : i32
      scf.if %cond3A_214 {
        %dma_wait3A_670 = arith.constant 0 : i32
        %dma_wait3A_671 = arith.constant 0 : i32
        %dma_wait3A_672 = arith.constant 0 : i32
        %dma_wait3A_673 = tpu.memref_slice %arg6[%dma_wait3A_670, %dma_wait3A_671, %dma_wait3A_672] : memref<2x16x128xi32, #tpu.memory_space<vmem>> -> memref<1x1x128xi32, #tpu.memory_space<vmem>>
        %dma_wait3A_674 = tpu.memref_squeeze %dma_wait3A_673 : memref<1x1x128xi32, #tpu.memory_space<vmem>> -> memref<128xi32, #tpu.memory_space<vmem>>
        %dma_wait3A_675 = arith.constant 0 : i32
        %dma_wait3A_676 = arith.constant 0 : i32
        %dma_wait3A_677 = tpu.memref_slice %arg9[%dma_wait3A_675, %dma_wait3A_676] : memref<10240x128xf32, #tpu.memory_space<vmem_shared>> -> memref<10240x128xf32, #tpu.memory_space<vmem_shared>>
        tpu.wait_indirect_dma semaphore(%arg14 : memref<!tpu.dma_semaphore, #tpu.memory_space<semaphore_mem>>) src(%arg7 : memref<128x128xf32, #tpu.memory_space<vmem>>) dst(%dma_wait3A_677 : memref<10240x128xf32, #tpu.memory_space<vmem_shared>>)
        %dma_start3A_678 = arith.constant 0 : i32
        %dma_start3A_679 = arith.constant 0 : i32
        %dma_start3A_680 = tpu.memref_slice %arg5[%rem3A_207, %dma_start3A_678, %dma_start3A_679] : memref<2x16x128xi32, #tpu.memory_space<vmem>> -> memref<1x1x128xi32, #tpu.memory_space<vmem>>
        %dma_start3A_681 = tpu.memref_squeeze %dma_start3A_680 : memref<1x1x128xi32, #tpu.memory_space<vmem>> -> memref<128xi32, #tpu.memory_space<vmem>>
        %dma_start3A_682 = arith.constant 0 : i32
        %dma_start3A_683 = arith.constant 0 : i32
        %dma_start3A_684 = tpu.memref_slice %arg3[%dma_start3A_682, %dma_start3A_683] : memref<10000x128xf32, #tpu.memory_space<hbm>> -> memref<10000x128xf32, #tpu.memory_space<hbm>>
        tpu.enqueue_indirect_dma source(%dma_start3A_684 : memref<10000x128xf32, #tpu.memory_space<hbm>>) target(%arg7 : memref<128x128xf32, #tpu.memory_space<vmem>>) offsets(%dma_start3A_681 : memref<128xi32, #tpu.memory_space<vmem>>) semaphore(%arg12 : memref<!tpu.dma_semaphore, #tpu.memory_space<semaphore_mem>>)
      } else {
      }
      %gt3A_215 = arith.constant 0 : i32
      %gt3A_216 = arith.cmpi sgt, %add3A_206, %gt3A_215 : i32
      %convert_element_type3A_217 = arith.extui %gt3A_216 : i1 to i32
      %cond3A_218 = arith.constant 0 : i32
      %cond3A_219 = arith.cmpi ne, %convert_element_type3A_217, %cond3A_218 : i32
      scf.if %cond3A_219 {
        %dma_wait3A_670 = arith.constant 0 : i32
        %dma_wait3A_671 = arith.constant 0 : i32
        %dma_wait3A_672 = arith.constant 0 : i32
        %dma_wait3A_673 = tpu.memref_slice %arg6[%dma_wait3A_670, %dma_wait3A_671, %dma_wait3A_672] : memref<2x16x128xi32, #tpu.memory_space<vmem>> -> memref<1x1x128xi32, #tpu.memory_space<vmem>>
        %dma_wait3A_674 = tpu.memref_squeeze %dma_wait3A_673 : memref<1x1x128xi32, #tpu.memory_space<vmem>> -> memref<128xi32, #tpu.memory_space<vmem>>
        %dma_wait3A_675 = arith.constant 0 : i32
        %dma_wait3A_676 = arith.constant 0 : i32
        %dma_wait3A_677 = tpu.memref_slice %arg9[%dma_wait3A_675, %dma_wait3A_676] : memref<10240x128xf32, #tpu.memory_space<vmem_shared>> -> memref<10240x128xf32, #tpu.memory_space<vmem_shared>>
        tpu.wait_indirect_dma semaphore(%arg15 : memref<!tpu.dma_semaphore, #tpu.memory_space<semaphore_mem>>) src(%arg8 : memref<128x128xf32, #tpu.memory_space<vmem>>) dst(%dma_wait3A_677 : memref<10240x128xf32, #tpu.memory_space<vmem_shared>>)
        %dma_start3A_678 = arith.constant 1 : i32
        %dma_start3A_679 = arith.constant 0 : i32
        %dma_start3A_680 = tpu.memref_slice %arg5[%rem3A_207, %dma_start3A_678, %dma_start3A_679] : memref<2x16x128xi32, #tpu.memory_space<vmem>> -> memref<1x1x128xi32, #tpu.memory_space<vmem>>
        %dma_start3A_681 = tpu.memref_squeeze %dma_start3A_680 : memref<1x1x128xi32, #tpu.memory_space<vmem>> -> memref<128xi32, #tpu.memory_space<vmem>>
        %dma_start3A_682 = arith.constant 0 : i32
        %dma_start3A_683 = arith.constant 0 : i32
        %dma_start3A_684 = tpu.memref_slice %arg3[%dma_start3A_682, %dma_start3A_683] : memref<10000x128xf32, #tpu.memory_space<hbm>> -> memref<10000x128xf32, #tpu.memory_space<hbm>>
        tpu.enqueue_indirect_dma source(%dma_start3A_684 : memref<10000x128xf32, #tpu.memory_space<hbm>>) target(%arg8 : memref<128x128xf32, #tpu.memory_space<vmem>>) offsets(%dma_start3A_681 : memref<128xi32, #tpu.memory_space<vmem>>) semaphore(%arg13 : memref<!tpu.dma_semaphore, #tpu.memory_space<semaphore_mem>>)
      } else {
      }
      %dma_wait3A_220 = arith.constant 0 : i32
      %dma_wait3A_221 = arith.constant 0 : i32
      %dma_wait3A_222 = arith.constant 0 : i32
      %dma_wait3A_223 = tpu.memref_slice %arg5[%dma_wait3A_220, %dma_wait3A_221, %dma_wait3A_222] : memref<2x16x128xi32, #tpu.memory_space<vmem>> -> memref<1x1x128xi32, #tpu.memory_space<vmem>>
      %dma_wait3A_224 = tpu.memref_squeeze %dma_wait3A_223 : memref<1x1x128xi32, #tpu.memory_space<vmem>> -> memref<128xi32, #tpu.memory_space<vmem>>
      %dma_wait3A_225 = arith.constant 0 : i32
      %dma_wait3A_226 = arith.constant 0 : i32
      %dma_wait3A_227 = tpu.memref_slice %arg3[%dma_wait3A_225, %dma_wait3A_226] : memref<10000x128xf32, #tpu.memory_space<hbm>> -> memref<10000x128xf32, #tpu.memory_space<hbm>>
      tpu.wait_indirect_dma semaphore(%arg12 : memref<!tpu.dma_semaphore, #tpu.memory_space<semaphore_mem>>) src(%dma_wait3A_227 : memref<10000x128xf32, #tpu.memory_space<hbm>>) dst(%arg7 : memref<128x128xf32, #tpu.memory_space<vmem>>)
      %dma_start3A_228 = arith.constant 0 : i32
      %dma_start3A_229 = arith.constant 0 : i32
      %dma_start3A_230 = tpu.memref_slice %arg6[%rem3A_207, %dma_start3A_228, %dma_start3A_229] : memref<2x16x128xi32, #tpu.memory_space<vmem>> -> memref<1x1x128xi32, #tpu.memory_space<vmem>>
      %dma_start3A_231 = tpu.memref_squeeze %dma_start3A_230 : memref<1x1x128xi32, #tpu.memory_space<vmem>> -> memref<128xi32, #tpu.memory_space<vmem>>
      %dma_start3A_232 = arith.constant 0 : i32
      %dma_start3A_233 = arith.constant 0 : i32
      %dma_start3A_234 = tpu.memref_slice %arg9[%dma_start3A_232, %dma_start3A_233] : memref<10240x128xf32, #tpu.memory_space<vmem_shared>> -> memref<10240x128xf32, #tpu.memory_space<vmem_shared>>
      tpu.enqueue_indirect_dma source(%arg7 : memref<128x128xf32, #tpu.memory_space<vmem>>) target(%dma_start3A_234 : memref<10240x128xf32, #tpu.memory_space<vmem_shared>>) offsets(%dma_start3A_231 : memref<128xi32, #tpu.memory_space<vmem>>) semaphore(%arg14 : memref<!tpu.dma_semaphore, #tpu.memory_space<semaphore_mem>>) {add = true}
      %dma_wait3A_235 = arith.constant 0 : i32
      %dma_wait3A_236 = arith.constant 0 : i32
      %dma_wait3A_237 = arith.constant 0 : i32
      %dma_wait3A_238 = tpu.memref_slice %arg6[%dma_wait3A_235, %dma_wait3A_236, %dma_wait3A_237] : memref<2x16x128xi32, #tpu.memory_space<vmem>> -> memref<1x1x128xi32, #tpu.memory_space<vmem>>
      %dma_wait3A_239 = tpu.memref_squeeze %dma_wait3A_238 : memref<1x1x128xi32, #tpu.memory_space<vmem>> -> memref<128xi32, #tpu.memory_space<vmem>>
      %dma_wait3A_240 = arith.constant 0 : i32
      %dma_wait3A_241 = arith.constant 0 : i32
      %dma_wait3A_242 = tpu.memref_slice %arg9[%dma_wait3A_240, %dma_wait3A_241] : memref<10240x128xf32, #tpu.memory_space<vmem_shared>> -> memref<10240x128xf32, #tpu.memory_space<vmem_shared>>
      tpu.wait_indirect_dma semaphore(%arg14 : memref<!tpu.dma_semaphore, #tpu.memory_space<semaphore_mem>>) src(%arg7 : memref<128x128xf32, #tpu.memory_space<vmem>>) dst(%dma_wait3A_242 : memref<10240x128xf32, #tpu.memory_space<vmem_shared>>)
      %dma_start3A_243 = arith.constant 2 : i32
      %dma_start3A_244 = arith.constant 0 : i32
      %dma_start3A_245 = tpu.memref_slice %arg5[%rem3A_207, %dma_start3A_243, %dma_start3A_244] : memref<2x16x128xi32, #tpu.memory_space<vmem>> -> memref<1x1x128xi32, #tpu.memory_space<vmem>>
      %dma_start3A_246 = tpu.memref_squeeze %dma_start3A_245 : memref<1x1x128xi32, #tpu.memory_space<vmem>> -> memref<128xi32, #tpu.memory_space<vmem>>
      %dma_start3A_247 = arith.constant 0 : i32
      %dma_start3A_248 = arith.constant 0 : i32
      %dma_start3A_249 = tpu.memref_slice %arg3[%dma_start3A_247, %dma_start3A_248] : memref<10000x128xf32, #tpu.memory_space<hbm>> -> memref<10000x128xf32, #tpu.memory_space<hbm>>
      tpu.enqueue_indirect_dma source(%dma_start3A_249 : memref<10000x128xf32, #tpu.memory_space<hbm>>) target(%arg7 : memref<128x128xf32, #tpu.memory_space<vmem>>) offsets(%dma_start3A_246 : memref<128xi32, #tpu.memory_space<vmem>>) semaphore(%arg12 : memref<!tpu.dma_semaphore, #tpu.memory_space<semaphore_mem>>)
      %dma_wait3A_250 = arith.constant 0 : i32
      %dma_wait3A_251 = arith.constant 0 : i32
      %dma_wait3A_252 = arith.constant 0 : i32
      %dma_wait3A_253 = tpu.memref_slice %arg5[%dma_wait3A_250, %dma_wait3A_251, %dma_wait3A_252] : memref<2x16x128xi32, #tpu.memory_space<vmem>> -> memref<1x1x128xi32, #tpu.memory_space<vmem>>
      %dma_wait3A_254 = tpu.memref_squeeze %dma_wait3A_253 : memref<1x1x128xi32, #tpu.memory_space<vmem>> -> memref<128xi32, #tpu.memory_space<vmem>>
      %dma_wait3A_255 = arith.constant 0 : i32
      %dma_wait3A_256 = arith.constant 0 : i32
      %dma_wait3A_257 = tpu.memref_slice %arg3[%dma_wait3A_255, %dma_wait3A_256] : memref<10000x128xf32, #tpu.memory_space<hbm>> -> memref<10000x128xf32, #tpu.memory_space<hbm>>
      tpu.wait_indirect_dma semaphore(%arg13 : memref<!tpu.dma_semaphore, #tpu.memory_space<semaphore_mem>>) src(%dma_wait3A_257 : memref<10000x128xf32, #tpu.memory_space<hbm>>) dst(%arg8 : memref<128x128xf32, #tpu.memory_space<vmem>>)
      %dma_start3A_258 = arith.constant 1 : i32
      %dma_start3A_259 = arith.constant 0 : i32
      %dma_start3A_260 = tpu.memref_slice %arg6[%rem3A_207, %dma_start3A_258, %dma_start3A_259] : memref<2x16x128xi32, #tpu.memory_space<vmem>> -> memref<1x1x128xi32, #tpu.memory_space<vmem>>
      %dma_start3A_261 = tpu.memref_squeeze %dma_start3A_260 : memref<1x1x128xi32, #tpu.memory_space<vmem>> -> memref<128xi32, #tpu.memory_space<vmem>>
      %dma_start3A_262 = arith.constant 0 : i32
      %dma_start3A_263 = arith.constant 0 : i32
      %dma_start3A_264 = tpu.memref_slice %arg9[%dma_start3A_262, %dma_start3A_263] : memref<10240x128xf32, #tpu.memory_space<vmem_shared>> -> memref<10240x128xf32, #tpu.memory_space<vmem_shared>>
      tpu.enqueue_indirect_dma source(%arg8 : memref<128x128xf32, #tpu.memory_space<vmem>>) target(%dma_start3A_264 : memref<10240x128xf32, #tpu.memory_space<vmem_shared>>) offsets(%dma_start3A_261 : memref<128xi32, #tpu.memory_space<vmem>>) semaphore(%arg15 : memref<!tpu.dma_semaphore, #tpu.memory_space<semaphore_mem>>) {add = true}
      %dma_wait3A_265 = arith.constant 0 : i32
      %dma_wait3A_266 = arith.constant 0 : i32
      %dma_wait3A_267 = arith.constant 0 : i32
      %dma_wait3A_268 = tpu.memref_slice %arg6[%dma_wait3A_265, %dma_wait3A_266, %dma_wait3A_267] : memref<2x16x128xi32, #tpu.memory_space<vmem>> -> memref<1x1x128xi32, #tpu.memory_space<vmem>>
      %dma_wait3A_269 = tpu.memref_squeeze %dma_wait3A_268 : memref<1x1x128xi32, #tpu.memory_space<vmem>> -> memref<128xi32, #tpu.memory_space<vmem>>
      %dma_wait3A_270 = arith.constant 0 : i32
      %dma_wait3A_271 = arith.constant 0 : i32
      %dma_wait3A_272 = tpu.memref_slice %arg9[%dma_wait3A_270, %dma_wait3A_271] : memref<10240x128xf32, #tpu.memory_space<vmem_shared>> -> memref<10240x128xf32, #tpu.memory_space<vmem_shared>>
      tpu.wait_indirect_dma semaphore(%arg15 : memref<!tpu.dma_semaphore, #tpu.memory_space<semaphore_mem>>) src(%arg8 : memref<128x128xf32, #tpu.memory_space<vmem>>) dst(%dma_wait3A_272 : memref<10240x128xf32, #tpu.memory_space<vmem_shared>>)
      %dma_start3A_273 = arith.constant 3 : i32
      %dma_start3A_274 = arith.constant 0 : i32
      %dma_start3A_275 = tpu.memref_slice %arg5[%rem3A_207, %dma_start3A_273, %dma_start3A_274] : memref<2x16x128xi32, #tpu.memory_space<vmem>> -> memref<1x1x128xi32, #tpu.memory_space<vmem>>
      %dma_start3A_276 = tpu.memref_squeeze %dma_start3A_275 : memref<1x1x128xi32, #tpu.memory_space<vmem>> -> memref<128xi32, #tpu.memory_space<vmem>>
      %dma_start3A_277 = arith.constant 0 : i32
      %dma_start3A_278 = arith.constant 0 : i32
      %dma_start3A_279 = tpu.memref_slice %arg3[%dma_start3A_277, %dma_start3A_278] : memref<10000x128xf32, #tpu.memory_space<hbm>> -> memref<10000x128xf32, #tpu.memory_space<hbm>>
      tpu.enqueue_indirect_dma source(%dma_start3A_279 : memref<10000x128xf32, #tpu.memory_space<hbm>>) target(%arg8 : memref<128x128xf32, #tpu.memory_space<vmem>>) offsets(%dma_start3A_276 : memref<128xi32, #tpu.memory_space<vmem>>) semaphore(%arg13 : memref<!tpu.dma_semaphore, #tpu.memory_space<semaphore_mem>>)
      %dma_wait3A_280 = arith.constant 0 : i32
      %dma_wait3A_281 = arith.constant 0 : i32
      %dma_wait3A_282 = arith.constant 0 : i32
      %dma_wait3A_283 = tpu.memref_slice %arg5[%dma_wait3A_280, %dma_wait3A_281, %dma_wait3A_282] : memref<2x16x128xi32, #tpu.memory_space<vmem>> -> memref<1x1x128xi32, #tpu.memory_space<vmem>>
      %dma_wait3A_284 = tpu.memref_squeeze %dma_wait3A_283 : memref<1x1x128xi32, #tpu.memory_space<vmem>> -> memref<128xi32, #tpu.memory_space<vmem>>
      %dma_wait3A_285 = arith.constant 0 : i32
      %dma_wait3A_286 = arith.constant 0 : i32
      %dma_wait3A_287 = tpu.memref_slice %arg3[%dma_wait3A_285, %dma_wait3A_286] : memref<10000x128xf32, #tpu.memory_space<hbm>> -> memref<10000x128xf32, #tpu.memory_space<hbm>>
      tpu.wait_indirect_dma semaphore(%arg12 : memref<!tpu.dma_semaphore, #tpu.memory_space<semaphore_mem>>) src(%dma_wait3A_287 : memref<10000x128xf32, #tpu.memory_space<hbm>>) dst(%arg7 : memref<128x128xf32, #tpu.memory_space<vmem>>)
      %dma_start3A_288 = arith.constant 2 : i32
      %dma_start3A_289 = arith.constant 0 : i32
      %dma_start3A_290 = tpu.memref_slice %arg6[%rem3A_207, %dma_start3A_288, %dma_start3A_289] : memref<2x16x128xi32, #tpu.memory_space<vmem>> -> memref<1x1x128xi32, #tpu.memory_space<vmem>>
      %dma_start3A_291 = tpu.memref_squeeze %dma_start3A_290 : memref<1x1x128xi32, #tpu.memory_space<vmem>> -> memref<128xi32, #tpu.memory_space<vmem>>
      %dma_start3A_292 = arith.constant 0 : i32
      %dma_start3A_293 = arith.constant 0 : i32
      %dma_start3A_294 = tpu.memref_slice %arg9[%dma_start3A_292, %dma_start3A_293] : memref<10240x128xf32, #tpu.memory_space<vmem_shared>> -> memref<10240x128xf32, #tpu.memory_space<vmem_shared>>
      tpu.enqueue_indirect_dma source(%arg7 : memref<128x128xf32, #tpu.memory_space<vmem>>) target(%dma_start3A_294 : memref<10240x128xf32, #tpu.memory_space<vmem_shared>>) offsets(%dma_start3A_291 : memref<128xi32, #tpu.memory_space<vmem>>) semaphore(%arg14 : memref<!tpu.dma_semaphore, #tpu.memory_space<semaphore_mem>>) {add = true}
      %dma_wait3A_295 = arith.constant 0 : i32
      %dma_wait3A_296 = arith.constant 0 : i32
      %dma_wait3A_297 = arith.constant 0 : i32
      %dma_wait3A_298 = tpu.memref_slice %arg6[%dma_wait3A_295, %dma_wait3A_296, %dma_wait3A_297] : memref<2x16x128xi32, #tpu.memory_space<vmem>> -> memref<1x1x128xi32, #tpu.memory_space<vmem>>
      %dma_wait3A_299 = tpu.memref_squeeze %dma_wait3A_298 : memref<1x1x128xi32, #tpu.memory_space<vmem>> -> memref<128xi32, #tpu.memory_space<vmem>>
      %dma_wait3A_300 = arith.constant 0 : i32
      %dma_wait3A_301 = arith.constant 0 : i32
      %dma_wait3A_302 = tpu.memref_slice %arg9[%dma_wait3A_300, %dma_wait3A_301] : memref<10240x128xf32, #tpu.memory_space<vmem_shared>> -> memref<10240x128xf32, #tpu.memory_space<vmem_shared>>
      tpu.wait_indirect_dma semaphore(%arg14 : memref<!tpu.dma_semaphore, #tpu.memory_space<semaphore_mem>>) src(%arg7 : memref<128x128xf32, #tpu.memory_space<vmem>>) dst(%dma_wait3A_302 : memref<10240x128xf32, #tpu.memory_space<vmem_shared>>)
      %dma_start3A_303 = arith.constant 4 : i32
      %dma_start3A_304 = arith.constant 0 : i32
      %dma_start3A_305 = tpu.memref_slice %arg5[%rem3A_207, %dma_start3A_303, %dma_start3A_304] : memref<2x16x128xi32, #tpu.memory_space<vmem>> -> memref<1x1x128xi32, #tpu.memory_space<vmem>>
      %dma_start3A_306 = tpu.memref_squeeze %dma_start3A_305 : memref<1x1x128xi32, #tpu.memory_space<vmem>> -> memref<128xi32, #tpu.memory_space<vmem>>
      %dma_start3A_307 = arith.constant 0 : i32
      %dma_start3A_308 = arith.constant 0 : i32
      %dma_start3A_309 = tpu.memref_slice %arg3[%dma_start3A_307, %dma_start3A_308] : memref<10000x128xf32, #tpu.memory_space<hbm>> -> memref<10000x128xf32, #tpu.memory_space<hbm>>
      tpu.enqueue_indirect_dma source(%dma_start3A_309 : memref<10000x128xf32, #tpu.memory_space<hbm>>) target(%arg7 : memref<128x128xf32, #tpu.memory_space<vmem>>) offsets(%dma_start3A_306 : memref<128xi32, #tpu.memory_space<vmem>>) semaphore(%arg12 : memref<!tpu.dma_semaphore, #tpu.memory_space<semaphore_mem>>)
      %dma_wait3A_310 = arith.constant 0 : i32
      %dma_wait3A_311 = arith.constant 0 : i32
      %dma_wait3A_312 = arith.constant 0 : i32
      %dma_wait3A_313 = tpu.memref_slice %arg5[%dma_wait3A_310, %dma_wait3A_311, %dma_wait3A_312] : memref<2x16x128xi32, #tpu.memory_space<vmem>> -> memref<1x1x128xi32, #tpu.memory_space<vmem>>
      %dma_wait3A_314 = tpu.memref_squeeze %dma_wait3A_313 : memref<1x1x128xi32, #tpu.memory_space<vmem>> -> memref<128xi32, #tpu.memory_space<vmem>>
      %dma_wait3A_315 = arith.constant 0 : i32
      %dma_wait3A_316 = arith.constant 0 : i32
      %dma_wait3A_317 = tpu.memref_slice %arg3[%dma_wait3A_315, %dma_wait3A_316] : memref<10000x128xf32, #tpu.memory_space<hbm>> -> memref<10000x128xf32, #tpu.memory_space<hbm>>
      tpu.wait_indirect_dma semaphore(%arg13 : memref<!tpu.dma_semaphore, #tpu.memory_space<semaphore_mem>>) src(%dma_wait3A_317 : memref<10000x128xf32, #tpu.memory_space<hbm>>) dst(%arg8 : memref<128x128xf32, #tpu.memory_space<vmem>>)
      %dma_start3A_318 = arith.constant 3 : i32
      %dma_start3A_319 = arith.constant 0 : i32
      %dma_start3A_320 = tpu.memref_slice %arg6[%rem3A_207, %dma_start3A_318, %dma_start3A_319] : memref<2x16x128xi32, #tpu.memory_space<vmem>> -> memref<1x1x128xi32, #tpu.memory_space<vmem>>
      %dma_start3A_321 = tpu.memref_squeeze %dma_start3A_320 : memref<1x1x128xi32, #tpu.memory_space<vmem>> -> memref<128xi32, #tpu.memory_space<vmem>>
      %dma_start3A_322 = arith.constant 0 : i32
      %dma_start3A_323 = arith.constant 0 : i32
      %dma_start3A_324 = tpu.memref_slice %arg9[%dma_start3A_322, %dma_start3A_323] : memref<10240x128xf32, #tpu.memory_space<vmem_shared>> -> memref<10240x128xf32, #tpu.memory_space<vmem_shared>>
      tpu.enqueue_indirect_dma source(%arg8 : memref<128x128xf32, #tpu.memory_space<vmem>>) target(%dma_start3A_324 : memref<10240x128xf32, #tpu.memory_space<vmem_shared>>) offsets(%dma_start3A_321 : memref<128xi32, #tpu.memory_space<vmem>>) semaphore(%arg15 : memref<!tpu.dma_semaphore, #tpu.memory_space<semaphore_mem>>) {add = true}
      %dma_wait3A_325 = arith.constant 0 : i32
      %dma_wait3A_326 = arith.constant 0 : i32
      %dma_wait3A_327 = arith.constant 0 : i32
      %dma_wait3A_328 = tpu.memref_slice %arg6[%dma_wait3A_325, %dma_wait3A_326, %dma_wait3A_327] : memref<2x16x128xi32, #tpu.memory_space<vmem>> -> memref<1x1x128xi32, #tpu.memory_space<vmem>>
      %dma_wait3A_329 = tpu.memref_squeeze %dma_wait3A_328 : memref<1x1x128xi32, #tpu.memory_space<vmem>> -> memref<128xi32, #tpu.memory_space<vmem>>
      %dma_wait3A_330 = arith.constant 0 : i32
      %dma_wait3A_331 = arith.constant 0 : i32
      %dma_wait3A_332 = tpu.memref_slice %arg9[%dma_wait3A_330, %dma_wait3A_331] : memref<10240x128xf32, #tpu.memory_space<vmem_shared>> -> memref<10240x128xf32, #tpu.memory_space<vmem_shared>>
      tpu.wait_indirect_dma semaphore(%arg15 : memref<!tpu.dma_semaphore, #tpu.memory_space<semaphore_mem>>) src(%arg8 : memref<128x128xf32, #tpu.memory_space<vmem>>) dst(%dma_wait3A_332 : memref<10240x128xf32, #tpu.memory_space<vmem_shared>>)
      %dma_start3A_333 = arith.constant 5 : i32
      %dma_start3A_334 = arith.constant 0 : i32
      %dma_start3A_335 = tpu.memref_slice %arg5[%rem3A_207, %dma_start3A_333, %dma_start3A_334] : memref<2x16x128xi32, #tpu.memory_space<vmem>> -> memref<1x1x128xi32, #tpu.memory_space<vmem>>
      %dma_start3A_336 = tpu.memref_squeeze %dma_start3A_335 : memref<1x1x128xi32, #tpu.memory_space<vmem>> -> memref<128xi32, #tpu.memory_space<vmem>>
      %dma_start3A_337 = arith.constant 0 : i32
      %dma_start3A_338 = arith.constant 0 : i32
      %dma_start3A_339 = tpu.memref_slice %arg3[%dma_start3A_337, %dma_start3A_338] : memref<10000x128xf32, #tpu.memory_space<hbm>> -> memref<10000x128xf32, #tpu.memory_space<hbm>>
      tpu.enqueue_indirect_dma source(%dma_start3A_339 : memref<10000x128xf32, #tpu.memory_space<hbm>>) target(%arg8 : memref<128x128xf32, #tpu.memory_space<vmem>>) offsets(%dma_start3A_336 : memref<128xi32, #tpu.memory_space<vmem>>) semaphore(%arg13 : memref<!tpu.dma_semaphore, #tpu.memory_space<semaphore_mem>>)
      %dma_wait3A_340 = arith.constant 0 : i32
      %dma_wait3A_341 = arith.constant 0 : i32
      %dma_wait3A_342 = arith.constant 0 : i32
      %dma_wait3A_343 = tpu.memref_slice %arg5[%dma_wait3A_340, %dma_wait3A_341, %dma_wait3A_342] : memref<2x16x128xi32, #tpu.memory_space<vmem>> -> memref<1x1x128xi32, #tpu.memory_space<vmem>>
      %dma_wait3A_344 = tpu.memref_squeeze %dma_wait3A_343 : memref<1x1x128xi32, #tpu.memory_space<vmem>> -> memref<128xi32, #tpu.memory_space<vmem>>
      %dma_wait3A_345 = arith.constant 0 : i32
      %dma_wait3A_346 = arith.constant 0 : i32
      %dma_wait3A_347 = tpu.memref_slice %arg3[%dma_wait3A_345, %dma_wait3A_346] : memref<10000x128xf32, #tpu.memory_space<hbm>> -> memref<10000x128xf32, #tpu.memory_space<hbm>>
      tpu.wait_indirect_dma semaphore(%arg12 : memref<!tpu.dma_semaphore, #tpu.memory_space<semaphore_mem>>) src(%dma_wait3A_347 : memref<10000x128xf32, #tpu.memory_space<hbm>>) dst(%arg7 : memref<128x128xf32, #tpu.memory_space<vmem>>)
      %dma_start3A_348 = arith.constant 4 : i32
      %dma_start3A_349 = arith.constant 0 : i32
      %dma_start3A_350 = tpu.memref_slice %arg6[%rem3A_207, %dma_start3A_348, %dma_start3A_349] : memref<2x16x128xi32, #tpu.memory_space<vmem>> -> memref<1x1x128xi32, #tpu.memory_space<vmem>>
      %dma_start3A_351 = tpu.memref_squeeze %dma_start3A_350 : memref<1x1x128xi32, #tpu.memory_space<vmem>> -> memref<128xi32, #tpu.memory_space<vmem>>
      %dma_start3A_352 = arith.constant 0 : i32
      %dma_start3A_353 = arith.constant 0 : i32
      %dma_start3A_354 = tpu.memref_slice %arg9[%dma_start3A_352, %dma_start3A_353] : memref<10240x128xf32, #tpu.memory_space<vmem_shared>> -> memref<10240x128xf32, #tpu.memory_space<vmem_shared>>
      tpu.enqueue_indirect_dma source(%arg7 : memref<128x128xf32, #tpu.memory_space<vmem>>) target(%dma_start3A_354 : memref<10240x128xf32, #tpu.memory_space<vmem_shared>>) offsets(%dma_start3A_351 : memref<128xi32, #tpu.memory_space<vmem>>) semaphore(%arg14 : memref<!tpu.dma_semaphore, #tpu.memory_space<semaphore_mem>>) {add = true}
      %dma_wait3A_355 = arith.constant 0 : i32
      %dma_wait3A_356 = arith.constant 0 : i32
      %dma_wait3A_357 = arith.constant 0 : i32
      %dma_wait3A_358 = tpu.memref_slice %arg6[%dma_wait3A_355, %dma_wait3A_356, %dma_wait3A_357] : memref<2x16x128xi32, #tpu.memory_space<vmem>> -> memref<1x1x128xi32, #tpu.memory_space<vmem>>
      %dma_wait3A_359 = tpu.memref_squeeze %dma_wait3A_358 : memref<1x1x128xi32, #tpu.memory_space<vmem>> -> memref<128xi32, #tpu.memory_space<vmem>>
      %dma_wait3A_360 = arith.constant 0 : i32
      %dma_wait3A_361 = arith.constant 0 : i32
      %dma_wait3A_362 = tpu.memref_slice %arg9[%dma_wait3A_360, %dma_wait3A_361] : memref<10240x128xf32, #tpu.memory_space<vmem_shared>> -> memref<10240x128xf32, #tpu.memory_space<vmem_shared>>
      tpu.wait_indirect_dma semaphore(%arg14 : memref<!tpu.dma_semaphore, #tpu.memory_space<semaphore_mem>>) src(%arg7 : memref<128x128xf32, #tpu.memory_space<vmem>>) dst(%dma_wait3A_362 : memref<10240x128xf32, #tpu.memory_space<vmem_shared>>)
      %dma_start3A_363 = arith.constant 6 : i32
      %dma_start3A_364 = arith.constant 0 : i32
      %dma_start3A_365 = tpu.memref_slice %arg5[%rem3A_207, %dma_start3A_363, %dma_start3A_364] : memref<2x16x128xi32, #tpu.memory_space<vmem>> -> memref<1x1x128xi32, #tpu.memory_space<vmem>>
      %dma_start3A_366 = tpu.memref_squeeze %dma_start3A_365 : memref<1x1x128xi32, #tpu.memory_space<vmem>> -> memref<128xi32, #tpu.memory_space<vmem>>
      %dma_start3A_367 = arith.constant 0 : i32
      %dma_start3A_368 = arith.constant 0 : i32
      %dma_start3A_369 = tpu.memref_slice %arg3[%dma_start3A_367, %dma_start3A_368] : memref<10000x128xf32, #tpu.memory_space<hbm>> -> memref<10000x128xf32, #tpu.memory_space<hbm>>
      tpu.enqueue_indirect_dma source(%dma_start3A_369 : memref<10000x128xf32, #tpu.memory_space<hbm>>) target(%arg7 : memref<128x128xf32, #tpu.memory_space<vmem>>) offsets(%dma_start3A_366 : memref<128xi32, #tpu.memory_space<vmem>>) semaphore(%arg12 : memref<!tpu.dma_semaphore, #tpu.memory_space<semaphore_mem>>)
      %dma_wait3A_370 = arith.constant 0 : i32
      %dma_wait3A_371 = arith.constant 0 : i32
      %dma_wait3A_372 = arith.constant 0 : i32
      %dma_wait3A_373 = tpu.memref_slice %arg5[%dma_wait3A_370, %dma_wait3A_371, %dma_wait3A_372] : memref<2x16x128xi32, #tpu.memory_space<vmem>> -> memref<1x1x128xi32, #tpu.memory_space<vmem>>
      %dma_wait3A_374 = tpu.memref_squeeze %dma_wait3A_373 : memref<1x1x128xi32, #tpu.memory_space<vmem>> -> memref<128xi32, #tpu.memory_space<vmem>>
      %dma_wait3A_375 = arith.constant 0 : i32
      %dma_wait3A_376 = arith.constant 0 : i32
      %dma_wait3A_377 = tpu.memref_slice %arg3[%dma_wait3A_375, %dma_wait3A_376] : memref<10000x128xf32, #tpu.memory_space<hbm>> -> memref<10000x128xf32, #tpu.memory_space<hbm>>
      tpu.wait_indirect_dma semaphore(%arg13 : memref<!tpu.dma_semaphore, #tpu.memory_space<semaphore_mem>>) src(%dma_wait3A_377 : memref<10000x128xf32, #tpu.memory_space<hbm>>) dst(%arg8 : memref<128x128xf32, #tpu.memory_space<vmem>>)
      %dma_start3A_378 = arith.constant 5 : i32
      %dma_start3A_379 = arith.constant 0 : i32
      %dma_start3A_380 = tpu.memref_slice %arg6[%rem3A_207, %dma_start3A_378, %dma_start3A_379] : memref<2x16x128xi32, #tpu.memory_space<vmem>> -> memref<1x1x128xi32, #tpu.memory_space<vmem>>
      %dma_start3A_381 = tpu.memref_squeeze %dma_start3A_380 : memref<1x1x128xi32, #tpu.memory_space<vmem>> -> memref<128xi32, #tpu.memory_space<vmem>>
      %dma_start3A_382 = arith.constant 0 : i32
      %dma_start3A_383 = arith.constant 0 : i32
      %dma_start3A_384 = tpu.memref_slice %arg9[%dma_start3A_382, %dma_start3A_383] : memref<10240x128xf32, #tpu.memory_space<vmem_shared>> -> memref<10240x128xf32, #tpu.memory_space<vmem_shared>>
      tpu.enqueue_indirect_dma source(%arg8 : memref<128x128xf32, #tpu.memory_space<vmem>>) target(%dma_start3A_384 : memref<10240x128xf32, #tpu.memory_space<vmem_shared>>) offsets(%dma_start3A_381 : memref<128xi32, #tpu.memory_space<vmem>>) semaphore(%arg15 : memref<!tpu.dma_semaphore, #tpu.memory_space<semaphore_mem>>) {add = true}
      %dma_wait3A_385 = arith.constant 0 : i32
      %dma_wait3A_386 = arith.constant 0 : i32
      %dma_wait3A_387 = arith.constant 0 : i32
      %dma_wait3A_388 = tpu.memref_slice %arg6[%dma_wait3A_385, %dma_wait3A_386, %dma_wait3A_387] : memref<2x16x128xi32, #tpu.memory_space<vmem>> -> memref<1x1x128xi32, #tpu.memory_space<vmem>>
      %dma_wait3A_389 = tpu.memref_squeeze %dma_wait3A_388 : memref<1x1x128xi32, #tpu.memory_space<vmem>> -> memref<128xi32, #tpu.memory_space<vmem>>
      %dma_wait3A_390 = arith.constant 0 : i32
      %dma_wait3A_391 = arith.constant 0 : i32
      %dma_wait3A_392 = tpu.memref_slice %arg9[%dma_wait3A_390, %dma_wait3A_391] : memref<10240x128xf32, #tpu.memory_space<vmem_shared>> -> memref<10240x128xf32, #tpu.memory_space<vmem_shared>>
      tpu.wait_indirect_dma semaphore(%arg15 : memref<!tpu.dma_semaphore, #tpu.memory_space<semaphore_mem>>) src(%arg8 : memref<128x128xf32, #tpu.memory_space<vmem>>) dst(%dma_wait3A_392 : memref<10240x128xf32, #tpu.memory_space<vmem_shared>>)
      %dma_start3A_393 = arith.constant 7 : i32
      %dma_start3A_394 = arith.constant 0 : i32
      %dma_start3A_395 = tpu.memref_slice %arg5[%rem3A_207, %dma_start3A_393, %dma_start3A_394] : memref<2x16x128xi32, #tpu.memory_space<vmem>> -> memref<1x1x128xi32, #tpu.memory_space<vmem>>
      %dma_start3A_396 = tpu.memref_squeeze %dma_start3A_395 : memref<1x1x128xi32, #tpu.memory_space<vmem>> -> memref<128xi32, #tpu.memory_space<vmem>>
      %dma_start3A_397 = arith.constant 0 : i32
      %dma_start3A_398 = arith.constant 0 : i32
      %dma_start3A_399 = tpu.memref_slice %arg3[%dma_start3A_397, %dma_start3A_398] : memref<10000x128xf32, #tpu.memory_space<hbm>> -> memref<10000x128xf32, #tpu.memory_space<hbm>>
      tpu.enqueue_indirect_dma source(%dma_start3A_399 : memref<10000x128xf32, #tpu.memory_space<hbm>>) target(%arg8 : memref<128x128xf32, #tpu.memory_space<vmem>>) offsets(%dma_start3A_396 : memref<128xi32, #tpu.memory_space<vmem>>) semaphore(%arg13 : memref<!tpu.dma_semaphore, #tpu.memory_space<semaphore_mem>>)
      %dma_wait3A_400 = arith.constant 0 : i32
      %dma_wait3A_401 = arith.constant 0 : i32
      %dma_wait3A_402 = arith.constant 0 : i32
      %dma_wait3A_403 = tpu.memref_slice %arg5[%dma_wait3A_400, %dma_wait3A_401, %dma_wait3A_402] : memref<2x16x128xi32, #tpu.memory_space<vmem>> -> memref<1x1x128xi32, #tpu.memory_space<vmem>>
      %dma_wait3A_404 = tpu.memref_squeeze %dma_wait3A_403 : memref<1x1x128xi32, #tpu.memory_space<vmem>> -> memref<128xi32, #tpu.memory_space<vmem>>
      %dma_wait3A_405 = arith.constant 0 : i32
      %dma_wait3A_406 = arith.constant 0 : i32
      %dma_wait3A_407 = tpu.memref_slice %arg3[%dma_wait3A_405, %dma_wait3A_406] : memref<10000x128xf32, #tpu.memory_space<hbm>> -> memref<10000x128xf32, #tpu.memory_space<hbm>>
      tpu.wait_indirect_dma semaphore(%arg12 : memref<!tpu.dma_semaphore, #tpu.memory_space<semaphore_mem>>) src(%dma_wait3A_407 : memref<10000x128xf32, #tpu.memory_space<hbm>>) dst(%arg7 : memref<128x128xf32, #tpu.memory_space<vmem>>)
      %dma_start3A_408 = arith.constant 6 : i32
      %dma_start3A_409 = arith.constant 0 : i32
      %dma_start3A_410 = tpu.memref_slice %arg6[%rem3A_207, %dma_start3A_408, %dma_start3A_409] : memref<2x16x128xi32, #tpu.memory_space<vmem>> -> memref<1x1x128xi32, #tpu.memory_space<vmem>>
      %dma_start3A_411 = tpu.memref_squeeze %dma_start3A_410 : memref<1x1x128xi32, #tpu.memory_space<vmem>> -> memref<128xi32, #tpu.memory_space<vmem>>
      %dma_start3A_412 = arith.constant 0 : i32
      %dma_start3A_413 = arith.constant 0 : i32
      %dma_start3A_414 = tpu.memref_slice %arg9[%dma_start3A_412, %dma_start3A_413] : memref<10240x128xf32, #tpu.memory_space<vmem_shared>> -> memref<10240x128xf32, #tpu.memory_space<vmem_shared>>
      tpu.enqueue_indirect_dma source(%arg7 : memref<128x128xf32, #tpu.memory_space<vmem>>) target(%dma_start3A_414 : memref<10240x128xf32, #tpu.memory_space<vmem_shared>>) offsets(%dma_start3A_411 : memref<128xi32, #tpu.memory_space<vmem>>) semaphore(%arg14 : memref<!tpu.dma_semaphore, #tpu.memory_space<semaphore_mem>>) {add = true}
      %dma_wait3A_415 = arith.constant 0 : i32
      %dma_wait3A_416 = arith.constant 0 : i32
      %dma_wait3A_417 = arith.constant 0 : i32
      %dma_wait3A_418 = tpu.memref_slice %arg6[%dma_wait3A_415, %dma_wait3A_416, %dma_wait3A_417] : memref<2x16x128xi32, #tpu.memory_space<vmem>> -> memref<1x1x128xi32, #tpu.memory_space<vmem>>
      %dma_wait3A_419 = tpu.memref_squeeze %dma_wait3A_418 : memref<1x1x128xi32, #tpu.memory_space<vmem>> -> memref<128xi32, #tpu.memory_space<vmem>>
      %dma_wait3A_420 = arith.constant 0 : i32
      %dma_wait3A_421 = arith.constant 0 : i32
      %dma_wait3A_422 = tpu.memref_slice %arg9[%dma_wait3A_420, %dma_wait3A_421] : memref<10240x128xf32, #tpu.memory_space<vmem_shared>> -> memref<10240x128xf32, #tpu.memory_space<vmem_shared>>
      tpu.wait_indirect_dma semaphore(%arg14 : memref<!tpu.dma_semaphore, #tpu.memory_space<semaphore_mem>>) src(%arg7 : memref<128x128xf32, #tpu.memory_space<vmem>>) dst(%dma_wait3A_422 : memref<10240x128xf32, #tpu.memory_space<vmem_shared>>)
      %dma_start3A_423 = arith.constant 8 : i32
      %dma_start3A_424 = arith.constant 0 : i32
      %dma_start3A_425 = tpu.memref_slice %arg5[%rem3A_207, %dma_start3A_423, %dma_start3A_424] : memref<2x16x128xi32, #tpu.memory_space<vmem>> -> memref<1x1x128xi32, #tpu.memory_space<vmem>>
      %dma_start3A_426 = tpu.memref_squeeze %dma_start3A_425 : memref<1x1x128xi32, #tpu.memory_space<vmem>> -> memref<128xi32, #tpu.memory_space<vmem>>
      %dma_start3A_427 = arith.constant 0 : i32
      %dma_start3A_428 = arith.constant 0 : i32
      %dma_start3A_429 = tpu.memref_slice %arg3[%dma_start3A_427, %dma_start3A_428] : memref<10000x128xf32, #tpu.memory_space<hbm>> -> memref<10000x128xf32, #tpu.memory_space<hbm>>
      tpu.enqueue_indirect_dma source(%dma_start3A_429 : memref<10000x128xf32, #tpu.memory_space<hbm>>) target(%arg7 : memref<128x128xf32, #tpu.memory_space<vmem>>) offsets(%dma_start3A_426 : memref<128xi32, #tpu.memory_space<vmem>>) semaphore(%arg12 : memref<!tpu.dma_semaphore, #tpu.memory_space<semaphore_mem>>)
      %dma_wait3A_430 = arith.constant 0 : i32
      %dma_wait3A_431 = arith.constant 0 : i32
      %dma_wait3A_432 = arith.constant 0 : i32
      %dma_wait3A_433 = tpu.memref_slice %arg5[%dma_wait3A_430, %dma_wait3A_431, %dma_wait3A_432] : memref<2x16x128xi32, #tpu.memory_space<vmem>> -> memref<1x1x128xi32, #tpu.memory_space<vmem>>
      %dma_wait3A_434 = tpu.memref_squeeze %dma_wait3A_433 : memref<1x1x128xi32, #tpu.memory_space<vmem>> -> memref<128xi32, #tpu.memory_space<vmem>>
      %dma_wait3A_435 = arith.constant 0 : i32
      %dma_wait3A_436 = arith.constant 0 : i32
      %dma_wait3A_437 = tpu.memref_slice %arg3[%dma_wait3A_435, %dma_wait3A_436] : memref<10000x128xf32, #tpu.memory_space<hbm>> -> memref<10000x128xf32, #tpu.memory_space<hbm>>
      tpu.wait_indirect_dma semaphore(%arg13 : memref<!tpu.dma_semaphore, #tpu.memory_space<semaphore_mem>>) src(%dma_wait3A_437 : memref<10000x128xf32, #tpu.memory_space<hbm>>) dst(%arg8 : memref<128x128xf32, #tpu.memory_space<vmem>>)
      %dma_start3A_438 = arith.constant 7 : i32
      %dma_start3A_439 = arith.constant 0 : i32
      %dma_start3A_440 = tpu.memref_slice %arg6[%rem3A_207, %dma_start3A_438, %dma_start3A_439] : memref<2x16x128xi32, #tpu.memory_space<vmem>> -> memref<1x1x128xi32, #tpu.memory_space<vmem>>
      %dma_start3A_441 = tpu.memref_squeeze %dma_start3A_440 : memref<1x1x128xi32, #tpu.memory_space<vmem>> -> memref<128xi32, #tpu.memory_space<vmem>>
      %dma_start3A_442 = arith.constant 0 : i32
      %dma_start3A_443 = arith.constant 0 : i32
      %dma_start3A_444 = tpu.memref_slice %arg9[%dma_start3A_442, %dma_start3A_443] : memref<10240x128xf32, #tpu.memory_space<vmem_shared>> -> memref<10240x128xf32, #tpu.memory_space<vmem_shared>>
      tpu.enqueue_indirect_dma source(%arg8 : memref<128x128xf32, #tpu.memory_space<vmem>>) target(%dma_start3A_444 : memref<10240x128xf32, #tpu.memory_space<vmem_shared>>) offsets(%dma_start3A_441 : memref<128xi32, #tpu.memory_space<vmem>>) semaphore(%arg15 : memref<!tpu.dma_semaphore, #tpu.memory_space<semaphore_mem>>) {add = true}
      %dma_wait3A_445 = arith.constant 0 : i32
      %dma_wait3A_446 = arith.constant 0 : i32
      %dma_wait3A_447 = arith.constant 0 : i32
      %dma_wait3A_448 = tpu.memref_slice %arg6[%dma_wait3A_445, %dma_wait3A_446, %dma_wait3A_447] : memref<2x16x128xi32, #tpu.memory_space<vmem>> -> memref<1x1x128xi32, #tpu.memory_space<vmem>>
      %dma_wait3A_449 = tpu.memref_squeeze %dma_wait3A_448 : memref<1x1x128xi32, #tpu.memory_space<vmem>> -> memref<128xi32, #tpu.memory_space<vmem>>
      %dma_wait3A_450 = arith.constant 0 : i32
      %dma_wait3A_451 = arith.constant 0 : i32
      %dma_wait3A_452 = tpu.memref_slice %arg9[%dma_wait3A_450, %dma_wait3A_451] : memref<10240x128xf32, #tpu.memory_space<vmem_shared>> -> memref<10240x128xf32, #tpu.memory_space<vmem_shared>>
      tpu.wait_indirect_dma semaphore(%arg15 : memref<!tpu.dma_semaphore, #tpu.memory_space<semaphore_mem>>) src(%arg8 : memref<128x128xf32, #tpu.memory_space<vmem>>) dst(%dma_wait3A_452 : memref<10240x128xf32, #tpu.memory_space<vmem_shared>>)
      %dma_start3A_453 = arith.constant 9 : i32
      %dma_start3A_454 = arith.constant 0 : i32
      %dma_start3A_455 = tpu.memref_slice %arg5[%rem3A_207, %dma_start3A_453, %dma_start3A_454] : memref<2x16x128xi32, #tpu.memory_space<vmem>> -> memref<1x1x128xi32, #tpu.memory_space<vmem>>
      %dma_start3A_456 = tpu.memref_squeeze %dma_start3A_455 : memref<1x1x128xi32, #tpu.memory_space<vmem>> -> memref<128xi32, #tpu.memory_space<vmem>>
      %dma_start3A_457 = arith.constant 0 : i32
      %dma_start3A_458 = arith.constant 0 : i32
      %dma_start3A_459 = tpu.memref_slice %arg3[%dma_start3A_457, %dma_start3A_458] : memref<10000x128xf32, #tpu.memory_space<hbm>> -> memref<10000x128xf32, #tpu.memory_space<hbm>>
      tpu.enqueue_indirect_dma source(%dma_start3A_459 : memref<10000x128xf32, #tpu.memory_space<hbm>>) target(%arg8 : memref<128x128xf32, #tpu.memory_space<vmem>>) offsets(%dma_start3A_456 : memref<128xi32, #tpu.memory_space<vmem>>) semaphore(%arg13 : memref<!tpu.dma_semaphore, #tpu.memory_space<semaphore_mem>>)
      %dma_wait3A_460 = arith.constant 0 : i32
      %dma_wait3A_461 = arith.constant 0 : i32
      %dma_wait3A_462 = arith.constant 0 : i32
      %dma_wait3A_463 = tpu.memref_slice %arg5[%dma_wait3A_460, %dma_wait3A_461, %dma_wait3A_462] : memref<2x16x128xi32, #tpu.memory_space<vmem>> -> memref<1x1x128xi32, #tpu.memory_space<vmem>>
      %dma_wait3A_464 = tpu.memref_squeeze %dma_wait3A_463 : memref<1x1x128xi32, #tpu.memory_space<vmem>> -> memref<128xi32, #tpu.memory_space<vmem>>
      %dma_wait3A_465 = arith.constant 0 : i32
      %dma_wait3A_466 = arith.constant 0 : i32
      %dma_wait3A_467 = tpu.memref_slice %arg3[%dma_wait3A_465, %dma_wait3A_466] : memref<10000x128xf32, #tpu.memory_space<hbm>> -> memref<10000x128xf32, #tpu.memory_space<hbm>>
      tpu.wait_indirect_dma semaphore(%arg12 : memref<!tpu.dma_semaphore, #tpu.memory_space<semaphore_mem>>) src(%dma_wait3A_467 : memref<10000x128xf32, #tpu.memory_space<hbm>>) dst(%arg7 : memref<128x128xf32, #tpu.memory_space<vmem>>)
      %dma_start3A_468 = arith.constant 8 : i32
      %dma_start3A_469 = arith.constant 0 : i32
      %dma_start3A_470 = tpu.memref_slice %arg6[%rem3A_207, %dma_start3A_468, %dma_start3A_469] : memref<2x16x128xi32, #tpu.memory_space<vmem>> -> memref<1x1x128xi32, #tpu.memory_space<vmem>>
      %dma_start3A_471 = tpu.memref_squeeze %dma_start3A_470 : memref<1x1x128xi32, #tpu.memory_space<vmem>> -> memref<128xi32, #tpu.memory_space<vmem>>
      %dma_start3A_472 = arith.constant 0 : i32
      %dma_start3A_473 = arith.constant 0 : i32
      %dma_start3A_474 = tpu.memref_slice %arg9[%dma_start3A_472, %dma_start3A_473] : memref<10240x128xf32, #tpu.memory_space<vmem_shared>> -> memref<10240x128xf32, #tpu.memory_space<vmem_shared>>
      tpu.enqueue_indirect_dma source(%arg7 : memref<128x128xf32, #tpu.memory_space<vmem>>) target(%dma_start3A_474 : memref<10240x128xf32, #tpu.memory_space<vmem_shared>>) offsets(%dma_start3A_471 : memref<128xi32, #tpu.memory_space<vmem>>) semaphore(%arg14 : memref<!tpu.dma_semaphore, #tpu.memory_space<semaphore_mem>>) {add = true}
      %dma_wait3A_475 = arith.constant 0 : i32
      %dma_wait3A_476 = arith.constant 0 : i32
      %dma_wait3A_477 = arith.constant 0 : i32
      %dma_wait3A_478 = tpu.memref_slice %arg6[%dma_wait3A_475, %dma_wait3A_476, %dma_wait3A_477] : memref<2x16x128xi32, #tpu.memory_space<vmem>> -> memref<1x1x128xi32, #tpu.memory_space<vmem>>
      %dma_wait3A_479 = tpu.memref_squeeze %dma_wait3A_478 : memref<1x1x128xi32, #tpu.memory_space<vmem>> -> memref<128xi32, #tpu.memory_space<vmem>>
      %dma_wait3A_480 = arith.constant 0 : i32
      %dma_wait3A_481 = arith.constant 0 : i32
      %dma_wait3A_482 = tpu.memref_slice %arg9[%dma_wait3A_480, %dma_wait3A_481] : memref<10240x128xf32, #tpu.memory_space<vmem_shared>> -> memref<10240x128xf32, #tpu.memory_space<vmem_shared>>
      tpu.wait_indirect_dma semaphore(%arg14 : memref<!tpu.dma_semaphore, #tpu.memory_space<semaphore_mem>>) src(%arg7 : memref<128x128xf32, #tpu.memory_space<vmem>>) dst(%dma_wait3A_482 : memref<10240x128xf32, #tpu.memory_space<vmem_shared>>)
      %dma_start3A_483 = arith.constant 10 : i32
      %dma_start3A_484 = arith.constant 0 : i32
      %dma_start3A_485 = tpu.memref_slice %arg5[%rem3A_207, %dma_start3A_483, %dma_start3A_484] : memref<2x16x128xi32, #tpu.memory_space<vmem>> -> memref<1x1x128xi32, #tpu.memory_space<vmem>>
      %dma_start3A_486 = tpu.memref_squeeze %dma_start3A_485 : memref<1x1x128xi32, #tpu.memory_space<vmem>> -> memref<128xi32, #tpu.memory_space<vmem>>
      %dma_start3A_487 = arith.constant 0 : i32
      %dma_start3A_488 = arith.constant 0 : i32
      %dma_start3A_489 = tpu.memref_slice %arg3[%dma_start3A_487, %dma_start3A_488] : memref<10000x128xf32, #tpu.memory_space<hbm>> -> memref<10000x128xf32, #tpu.memory_space<hbm>>
      tpu.enqueue_indirect_dma source(%dma_start3A_489 : memref<10000x128xf32, #tpu.memory_space<hbm>>) target(%arg7 : memref<128x128xf32, #tpu.memory_space<vmem>>) offsets(%dma_start3A_486 : memref<128xi32, #tpu.memory_space<vmem>>) semaphore(%arg12 : memref<!tpu.dma_semaphore, #tpu.memory_space<semaphore_mem>>)
      %dma_wait3A_490 = arith.constant 0 : i32
      %dma_wait3A_491 = arith.constant 0 : i32
      %dma_wait3A_492 = arith.constant 0 : i32
      %dma_wait3A_493 = tpu.memref_slice %arg5[%dma_wait3A_490, %dma_wait3A_491, %dma_wait3A_492] : memref<2x16x128xi32, #tpu.memory_space<vmem>> -> memref<1x1x128xi32, #tpu.memory_space<vmem>>
      %dma_wait3A_494 = tpu.memref_squeeze %dma_wait3A_493 : memref<1x1x128xi32, #tpu.memory_space<vmem>> -> memref<128xi32, #tpu.memory_space<vmem>>
      %dma_wait3A_495 = arith.constant 0 : i32
      %dma_wait3A_496 = arith.constant 0 : i32
      %dma_wait3A_497 = tpu.memref_slice %arg3[%dma_wait3A_495, %dma_wait3A_496] : memref<10000x128xf32, #tpu.memory_space<hbm>> -> memref<10000x128xf32, #tpu.memory_space<hbm>>
      tpu.wait_indirect_dma semaphore(%arg13 : memref<!tpu.dma_semaphore, #tpu.memory_space<semaphore_mem>>) src(%dma_wait3A_497 : memref<10000x128xf32, #tpu.memory_space<hbm>>) dst(%arg8 : memref<128x128xf32, #tpu.memory_space<vmem>>)
      %dma_start3A_498 = arith.constant 9 : i32
      %dma_start3A_499 = arith.constant 0 : i32
      %dma_start3A_500 = tpu.memref_slice %arg6[%rem3A_207, %dma_start3A_498, %dma_start3A_499] : memref<2x16x128xi32, #tpu.memory_space<vmem>> -> memref<1x1x128xi32, #tpu.memory_space<vmem>>
      %dma_start3A_501 = tpu.memref_squeeze %dma_start3A_500 : memref<1x1x128xi32, #tpu.memory_space<vmem>> -> memref<128xi32, #tpu.memory_space<vmem>>
      %dma_start3A_502 = arith.constant 0 : i32
      %dma_start3A_503 = arith.constant 0 : i32
      %dma_start3A_504 = tpu.memref_slice %arg9[%dma_start3A_502, %dma_start3A_503] : memref<10240x128xf32, #tpu.memory_space<vmem_shared>> -> memref<10240x128xf32, #tpu.memory_space<vmem_shared>>
      tpu.enqueue_indirect_dma source(%arg8 : memref<128x128xf32, #tpu.memory_space<vmem>>) target(%dma_start3A_504 : memref<10240x128xf32, #tpu.memory_space<vmem_shared>>) offsets(%dma_start3A_501 : memref<128xi32, #tpu.memory_space<vmem>>) semaphore(%arg15 : memref<!tpu.dma_semaphore, #tpu.memory_space<semaphore_mem>>) {add = true}
      %dma_wait3A_505 = arith.constant 0 : i32
      %dma_wait3A_506 = arith.constant 0 : i32
      %dma_wait3A_507 = arith.constant 0 : i32
      %dma_wait3A_508 = tpu.memref_slice %arg6[%dma_wait3A_505, %dma_wait3A_506, %dma_wait3A_507] : memref<2x16x128xi32, #tpu.memory_space<vmem>> -> memref<1x1x128xi32, #tpu.memory_space<vmem>>
      %dma_wait3A_509 = tpu.memref_squeeze %dma_wait3A_508 : memref<1x1x128xi32, #tpu.memory_space<vmem>> -> memref<128xi32, #tpu.memory_space<vmem>>
      %dma_wait3A_510 = arith.constant 0 : i32
      %dma_wait3A_511 = arith.constant 0 : i32
      %dma_wait3A_512 = tpu.memref_slice %arg9[%dma_wait3A_510, %dma_wait3A_511] : memref<10240x128xf32, #tpu.memory_space<vmem_shared>> -> memref<10240x128xf32, #tpu.memory_space<vmem_shared>>
      tpu.wait_indirect_dma semaphore(%arg15 : memref<!tpu.dma_semaphore, #tpu.memory_space<semaphore_mem>>) src(%arg8 : memref<128x128xf32, #tpu.memory_space<vmem>>) dst(%dma_wait3A_512 : memref<10240x128xf32, #tpu.memory_space<vmem_shared>>)
      %dma_start3A_513 = arith.constant 11 : i32
      %dma_start3A_514 = arith.constant 0 : i32
      %dma_start3A_515 = tpu.memref_slice %arg5[%rem3A_207, %dma_start3A_513, %dma_start3A_514] : memref<2x16x128xi32, #tpu.memory_space<vmem>> -> memref<1x1x128xi32, #tpu.memory_space<vmem>>
      %dma_start3A_516 = tpu.memref_squeeze %dma_start3A_515 : memref<1x1x128xi32, #tpu.memory_space<vmem>> -> memref<128xi32, #tpu.memory_space<vmem>>
      %dma_start3A_517 = arith.constant 0 : i32
      %dma_start3A_518 = arith.constant 0 : i32
      %dma_start3A_519 = tpu.memref_slice %arg3[%dma_start3A_517, %dma_start3A_518] : memref<10000x128xf32, #tpu.memory_space<hbm>> -> memref<10000x128xf32, #tpu.memory_space<hbm>>
      tpu.enqueue_indirect_dma source(%dma_start3A_519 : memref<10000x128xf32, #tpu.memory_space<hbm>>) target(%arg8 : memref<128x128xf32, #tpu.memory_space<vmem>>) offsets(%dma_start3A_516 : memref<128xi32, #tpu.memory_space<vmem>>) semaphore(%arg13 : memref<!tpu.dma_semaphore, #tpu.memory_space<semaphore_mem>>)
      %dma_wait3A_520 = arith.constant 0 : i32
      %dma_wait3A_521 = arith.constant 0 : i32
      %dma_wait3A_522 = arith.constant 0 : i32
      %dma_wait3A_523 = tpu.memref_slice %arg5[%dma_wait3A_520, %dma_wait3A_521, %dma_wait3A_522] : memref<2x16x128xi32, #tpu.memory_space<vmem>> -> memref<1x1x128xi32, #tpu.memory_space<vmem>>
      %dma_wait3A_524 = tpu.memref_squeeze %dma_wait3A_523 : memref<1x1x128xi32, #tpu.memory_space<vmem>> -> memref<128xi32, #tpu.memory_space<vmem>>
      %dma_wait3A_525 = arith.constant 0 : i32
      %dma_wait3A_526 = arith.constant 0 : i32
      %dma_wait3A_527 = tpu.memref_slice %arg3[%dma_wait3A_525, %dma_wait3A_526] : memref<10000x128xf32, #tpu.memory_space<hbm>> -> memref<10000x128xf32, #tpu.memory_space<hbm>>
      tpu.wait_indirect_dma semaphore(%arg12 : memref<!tpu.dma_semaphore, #tpu.memory_space<semaphore_mem>>) src(%dma_wait3A_527 : memref<10000x128xf32, #tpu.memory_space<hbm>>) dst(%arg7 : memref<128x128xf32, #tpu.memory_space<vmem>>)
      %dma_start3A_528 = arith.constant 10 : i32
      %dma_start3A_529 = arith.constant 0 : i32
      %dma_start3A_530 = tpu.memref_slice %arg6[%rem3A_207, %dma_start3A_528, %dma_start3A_529] : memref<2x16x128xi32, #tpu.memory_space<vmem>> -> memref<1x1x128xi32, #tpu.memory_space<vmem>>
      %dma_start3A_531 = tpu.memref_squeeze %dma_start3A_530 : memref<1x1x128xi32, #tpu.memory_space<vmem>> -> memref<128xi32, #tpu.memory_space<vmem>>
      %dma_start3A_532 = arith.constant 0 : i32
      %dma_start3A_533 = arith.constant 0 : i32
      %dma_start3A_534 = tpu.memref_slice %arg9[%dma_start3A_532, %dma_start3A_533] : memref<10240x128xf32, #tpu.memory_space<vmem_shared>> -> memref<10240x128xf32, #tpu.memory_space<vmem_shared>>
      tpu.enqueue_indirect_dma source(%arg7 : memref<128x128xf32, #tpu.memory_space<vmem>>) target(%dma_start3A_534 : memref<10240x128xf32, #tpu.memory_space<vmem_shared>>) offsets(%dma_start3A_531 : memref<128xi32, #tpu.memory_space<vmem>>) semaphore(%arg14 : memref<!tpu.dma_semaphore, #tpu.memory_space<semaphore_mem>>) {add = true}
      %dma_wait3A_535 = arith.constant 0 : i32
      %dma_wait3A_536 = arith.constant 0 : i32
      %dma_wait3A_537 = arith.constant 0 : i32
      %dma_wait3A_538 = tpu.memref_slice %arg6[%dma_wait3A_535, %dma_wait3A_536, %dma_wait3A_537] : memref<2x16x128xi32, #tpu.memory_space<vmem>> -> memref<1x1x128xi32, #tpu.memory_space<vmem>>
      %dma_wait3A_539 = tpu.memref_squeeze %dma_wait3A_538 : memref<1x1x128xi32, #tpu.memory_space<vmem>> -> memref<128xi32, #tpu.memory_space<vmem>>
      %dma_wait3A_540 = arith.constant 0 : i32
      %dma_wait3A_541 = arith.constant 0 : i32
      %dma_wait3A_542 = tpu.memref_slice %arg9[%dma_wait3A_540, %dma_wait3A_541] : memref<10240x128xf32, #tpu.memory_space<vmem_shared>> -> memref<10240x128xf32, #tpu.memory_space<vmem_shared>>
      tpu.wait_indirect_dma semaphore(%arg14 : memref<!tpu.dma_semaphore, #tpu.memory_space<semaphore_mem>>) src(%arg7 : memref<128x128xf32, #tpu.memory_space<vmem>>) dst(%dma_wait3A_542 : memref<10240x128xf32, #tpu.memory_space<vmem_shared>>)
      %dma_start3A_543 = arith.constant 12 : i32
      %dma_start3A_544 = arith.constant 0 : i32
      %dma_start3A_545 = tpu.memref_slice %arg5[%rem3A_207, %dma_start3A_543, %dma_start3A_544] : memref<2x16x128xi32, #tpu.memory_space<vmem>> -> memref<1x1x128xi32, #tpu.memory_space<vmem>>
      %dma_start3A_546 = tpu.memref_squeeze %dma_start3A_545 : memref<1x1x128xi32, #tpu.memory_space<vmem>> -> memref<128xi32, #tpu.memory_space<vmem>>
      %dma_start3A_547 = arith.constant 0 : i32
      %dma_start3A_548 = arith.constant 0 : i32
      %dma_start3A_549 = tpu.memref_slice %arg3[%dma_start3A_547, %dma_start3A_548] : memref<10000x128xf32, #tpu.memory_space<hbm>> -> memref<10000x128xf32, #tpu.memory_space<hbm>>
      tpu.enqueue_indirect_dma source(%dma_start3A_549 : memref<10000x128xf32, #tpu.memory_space<hbm>>) target(%arg7 : memref<128x128xf32, #tpu.memory_space<vmem>>) offsets(%dma_start3A_546 : memref<128xi32, #tpu.memory_space<vmem>>) semaphore(%arg12 : memref<!tpu.dma_semaphore, #tpu.memory_space<semaphore_mem>>)
      %dma_wait3A_550 = arith.constant 0 : i32
      %dma_wait3A_551 = arith.constant 0 : i32
      %dma_wait3A_552 = arith.constant 0 : i32
      %dma_wait3A_553 = tpu.memref_slice %arg5[%dma_wait3A_550, %dma_wait3A_551, %dma_wait3A_552] : memref<2x16x128xi32, #tpu.memory_space<vmem>> -> memref<1x1x128xi32, #tpu.memory_space<vmem>>
      %dma_wait3A_554 = tpu.memref_squeeze %dma_wait3A_553 : memref<1x1x128xi32, #tpu.memory_space<vmem>> -> memref<128xi32, #tpu.memory_space<vmem>>
      %dma_wait3A_555 = arith.constant 0 : i32
      %dma_wait3A_556 = arith.constant 0 : i32
      %dma_wait3A_557 = tpu.memref_slice %arg3[%dma_wait3A_555, %dma_wait3A_556] : memref<10000x128xf32, #tpu.memory_space<hbm>> -> memref<10000x128xf32, #tpu.memory_space<hbm>>
      tpu.wait_indirect_dma semaphore(%arg13 : memref<!tpu.dma_semaphore, #tpu.memory_space<semaphore_mem>>) src(%dma_wait3A_557 : memref<10000x128xf32, #tpu.memory_space<hbm>>) dst(%arg8 : memref<128x128xf32, #tpu.memory_space<vmem>>)
      %dma_start3A_558 = arith.constant 11 : i32
      %dma_start3A_559 = arith.constant 0 : i32
      %dma_start3A_560 = tpu.memref_slice %arg6[%rem3A_207, %dma_start3A_558, %dma_start3A_559] : memref<2x16x128xi32, #tpu.memory_space<vmem>> -> memref<1x1x128xi32, #tpu.memory_space<vmem>>
      %dma_start3A_561 = tpu.memref_squeeze %dma_start3A_560 : memref<1x1x128xi32, #tpu.memory_space<vmem>> -> memref<128xi32, #tpu.memory_space<vmem>>
      %dma_start3A_562 = arith.constant 0 : i32
      %dma_start3A_563 = arith.constant 0 : i32
      %dma_start3A_564 = tpu.memref_slice %arg9[%dma_start3A_562, %dma_start3A_563] : memref<10240x128xf32, #tpu.memory_space<vmem_shared>> -> memref<10240x128xf32, #tpu.memory_space<vmem_shared>>
      tpu.enqueue_indirect_dma source(%arg8 : memref<128x128xf32, #tpu.memory_space<vmem>>) target(%dma_start3A_564 : memref<10240x128xf32, #tpu.memory_space<vmem_shared>>) offsets(%dma_start3A_561 : memref<128xi32, #tpu.memory_space<vmem>>) semaphore(%arg15 : memref<!tpu.dma_semaphore, #tpu.memory_space<semaphore_mem>>) {add = true}
      %dma_wait3A_565 = arith.constant 0 : i32
      %dma_wait3A_566 = arith.constant 0 : i32
      %dma_wait3A_567 = arith.constant 0 : i32
      %dma_wait3A_568 = tpu.memref_slice %arg6[%dma_wait3A_565, %dma_wait3A_566, %dma_wait3A_567] : memref<2x16x128xi32, #tpu.memory_space<vmem>> -> memref<1x1x128xi32, #tpu.memory_space<vmem>>
      %dma_wait3A_569 = tpu.memref_squeeze %dma_wait3A_568 : memref<1x1x128xi32, #tpu.memory_space<vmem>> -> memref<128xi32, #tpu.memory_space<vmem>>
      %dma_wait3A_570 = arith.constant 0 : i32
      %dma_wait3A_571 = arith.constant 0 : i32
      %dma_wait3A_572 = tpu.memref_slice %arg9[%dma_wait3A_570, %dma_wait3A_571] : memref<10240x128xf32, #tpu.memory_space<vmem_shared>> -> memref<10240x128xf32, #tpu.memory_space<vmem_shared>>
      tpu.wait_indirect_dma semaphore(%arg15 : memref<!tpu.dma_semaphore, #tpu.memory_space<semaphore_mem>>) src(%arg8 : memref<128x128xf32, #tpu.memory_space<vmem>>) dst(%dma_wait3A_572 : memref<10240x128xf32, #tpu.memory_space<vmem_shared>>)
      %dma_start3A_573 = arith.constant 13 : i32
      %dma_start3A_574 = arith.constant 0 : i32
      %dma_start3A_575 = tpu.memref_slice %arg5[%rem3A_207, %dma_start3A_573, %dma_start3A_574] : memref<2x16x128xi32, #tpu.memory_space<vmem>> -> memref<1x1x128xi32, #tpu.memory_space<vmem>>
      %dma_start3A_576 = tpu.memref_squeeze %dma_start3A_575 : memref<1x1x128xi32, #tpu.memory_space<vmem>> -> memref<128xi32, #tpu.memory_space<vmem>>
      %dma_start3A_577 = arith.constant 0 : i32
      %dma_start3A_578 = arith.constant 0 : i32
      %dma_start3A_579 = tpu.memref_slice %arg3[%dma_start3A_577, %dma_start3A_578] : memref<10000x128xf32, #tpu.memory_space<hbm>> -> memref<10000x128xf32, #tpu.memory_space<hbm>>
      tpu.enqueue_indirect_dma source(%dma_start3A_579 : memref<10000x128xf32, #tpu.memory_space<hbm>>) target(%arg8 : memref<128x128xf32, #tpu.memory_space<vmem>>) offsets(%dma_start3A_576 : memref<128xi32, #tpu.memory_space<vmem>>) semaphore(%arg13 : memref<!tpu.dma_semaphore, #tpu.memory_space<semaphore_mem>>)
      %dma_wait3A_580 = arith.constant 0 : i32
      %dma_wait3A_581 = arith.constant 0 : i32
      %dma_wait3A_582 = arith.constant 0 : i32
      %dma_wait3A_583 = tpu.memref_slice %arg5[%dma_wait3A_580, %dma_wait3A_581, %dma_wait3A_582] : memref<2x16x128xi32, #tpu.memory_space<vmem>> -> memref<1x1x128xi32, #tpu.memory_space<vmem>>
      %dma_wait3A_584 = tpu.memref_squeeze %dma_wait3A_583 : memref<1x1x128xi32, #tpu.memory_space<vmem>> -> memref<128xi32, #tpu.memory_space<vmem>>
      %dma_wait3A_585 = arith.constant 0 : i32
      %dma_wait3A_586 = arith.constant 0 : i32
      %dma_wait3A_587 = tpu.memref_slice %arg3[%dma_wait3A_585, %dma_wait3A_586] : memref<10000x128xf32, #tpu.memory_space<hbm>> -> memref<10000x128xf32, #tpu.memory_space<hbm>>
      tpu.wait_indirect_dma semaphore(%arg12 : memref<!tpu.dma_semaphore, #tpu.memory_space<semaphore_mem>>) src(%dma_wait3A_587 : memref<10000x128xf32, #tpu.memory_space<hbm>>) dst(%arg7 : memref<128x128xf32, #tpu.memory_space<vmem>>)
      %dma_start3A_588 = arith.constant 12 : i32
      %dma_start3A_589 = arith.constant 0 : i32
      %dma_start3A_590 = tpu.memref_slice %arg6[%rem3A_207, %dma_start3A_588, %dma_start3A_589] : memref<2x16x128xi32, #tpu.memory_space<vmem>> -> memref<1x1x128xi32, #tpu.memory_space<vmem>>
      %dma_start3A_591 = tpu.memref_squeeze %dma_start3A_590 : memref<1x1x128xi32, #tpu.memory_space<vmem>> -> memref<128xi32, #tpu.memory_space<vmem>>
      %dma_start3A_592 = arith.constant 0 : i32
      %dma_start3A_593 = arith.constant 0 : i32
      %dma_start3A_594 = tpu.memref_slice %arg9[%dma_start3A_592, %dma_start3A_593] : memref<10240x128xf32, #tpu.memory_space<vmem_shared>> -> memref<10240x128xf32, #tpu.memory_space<vmem_shared>>
      tpu.enqueue_indirect_dma source(%arg7 : memref<128x128xf32, #tpu.memory_space<vmem>>) target(%dma_start3A_594 : memref<10240x128xf32, #tpu.memory_space<vmem_shared>>) offsets(%dma_start3A_591 : memref<128xi32, #tpu.memory_space<vmem>>) semaphore(%arg14 : memref<!tpu.dma_semaphore, #tpu.memory_space<semaphore_mem>>) {add = true}
      %dma_wait3A_595 = arith.constant 0 : i32
      %dma_wait3A_596 = arith.constant 0 : i32
      %dma_wait3A_597 = arith.constant 0 : i32
      %dma_wait3A_598 = tpu.memref_slice %arg6[%dma_wait3A_595, %dma_wait3A_596, %dma_wait3A_597] : memref<2x16x128xi32, #tpu.memory_space<vmem>> -> memref<1x1x128xi32, #tpu.memory_space<vmem>>
      %dma_wait3A_599 = tpu.memref_squeeze %dma_wait3A_598 : memref<1x1x128xi32, #tpu.memory_space<vmem>> -> memref<128xi32, #tpu.memory_space<vmem>>
      %dma_wait3A_600 = arith.constant 0 : i32
      %dma_wait3A_601 = arith.constant 0 : i32
      %dma_wait3A_602 = tpu.memref_slice %arg9[%dma_wait3A_600, %dma_wait3A_601] : memref<10240x128xf32, #tpu.memory_space<vmem_shared>> -> memref<10240x128xf32, #tpu.memory_space<vmem_shared>>
      tpu.wait_indirect_dma semaphore(%arg14 : memref<!tpu.dma_semaphore, #tpu.memory_space<semaphore_mem>>) src(%arg7 : memref<128x128xf32, #tpu.memory_space<vmem>>) dst(%dma_wait3A_602 : memref<10240x128xf32, #tpu.memory_space<vmem_shared>>)
      %dma_start3A_603 = arith.constant 14 : i32
      %dma_start3A_604 = arith.constant 0 : i32
      %dma_start3A_605 = tpu.memref_slice %arg5[%rem3A_207, %dma_start3A_603, %dma_start3A_604] : memref<2x16x128xi32, #tpu.memory_space<vmem>> -> memref<1x1x128xi32, #tpu.memory_space<vmem>>
      %dma_start3A_606 = tpu.memref_squeeze %dma_start3A_605 : memref<1x1x128xi32, #tpu.memory_space<vmem>> -> memref<128xi32, #tpu.memory_space<vmem>>
      %dma_start3A_607 = arith.constant 0 : i32
      %dma_start3A_608 = arith.constant 0 : i32
      %dma_start3A_609 = tpu.memref_slice %arg3[%dma_start3A_607, %dma_start3A_608] : memref<10000x128xf32, #tpu.memory_space<hbm>> -> memref<10000x128xf32, #tpu.memory_space<hbm>>
      tpu.enqueue_indirect_dma source(%dma_start3A_609 : memref<10000x128xf32, #tpu.memory_space<hbm>>) target(%arg7 : memref<128x128xf32, #tpu.memory_space<vmem>>) offsets(%dma_start3A_606 : memref<128xi32, #tpu.memory_space<vmem>>) semaphore(%arg12 : memref<!tpu.dma_semaphore, #tpu.memory_space<semaphore_mem>>)
      %dma_wait3A_610 = arith.constant 0 : i32
      %dma_wait3A_611 = arith.constant 0 : i32
      %dma_wait3A_612 = arith.constant 0 : i32
      %dma_wait3A_613 = tpu.memref_slice %arg5[%dma_wait3A_610, %dma_wait3A_611, %dma_wait3A_612] : memref<2x16x128xi32, #tpu.memory_space<vmem>> -> memref<1x1x128xi32, #tpu.memory_space<vmem>>
      %dma_wait3A_614 = tpu.memref_squeeze %dma_wait3A_613 : memref<1x1x128xi32, #tpu.memory_space<vmem>> -> memref<128xi32, #tpu.memory_space<vmem>>
      %dma_wait3A_615 = arith.constant 0 : i32
      %dma_wait3A_616 = arith.constant 0 : i32
      %dma_wait3A_617 = tpu.memref_slice %arg3[%dma_wait3A_615, %dma_wait3A_616] : memref<10000x128xf32, #tpu.memory_space<hbm>> -> memref<10000x128xf32, #tpu.memory_space<hbm>>
      tpu.wait_indirect_dma semaphore(%arg13 : memref<!tpu.dma_semaphore, #tpu.memory_space<semaphore_mem>>) src(%dma_wait3A_617 : memref<10000x128xf32, #tpu.memory_space<hbm>>) dst(%arg8 : memref<128x128xf32, #tpu.memory_space<vmem>>)
      %dma_start3A_618 = arith.constant 13 : i32
      %dma_start3A_619 = arith.constant 0 : i32
      %dma_start3A_620 = tpu.memref_slice %arg6[%rem3A_207, %dma_start3A_618, %dma_start3A_619] : memref<2x16x128xi32, #tpu.memory_space<vmem>> -> memref<1x1x128xi32, #tpu.memory_space<vmem>>
      %dma_start3A_621 = tpu.memref_squeeze %dma_start3A_620 : memref<1x1x128xi32, #tpu.memory_space<vmem>> -> memref<128xi32, #tpu.memory_space<vmem>>
      %dma_start3A_622 = arith.constant 0 : i32
      %dma_start3A_623 = arith.constant 0 : i32
      %dma_start3A_624 = tpu.memref_slice %arg9[%dma_start3A_622, %dma_start3A_623] : memref<10240x128xf32, #tpu.memory_space<vmem_shared>> -> memref<10240x128xf32, #tpu.memory_space<vmem_shared>>
      tpu.enqueue_indirect_dma source(%arg8 : memref<128x128xf32, #tpu.memory_space<vmem>>) target(%dma_start3A_624 : memref<10240x128xf32, #tpu.memory_space<vmem_shared>>) offsets(%dma_start3A_621 : memref<128xi32, #tpu.memory_space<vmem>>) semaphore(%arg15 : memref<!tpu.dma_semaphore, #tpu.memory_space<semaphore_mem>>) {add = true}
      %dma_wait3A_625 = arith.constant 0 : i32
      %dma_wait3A_626 = arith.constant 0 : i32
      %dma_wait3A_627 = arith.constant 0 : i32
      %dma_wait3A_628 = tpu.memref_slice %arg6[%dma_wait3A_625, %dma_wait3A_626, %dma_wait3A_627] : memref<2x16x128xi32, #tpu.memory_space<vmem>> -> memref<1x1x128xi32, #tpu.memory_space<vmem>>
      %dma_wait3A_629 = tpu.memref_squeeze %dma_wait3A_628 : memref<1x1x128xi32, #tpu.memory_space<vmem>> -> memref<128xi32, #tpu.memory_space<vmem>>
      %dma_wait3A_630 = arith.constant 0 : i32
      %dma_wait3A_631 = arith.constant 0 : i32
      %dma_wait3A_632 = tpu.memref_slice %arg9[%dma_wait3A_630, %dma_wait3A_631] : memref<10240x128xf32, #tpu.memory_space<vmem_shared>> -> memref<10240x128xf32, #tpu.memory_space<vmem_shared>>
      tpu.wait_indirect_dma semaphore(%arg15 : memref<!tpu.dma_semaphore, #tpu.memory_space<semaphore_mem>>) src(%arg8 : memref<128x128xf32, #tpu.memory_space<vmem>>) dst(%dma_wait3A_632 : memref<10240x128xf32, #tpu.memory_space<vmem_shared>>)
      %dma_start3A_633 = arith.constant 15 : i32
      %dma_start3A_634 = arith.constant 0 : i32
      %dma_start3A_635 = tpu.memref_slice %arg5[%rem3A_207, %dma_start3A_633, %dma_start3A_634] : memref<2x16x128xi32, #tpu.memory_space<vmem>> -> memref<1x1x128xi32, #tpu.memory_space<vmem>>
      %dma_start3A_636 = tpu.memref_squeeze %dma_start3A_635 : memref<1x1x128xi32, #tpu.memory_space<vmem>> -> memref<128xi32, #tpu.memory_space<vmem>>
      %dma_start3A_637 = arith.constant 0 : i32
      %dma_start3A_638 = arith.constant 0 : i32
      %dma_start3A_639 = tpu.memref_slice %arg3[%dma_start3A_637, %dma_start3A_638] : memref<10000x128xf32, #tpu.memory_space<hbm>> -> memref<10000x128xf32, #tpu.memory_space<hbm>>
      tpu.enqueue_indirect_dma source(%dma_start3A_639 : memref<10000x128xf32, #tpu.memory_space<hbm>>) target(%arg8 : memref<128x128xf32, #tpu.memory_space<vmem>>) offsets(%dma_start3A_636 : memref<128xi32, #tpu.memory_space<vmem>>) semaphore(%arg13 : memref<!tpu.dma_semaphore, #tpu.memory_space<semaphore_mem>>)
      %dma_wait3A_640 = arith.constant 0 : i32
      %dma_wait3A_641 = arith.constant 0 : i32
      %dma_wait3A_642 = arith.constant 0 : i32
      %dma_wait3A_643 = tpu.memref_slice %arg5[%dma_wait3A_640, %dma_wait3A_641, %dma_wait3A_642] : memref<2x16x128xi32, #tpu.memory_space<vmem>> -> memref<1x1x128xi32, #tpu.memory_space<vmem>>
      %dma_wait3A_644 = tpu.memref_squeeze %dma_wait3A_643 : memref<1x1x128xi32, #tpu.memory_space<vmem>> -> memref<128xi32, #tpu.memory_space<vmem>>
      %dma_wait3A_645 = arith.constant 0 : i32
      %dma_wait3A_646 = arith.constant 0 : i32
      %dma_wait3A_647 = tpu.memref_slice %arg3[%dma_wait3A_645, %dma_wait3A_646] : memref<10000x128xf32, #tpu.memory_space<hbm>> -> memref<10000x128xf32, #tpu.memory_space<hbm>>
      tpu.wait_indirect_dma semaphore(%arg12 : memref<!tpu.dma_semaphore, #tpu.memory_space<semaphore_mem>>) src(%dma_wait3A_647 : memref<10000x128xf32, #tpu.memory_space<hbm>>) dst(%arg7 : memref<128x128xf32, #tpu.memory_space<vmem>>)
      %dma_start3A_648 = arith.constant 14 : i32
      %dma_start3A_649 = arith.constant 0 : i32
      %dma_start3A_650 = tpu.memref_slice %arg6[%rem3A_207, %dma_start3A_648, %dma_start3A_649] : memref<2x16x128xi32, #tpu.memory_space<vmem>> -> memref<1x1x128xi32, #tpu.memory_space<vmem>>
      %dma_start3A_651 = tpu.memref_squeeze %dma_start3A_650 : memref<1x1x128xi32, #tpu.memory_space<vmem>> -> memref<128xi32, #tpu.memory_space<vmem>>
      %dma_start3A_652 = arith.constant 0 : i32
      %dma_start3A_653 = arith.constant 0 : i32
      %dma_start3A_654 = tpu.memref_slice %arg9[%dma_start3A_652, %dma_start3A_653] : memref<10240x128xf32, #tpu.memory_space<vmem_shared>> -> memref<10240x128xf32, #tpu.memory_space<vmem_shared>>
      tpu.enqueue_indirect_dma source(%arg7 : memref<128x128xf32, #tpu.memory_space<vmem>>) target(%dma_start3A_654 : memref<10240x128xf32, #tpu.memory_space<vmem_shared>>) offsets(%dma_start3A_651 : memref<128xi32, #tpu.memory_space<vmem>>) semaphore(%arg14 : memref<!tpu.dma_semaphore, #tpu.memory_space<semaphore_mem>>) {add = true}
      %dma_wait3A_655 = arith.constant 0 : i32
      %dma_wait3A_656 = arith.constant 0 : i32
      %dma_wait3A_657 = arith.constant 0 : i32
      %dma_wait3A_658 = tpu.memref_slice %arg5[%dma_wait3A_655, %dma_wait3A_656, %dma_wait3A_657] : memref<2x16x128xi32, #tpu.memory_space<vmem>> -> memref<1x1x128xi32, #tpu.memory_space<vmem>>
      %dma_wait3A_659 = tpu.memref_squeeze %dma_wait3A_658 : memref<1x1x128xi32, #tpu.memory_space<vmem>> -> memref<128xi32, #tpu.memory_space<vmem>>
      %dma_wait3A_660 = arith.constant 0 : i32
      %dma_wait3A_661 = arith.constant 0 : i32
      %dma_wait3A_662 = tpu.memref_slice %arg3[%dma_wait3A_660, %dma_wait3A_661] : memref<10000x128xf32, #tpu.memory_space<hbm>> -> memref<10000x128xf32, #tpu.memory_space<hbm>>
      tpu.wait_indirect_dma semaphore(%arg13 : memref<!tpu.dma_semaphore, #tpu.memory_space<semaphore_mem>>) src(%dma_wait3A_662 : memref<10000x128xf32, #tpu.memory_space<hbm>>) dst(%arg8 : memref<128x128xf32, #tpu.memory_space<vmem>>)
      %dma_start3A_663 = arith.constant 15 : i32
      %dma_start3A_664 = arith.constant 0 : i32
      %dma_start3A_665 = tpu.memref_slice %arg6[%rem3A_207, %dma_start3A_663, %dma_start3A_664] : memref<2x16x128xi32, #tpu.memory_space<vmem>> -> memref<1x1x128xi32, #tpu.memory_space<vmem>>
      %dma_start3A_666 = tpu.memref_squeeze %dma_start3A_665 : memref<1x1x128xi32, #tpu.memory_space<vmem>> -> memref<128xi32, #tpu.memory_space<vmem>>
      %dma_start3A_667 = arith.constant 0 : i32
      %dma_start3A_668 = arith.constant 0 : i32
      %dma_start3A_669 = tpu.memref_slice %arg9[%dma_start3A_667, %dma_start3A_668] : memref<10240x128xf32, #tpu.memory_space<vmem_shared>> -> memref<10240x128xf32, #tpu.memory_space<vmem_shared>>
      tpu.enqueue_indirect_dma source(%arg8 : memref<128x128xf32, #tpu.memory_space<vmem>>) target(%dma_start3A_669 : memref<10240x128xf32, #tpu.memory_space<vmem_shared>>) offsets(%dma_start3A_666 : memref<128xi32, #tpu.memory_space<vmem>>) semaphore(%arg15 : memref<!tpu.dma_semaphore, #tpu.memory_space<semaphore_mem>>) {add = true}
    }
    %scan3A_184 = arith.constant 5 : i32
    %dma_wait3A_185 = arith.constant 0 : i32
    %dma_wait3A_186 = arith.constant 0 : i32
    %dma_wait3A_187 = arith.constant 0 : i32
    %dma_wait3A_188 = tpu.memref_slice %arg6[%dma_wait3A_185, %dma_wait3A_186, %dma_wait3A_187] : memref<2x16x128xi32, #tpu.memory_space<vmem>> -> memref<1x1x128xi32, #tpu.memory_space<vmem>>
    %dma_wait3A_189 = tpu.memref_squeeze %dma_wait3A_188 : memref<1x1x128xi32, #tpu.memory_space<vmem>> -> memref<128xi32, #tpu.memory_space<vmem>>
    %dma_wait3A_190 = arith.constant 0 : i32
    %dma_wait3A_191 = arith.constant 0 : i32
    %dma_wait3A_192 = tpu.memref_slice %arg9[%dma_wait3A_190, %dma_wait3A_191] : memref<10240x128xf32, #tpu.memory_space<vmem_shared>> -> memref<10240x128xf32, #tpu.memory_space<vmem_shared>>
    tpu.wait_indirect_dma semaphore(%arg14 : memref<!tpu.dma_semaphore, #tpu.memory_space<semaphore_mem>>) src(%arg7 : memref<128x128xf32, #tpu.memory_space<vmem>>) dst(%dma_wait3A_192 : memref<10240x128xf32, #tpu.memory_space<vmem_shared>>)
    %dma_wait3A_193 = arith.constant 0 : i32
    %dma_wait3A_194 = arith.constant 0 : i32
    %dma_wait3A_195 = arith.constant 0 : i32
    %dma_wait3A_196 = tpu.memref_slice %arg6[%dma_wait3A_193, %dma_wait3A_194, %dma_wait3A_195] : memref<2x16x128xi32, #tpu.memory_space<vmem>> -> memref<1x1x128xi32, #tpu.memory_space<vmem>>
    %dma_wait3A_197 = tpu.memref_squeeze %dma_wait3A_196 : memref<1x1x128xi32, #tpu.memory_space<vmem>> -> memref<128xi32, #tpu.memory_space<vmem>>
    %dma_wait3A_198 = arith.constant 0 : i32
    %dma_wait3A_199 = arith.constant 0 : i32
    %dma_wait3A_200 = tpu.memref_slice %arg9[%dma_wait3A_198, %dma_wait3A_199] : memref<10240x128xf32, #tpu.memory_space<vmem_shared>> -> memref<10240x128xf32, #tpu.memory_space<vmem_shared>>
    tpu.wait_indirect_dma semaphore(%arg15 : memref<!tpu.dma_semaphore, #tpu.memory_space<semaphore_mem>>) src(%arg8 : memref<128x128xf32, #tpu.memory_space<vmem>>) dst(%dma_wait3A_200 : memref<10240x128xf32, #tpu.memory_space<vmem_shared>>)
    %barrier3A_201 = arith.constant 0 : index
    tpu.barrier barrier_id(%barrier3A_201)
    "tpu.region"() ({
      %run_scoped3A = tpu.sem_alloc : memref<!tpu.dma_semaphore, #tpu.memory_space<semaphore_mem>>
      %dma_start3A_202 = arith.constant 0 : i32
      %dma_start3A_203 = tpu.memref_slice %arg4[%arg0, %mul3A_42, %dma_start3A_202] : memref<2x10240x128xf32, #tpu.memory_space<hbm>> -> memref<1x640x128xf32, #tpu.memory_space<hbm>>
      %dma_start3A_204 = tpu.memref_squeeze %dma_start3A_203 : memref<1x640x128xf32, #tpu.memory_space<hbm>> -> memref<640x128xf32, #tpu.memory_space<hbm>>
      %dma_start3A_205 = arith.constant 0 : i32
      %dma_start3A_206 = tpu.memref_slice %arg9[%mul3A_42, %dma_start3A_205] : memref<10240x128xf32, #tpu.memory_space<vmem_shared>> -> memref<640x128xf32, #tpu.memory_space<vmem_shared>>
      tpu.enqueue_dma source(%dma_start3A_206 : memref<640x128xf32, #tpu.memory_space<vmem_shared>>) target(%dma_start3A_204 : memref<640x128xf32, #tpu.memory_space<hbm>>) target_semaphore(%run_scoped3A : memref<!tpu.dma_semaphore, #tpu.memory_space<semaphore_mem>>)
      %dma_wait3A_207 = arith.constant 0 : i32
      %dma_wait3A_208 = tpu.memref_slice %arg4[%arg0, %mul3A_42, %dma_wait3A_207] : memref<2x10240x128xf32, #tpu.memory_space<hbm>> -> memref<1x640x128xf32, #tpu.memory_space<hbm>>
      %dma_wait3A_209 = tpu.memref_squeeze %dma_wait3A_208 : memref<1x640x128xf32, #tpu.memory_space<hbm>> -> memref<640x128xf32, #tpu.memory_space<hbm>>
      %dma_wait3A_210 = arith.constant 0 : i32
      %dma_wait3A_211 = tpu.memref_slice %arg9[%mul3A_42, %dma_wait3A_210] : memref<10240x128xf32, #tpu.memory_space<vmem_shared>> -> memref<640x128xf32, #tpu.memory_space<vmem_shared>>
      tpu.wait_dma2 semaphore(%run_scoped3A : memref<!tpu.dma_semaphore, #tpu.memory_space<semaphore_mem>>) src(%dma_wait3A_211 : memref<640x128xf32, #tpu.memory_space<vmem_shared>>) dst(%dma_wait3A_209 : memref<640x128xf32, #tpu.memory_space<hbm>>)
      tpu.yield
    }) : () -> ()
    return
  }
}

#map = affine_map<(d0, d1) -> (0, 0, 0, 0)>
#map1 = affine_map<(d0, d1) -> (0, 0)>
#map2 = affine_map<(d0, d1) -> (0, 0, 0)>
module attributes {stable_mosaic.version = 14 : i64} {
  func.func @_scatter_sc(%arg0: i32, %arg1: i32, %arg2: memref<2x32x80x128xi32, #tpu.memory_space<hbm>>, %arg3: memref<10000x128xf32, #tpu.memory_space<hbm>>, %arg4: memref<2x10240x128xf32, #tpu.memory_space<hbm>>, %arg5: memref<2x16x128xi32, #tpu.memory_space<vmem>>, %arg6: memref<2x16x128xi32, #tpu.memory_space<vmem>>, %arg7: memref<128x128xf32, #tpu.memory_space<vmem>>, %arg8: memref<128x128xf32, #tpu.memory_space<vmem>>, %arg9: memref<10240x128xf32, #tpu.memory_space<vmem_shared>>, %arg10: memref<!tpu.dma_semaphore, #tpu.memory_space<semaphore_mem>>, %arg11: memref<!tpu.dma_semaphore, #tpu.memory_space<semaphore_mem>>, %arg12: memref<!tpu.dma_semaphore, #tpu.memory_space<semaphore_mem>>, %arg13: memref<!tpu.dma_semaphore, #tpu.memory_space<semaphore_mem>>, %arg14: memref<!tpu.dma_semaphore, #tpu.memory_space<semaphore_mem>>, %arg15: memref<!tpu.dma_semaphore, #tpu.memory_space<semaphore_mem>>) attributes {dimension_semantics = [#tpu.dimension_semantics<core_parallel>, #tpu.dimension_semantics<subcore_parallel>], iteration_bounds = array<i64: 2, 16>, scalar_prefetch = 0 : i64, scratch_operands = 11 : i64, tpu.core_type = #tpu.core_type<sc_vector_subcore>, window_params = [{transform_indices = #map}, {transform_indices = #map1}, {transform_indices = #map2}]} {
    %mul3A = arith.constant 16 : i32
    %mul3A_0 = arith.muli %arg0, %mul3A : i32
    %add3A = arith.addi %mul3A_0, %arg1 : i32
    %dma_start3A = arith.constant 0 : i32
    %dma_start3A_1 = arith.constant 0 : i32
    %dma_start3A_2 = arith.constant 0 : i32
    %dma_start3A_3 = arith.constant 0 : i32
    %dma_start3A_4 = tpu.memref_slice %arg5[%dma_start3A_1, %dma_start3A_2, %dma_start3A_3] : memref<2x16x128xi32, #tpu.memory_space<vmem>> -> memref<1x16x128xi32, #tpu.memory_space<vmem>>
    %dma_start3A_5 = tpu.memref_squeeze %dma_start3A_4 : memref<1x16x128xi32, #tpu.memory_space<vmem>> -> memref<16x128xi32, #tpu.memory_space<vmem>>
    %dma_start3A_6 = arith.constant 0 : i32
    %dma_start3A_7 = arith.constant 0 : i32
    %dma_start3A_8 = tpu.memref_slice %arg2[%dma_start3A, %add3A, %dma_start3A_6, %dma_start3A_7] : memref<2x32x80x128xi32, #tpu.memory_space<hbm>> -> memref<1x1x16x128xi32, #tpu.memory_space<hbm>>
    %dma_start3A_9 = tpu.memref_squeeze %dma_start3A_8 : memref<1x1x16x128xi32, #tpu.memory_space<hbm>> -> memref<16x128xi32, #tpu.memory_space<hbm>>
    %dma_start3A_10 = arith.constant 0 : i32
    %dma_start3A_11 = arith.constant 0 : i32
    %dma_start3A_12 = tpu.memref_slice %arg5[%dma_start3A_1, %dma_start3A_10, %dma_start3A_11] : memref<2x16x128xi32, #tpu.memory_space<vmem>> -> memref<1x16x128xi32, #tpu.memory_space<vmem>>
    %dma_start3A_13 = tpu.memref_squeeze %dma_start3A_12 : memref<1x16x128xi32, #tpu.memory_space<vmem>> -> memref<16x128xi32, #tpu.memory_space<vmem>>
    %dma_start3A_14 = arith.constant 0 : i32
    %dma_start3A_15 = arith.constant 0 : i32
    %dma_start3A_16 = tpu.memref_slice %arg2[%dma_start3A, %add3A, %dma_start3A_14, %dma_start3A_15] : memref<2x32x80x128xi32, #tpu.memory_space<hbm>> -> memref<1x1x16x128xi32, #tpu.memory_space<hbm>>
    %dma_start3A_17 = tpu.memref_squeeze %dma_start3A_16 : memref<1x1x16x128xi32, #tpu.memory_space<hbm>> -> memref<16x128xi32, #tpu.memory_space<hbm>>
    tpu.enqueue_dma source(%dma_start3A_17 : memref<16x128xi32, #tpu.memory_space<hbm>>) target(%dma_start3A_13 : memref<16x128xi32, #tpu.memory_space<vmem>>) target_semaphore(%arg10 : memref<!tpu.dma_semaphore, #tpu.memory_space<semaphore_mem>>)
    %dma_start3A_18 = arith.constant 1 : i32
    %dma_start3A_19 = arith.constant 0 : i32
    %dma_start3A_20 = arith.constant 0 : i32
    %dma_start3A_21 = arith.constant 0 : i32
    %dma_start3A_22 = tpu.memref_slice %arg6[%dma_start3A_19, %dma_start3A_20, %dma_start3A_21] : memref<2x16x128xi32, #tpu.memory_space<vmem>> -> memref<1x16x128xi32, #tpu.memory_space<vmem>>
    %dma_start3A_23 = tpu.memref_squeeze %dma_start3A_22 : memref<1x16x128xi32, #tpu.memory_space<vmem>> -> memref<16x128xi32, #tpu.memory_space<vmem>>
    %dma_start3A_24 = arith.constant 0 : i32
    %dma_start3A_25 = arith.constant 0 : i32
    %dma_start3A_26 = tpu.memref_slice %arg2[%dma_start3A_18, %add3A, %dma_start3A_24, %dma_start3A_25] : memref<2x32x80x128xi32, #tpu.memory_space<hbm>> -> memref<1x1x16x128xi32, #tpu.memory_space<hbm>>
    %dma_start3A_27 = tpu.memref_squeeze %dma_start3A_26 : memref<1x1x16x128xi32, #tpu.memory_space<hbm>> -> memref<16x128xi32, #tpu.memory_space<hbm>>
    %dma_start3A_28 = arith.constant 0 : i32
    %dma_start3A_29 = arith.constant 0 : i32
    %dma_start3A_30 = tpu.memref_slice %arg6[%dma_start3A_19, %dma_start3A_28, %dma_start3A_29] : memref<2x16x128xi32, #tpu.memory_space<vmem>> -> memref<1x16x128xi32, #tpu.memory_space<vmem>>
    %dma_start3A_31 = tpu.memref_squeeze %dma_start3A_30 : memref<1x16x128xi32, #tpu.memory_space<vmem>> -> memref<16x128xi32, #tpu.memory_space<vmem>>
    %dma_start3A_32 = arith.constant 0 : i32
    %dma_start3A_33 = arith.constant 0 : i32
    %dma_start3A_34 = tpu.memref_slice %arg2[%dma_start3A_18, %add3A, %dma_start3A_32, %dma_start3A_33] : memref<2x32x80x128xi32, #tpu.memory_space<hbm>> -> memref<1x1x16x128xi32, #tpu.memory_space<hbm>>
    %dma_start3A_35 = tpu.memref_squeeze %dma_start3A_34 : memref<1x1x16x128xi32, #tpu.memory_space<hbm>> -> memref<16x128xi32, #tpu.memory_space<hbm>>
    tpu.enqueue_dma source(%dma_start3A_35 : memref<16x128xi32, #tpu.memory_space<hbm>>) target(%dma_start3A_31 : memref<16x128xi32, #tpu.memory_space<vmem>>) target_semaphore(%arg10 : memref<!tpu.dma_semaphore, #tpu.memory_space<semaphore_mem>>)
    %broadcast_in_dim3A = arith.constant 0.000000e+00 : f32
    %broadcast_in_dim3A_36 = vector.broadcast %broadcast_in_dim3A : f32 to vector<16xf32>
    %scan3A = arith.constant 0 : i32
    %scan3A_37 = arith.constant 128 : i32
    %scan3A_38 = arith.addi %scan3A, %scan3A_37 : i32
    %scan3A_39 = arith.constant 1 : i32
    scf.for %scan3A_202 = %scan3A to %scan3A_38 step %scan3A_39  : i32 {
      %mul3A_203 = arith.constant 1 : i32
      %mul3A_204 = arith.muli %scan3A_202, %mul3A_203 : i32
      %add3A_205 = arith.constant 0 : i32
      %add3A_206 = arith.addi %add3A_205, %mul3A_204 : i32
      %swap3A = arith.index_cast %add3A_206 : i32 to index
      %swap3A_207 = arith.constant 0 : index
      %swap3A_208 = tpu.vector_load %arg8[%swap3A, %swap3A_207] {strides = array<i32>} : memref<128x128xf32, #tpu.memory_space<vmem>>, vector<16xf32>,
      tpu.vector_store %arg8[%swap3A, %swap3A_207], %broadcast_in_dim3A_36 {strides = array<i32>} : memref<128x128xf32, #tpu.memory_space<vmem>>, vector<16xf32>,
      %swap3A_209 = arith.index_cast %add3A_206 : i32 to index
      %swap3A_210 = arith.constant 16 : index
      %swap3A_211 = tpu.vector_load %arg8[%swap3A_209, %swap3A_210] {strides = array<i32>} : memref<128x128xf32, #tpu.memory_space<vmem>>, vector<16xf32>,
      tpu.vector_store %arg8[%swap3A_209, %swap3A_210], %broadcast_in_dim3A_36 {strides = array<i32>} : memref<128x128xf32, #tpu.memory_space<vmem>>, vector<16xf32>,
      %swap3A_212 = arith.index_cast %add3A_206 : i32 to index
      %swap3A_213 = arith.constant 32 : index
      %swap3A_214 = tpu.vector_load %arg8[%swap3A_212, %swap3A_213] {strides = array<i32>} : memref<128x128xf32, #tpu.memory_space<vmem>>, vector<16xf32>,
      tpu.vector_store %arg8[%swap3A_212, %swap3A_213], %broadcast_in_dim3A_36 {strides = array<i32>} : memref<128x128xf32, #tpu.memory_space<vmem>>, vector<16xf32>,
      %swap3A_215 = arith.index_cast %add3A_206 : i32 to index
      %swap3A_216 = arith.constant 48 : index
      %swap3A_217 = tpu.vector_load %arg8[%swap3A_215, %swap3A_216] {strides = array<i32>} : memref<128x128xf32, #tpu.memory_space<vmem>>, vector<16xf32>,
      tpu.vector_store %arg8[%swap3A_215, %swap3A_216], %broadcast_in_dim3A_36 {strides = array<i32>} : memref<128x128xf32, #tpu.memory_space<vmem>>, vector<16xf32>,
      %swap3A_218 = arith.index_cast %add3A_206 : i32 to index
      %swap3A_219 = arith.constant 64 : index
      %swap3A_220 = tpu.vector_load %arg8[%swap3A_218, %swap3A_219] {strides = array<i32>} : memref<128x128xf32, #tpu.memory_space<vmem>>, vector<16xf32>,
      tpu.vector_store %arg8[%swap3A_218, %swap3A_219], %broadcast_in_dim3A_36 {strides = array<i32>} : memref<128x128xf32, #tpu.memory_space<vmem>>, vector<16xf32>,
      %swap3A_221 = arith.index_cast %add3A_206 : i32 to index
      %swap3A_222 = arith.constant 80 : index
      %swap3A_223 = tpu.vector_load %arg8[%swap3A_221, %swap3A_222] {strides = array<i32>} : memref<128x128xf32, #tpu.memory_space<vmem>>, vector<16xf32>,
      tpu.vector_store %arg8[%swap3A_221, %swap3A_222], %broadcast_in_dim3A_36 {strides = array<i32>} : memref<128x128xf32, #tpu.memory_space<vmem>>, vector<16xf32>,
      %swap3A_224 = arith.index_cast %add3A_206 : i32 to index
      %swap3A_225 = arith.constant 96 : index
      %swap3A_226 = tpu.vector_load %arg8[%swap3A_224, %swap3A_225] {strides = array<i32>} : memref<128x128xf32, #tpu.memory_space<vmem>>, vector<16xf32>,
      tpu.vector_store %arg8[%swap3A_224, %swap3A_225], %broadcast_in_dim3A_36 {strides = array<i32>} : memref<128x128xf32, #tpu.memory_space<vmem>>, vector<16xf32>,
      %swap3A_227 = arith.index_cast %add3A_206 : i32 to index
      %swap3A_228 = arith.constant 112 : index
      %swap3A_229 = tpu.vector_load %arg8[%swap3A_227, %swap3A_228] {strides = array<i32>} : memref<128x128xf32, #tpu.memory_space<vmem>>, vector<16xf32>,
      tpu.vector_store %arg8[%swap3A_227, %swap3A_228], %broadcast_in_dim3A_36 {strides = array<i32>} : memref<128x128xf32, #tpu.memory_space<vmem>>, vector<16xf32>,
    }
    %scan3A_40 = arith.constant 128 : i32
    %mul3A_41 = arith.constant 640 : i32
    %mul3A_42 = arith.muli %arg1, %mul3A_41 : i32
    %add3A_43 = arith.constant 0 : i32
    %add3A_44 = arith.addi %mul3A_42, %add3A_43 : i32
    %dma_start3A_45 = arith.constant 0 : i32
    %dma_start3A_46 = tpu.memref_slice %arg9[%add3A_44, %dma_start3A_45] : memref<10240x128xf32, #tpu.memory_space<vmem_shared>> -> memref<128x128xf32, #tpu.memory_space<vmem_shared>>
    %dma_start3A_47 = arith.constant 0 : i32
    %dma_start3A_48 = tpu.memref_slice %arg9[%add3A_44, %dma_start3A_47] : memref<10240x128xf32, #tpu.memory_space<vmem_shared>> -> memref<128x128xf32, #tpu.memory_space<vmem_shared>>
    tpu.enqueue_dma source(%arg8 : memref<128x128xf32, #tpu.memory_space<vmem>>) target(%dma_start3A_48 : memref<128x128xf32, #tpu.memory_space<vmem_shared>>) target_semaphore(%arg11 : memref<!tpu.dma_semaphore, #tpu.memory_space<semaphore_mem>>)
    %add3A_49 = arith.constant 128 : i32
    %add3A_50 = arith.addi %mul3A_42, %add3A_49 : i32
    %dma_start3A_51 = arith.constant 0 : i32
    %dma_start3A_52 = tpu.memref_slice %arg9[%add3A_50, %dma_start3A_51] : memref<10240x128xf32, #tpu.memory_space<vmem_shared>> -> memref<128x128xf32, #tpu.memory_space<vmem_shared>>
    %dma_start3A_53 = arith.constant 0 : i32
    %dma_start3A_54 = tpu.memref_slice %arg9[%add3A_50, %dma_start3A_53] : memref<10240x128xf32, #tpu.memory_space<vmem_shared>> -> memref<128x128xf32, #tpu.memory_space<vmem_shared>>
    tpu.enqueue_dma source(%arg8 : memref<128x128xf32, #tpu.memory_space<vmem>>) target(%dma_start3A_54 : memref<128x128xf32, #tpu.memory_space<vmem_shared>>) target_semaphore(%arg11 : memref<!tpu.dma_semaphore, #tpu.memory_space<semaphore_mem>>)
    %add3A_55 = arith.constant 256 : i32
    %add3A_56 = arith.addi %mul3A_42, %add3A_55 : i32
    %dma_start3A_57 = arith.constant 0 : i32
    %dma_start3A_58 = tpu.memref_slice %arg9[%add3A_56, %dma_start3A_57] : memref<10240x128xf32, #tpu.memory_space<vmem_shared>> -> memref<128x128xf32, #tpu.memory_space<vmem_shared>>
    %dma_start3A_59 = arith.constant 0 : i32
    %dma_start3A_60 = tpu.memref_slice %arg9[%add3A_56, %dma_start3A_59] : memref<10240x128xf32, #tpu.memory_space<vmem_shared>> -> memref<128x128xf32, #tpu.memory_space<vmem_shared>>
    tpu.enqueue_dma source(%arg8 : memref<128x128xf32, #tpu.memory_space<vmem>>) target(%dma_start3A_60 : memref<128x128xf32, #tpu.memory_space<vmem_shared>>) target_semaphore(%arg11 : memref<!tpu.dma_semaphore, #tpu.memory_space<semaphore_mem>>)
    %add3A_61 = arith.constant 384 : i32
    %add3A_62 = arith.addi %mul3A_42, %add3A_61 : i32
    %dma_start3A_63 = arith.constant 0 : i32
    %dma_start3A_64 = tpu.memref_slice %arg9[%add3A_62, %dma_start3A_63] : memref<10240x128xf32, #tpu.memory_space<vmem_shared>> -> memref<128x128xf32, #tpu.memory_space<vmem_shared>>
    %dma_start3A_65 = arith.constant 0 : i32
    %dma_start3A_66 = tpu.memref_slice %arg9[%add3A_62, %dma_start3A_65] : memref<10240x128xf32, #tpu.memory_space<vmem_shared>> -> memref<128x128xf32, #tpu.memory_space<vmem_shared>>
    tpu.enqueue_dma source(%arg8 : memref<128x128xf32, #tpu.memory_space<vmem>>) target(%dma_start3A_66 : memref<128x128xf32, #tpu.memory_space<vmem_shared>>) target_semaphore(%arg11 : memref<!tpu.dma_semaphore, #tpu.memory_space<semaphore_mem>>)
    %add3A_67 = arith.constant 512 : i32
    %add3A_68 = arith.addi %mul3A_42, %add3A_67 : i32
    %dma_start3A_69 = arith.constant 0 : i32
    %dma_start3A_70 = tpu.memref_slice %arg9[%add3A_68, %dma_start3A_69] : memref<10240x128xf32, #tpu.memory_space<vmem_shared>> -> memref<128x128xf32, #tpu.memory_space<vmem_shared>>
    %dma_start3A_71 = arith.constant 0 : i32
    %dma_start3A_72 = tpu.memref_slice %arg9[%add3A_68, %dma_start3A_71] : memref<10240x128xf32, #tpu.memory_space<vmem_shared>> -> memref<128x128xf32, #tpu.memory_space<vmem_shared>>
    tpu.enqueue_dma source(%arg8 : memref<128x128xf32, #tpu.memory_space<vmem>>) target(%dma_start3A_72 : memref<128x128xf32, #tpu.memory_space<vmem_shared>>) target_semaphore(%arg11 : memref<!tpu.dma_semaphore, #tpu.memory_space<semaphore_mem>>)
    %dma_wait3A = arith.constant 0 : i32
    %dma_wait3A_73 = arith.constant 0 : i32
    %dma_wait3A_74 = arith.constant 0 : i32
    %dma_wait3A_75 = arith.constant 0 : i32
    %dma_wait3A_76 = tpu.memref_slice %arg5[%dma_wait3A_73, %dma_wait3A_74, %dma_wait3A_75] : memref<2x16x128xi32, #tpu.memory_space<vmem>> -> memref<1x16x128xi32, #tpu.memory_space<vmem>>
    %dma_wait3A_77 = tpu.memref_squeeze %dma_wait3A_76 : memref<1x16x128xi32, #tpu.memory_space<vmem>> -> memref<16x128xi32, #tpu.memory_space<vmem>>
    %dma_wait3A_78 = arith.constant 0 : i32
    %dma_wait3A_79 = arith.constant 0 : i32
    %dma_wait3A_80 = tpu.memref_slice %arg2[%dma_wait3A, %add3A, %dma_wait3A_78, %dma_wait3A_79] : memref<2x32x80x128xi32, #tpu.memory_space<hbm>> -> memref<1x1x16x128xi32, #tpu.memory_space<hbm>>
    %dma_wait3A_81 = tpu.memref_squeeze %dma_wait3A_80 : memref<1x1x16x128xi32, #tpu.memory_space<hbm>> -> memref<16x128xi32, #tpu.memory_space<hbm>>
    %dma_wait3A_82 = arith.constant 0 : i32
    %dma_wait3A_83 = arith.constant 0 : i32
    %dma_wait3A_84 = tpu.memref_slice %arg5[%dma_wait3A_73, %dma_wait3A_82, %dma_wait3A_83] : memref<2x16x128xi32, #tpu.memory_space<vmem>> -> memref<1x16x128xi32, #tpu.memory_space<vmem>>
    %dma_wait3A_85 = tpu.memref_squeeze %dma_wait3A_84 : memref<1x16x128xi32, #tpu.memory_space<vmem>> -> memref<16x128xi32, #tpu.memory_space<vmem>>
    %dma_wait3A_86 = arith.constant 0 : i32
    %dma_wait3A_87 = arith.constant 0 : i32
    %dma_wait3A_88 = tpu.memref_slice %arg2[%dma_wait3A, %add3A, %dma_wait3A_86, %dma_wait3A_87] : memref<2x32x80x128xi32, #tpu.memory_space<hbm>> -> memref<1x1x16x128xi32, #tpu.memory_space<hbm>>
    %dma_wait3A_89 = tpu.memref_squeeze %dma_wait3A_88 : memref<1x1x16x128xi32, #tpu.memory_space<hbm>> -> memref<16x128xi32, #tpu.memory_space<hbm>>
    tpu.wait_dma2 semaphore(%arg10 : memref<!tpu.dma_semaphore, #tpu.memory_space<semaphore_mem>>) src(%dma_wait3A_89 : memref<16x128xi32, #tpu.memory_space<hbm>>) dst(%dma_wait3A_85 : memref<16x128xi32, #tpu.memory_space<vmem>>)
    %dma_wait3A_90 = arith.constant 1 : i32
    %dma_wait3A_91 = arith.constant 0 : i32
    %dma_wait3A_92 = arith.constant 0 : i32
    %dma_wait3A_93 = arith.constant 0 : i32
    %dma_wait3A_94 = tpu.memref_slice %arg6[%dma_wait3A_91, %dma_wait3A_92, %dma_wait3A_93] : memref<2x16x128xi32, #tpu.memory_space<vmem>> -> memref<1x16x128xi32, #tpu.memory_space<vmem>>
    %dma_wait3A_95 = tpu.memref_squeeze %dma_wait3A_94 : memref<1x16x128xi32, #tpu.memory_space<vmem>> -> memref<16x128xi32, #tpu.memory_space<vmem>>
    %dma_wait3A_96 = arith.constant 0 : i32
    %dma_wait3A_97 = arith.constant 0 : i32
    %dma_wait3A_98 = tpu.memref_slice %arg2[%dma_wait3A_90, %add3A, %dma_wait3A_96, %dma_wait3A_97] : memref<2x32x80x128xi32, #tpu.memory_space<hbm>> -> memref<1x1x16x128xi32, #tpu.memory_space<hbm>>
    %dma_wait3A_99 = tpu.memref_squeeze %dma_wait3A_98 : memref<1x1x16x128xi32, #tpu.memory_space<hbm>> -> memref<16x128xi32, #tpu.memory_space<hbm>>
    %dma_wait3A_100 = arith.constant 0 : i32
    %dma_wait3A_101 = arith.constant 0 : i32
    %dma_wait3A_102 = tpu.memref_slice %arg6[%dma_wait3A_91, %dma_wait3A_100, %dma_wait3A_101] : memref<2x16x128xi32, #tpu.memory_space<vmem>> -> memref<1x16x128xi32, #tpu.memory_space<vmem>>
    %dma_wait3A_103 = tpu.memref_squeeze %dma_wait3A_102 : memref<1x16x128xi32, #tpu.memory_space<vmem>> -> memref<16x128xi32, #tpu.memory_space<vmem>>
    %dma_wait3A_104 = arith.constant 0 : i32
    %dma_wait3A_105 = arith.constant 0 : i32
    %dma_wait3A_106 = tpu.memref_slice %arg2[%dma_wait3A_90, %add3A, %dma_wait3A_104, %dma_wait3A_105] : memref<2x32x80x128xi32, #tpu.memory_space<hbm>> -> memref<1x1x16x128xi32, #tpu.memory_space<hbm>>
    %dma_wait3A_107 = tpu.memref_squeeze %dma_wait3A_106 : memref<1x1x16x128xi32, #tpu.memory_space<hbm>> -> memref<16x128xi32, #tpu.memory_space<hbm>>
    tpu.wait_dma2 semaphore(%arg10 : memref<!tpu.dma_semaphore, #tpu.memory_space<semaphore_mem>>) src(%dma_wait3A_107 : memref<16x128xi32, #tpu.memory_space<hbm>>) dst(%dma_wait3A_103 : memref<16x128xi32, #tpu.memory_space<vmem>>)
    %dma_start3A_108 = arith.constant 0 : i32
    %dma_start3A_109 = arith.constant 1 : i32
    %dma_start3A_110 = arith.constant 0 : i32
    %dma_start3A_111 = arith.constant 0 : i32
    %dma_start3A_112 = tpu.memref_slice %arg5[%dma_start3A_109, %dma_start3A_110, %dma_start3A_111] : memref<2x16x128xi32, #tpu.memory_space<vmem>> -> memref<1x16x128xi32, #tpu.memory_space<vmem>>
    %dma_start3A_113 = tpu.memref_squeeze %dma_start3A_112 : memref<1x16x128xi32, #tpu.memory_space<vmem>> -> memref<16x128xi32, #tpu.memory_space<vmem>>
    %dma_start3A_114 = arith.constant 16 : i32
    %dma_start3A_115 = arith.constant 0 : i32
    %dma_start3A_116 = tpu.memref_slice %arg2[%dma_start3A_108, %add3A, %dma_start3A_114, %dma_start3A_115] : memref<2x32x80x128xi32, #tpu.memory_space<hbm>> -> memref<1x1x16x128xi32, #tpu.memory_space<hbm>>
    %dma_start3A_117 = tpu.memref_squeeze %dma_start3A_116 : memref<1x1x16x128xi32, #tpu.memory_space<hbm>> -> memref<16x128xi32, #tpu.memory_space<hbm>>
    %dma_start3A_118 = arith.constant 0 : i32
    %dma_start3A_119 = arith.constant 0 : i32
    %dma_start3A_120 = tpu.memref_slice %arg5[%dma_start3A_109, %dma_start3A_118, %dma_start3A_119] : memref<2x16x128xi32, #tpu.memory_space<vmem>> -> memref<1x16x128xi32, #tpu.memory_space<vmem>>
    %dma_start3A_121 = tpu.memref_squeeze %dma_start3A_120 : memref<1x16x128xi32, #tpu.memory_space<vmem>> -> memref<16x128xi32, #tpu.memory_space<vmem>>
    %dma_start3A_122 = arith.constant 16 : i32
    %dma_start3A_123 = arith.constant 0 : i32
    %dma_start3A_124 = tpu.memref_slice %arg2[%dma_start3A_108, %add3A, %dma_start3A_122, %dma_start3A_123] : memref<2x32x80x128xi32, #tpu.memory_space<hbm>> -> memref<1x1x16x128xi32, #tpu.memory_space<hbm>>
    %dma_start3A_125 = tpu.memref_squeeze %dma_start3A_124 : memref<1x1x16x128xi32, #tpu.memory_space<hbm>> -> memref<16x128xi32, #tpu.memory_space<hbm>>
    tpu.enqueue_dma source(%dma_start3A_125 : memref<16x128xi32, #tpu.memory_space<hbm>>) target(%dma_start3A_121 : memref<16x128xi32, #tpu.memory_space<vmem>>) target_semaphore(%arg10 : memref<!tpu.dma_semaphore, #tpu.memory_space<semaphore_mem>>)
    %dma_start3A_126 = arith.constant 1 : i32
    %dma_start3A_127 = arith.constant 1 : i32
    %dma_start3A_128 = arith.constant 0 : i32
    %dma_start3A_129 = arith.constant 0 : i32
    %dma_start3A_130 = tpu.memref_slice %arg6[%dma_start3A_127, %dma_start3A_128, %dma_start3A_129] : memref<2x16x128xi32, #tpu.memory_space<vmem>> -> memref<1x16x128xi32, #tpu.memory_space<vmem>>
    %dma_start3A_131 = tpu.memref_squeeze %dma_start3A_130 : memref<1x16x128xi32, #tpu.memory_space<vmem>> -> memref<16x128xi32, #tpu.memory_space<vmem>>
    %dma_start3A_132 = arith.constant 16 : i32
    %dma_start3A_133 = arith.constant 0 : i32
    %dma_start3A_134 = tpu.memref_slice %arg2[%dma_start3A_126, %add3A, %dma_start3A_132, %dma_start3A_133] : memref<2x32x80x128xi32, #tpu.memory_space<hbm>> -> memref<1x1x16x128xi32, #tpu.memory_space<hbm>>
    %dma_start3A_135 = tpu.memref_squeeze %dma_start3A_134 : memref<1x1x16x128xi32, #tpu.memory_space<hbm>> -> memref<16x128xi32, #tpu.memory_space<hbm>>
    %dma_start3A_136 = arith.constant 0 : i32
    %dma_start3A_137 = arith.constant 0 : i32
    %dma_start3A_138 = tpu.memref_slice %arg6[%dma_start3A_127, %dma_start3A_136, %dma_start3A_137] : memref<2x16x128xi32, #tpu.memory_space<vmem>> -> memref<1x16x128xi32, #tpu.memory_space<vmem>>
    %dma_start3A_139 = tpu.memref_squeeze %dma_start3A_138 : memref<1x16x128xi32, #tpu.memory_space<vmem>> -> memref<16x128xi32, #tpu.memory_space<vmem>>
    %dma_start3A_140 = arith.constant 16 : i32
    %dma_start3A_141 = arith.constant 0 : i32
    %dma_start3A_142 = tpu.memref_slice %arg2[%dma_start3A_126, %add3A, %dma_start3A_140, %dma_start3A_141] : memref<2x32x80x128xi32, #tpu.memory_space<hbm>> -> memref<1x1x16x128xi32, #tpu.memory_space<hbm>>
    %dma_start3A_143 = tpu.memref_squeeze %dma_start3A_142 : memref<1x1x16x128xi32, #tpu.memory_space<hbm>> -> memref<16x128xi32, #tpu.memory_space<hbm>>
    tpu.enqueue_dma source(%dma_start3A_143 : memref<16x128xi32, #tpu.memory_space<hbm>>) target(%dma_start3A_139 : memref<16x128xi32, #tpu.memory_space<vmem>>) target_semaphore(%arg10 : memref<!tpu.dma_semaphore, #tpu.memory_space<semaphore_mem>>)
    %dma_start3A_144 = arith.constant 0 : i32
    %dma_start3A_145 = arith.constant 0 : i32
    %dma_start3A_146 = arith.constant 0 : i32
    %dma_start3A_147 = tpu.memref_slice %arg5[%dma_start3A_144, %dma_start3A_145, %dma_start3A_146] : memref<2x16x128xi32, #tpu.memory_space<vmem>> -> memref<1x1x128xi32, #tpu.memory_space<vmem>>
    %dma_start3A_148 = tpu.memref_squeeze %dma_start3A_147 : memref<1x1x128xi32, #tpu.memory_space<vmem>> -> memref<128xi32, #tpu.memory_space<vmem>>
    %dma_start3A_149 = arith.constant 0 : i32
    %dma_start3A_150 = arith.constant 0 : i32
    %dma_start3A_151 = tpu.memref_slice %arg3[%dma_start3A_149, %dma_start3A_150] : memref<10000x128xf32, #tpu.memory_space<hbm>> -> memref<10000x128xf32, #tpu.memory_space<hbm>>
    tpu.enqueue_indirect_dma source(%dma_start3A_151 : memref<10000x128xf32, #tpu.memory_space<hbm>>) target(%arg7 : memref<128x128xf32, #tpu.memory_space<vmem>>) offsets(%dma_start3A_148 : memref<128xi32, #tpu.memory_space<vmem>>) semaphore(%arg12 : memref<!tpu.dma_semaphore, #tpu.memory_space<semaphore_mem>>)
    %dma_wait3A_152 = arith.constant 0 : i32
    %dma_wait3A_153 = tpu.memref_slice %arg9[%mul3A_42, %dma_wait3A_152] : memref<10240x128xf32, #tpu.memory_space<vmem_shared>> -> memref<128x128xf32, #tpu.memory_space<vmem_shared>>
    %dma_wait3A_154 = arith.constant 0 : i32
    %dma_wait3A_155 = tpu.memref_slice %arg9[%mul3A_42, %dma_wait3A_154] : memref<10240x128xf32, #tpu.memory_space<vmem_shared>> -> memref<128x128xf32, #tpu.memory_space<vmem_shared>>
    tpu.wait_dma2 semaphore(%arg11 : memref<!tpu.dma_semaphore, #tpu.memory_space<semaphore_mem>>) src(%arg8 : memref<128x128xf32, #tpu.memory_space<vmem>>) dst(%dma_wait3A_155 : memref<128x128xf32, #tpu.memory_space<vmem_shared>>)
    %dma_wait3A_156 = arith.constant 0 : i32
    %dma_wait3A_157 = tpu.memref_slice %arg9[%mul3A_42, %dma_wait3A_156] : memref<10240x128xf32, #tpu.memory_space<vmem_shared>> -> memref<128x128xf32, #tpu.memory_space<vmem_shared>>
    %dma_wait3A_158 = arith.constant 0 : i32
    %dma_wait3A_159 = tpu.memref_slice %arg9[%mul3A_42, %dma_wait3A_158] : memref<10240x128xf32, #tpu.memory_space<vmem_shared>> -> memref<128x128xf32, #tpu.memory_space<vmem_shared>>
    tpu.wait_dma2 semaphore(%arg11 : memref<!tpu.dma_semaphore, #tpu.memory_space<semaphore_mem>>) src(%arg8 : memref<128x128xf32, #tpu.memory_space<vmem>>) dst(%dma_wait3A_159 : memref<128x128xf32, #tpu.memory_space<vmem_shared>>)
    %dma_wait3A_160 = arith.constant 0 : i32
    %dma_wait3A_161 = tpu.memref_slice %arg9[%mul3A_42, %dma_wait3A_160] : memref<10240x128xf32, #tpu.memory_space<vmem_shared>> -> memref<128x128xf32, #tpu.memory_space<vmem_shared>>
    %dma_wait3A_162 = arith.constant 0 : i32
    %dma_wait3A_163 = tpu.memref_slice %arg9[%mul3A_42, %dma_wait3A_162] : memref<10240x128xf32, #tpu.memory_space<vmem_shared>> -> memref<128x128xf32, #tpu.memory_space<vmem_shared>>
    tpu.wait_dma2 semaphore(%arg11 : memref<!tpu.dma_semaphore, #tpu.memory_space<semaphore_mem>>) src(%arg8 : memref<128x128xf32, #tpu.memory_space<vmem>>) dst(%dma_wait3A_163 : memref<128x128xf32, #tpu.memory_space<vmem_shared>>)
    %dma_wait3A_164 = arith.constant 0 : i32
    %dma_wait3A_165 = tpu.memref_slice %arg9[%mul3A_42, %dma_wait3A_164] : memref<10240x128xf32, #tpu.memory_space<vmem_shared>> -> memref<128x128xf32, #tpu.memory_space<vmem_shared>>
    %dma_wait3A_166 = arith.constant 0 : i32
    %dma_wait3A_167 = tpu.memref_slice %arg9[%mul3A_42, %dma_wait3A_166] : memref<10240x128xf32, #tpu.memory_space<vmem_shared>> -> memref<128x128xf32, #tpu.memory_space<vmem_shared>>
    tpu.wait_dma2 semaphore(%arg11 : memref<!tpu.dma_semaphore, #tpu.memory_space<semaphore_mem>>) src(%arg8 : memref<128x128xf32, #tpu.memory_space<vmem>>) dst(%dma_wait3A_167 : memref<128x128xf32, #tpu.memory_space<vmem_shared>>)
    %dma_wait3A_168 = arith.constant 0 : i32
    %dma_wait3A_169 = tpu.memref_slice %arg9[%mul3A_42, %dma_wait3A_168] : memref<10240x128xf32, #tpu.memory_space<vmem_shared>> -> memref<128x128xf32, #tpu.memory_space<vmem_shared>>
    %dma_wait3A_170 = arith.constant 0 : i32
    %dma_wait3A_171 = tpu.memref_slice %arg9[%mul3A_42, %dma_wait3A_170] : memref<10240x128xf32, #tpu.memory_space<vmem_shared>> -> memref<128x128xf32, #tpu.memory_space<vmem_shared>>
    tpu.wait_dma2 semaphore(%arg11 : memref<!tpu.dma_semaphore, #tpu.memory_space<semaphore_mem>>) src(%arg8 : memref<128x128xf32, #tpu.memory_space<vmem>>) dst(%dma_wait3A_171 : memref<128x128xf32, #tpu.memory_space<vmem_shared>>)
    %dma_start3A_172 = arith.constant 0 : i32
    %dma_start3A_173 = arith.constant 1 : i32
    %dma_start3A_174 = arith.constant 0 : i32
    %dma_start3A_175 = tpu.memref_slice %arg5[%dma_start3A_172, %dma_start3A_173, %dma_start3A_174] : memref<2x16x128xi32, #tpu.memory_space<vmem>> -> memref<1x1x128xi32, #tpu.memory_space<vmem>>
    %dma_start3A_176 = tpu.memref_squeeze %dma_start3A_175 : memref<1x1x128xi32, #tpu.memory_space<vmem>> -> memref<128xi32, #tpu.memory_space<vmem>>
    %dma_start3A_177 = arith.constant 0 : i32
    %dma_start3A_178 = arith.constant 0 : i32
    %dma_start3A_179 = tpu.memref_slice %arg3[%dma_start3A_177, %dma_start3A_178] : memref<10000x128xf32, #tpu.memory_space<hbm>> -> memref<10000x128xf32, #tpu.memory_space<hbm>>
    tpu.enqueue_indirect_dma source(%dma_start3A_179 : memref<10000x128xf32, #tpu.memory_space<hbm>>) target(%arg8 : memref<128x128xf32, #tpu.memory_space<vmem>>) offsets(%dma_start3A_176 : memref<128xi32, #tpu.memory_space<vmem>>) semaphore(%arg13 : memref<!tpu.dma_semaphore, #tpu.memory_space<semaphore_mem>>)
    %barrier3A = arith.constant 0 : index
    tpu.barrier barrier_id(%barrier3A)
    %scan3A_180 = arith.constant 0 : i32
    %scan3A_181 = arith.constant 5 : i32
    %scan3A_182 = arith.addi %scan3A_180, %scan3A_181 : i32
    %scan3A_183 = arith.constant 1 : i32
    scf.for %scan3A_202 = %scan3A_180 to %scan3A_182 step %scan3A_183  : i32 {
      %mul3A_203 = arith.constant 1 : i32
      %mul3A_204 = arith.muli %scan3A_202, %mul3A_203 : i32
      %add3A_205 = arith.constant 0 : i32
      %add3A_206 = arith.addi %add3A_205, %mul3A_204 : i32
      %rem3A = arith.constant 2 : i32
      %rem3A_207 = arith.remsi %add3A_206, %rem3A : i32
      %gt3A = arith.constant 0 : i32
      %gt3A_208 = arith.cmpi sgt, %add3A_206, %gt3A : i32
      %convert_element_type3A = arith.extui %gt3A_208 : i1 to i32
      %cond3A = arith.constant 0 : i32
      %cond3A_209 = arith.cmpi ne, %convert_element_type3A, %cond3A : i32
      scf.if %cond3A_209 {
        %dma_wait3A_670 = arith.constant 0 : i32
        %dma_wait3A_671 = arith.constant 0 : i32
        %dma_wait3A_672 = arith.constant 0 : i32
        %dma_wait3A_673 = arith.constant 0 : i32
        %dma_wait3A_674 = tpu.memref_slice %arg5[%dma_wait3A_671, %dma_wait3A_672, %dma_wait3A_673] : memref<2x16x128xi32, #tpu.memory_space<vmem>> -> memref<1x16x128xi32, #tpu.memory_space<vmem>>
        %dma_wait3A_675 = tpu.memref_squeeze %dma_wait3A_674 : memref<1x16x128xi32, #tpu.memory_space<vmem>> -> memref<16x128xi32, #tpu.memory_space<vmem>>
        %dma_wait3A_676 = arith.constant 0 : i32
        %dma_wait3A_677 = arith.constant 0 : i32
        %dma_wait3A_678 = tpu.memref_slice %arg2[%dma_wait3A_670, %add3A, %dma_wait3A_676, %dma_wait3A_677] : memref<2x32x80x128xi32, #tpu.memory_space<hbm>> -> memref<1x1x16x128xi32, #tpu.memory_space<hbm>>
        %dma_wait3A_679 = tpu.memref_squeeze %dma_wait3A_678 : memref<1x1x16x128xi32, #tpu.memory_space<hbm>> -> memref<16x128xi32, #tpu.memory_space<hbm>>
        %dma_wait3A_680 = arith.constant 0 : i32
        %dma_wait3A_681 = arith.constant 0 : i32
        %dma_wait3A_682 = tpu.memref_slice %arg5[%dma_wait3A_671, %dma_wait3A_680, %dma_wait3A_681] : memref<2x16x128xi32, #tpu.memory_space<vmem>> -> memref<1x16x128xi32, #tpu.memory_space<vmem>>
        %dma_wait3A_683 = tpu.memref_squeeze %dma_wait3A_682 : memref<1x16x128xi32, #tpu.memory_space<vmem>> -> memref<16x128xi32, #tpu.memory_space<vmem>>
        %dma_wait3A_684 = arith.constant 0 : i32
        %dma_wait3A_685 = arith.constant 0 : i32
        %dma_wait3A_686 = tpu.memref_slice %arg2[%dma_wait3A_670, %add3A, %dma_wait3A_684, %dma_wait3A_685] : memref<2x32x80x128xi32, #tpu.memory_space<hbm>> -> memref<1x1x16x128xi32, #tpu.memory_space<hbm>>
        %dma_wait3A_687 = tpu.memref_squeeze %dma_wait3A_686 : memref<1x1x16x128xi32, #tpu.memory_space<hbm>> -> memref<16x128xi32, #tpu.memory_space<hbm>>
        tpu.wait_dma2 semaphore(%arg10 : memref<!tpu.dma_semaphore, #tpu.memory_space<semaphore_mem>>) src(%dma_wait3A_687 : memref<16x128xi32, #tpu.memory_space<hbm>>) dst(%dma_wait3A_683 : memref<16x128xi32, #tpu.memory_space<vmem>>)
        %dma_wait3A_688 = arith.constant 1 : i32
        %dma_wait3A_689 = arith.constant 0 : i32
        %dma_wait3A_690 = arith.constant 0 : i32
        %dma_wait3A_691 = arith.constant 0 : i32
        %dma_wait3A_692 = tpu.memref_slice %arg6[%dma_wait3A_689, %dma_wait3A_690, %dma_wait3A_691] : memref<2x16x128xi32, #tpu.memory_space<vmem>> -> memref<1x16x128xi32, #tpu.memory_space<vmem>>
        %dma_wait3A_693 = tpu.memref_squeeze %dma_wait3A_692 : memref<1x16x128xi32, #tpu.memory_space<vmem>> -> memref<16x128xi32, #tpu.memory_space<vmem>>
        %dma_wait3A_694 = arith.constant 0 : i32
        %dma_wait3A_695 = arith.constant 0 : i32
        %dma_wait3A_696 = tpu.memref_slice %arg2[%dma_wait3A_688, %add3A, %dma_wait3A_694, %dma_wait3A_695] : memref<2x32x80x128xi32, #tpu.memory_space<hbm>> -> memref<1x1x16x128xi32, #tpu.memory_space<hbm>>
        %dma_wait3A_697 = tpu.memref_squeeze %dma_wait3A_696 : memref<1x1x16x128xi32, #tpu.memory_space<hbm>> -> memref<16x128xi32, #tpu.memory_space<hbm>>
        %dma_wait3A_698 = arith.constant 0 : i32
        %dma_wait3A_699 = arith.constant 0 : i32
        %dma_wait3A_700 = tpu.memref_slice %arg6[%dma_wait3A_689, %dma_wait3A_698, %dma_wait3A_699] : memref<2x16x128xi32, #tpu.memory_space<vmem>> -> memref<1x16x128xi32, #tpu.memory_space<vmem>>
        %dma_wait3A_701 = tpu.memref_squeeze %dma_wait3A_700 : memref<1x16x128xi32, #tpu.memory_space<vmem>> -> memref<16x128xi32, #tpu.memory_space<vmem>>
        %dma_wait3A_702 = arith.constant 0 : i32
        %dma_wait3A_703 = arith.constant 0 : i32
        %dma_wait3A_704 = tpu.memref_slice %arg2[%dma_wait3A_688, %add3A, %dma_wait3A_702, %dma_wait3A_703] : memref<2x32x80x128xi32, #tpu.memory_space<hbm>> -> memref<1x1x16x128xi32, #tpu.memory_space<hbm>>
        %dma_wait3A_705 = tpu.memref_squeeze %dma_wait3A_704 : memref<1x1x16x128xi32, #tpu.memory_space<hbm>> -> memref<16x128xi32, #tpu.memory_space<hbm>>
        tpu.wait_dma2 semaphore(%arg10 : memref<!tpu.dma_semaphore, #tpu.memory_space<semaphore_mem>>) src(%dma_wait3A_705 : memref<16x128xi32, #tpu.memory_space<hbm>>) dst(%dma_wait3A_701 : memref<16x128xi32, #tpu.memory_space<vmem>>)
        %add3A_706 = arith.constant 1 : i32
        %add3A_707 = arith.addi %add3A_206, %add3A_706 : i32
        %lt3A = arith.constant 5 : i32
        %lt3A_708 = arith.cmpi slt, %add3A_707, %lt3A : i32
        %convert_element_type3A_709 = arith.extui %lt3A_708 : i1 to i32
        %cond3A_710 = arith.constant 0 : i32
        %cond3A_711 = arith.cmpi ne, %convert_element_type3A_709, %cond3A_710 : i32
        scf.if %cond3A_711 {
          %add3A_712 = arith.constant 1 : i32
          %add3A_713 = arith.addi %add3A_206, %add3A_712 : i32
          %mul3A_714 = arith.constant 16 : i32
          %mul3A_715 = arith.muli %add3A_713, %mul3A_714 : i32
          %sub3A = arith.constant 1 : i32
          %sub3A_716 = arith.subi %sub3A, %rem3A_207 : i32
          %dma_start3A_717 = arith.constant 0 : i32
          %dma_start3A_718 = arith.constant 0 : i32
          %dma_start3A_719 = arith.constant 0 : i32
          %dma_start3A_720 = tpu.memref_slice %arg5[%sub3A_716, %dma_start3A_718, %dma_start3A_719] : memref<2x16x128xi32, #tpu.memory_space<vmem>> -> memref<1x16x128xi32, #tpu.memory_space<vmem>>
          %dma_start3A_721 = tpu.memref_squeeze %dma_start3A_720 : memref<1x16x128xi32, #tpu.memory_space<vmem>> -> memref<16x128xi32, #tpu.memory_space<vmem>>
          %dma_start3A_722 = arith.constant 0 : i32
          %dma_start3A_723 = tpu.memref_slice %arg2[%dma_start3A_717, %add3A, %mul3A_715, %dma_start3A_722] : memref<2x32x80x128xi32, #tpu.memory_space<hbm>> -> memref<1x1x16x128xi32, #tpu.memory_space<hbm>>
          %dma_start3A_724 = tpu.memref_squeeze %dma_start3A_723 : memref<1x1x16x128xi32, #tpu.memory_space<hbm>> -> memref<16x128xi32, #tpu.memory_space<hbm>>
          %dma_start3A_725 = arith.constant 0 : i32
          %dma_start3A_726 = arith.constant 0 : i32
          %dma_start3A_727 = tpu.memref_slice %arg5[%sub3A_716, %dma_start3A_725, %dma_start3A_726] : memref<2x16x128xi32, #tpu.memory_space<vmem>> -> memref<1x16x128xi32, #tpu.memory_space<vmem>>
          %dma_start3A_728 = tpu.memref_squeeze %dma_start3A_727 : memref<1x16x128xi32, #tpu.memory_space<vmem>> -> memref<16x128xi32, #tpu.memory_space<vmem>>
          %dma_start3A_729 = arith.constant 0 : i32
          %dma_start3A_730 = tpu.memref_slice %arg2[%dma_start3A_717, %add3A, %mul3A_715, %dma_start3A_729] : memref<2x32x80x128xi32, #tpu.memory_space<hbm>> -> memref<1x1x16x128xi32, #tpu.memory_space<hbm>>
          %dma_start3A_731 = tpu.memref_squeeze %dma_start3A_730 : memref<1x1x16x128xi32, #tpu.memory_space<hbm>> -> memref<16x128xi32, #tpu.memory_space<hbm>>
          tpu.enqueue_dma source(%dma_start3A_731 : memref<16x128xi32, #tpu.memory_space<hbm>>) target(%dma_start3A_728 : memref<16x128xi32, #tpu.memory_space<vmem>>) target_semaphore(%arg10 : memref<!tpu.dma_semaphore, #tpu.memory_space<semaphore_mem>>)
          %add3A_732 = arith.constant 1 : i32
          %add3A_733 = arith.addi %add3A_206, %add3A_732 : i32
          %mul3A_734 = arith.constant 16 : i32
          %mul3A_735 = arith.muli %add3A_733, %mul3A_734 : i32
          %sub3A_736 = arith.constant 1 : i32
          %sub3A_737 = arith.subi %sub3A_736, %rem3A_207 : i32
          %dma_start3A_738 = arith.constant 1 : i32
          %dma_start3A_739 = arith.constant 0 : i32
          %dma_start3A_740 = arith.constant 0 : i32
          %dma_start3A_741 = tpu.memref_slice %arg6[%sub3A_737, %dma_start3A_739, %dma_start3A_740] : memref<2x16x128xi32, #tpu.memory_space<vmem>> -> memref<1x16x128xi32, #tpu.memory_space<vmem>>
          %dma_start3A_742 = tpu.memref_squeeze %dma_start3A_741 : memref<1x16x128xi32, #tpu.memory_space<vmem>> -> memref<16x128xi32, #tpu.memory_space<vmem>>
          %dma_start3A_743 = arith.constant 0 : i32
          %dma_start3A_744 = tpu.memref_slice %arg2[%dma_start3A_738, %add3A, %mul3A_735, %dma_start3A_743] : memref<2x32x80x128xi32, #tpu.memory_space<hbm>> -> memref<1x1x16x128xi32, #tpu.memory_space<hbm>>
          %dma_start3A_745 = tpu.memref_squeeze %dma_start3A_744 : memref<1x1x16x128xi32, #tpu.memory_space<hbm>> -> memref<16x128xi32, #tpu.memory_space<hbm>>
          %dma_start3A_746 = arith.constant 0 : i32
          %dma_start3A_747 = arith.constant 0 : i32
          %dma_start3A_748 = tpu.memref_slice %arg6[%sub3A_737, %dma_start3A_746, %dma_start3A_747] : memref<2x16x128xi32, #tpu.memory_space<vmem>> -> memref<1x16x128xi32, #tpu.memory_space<vmem>>
          %dma_start3A_749 = tpu.memref_squeeze %dma_start3A_748 : memref<1x16x128xi32, #tpu.memory_space<vmem>> -> memref<16x128xi32, #tpu.memory_space<vmem>>
          %dma_start3A_750 = arith.constant 0 : i32
          %dma_start3A_751 = tpu.memref_slice %arg2[%dma_start3A_738, %add3A, %mul3A_735, %dma_start3A_750] : memref<2x32x80x128xi32, #tpu.memory_space<hbm>> -> memref<1x1x16x128xi32, #tpu.memory_space<hbm>>
          %dma_start3A_752 = tpu.memref_squeeze %dma_start3A_751 : memref<1x1x16x128xi32, #tpu.memory_space<hbm>> -> memref<16x128xi32, #tpu.memory_space<hbm>>
          tpu.enqueue_dma source(%dma_start3A_752 : memref<16x128xi32, #tpu.memory_space<hbm>>) target(%dma_start3A_749 : memref<16x128xi32, #tpu.memory_space<vmem>>) target_semaphore(%arg10 : memref<!tpu.dma_semaphore, #tpu.memory_space<semaphore_mem>>)
        } else {
        }
      } else {
      }
      %gt3A_210 = arith.constant 0 : i32
      %gt3A_211 = arith.cmpi sgt, %add3A_206, %gt3A_210 : i32
      %convert_element_type3A_212 = arith.extui %gt3A_211 : i1 to i32
      %cond3A_213 = arith.constant 0 : i32
      %cond3A_214 = arith.cmpi ne, %convert_element_type3A_212, %cond3A_213 : i32
      scf.if %cond3A_214 {
        %dma_wait3A_670 = arith.constant 0 : i32
        %dma_wait3A_671 = arith.constant 0 : i32
        %dma_wait3A_672 = arith.constant 0 : i32
        %dma_wait3A_673 = tpu.memref_slice %arg6[%dma_wait3A_670, %dma_wait3A_671, %dma_wait3A_672] : memref<2x16x128xi32, #tpu.memory_space<vmem>> -> memref<1x1x128xi32, #tpu.memory_space<vmem>>
        %dma_wait3A_674 = tpu.memref_squeeze %dma_wait3A_673 : memref<1x1x128xi32, #tpu.memory_space<vmem>> -> memref<128xi32, #tpu.memory_space<vmem>>
        %dma_wait3A_675 = arith.constant 0 : i32
        %dma_wait3A_676 = arith.constant 0 : i32
        %dma_wait3A_677 = tpu.memref_slice %arg9[%dma_wait3A_675, %dma_wait3A_676] : memref<10240x128xf32, #tpu.memory_space<vmem_shared>> -> memref<10240x128xf32, #tpu.memory_space<vmem_shared>>
        tpu.wait_indirect_dma semaphore(%arg14 : memref<!tpu.dma_semaphore, #tpu.memory_space<semaphore_mem>>) src(%arg7 : memref<128x128xf32, #tpu.memory_space<vmem>>) dst(%dma_wait3A_677 : memref<10240x128xf32, #tpu.memory_space<vmem_shared>>)
        %dma_start3A_678 = arith.constant 0 : i32
        %dma_start3A_679 = arith.constant 0 : i32
        %dma_start3A_680 = tpu.memref_slice %arg5[%rem3A_207, %dma_start3A_678, %dma_start3A_679] : memref<2x16x128xi32, #tpu.memory_space<vmem>> -> memref<1x1x128xi32, #tpu.memory_space<vmem>>
        %dma_start3A_681 = tpu.memref_squeeze %dma_start3A_680 : memref<1x1x128xi32, #tpu.memory_space<vmem>> -> memref<128xi32, #tpu.memory_space<vmem>>
        %dma_start3A_682 = arith.constant 0 : i32
        %dma_start3A_683 = arith.constant 0 : i32
        %dma_start3A_684 = tpu.memref_slice %arg3[%dma_start3A_682, %dma_start3A_683] : memref<10000x128xf32, #tpu.memory_space<hbm>> -> memref<10000x128xf32, #tpu.memory_space<hbm>>
        tpu.enqueue_indirect_dma source(%dma_start3A_684 : memref<10000x128xf32, #tpu.memory_space<hbm>>) target(%arg7 : memref<128x128xf32, #tpu.memory_space<vmem>>) offsets(%dma_start3A_681 : memref<128xi32, #tpu.memory_space<vmem>>) semaphore(%arg12 : memref<!tpu.dma_semaphore, #tpu.memory_space<semaphore_mem>>)
      } else {
      }
      %gt3A_215 = arith.constant 0 : i32
      %gt3A_216 = arith.cmpi sgt, %add3A_206, %gt3A_215 : i32
      %convert_element_type3A_217 = arith.extui %gt3A_216 : i1 to i32
      %cond3A_218 = arith.constant 0 : i32
      %cond3A_219 = arith.cmpi ne, %convert_element_type3A_217, %cond3A_218 : i32
      scf.if %cond3A_219 {
        %dma_wait3A_670 = arith.constant 0 : i32
        %dma_wait3A_671 = arith.constant 0 : i32
        %dma_wait3A_672 = arith.constant 0 : i32
        %dma_wait3A_673 = tpu.memref_slice %arg6[%dma_wait3A_670, %dma_wait3A_671, %dma_wait3A_672] : memref<2x16x128xi32, #tpu.memory_space<vmem>> -> memref<1x1x128xi32, #tpu.memory_space<vmem>>
        %dma_wait3A_674 = tpu.memref_squeeze %dma_wait3A_673 : memref<1x1x128xi32, #tpu.memory_space<vmem>> -> memref<128xi32, #tpu.memory_space<vmem>>
        %dma_wait3A_675 = arith.constant 0 : i32
        %dma_wait3A_676 = arith.constant 0 : i32
        %dma_wait3A_677 = tpu.memref_slice %arg9[%dma_wait3A_675, %dma_wait3A_676] : memref<10240x128xf32, #tpu.memory_space<vmem_shared>> -> memref<10240x128xf32, #tpu.memory_space<vmem_shared>>
        tpu.wait_indirect_dma semaphore(%arg15 : memref<!tpu.dma_semaphore, #tpu.memory_space<semaphore_mem>>) src(%arg8 : memref<128x128xf32, #tpu.memory_space<vmem>>) dst(%dma_wait3A_677 : memref<10240x128xf32, #tpu.memory_space<vmem_shared>>)
        %dma_start3A_678 = arith.constant 1 : i32
        %dma_start3A_679 = arith.constant 0 : i32
        %dma_start3A_680 = tpu.memref_slice %arg5[%rem3A_207, %dma_start3A_678, %dma_start3A_679] : memref<2x16x128xi32, #tpu.memory_space<vmem>> -> memref<1x1x128xi32, #tpu.memory_space<vmem>>
        %dma_start3A_681 = tpu.memref_squeeze %dma_start3A_680 : memref<1x1x128xi32, #tpu.memory_space<vmem>> -> memref<128xi32, #tpu.memory_space<vmem>>
        %dma_start3A_682 = arith.constant 0 : i32
        %dma_start3A_683 = arith.constant 0 : i32
        %dma_start3A_684 = tpu.memref_slice %arg3[%dma_start3A_682, %dma_start3A_683] : memref<10000x128xf32, #tpu.memory_space<hbm>> -> memref<10000x128xf32, #tpu.memory_space<hbm>>
        tpu.enqueue_indirect_dma source(%dma_start3A_684 : memref<10000x128xf32, #tpu.memory_space<hbm>>) target(%arg8 : memref<128x128xf32, #tpu.memory_space<vmem>>) offsets(%dma_start3A_681 : memref<128xi32, #tpu.memory_space<vmem>>) semaphore(%arg13 : memref<!tpu.dma_semaphore, #tpu.memory_space<semaphore_mem>>)
      } else {
      }
      %dma_wait3A_220 = arith.constant 0 : i32
      %dma_wait3A_221 = arith.constant 0 : i32
      %dma_wait3A_222 = arith.constant 0 : i32
      %dma_wait3A_223 = tpu.memref_slice %arg5[%dma_wait3A_220, %dma_wait3A_221, %dma_wait3A_222] : memref<2x16x128xi32, #tpu.memory_space<vmem>> -> memref<1x1x128xi32, #tpu.memory_space<vmem>>
      %dma_wait3A_224 = tpu.memref_squeeze %dma_wait3A_223 : memref<1x1x128xi32, #tpu.memory_space<vmem>> -> memref<128xi32, #tpu.memory_space<vmem>>
      %dma_wait3A_225 = arith.constant 0 : i32
      %dma_wait3A_226 = arith.constant 0 : i32
      %dma_wait3A_227 = tpu.memref_slice %arg3[%dma_wait3A_225, %dma_wait3A_226] : memref<10000x128xf32, #tpu.memory_space<hbm>> -> memref<10000x128xf32, #tpu.memory_space<hbm>>
      tpu.wait_indirect_dma semaphore(%arg12 : memref<!tpu.dma_semaphore, #tpu.memory_space<semaphore_mem>>) src(%dma_wait3A_227 : memref<10000x128xf32, #tpu.memory_space<hbm>>) dst(%arg7 : memref<128x128xf32, #tpu.memory_space<vmem>>)
      %dma_start3A_228 = arith.constant 0 : i32
      %dma_start3A_229 = arith.constant 0 : i32
      %dma_start3A_230 = tpu.memref_slice %arg6[%rem3A_207, %dma_start3A_228, %dma_start3A_229] : memref<2x16x128xi32, #tpu.memory_space<vmem>> -> memref<1x1x128xi32, #tpu.memory_space<vmem>>
      %dma_start3A_231 = tpu.memref_squeeze %dma_start3A_230 : memref<1x1x128xi32, #tpu.memory_space<vmem>> -> memref<128xi32, #tpu.memory_space<vmem>>
      %dma_start3A_232 = arith.constant 0 : i32
      %dma_start3A_233 = arith.constant 0 : i32
      %dma_start3A_234 = tpu.memref_slice %arg9[%dma_start3A_232, %dma_start3A_233] : memref<10240x128xf32, #tpu.memory_space<vmem_shared>> -> memref<10240x128xf32, #tpu.memory_space<vmem_shared>>
      tpu.enqueue_indirect_dma source(%arg7 : memref<128x128xf32, #tpu.memory_space<vmem>>) target(%dma_start3A_234 : memref<10240x128xf32, #tpu.memory_space<vmem_shared>>) offsets(%dma_start3A_231 : memref<128xi32, #tpu.memory_space<vmem>>) semaphore(%arg14 : memref<!tpu.dma_semaphore, #tpu.memory_space<semaphore_mem>>) {add = true}
      %dma_wait3A_235 = arith.constant 0 : i32
      %dma_wait3A_236 = arith.constant 0 : i32
      %dma_wait3A_237 = arith.constant 0 : i32
      %dma_wait3A_238 = tpu.memref_slice %arg6[%dma_wait3A_235, %dma_wait3A_236, %dma_wait3A_237] : memref<2x16x128xi32, #tpu.memory_space<vmem>> -> memref<1x1x128xi32, #tpu.memory_space<vmem>>
      %dma_wait3A_239 = tpu.memref_squeeze %dma_wait3A_238 : memref<1x1x128xi32, #tpu.memory_space<vmem>> -> memref<128xi32, #tpu.memory_space<vmem>>
      %dma_wait3A_240 = arith.constant 0 : i32
      %dma_wait3A_241 = arith.constant 0 : i32
      %dma_wait3A_242 = tpu.memref_slice %arg9[%dma_wait3A_240, %dma_wait3A_241] : memref<10240x128xf32, #tpu.memory_space<vmem_shared>> -> memref<10240x128xf32, #tpu.memory_space<vmem_shared>>
      tpu.wait_indirect_dma semaphore(%arg14 : memref<!tpu.dma_semaphore, #tpu.memory_space<semaphore_mem>>) src(%arg7 : memref<128x128xf32, #tpu.memory_space<vmem>>) dst(%dma_wait3A_242 : memref<10240x128xf32, #tpu.memory_space<vmem_shared>>)
      %dma_start3A_243 = arith.constant 2 : i32
      %dma_start3A_244 = arith.constant 0 : i32
      %dma_start3A_245 = tpu.memref_slice %arg5[%rem3A_207, %dma_start3A_243, %dma_start3A_244] : memref<2x16x128xi32, #tpu.memory_space<vmem>> -> memref<1x1x128xi32, #tpu.memory_space<vmem>>
      %dma_start3A_246 = tpu.memref_squeeze %dma_start3A_245 : memref<1x1x128xi32, #tpu.memory_space<vmem>> -> memref<128xi32, #tpu.memory_space<vmem>>
      %dma_start3A_247 = arith.constant 0 : i32
      %dma_start3A_248 = arith.constant 0 : i32
      %dma_start3A_249 = tpu.memref_slice %arg3[%dma_start3A_247, %dma_start3A_248] : memref<10000x128xf32, #tpu.memory_space<hbm>> -> memref<10000x128xf32, #tpu.memory_space<hbm>>
      tpu.enqueue_indirect_dma source(%dma_start3A_249 : memref<10000x128xf32, #tpu.memory_space<hbm>>) target(%arg7 : memref<128x128xf32, #tpu.memory_space<vmem>>) offsets(%dma_start3A_246 : memref<128xi32, #tpu.memory_space<vmem>>) semaphore(%arg12 : memref<!tpu.dma_semaphore, #tpu.memory_space<semaphore_mem>>)
      %dma_wait3A_250 = arith.constant 0 : i32
      %dma_wait3A_251 = arith.constant 0 : i32
      %dma_wait3A_252 = arith.constant 0 : i32
      %dma_wait3A_253 = tpu.memref_slice %arg5[%dma_wait3A_250, %dma_wait3A_251, %dma_wait3A_252] : memref<2x16x128xi32, #tpu.memory_space<vmem>> -> memref<1x1x128xi32, #tpu.memory_space<vmem>>
      %dma_wait3A_254 = tpu.memref_squeeze %dma_wait3A_253 : memref<1x1x128xi32, #tpu.memory_space<vmem>> -> memref<128xi32, #tpu.memory_space<vmem>>
      %dma_wait3A_255 = arith.constant 0 : i32
      %dma_wait3A_256 = arith.constant 0 : i32
      %dma_wait3A_257 = tpu.memref_slice %arg3[%dma_wait3A_255, %dma_wait3A_256] : memref<10000x128xf32, #tpu.memory_space<hbm>> -> memref<10000x128xf32, #tpu.memory_space<hbm>>
      tpu.wait_indirect_dma semaphore(%arg13 : memref<!tpu.dma_semaphore, #tpu.memory_space<semaphore_mem>>) src(%dma_wait3A_257 : memref<10000x128xf32, #tpu.memory_space<hbm>>) dst(%arg8 : memref<128x128xf32, #tpu.memory_space<vmem>>)
      %dma_start3A_258 = arith.constant 1 : i32
      %dma_start3A_259 = arith.constant 0 : i32
      %dma_start3A_260 = tpu.memref_slice %arg6[%rem3A_207, %dma_start3A_258, %dma_start3A_259] : memref<2x16x128xi32, #tpu.memory_space<vmem>> -> memref<1x1x128xi32, #tpu.memory_space<vmem>>
      %dma_start3A_261 = tpu.memref_squeeze %dma_start3A_260 : memref<1x1x128xi32, #tpu.memory_space<vmem>> -> memref<128xi32, #tpu.memory_space<vmem>>
      %dma_start3A_262 = arith.constant 0 : i32
      %dma_start3A_263 = arith.constant 0 : i32
      %dma_start3A_264 = tpu.memref_slice %arg9[%dma_start3A_262, %dma_start3A_263] : memref<10240x128xf32, #tpu.memory_space<vmem_shared>> -> memref<10240x128xf32, #tpu.memory_space<vmem_shared>>
      tpu.enqueue_indirect_dma source(%arg8 : memref<128x128xf32, #tpu.memory_space<vmem>>) target(%dma_start3A_264 : memref<10240x128xf32, #tpu.memory_space<vmem_shared>>) offsets(%dma_start3A_261 : memref<128xi32, #tpu.memory_space<vmem>>) semaphore(%arg15 : memref<!tpu.dma_semaphore, #tpu.memory_space<semaphore_mem>>) {add = true}
      %dma_wait3A_265 = arith.constant 0 : i32
      %dma_wait3A_266 = arith.constant 0 : i32
      %dma_wait3A_267 = arith.constant 0 : i32
      %dma_wait3A_268 = tpu.memref_slice %arg6[%dma_wait3A_265, %dma_wait3A_266, %dma_wait3A_267] : memref<2x16x128xi32, #tpu.memory_space<vmem>> -> memref<1x1x128xi32, #tpu.memory_space<vmem>>
      %dma_wait3A_269 = tpu.memref_squeeze %dma_wait3A_268 : memref<1x1x128xi32, #tpu.memory_space<vmem>> -> memref<128xi32, #tpu.memory_space<vmem>>
      %dma_wait3A_270 = arith.constant 0 : i32
      %dma_wait3A_271 = arith.constant 0 : i32
      %dma_wait3A_272 = tpu.memref_slice %arg9[%dma_wait3A_270, %dma_wait3A_271] : memref<10240x128xf32, #tpu.memory_space<vmem_shared>> -> memref<10240x128xf32, #tpu.memory_space<vmem_shared>>
      tpu.wait_indirect_dma semaphore(%arg15 : memref<!tpu.dma_semaphore, #tpu.memory_space<semaphore_mem>>) src(%arg8 : memref<128x128xf32, #tpu.memory_space<vmem>>) dst(%dma_wait3A_272 : memref<10240x128xf32, #tpu.memory_space<vmem_shared>>)
      %dma_start3A_273 = arith.constant 3 : i32
      %dma_start3A_274 = arith.constant 0 : i32
      %dma_start3A_275 = tpu.memref_slice %arg5[%rem3A_207, %dma_start3A_273, %dma_start3A_274] : memref<2x16x128xi32, #tpu.memory_space<vmem>> -> memref<1x1x128xi32, #tpu.memory_space<vmem>>
      %dma_start3A_276 = tpu.memref_squeeze %dma_start3A_275 : memref<1x1x128xi32, #tpu.memory_space<vmem>> -> memref<128xi32, #tpu.memory_space<vmem>>
      %dma_start3A_277 = arith.constant 0 : i32
      %dma_start3A_278 = arith.constant 0 : i32
      %dma_start3A_279 = tpu.memref_slice %arg3[%dma_start3A_277, %dma_start3A_278] : memref<10000x128xf32, #tpu.memory_space<hbm>> -> memref<10000x128xf32, #tpu.memory_space<hbm>>
      tpu.enqueue_indirect_dma source(%dma_start3A_279 : memref<10000x128xf32, #tpu.memory_space<hbm>>) target(%arg8 : memref<128x128xf32, #tpu.memory_space<vmem>>) offsets(%dma_start3A_276 : memref<128xi32, #tpu.memory_space<vmem>>) semaphore(%arg13 : memref<!tpu.dma_semaphore, #tpu.memory_space<semaphore_mem>>)
      %dma_wait3A_280 = arith.constant 0 : i32
      %dma_wait3A_281 = arith.constant 0 : i32
      %dma_wait3A_282 = arith.constant 0 : i32
      %dma_wait3A_283 = tpu.memref_slice %arg5[%dma_wait3A_280, %dma_wait3A_281, %dma_wait3A_282] : memref<2x16x128xi32, #tpu.memory_space<vmem>> -> memref<1x1x128xi32, #tpu.memory_space<vmem>>
      %dma_wait3A_284 = tpu.memref_squeeze %dma_wait3A_283 : memref<1x1x128xi32, #tpu.memory_space<vmem>> -> memref<128xi32, #tpu.memory_space<vmem>>
      %dma_wait3A_285 = arith.constant 0 : i32
      %dma_wait3A_286 = arith.constant 0 : i32
      %dma_wait3A_287 = tpu.memref_slice %arg3[%dma_wait3A_285, %dma_wait3A_286] : memref<10000x128xf32, #tpu.memory_space<hbm>> -> memref<10000x128xf32, #tpu.memory_space<hbm>>
      tpu.wait_indirect_dma semaphore(%arg12 : memref<!tpu.dma_semaphore, #tpu.memory_space<semaphore_mem>>) src(%dma_wait3A_287 : memref<10000x128xf32, #tpu.memory_space<hbm>>) dst(%arg7 : memref<128x128xf32, #tpu.memory_space<vmem>>)
      %dma_start3A_288 = arith.constant 2 : i32
      %dma_start3A_289 = arith.constant 0 : i32
      %dma_start3A_290 = tpu.memref_slice %arg6[%rem3A_207, %dma_start3A_288, %dma_start3A_289] : memref<2x16x128xi32, #tpu.memory_space<vmem>> -> memref<1x1x128xi32, #tpu.memory_space<vmem>>
      %dma_start3A_291 = tpu.memref_squeeze %dma_start3A_290 : memref<1x1x128xi32, #tpu.memory_space<vmem>> -> memref<128xi32, #tpu.memory_space<vmem>>
      %dma_start3A_292 = arith.constant 0 : i32
      %dma_start3A_293 = arith.constant 0 : i32
      %dma_start3A_294 = tpu.memref_slice %arg9[%dma_start3A_292, %dma_start3A_293] : memref<10240x128xf32, #tpu.memory_space<vmem_shared>> -> memref<10240x128xf32, #tpu.memory_space<vmem_shared>>
      tpu.enqueue_indirect_dma source(%arg7 : memref<128x128xf32, #tpu.memory_space<vmem>>) target(%dma_start3A_294 : memref<10240x128xf32, #tpu.memory_space<vmem_shared>>) offsets(%dma_start3A_291 : memref<128xi32, #tpu.memory_space<vmem>>) semaphore(%arg14 : memref<!tpu.dma_semaphore, #tpu.memory_space<semaphore_mem>>) {add = true}
      %dma_wait3A_295 = arith.constant 0 : i32
      %dma_wait3A_296 = arith.constant 0 : i32
      %dma_wait3A_297 = arith.constant 0 : i32
      %dma_wait3A_298 = tpu.memref_slice %arg6[%dma_wait3A_295, %dma_wait3A_296, %dma_wait3A_297] : memref<2x16x128xi32, #tpu.memory_space<vmem>> -> memref<1x1x128xi32, #tpu.memory_space<vmem>>
      %dma_wait3A_299 = tpu.memref_squeeze %dma_wait3A_298 : memref<1x1x128xi32, #tpu.memory_space<vmem>> -> memref<128xi32, #tpu.memory_space<vmem>>
      %dma_wait3A_300 = arith.constant 0 : i32
      %dma_wait3A_301 = arith.constant 0 : i32
      %dma_wait3A_302 = tpu.memref_slice %arg9[%dma_wait3A_300, %dma_wait3A_301] : memref<10240x128xf32, #tpu.memory_space<vmem_shared>> -> memref<10240x128xf32, #tpu.memory_space<vmem_shared>>
      tpu.wait_indirect_dma semaphore(%arg14 : memref<!tpu.dma_semaphore, #tpu.memory_space<semaphore_mem>>) src(%arg7 : memref<128x128xf32, #tpu.memory_space<vmem>>) dst(%dma_wait3A_302 : memref<10240x128xf32, #tpu.memory_space<vmem_shared>>)
      %dma_start3A_303 = arith.constant 4 : i32
      %dma_start3A_304 = arith.constant 0 : i32
      %dma_start3A_305 = tpu.memref_slice %arg5[%rem3A_207, %dma_start3A_303, %dma_start3A_304] : memref<2x16x128xi32, #tpu.memory_space<vmem>> -> memref<1x1x128xi32, #tpu.memory_space<vmem>>
      %dma_start3A_306 = tpu.memref_squeeze %dma_start3A_305 : memref<1x1x128xi32, #tpu.memory_space<vmem>> -> memref<128xi32, #tpu.memory_space<vmem>>
      %dma_start3A_307 = arith.constant 0 : i32
      %dma_start3A_308 = arith.constant 0 : i32
      %dma_start3A_309 = tpu.memref_slice %arg3[%dma_start3A_307, %dma_start3A_308] : memref<10000x128xf32, #tpu.memory_space<hbm>> -> memref<10000x128xf32, #tpu.memory_space<hbm>>
      tpu.enqueue_indirect_dma source(%dma_start3A_309 : memref<10000x128xf32, #tpu.memory_space<hbm>>) target(%arg7 : memref<128x128xf32, #tpu.memory_space<vmem>>) offsets(%dma_start3A_306 : memref<128xi32, #tpu.memory_space<vmem>>) semaphore(%arg12 : memref<!tpu.dma_semaphore, #tpu.memory_space<semaphore_mem>>)
      %dma_wait3A_310 = arith.constant 0 : i32
      %dma_wait3A_311 = arith.constant 0 : i32
      %dma_wait3A_312 = arith.constant 0 : i32
      %dma_wait3A_313 = tpu.memref_slice %arg5[%dma_wait3A_310, %dma_wait3A_311, %dma_wait3A_312] : memref<2x16x128xi32, #tpu.memory_space<vmem>> -> memref<1x1x128xi32, #tpu.memory_space<vmem>>
      %dma_wait3A_314 = tpu.memref_squeeze %dma_wait3A_313 : memref<1x1x128xi32, #tpu.memory_space<vmem>> -> memref<128xi32, #tpu.memory_space<vmem>>
      %dma_wait3A_315 = arith.constant 0 : i32
      %dma_wait3A_316 = arith.constant 0 : i32
      %dma_wait3A_317 = tpu.memref_slice %arg3[%dma_wait3A_315, %dma_wait3A_316] : memref<10000x128xf32, #tpu.memory_space<hbm>> -> memref<10000x128xf32, #tpu.memory_space<hbm>>
      tpu.wait_indirect_dma semaphore(%arg13 : memref<!tpu.dma_semaphore, #tpu.memory_space<semaphore_mem>>) src(%dma_wait3A_317 : memref<10000x128xf32, #tpu.memory_space<hbm>>) dst(%arg8 : memref<128x128xf32, #tpu.memory_space<vmem>>)
      %dma_start3A_318 = arith.constant 3 : i32
      %dma_start3A_319 = arith.constant 0 : i32
      %dma_start3A_320 = tpu.memref_slice %arg6[%rem3A_207, %dma_start3A_318, %dma_start3A_319] : memref<2x16x128xi32, #tpu.memory_space<vmem>> -> memref<1x1x128xi32, #tpu.memory_space<vmem>>
      %dma_start3A_321 = tpu.memref_squeeze %dma_start3A_320 : memref<1x1x128xi32, #tpu.memory_space<vmem>> -> memref<128xi32, #tpu.memory_space<vmem>>
      %dma_start3A_322 = arith.constant 0 : i32
      %dma_start3A_323 = arith.constant 0 : i32
      %dma_start3A_324 = tpu.memref_slice %arg9[%dma_start3A_322, %dma_start3A_323] : memref<10240x128xf32, #tpu.memory_space<vmem_shared>> -> memref<10240x128xf32, #tpu.memory_space<vmem_shared>>
      tpu.enqueue_indirect_dma source(%arg8 : memref<128x128xf32, #tpu.memory_space<vmem>>) target(%dma_start3A_324 : memref<10240x128xf32, #tpu.memory_space<vmem_shared>>) offsets(%dma_start3A_321 : memref<128xi32, #tpu.memory_space<vmem>>) semaphore(%arg15 : memref<!tpu.dma_semaphore, #tpu.memory_space<semaphore_mem>>) {add = true}
      %dma_wait3A_325 = arith.constant 0 : i32
      %dma_wait3A_326 = arith.constant 0 : i32
      %dma_wait3A_327 = arith.constant 0 : i32
      %dma_wait3A_328 = tpu.memref_slice %arg6[%dma_wait3A_325, %dma_wait3A_326, %dma_wait3A_327] : memref<2x16x128xi32, #tpu.memory_space<vmem>> -> memref<1x1x128xi32, #tpu.memory_space<vmem>>
      %dma_wait3A_329 = tpu.memref_squeeze %dma_wait3A_328 : memref<1x1x128xi32, #tpu.memory_space<vmem>> -> memref<128xi32, #tpu.memory_space<vmem>>
      %dma_wait3A_330 = arith.constant 0 : i32
      %dma_wait3A_331 = arith.constant 0 : i32
      %dma_wait3A_332 = tpu.memref_slice %arg9[%dma_wait3A_330, %dma_wait3A_331] : memref<10240x128xf32, #tpu.memory_space<vmem_shared>> -> memref<10240x128xf32, #tpu.memory_space<vmem_shared>>
      tpu.wait_indirect_dma semaphore(%arg15 : memref<!tpu.dma_semaphore, #tpu.memory_space<semaphore_mem>>) src(%arg8 : memref<128x128xf32, #tpu.memory_space<vmem>>) dst(%dma_wait3A_332 : memref<10240x128xf32, #tpu.memory_space<vmem_shared>>)
      %dma_start3A_333 = arith.constant 5 : i32
      %dma_start3A_334 = arith.constant 0 : i32
      %dma_start3A_335 = tpu.memref_slice %arg5[%rem3A_207, %dma_start3A_333, %dma_start3A_334] : memref<2x16x128xi32, #tpu.memory_space<vmem>> -> memref<1x1x128xi32, #tpu.memory_space<vmem>>
      %dma_start3A_336 = tpu.memref_squeeze %dma_start3A_335 : memref<1x1x128xi32, #tpu.memory_space<vmem>> -> memref<128xi32, #tpu.memory_space<vmem>>
      %dma_start3A_337 = arith.constant 0 : i32
      %dma_start3A_338 = arith.constant 0 : i32
      %dma_start3A_339 = tpu.memref_slice %arg3[%dma_start3A_337, %dma_start3A_338] : memref<10000x128xf32, #tpu.memory_space<hbm>> -> memref<10000x128xf32, #tpu.memory_space<hbm>>
      tpu.enqueue_indirect_dma source(%dma_start3A_339 : memref<10000x128xf32, #tpu.memory_space<hbm>>) target(%arg8 : memref<128x128xf32, #tpu.memory_space<vmem>>) offsets(%dma_start3A_336 : memref<128xi32, #tpu.memory_space<vmem>>) semaphore(%arg13 : memref<!tpu.dma_semaphore, #tpu.memory_space<semaphore_mem>>)
      %dma_wait3A_340 = arith.constant 0 : i32
      %dma_wait3A_341 = arith.constant 0 : i32
      %dma_wait3A_342 = arith.constant 0 : i32
      %dma_wait3A_343 = tpu.memref_slice %arg5[%dma_wait3A_340, %dma_wait3A_341, %dma_wait3A_342] : memref<2x16x128xi32, #tpu.memory_space<vmem>> -> memref<1x1x128xi32, #tpu.memory_space<vmem>>
      %dma_wait3A_344 = tpu.memref_squeeze %dma_wait3A_343 : memref<1x1x128xi32, #tpu.memory_space<vmem>> -> memref<128xi32, #tpu.memory_space<vmem>>
      %dma_wait3A_345 = arith.constant 0 : i32
      %dma_wait3A_346 = arith.constant 0 : i32
      %dma_wait3A_347 = tpu.memref_slice %arg3[%dma_wait3A_345, %dma_wait3A_346] : memref<10000x128xf32, #tpu.memory_space<hbm>> -> memref<10000x128xf32, #tpu.memory_space<hbm>>
      tpu.wait_indirect_dma semaphore(%arg12 : memref<!tpu.dma_semaphore, #tpu.memory_space<semaphore_mem>>) src(%dma_wait3A_347 : memref<10000x128xf32, #tpu.memory_space<hbm>>) dst(%arg7 : memref<128x128xf32, #tpu.memory_space<vmem>>)
      %dma_start3A_348 = arith.constant 4 : i32
      %dma_start3A_349 = arith.constant 0 : i32
      %dma_start3A_350 = tpu.memref_slice %arg6[%rem3A_207, %dma_start3A_348, %dma_start3A_349] : memref<2x16x128xi32, #tpu.memory_space<vmem>> -> memref<1x1x128xi32, #tpu.memory_space<vmem>>
      %dma_start3A_351 = tpu.memref_squeeze %dma_start3A_350 : memref<1x1x128xi32, #tpu.memory_space<vmem>> -> memref<128xi32, #tpu.memory_space<vmem>>
      %dma_start3A_352 = arith.constant 0 : i32
      %dma_start3A_353 = arith.constant 0 : i32
      %dma_start3A_354 = tpu.memref_slice %arg9[%dma_start3A_352, %dma_start3A_353] : memref<10240x128xf32, #tpu.memory_space<vmem_shared>> -> memref<10240x128xf32, #tpu.memory_space<vmem_shared>>
      tpu.enqueue_indirect_dma source(%arg7 : memref<128x128xf32, #tpu.memory_space<vmem>>) target(%dma_start3A_354 : memref<10240x128xf32, #tpu.memory_space<vmem_shared>>) offsets(%dma_start3A_351 : memref<128xi32, #tpu.memory_space<vmem>>) semaphore(%arg14 : memref<!tpu.dma_semaphore, #tpu.memory_space<semaphore_mem>>) {add = true}
      %dma_wait3A_355 = arith.constant 0 : i32
      %dma_wait3A_356 = arith.constant 0 : i32
      %dma_wait3A_357 = arith.constant 0 : i32
      %dma_wait3A_358 = tpu.memref_slice %arg6[%dma_wait3A_355, %dma_wait3A_356, %dma_wait3A_357] : memref<2x16x128xi32, #tpu.memory_space<vmem>> -> memref<1x1x128xi32, #tpu.memory_space<vmem>>
      %dma_wait3A_359 = tpu.memref_squeeze %dma_wait3A_358 : memref<1x1x128xi32, #tpu.memory_space<vmem>> -> memref<128xi32, #tpu.memory_space<vmem>>
      %dma_wait3A_360 = arith.constant 0 : i32
      %dma_wait3A_361 = arith.constant 0 : i32
      %dma_wait3A_362 = tpu.memref_slice %arg9[%dma_wait3A_360, %dma_wait3A_361] : memref<10240x128xf32, #tpu.memory_space<vmem_shared>> -> memref<10240x128xf32, #tpu.memory_space<vmem_shared>>
      tpu.wait_indirect_dma semaphore(%arg14 : memref<!tpu.dma_semaphore, #tpu.memory_space<semaphore_mem>>) src(%arg7 : memref<128x128xf32, #tpu.memory_space<vmem>>) dst(%dma_wait3A_362 : memref<10240x128xf32, #tpu.memory_space<vmem_shared>>)
      %dma_start3A_363 = arith.constant 6 : i32
      %dma_start3A_364 = arith.constant 0 : i32
      %dma_start3A_365 = tpu.memref_slice %arg5[%rem3A_207, %dma_start3A_363, %dma_start3A_364] : memref<2x16x128xi32, #tpu.memory_space<vmem>> -> memref<1x1x128xi32, #tpu.memory_space<vmem>>
      %dma_start3A_366 = tpu.memref_squeeze %dma_start3A_365 : memref<1x1x128xi32, #tpu.memory_space<vmem>> -> memref<128xi32, #tpu.memory_space<vmem>>
      %dma_start3A_367 = arith.constant 0 : i32
      %dma_start3A_368 = arith.constant 0 : i32
      %dma_start3A_369 = tpu.memref_slice %arg3[%dma_start3A_367, %dma_start3A_368] : memref<10000x128xf32, #tpu.memory_space<hbm>> -> memref<10000x128xf32, #tpu.memory_space<hbm>>
      tpu.enqueue_indirect_dma source(%dma_start3A_369 : memref<10000x128xf32, #tpu.memory_space<hbm>>) target(%arg7 : memref<128x128xf32, #tpu.memory_space<vmem>>) offsets(%dma_start3A_366 : memref<128xi32, #tpu.memory_space<vmem>>) semaphore(%arg12 : memref<!tpu.dma_semaphore, #tpu.memory_space<semaphore_mem>>)
      %dma_wait3A_370 = arith.constant 0 : i32
      %dma_wait3A_371 = arith.constant 0 : i32
      %dma_wait3A_372 = arith.constant 0 : i32
      %dma_wait3A_373 = tpu.memref_slice %arg5[%dma_wait3A_370, %dma_wait3A_371, %dma_wait3A_372] : memref<2x16x128xi32, #tpu.memory_space<vmem>> -> memref<1x1x128xi32, #tpu.memory_space<vmem>>
      %dma_wait3A_374 = tpu.memref_squeeze %dma_wait3A_373 : memref<1x1x128xi32, #tpu.memory_space<vmem>> -> memref<128xi32, #tpu.memory_space<vmem>>
      %dma_wait3A_375 = arith.constant 0 : i32
      %dma_wait3A_376 = arith.constant 0 : i32
      %dma_wait3A_377 = tpu.memref_slice %arg3[%dma_wait3A_375, %dma_wait3A_376] : memref<10000x128xf32, #tpu.memory_space<hbm>> -> memref<10000x128xf32, #tpu.memory_space<hbm>>
      tpu.wait_indirect_dma semaphore(%arg13 : memref<!tpu.dma_semaphore, #tpu.memory_space<semaphore_mem>>) src(%dma_wait3A_377 : memref<10000x128xf32, #tpu.memory_space<hbm>>) dst(%arg8 : memref<128x128xf32, #tpu.memory_space<vmem>>)
      %dma_start3A_378 = arith.constant 5 : i32
      %dma_start3A_379 = arith.constant 0 : i32
      %dma_start3A_380 = tpu.memref_slice %arg6[%rem3A_207, %dma_start3A_378, %dma_start3A_379] : memref<2x16x128xi32, #tpu.memory_space<vmem>> -> memref<1x1x128xi32, #tpu.memory_space<vmem>>
      %dma_start3A_381 = tpu.memref_squeeze %dma_start3A_380 : memref<1x1x128xi32, #tpu.memory_space<vmem>> -> memref<128xi32, #tpu.memory_space<vmem>>
      %dma_start3A_382 = arith.constant 0 : i32
      %dma_start3A_383 = arith.constant 0 : i32
      %dma_start3A_384 = tpu.memref_slice %arg9[%dma_start3A_382, %dma_start3A_383] : memref<10240x128xf32, #tpu.memory_space<vmem_shared>> -> memref<10240x128xf32, #tpu.memory_space<vmem_shared>>
      tpu.enqueue_indirect_dma source(%arg8 : memref<128x128xf32, #tpu.memory_space<vmem>>) target(%dma_start3A_384 : memref<10240x128xf32, #tpu.memory_space<vmem_shared>>) offsets(%dma_start3A_381 : memref<128xi32, #tpu.memory_space<vmem>>) semaphore(%arg15 : memref<!tpu.dma_semaphore, #tpu.memory_space<semaphore_mem>>) {add = true}
      %dma_wait3A_385 = arith.constant 0 : i32
      %dma_wait3A_386 = arith.constant 0 : i32
      %dma_wait3A_387 = arith.constant 0 : i32
      %dma_wait3A_388 = tpu.memref_slice %arg6[%dma_wait3A_385, %dma_wait3A_386, %dma_wait3A_387] : memref<2x16x128xi32, #tpu.memory_space<vmem>> -> memref<1x1x128xi32, #tpu.memory_space<vmem>>
      %dma_wait3A_389 = tpu.memref_squeeze %dma_wait3A_388 : memref<1x1x128xi32, #tpu.memory_space<vmem>> -> memref<128xi32, #tpu.memory_space<vmem>>
      %dma_wait3A_390 = arith.constant 0 : i32
      %dma_wait3A_391 = arith.constant 0 : i32
      %dma_wait3A_392 = tpu.memref_slice %arg9[%dma_wait3A_390, %dma_wait3A_391] : memref<10240x128xf32, #tpu.memory_space<vmem_shared>> -> memref<10240x128xf32, #tpu.memory_space<vmem_shared>>
      tpu.wait_indirect_dma semaphore(%arg15 : memref<!tpu.dma_semaphore, #tpu.memory_space<semaphore_mem>>) src(%arg8 : memref<128x128xf32, #tpu.memory_space<vmem>>) dst(%dma_wait3A_392 : memref<10240x128xf32, #tpu.memory_space<vmem_shared>>)
      %dma_start3A_393 = arith.constant 7 : i32
      %dma_start3A_394 = arith.constant 0 : i32
      %dma_start3A_395 = tpu.memref_slice %arg5[%rem3A_207, %dma_start3A_393, %dma_start3A_394] : memref<2x16x128xi32, #tpu.memory_space<vmem>> -> memref<1x1x128xi32, #tpu.memory_space<vmem>>
      %dma_start3A_396 = tpu.memref_squeeze %dma_start3A_395 : memref<1x1x128xi32, #tpu.memory_space<vmem>> -> memref<128xi32, #tpu.memory_space<vmem>>
      %dma_start3A_397 = arith.constant 0 : i32
      %dma_start3A_398 = arith.constant 0 : i32
      %dma_start3A_399 = tpu.memref_slice %arg3[%dma_start3A_397, %dma_start3A_398] : memref<10000x128xf32, #tpu.memory_space<hbm>> -> memref<10000x128xf32, #tpu.memory_space<hbm>>
      tpu.enqueue_indirect_dma source(%dma_start3A_399 : memref<10000x128xf32, #tpu.memory_space<hbm>>) target(%arg8 : memref<128x128xf32, #tpu.memory_space<vmem>>) offsets(%dma_start3A_396 : memref<128xi32, #tpu.memory_space<vmem>>) semaphore(%arg13 : memref<!tpu.dma_semaphore, #tpu.memory_space<semaphore_mem>>)
      %dma_wait3A_400 = arith.constant 0 : i32
      %dma_wait3A_401 = arith.constant 0 : i32
      %dma_wait3A_402 = arith.constant 0 : i32
      %dma_wait3A_403 = tpu.memref_slice %arg5[%dma_wait3A_400, %dma_wait3A_401, %dma_wait3A_402] : memref<2x16x128xi32, #tpu.memory_space<vmem>> -> memref<1x1x128xi32, #tpu.memory_space<vmem>>
      %dma_wait3A_404 = tpu.memref_squeeze %dma_wait3A_403 : memref<1x1x128xi32, #tpu.memory_space<vmem>> -> memref<128xi32, #tpu.memory_space<vmem>>
      %dma_wait3A_405 = arith.constant 0 : i32
      %dma_wait3A_406 = arith.constant 0 : i32
      %dma_wait3A_407 = tpu.memref_slice %arg3[%dma_wait3A_405, %dma_wait3A_406] : memref<10000x128xf32, #tpu.memory_space<hbm>> -> memref<10000x128xf32, #tpu.memory_space<hbm>>
      tpu.wait_indirect_dma semaphore(%arg12 : memref<!tpu.dma_semaphore, #tpu.memory_space<semaphore_mem>>) src(%dma_wait3A_407 : memref<10000x128xf32, #tpu.memory_space<hbm>>) dst(%arg7 : memref<128x128xf32, #tpu.memory_space<vmem>>)
      %dma_start3A_408 = arith.constant 6 : i32
      %dma_start3A_409 = arith.constant 0 : i32
      %dma_start3A_410 = tpu.memref_slice %arg6[%rem3A_207, %dma_start3A_408, %dma_start3A_409] : memref<2x16x128xi32, #tpu.memory_space<vmem>> -> memref<1x1x128xi32, #tpu.memory_space<vmem>>
      %dma_start3A_411 = tpu.memref_squeeze %dma_start3A_410 : memref<1x1x128xi32, #tpu.memory_space<vmem>> -> memref<128xi32, #tpu.memory_space<vmem>>
      %dma_start3A_412 = arith.constant 0 : i32
      %dma_start3A_413 = arith.constant 0 : i32
      %dma_start3A_414 = tpu.memref_slice %arg9[%dma_start3A_412, %dma_start3A_413] : memref<10240x128xf32, #tpu.memory_space<vmem_shared>> -> memref<10240x128xf32, #tpu.memory_space<vmem_shared>>
      tpu.enqueue_indirect_dma source(%arg7 : memref<128x128xf32, #tpu.memory_space<vmem>>) target(%dma_start3A_414 : memref<10240x128xf32, #tpu.memory_space<vmem_shared>>) offsets(%dma_start3A_411 : memref<128xi32, #tpu.memory_space<vmem>>) semaphore(%arg14 : memref<!tpu.dma_semaphore, #tpu.memory_space<semaphore_mem>>) {add = true}
      %dma_wait3A_415 = arith.constant 0 : i32
      %dma_wait3A_416 = arith.constant 0 : i32
      %dma_wait3A_417 = arith.constant 0 : i32
      %dma_wait3A_418 = tpu.memref_slice %arg6[%dma_wait3A_415, %dma_wait3A_416, %dma_wait3A_417] : memref<2x16x128xi32, #tpu.memory_space<vmem>> -> memref<1x1x128xi32, #tpu.memory_space<vmem>>
      %dma_wait3A_419 = tpu.memref_squeeze %dma_wait3A_418 : memref<1x1x128xi32, #tpu.memory_space<vmem>> -> memref<128xi32, #tpu.memory_space<vmem>>
      %dma_wait3A_420 = arith.constant 0 : i32
      %dma_wait3A_421 = arith.constant 0 : i32
      %dma_wait3A_422 = tpu.memref_slice %arg9[%dma_wait3A_420, %dma_wait3A_421] : memref<10240x128xf32, #tpu.memory_space<vmem_shared>> -> memref<10240x128xf32, #tpu.memory_space<vmem_shared>>
      tpu.wait_indirect_dma semaphore(%arg14 : memref<!tpu.dma_semaphore, #tpu.memory_space<semaphore_mem>>) src(%arg7 : memref<128x128xf32, #tpu.memory_space<vmem>>) dst(%dma_wait3A_422 : memref<10240x128xf32, #tpu.memory_space<vmem_shared>>)
      %dma_start3A_423 = arith.constant 8 : i32
      %dma_start3A_424 = arith.constant 0 : i32
      %dma_start3A_425 = tpu.memref_slice %arg5[%rem3A_207, %dma_start3A_423, %dma_start3A_424] : memref<2x16x128xi32, #tpu.memory_space<vmem>> -> memref<1x1x128xi32, #tpu.memory_space<vmem>>
      %dma_start3A_426 = tpu.memref_squeeze %dma_start3A_425 : memref<1x1x128xi32, #tpu.memory_space<vmem>> -> memref<128xi32, #tpu.memory_space<vmem>>
      %dma_start3A_427 = arith.constant 0 : i32
      %dma_start3A_428 = arith.constant 0 : i32
      %dma_start3A_429 = tpu.memref_slice %arg3[%dma_start3A_427, %dma_start3A_428] : memref<10000x128xf32, #tpu.memory_space<hbm>> -> memref<10000x128xf32, #tpu.memory_space<hbm>>
      tpu.enqueue_indirect_dma source(%dma_start3A_429 : memref<10000x128xf32, #tpu.memory_space<hbm>>) target(%arg7 : memref<128x128xf32, #tpu.memory_space<vmem>>) offsets(%dma_start3A_426 : memref<128xi32, #tpu.memory_space<vmem>>) semaphore(%arg12 : memref<!tpu.dma_semaphore, #tpu.memory_space<semaphore_mem>>)
      %dma_wait3A_430 = arith.constant 0 : i32
      %dma_wait3A_431 = arith.constant 0 : i32
      %dma_wait3A_432 = arith.constant 0 : i32
      %dma_wait3A_433 = tpu.memref_slice %arg5[%dma_wait3A_430, %dma_wait3A_431, %dma_wait3A_432] : memref<2x16x128xi32, #tpu.memory_space<vmem>> -> memref<1x1x128xi32, #tpu.memory_space<vmem>>
      %dma_wait3A_434 = tpu.memref_squeeze %dma_wait3A_433 : memref<1x1x128xi32, #tpu.memory_space<vmem>> -> memref<128xi32, #tpu.memory_space<vmem>>
      %dma_wait3A_435 = arith.constant 0 : i32
      %dma_wait3A_436 = arith.constant 0 : i32
      %dma_wait3A_437 = tpu.memref_slice %arg3[%dma_wait3A_435, %dma_wait3A_436] : memref<10000x128xf32, #tpu.memory_space<hbm>> -> memref<10000x128xf32, #tpu.memory_space<hbm>>
      tpu.wait_indirect_dma semaphore(%arg13 : memref<!tpu.dma_semaphore, #tpu.memory_space<semaphore_mem>>) src(%dma_wait3A_437 : memref<10000x128xf32, #tpu.memory_space<hbm>>) dst(%arg8 : memref<128x128xf32, #tpu.memory_space<vmem>>)
      %dma_start3A_438 = arith.constant 7 : i32
      %dma_start3A_439 = arith.constant 0 : i32
      %dma_start3A_440 = tpu.memref_slice %arg6[%rem3A_207, %dma_start3A_438, %dma_start3A_439] : memref<2x16x128xi32, #tpu.memory_space<vmem>> -> memref<1x1x128xi32, #tpu.memory_space<vmem>>
      %dma_start3A_441 = tpu.memref_squeeze %dma_start3A_440 : memref<1x1x128xi32, #tpu.memory_space<vmem>> -> memref<128xi32, #tpu.memory_space<vmem>>
      %dma_start3A_442 = arith.constant 0 : i32
      %dma_start3A_443 = arith.constant 0 : i32
      %dma_start3A_444 = tpu.memref_slice %arg9[%dma_start3A_442, %dma_start3A_443] : memref<10240x128xf32, #tpu.memory_space<vmem_shared>> -> memref<10240x128xf32, #tpu.memory_space<vmem_shared>>
      tpu.enqueue_indirect_dma source(%arg8 : memref<128x128xf32, #tpu.memory_space<vmem>>) target(%dma_start3A_444 : memref<10240x128xf32, #tpu.memory_space<vmem_shared>>) offsets(%dma_start3A_441 : memref<128xi32, #tpu.memory_space<vmem>>) semaphore(%arg15 : memref<!tpu.dma_semaphore, #tpu.memory_space<semaphore_mem>>) {add = true}
      %dma_wait3A_445 = arith.constant 0 : i32
      %dma_wait3A_446 = arith.constant 0 : i32
      %dma_wait3A_447 = arith.constant 0 : i32
      %dma_wait3A_448 = tpu.memref_slice %arg6[%dma_wait3A_445, %dma_wait3A_446, %dma_wait3A_447] : memref<2x16x128xi32, #tpu.memory_space<vmem>> -> memref<1x1x128xi32, #tpu.memory_space<vmem>>
      %dma_wait3A_449 = tpu.memref_squeeze %dma_wait3A_448 : memref<1x1x128xi32, #tpu.memory_space<vmem>> -> memref<128xi32, #tpu.memory_space<vmem>>
      %dma_wait3A_450 = arith.constant 0 : i32
      %dma_wait3A_451 = arith.constant 0 : i32
      %dma_wait3A_452 = tpu.memref_slice %arg9[%dma_wait3A_450, %dma_wait3A_451] : memref<10240x128xf32, #tpu.memory_space<vmem_shared>> -> memref<10240x128xf32, #tpu.memory_space<vmem_shared>>
      tpu.wait_indirect_dma semaphore(%arg15 : memref<!tpu.dma_semaphore, #tpu.memory_space<semaphore_mem>>) src(%arg8 : memref<128x128xf32, #tpu.memory_space<vmem>>) dst(%dma_wait3A_452 : memref<10240x128xf32, #tpu.memory_space<vmem_shared>>)
      %dma_start3A_453 = arith.constant 9 : i32
      %dma_start3A_454 = arith.constant 0 : i32
      %dma_start3A_455 = tpu.memref_slice %arg5[%rem3A_207, %dma_start3A_453, %dma_start3A_454] : memref<2x16x128xi32, #tpu.memory_space<vmem>> -> memref<1x1x128xi32, #tpu.memory_space<vmem>>
      %dma_start3A_456 = tpu.memref_squeeze %dma_start3A_455 : memref<1x1x128xi32, #tpu.memory_space<vmem>> -> memref<128xi32, #tpu.memory_space<vmem>>
      %dma_start3A_457 = arith.constant 0 : i32
      %dma_start3A_458 = arith.constant 0 : i32
      %dma_start3A_459 = tpu.memref_slice %arg3[%dma_start3A_457, %dma_start3A_458] : memref<10000x128xf32, #tpu.memory_space<hbm>> -> memref<10000x128xf32, #tpu.memory_space<hbm>>
      tpu.enqueue_indirect_dma source(%dma_start3A_459 : memref<10000x128xf32, #tpu.memory_space<hbm>>) target(%arg8 : memref<128x128xf32, #tpu.memory_space<vmem>>) offsets(%dma_start3A_456 : memref<128xi32, #tpu.memory_space<vmem>>) semaphore(%arg13 : memref<!tpu.dma_semaphore, #tpu.memory_space<semaphore_mem>>)
      %dma_wait3A_460 = arith.constant 0 : i32
      %dma_wait3A_461 = arith.constant 0 : i32
      %dma_wait3A_462 = arith.constant 0 : i32
      %dma_wait3A_463 = tpu.memref_slice %arg5[%dma_wait3A_460, %dma_wait3A_461, %dma_wait3A_462] : memref<2x16x128xi32, #tpu.memory_space<vmem>> -> memref<1x1x128xi32, #tpu.memory_space<vmem>>
      %dma_wait3A_464 = tpu.memref_squeeze %dma_wait3A_463 : memref<1x1x128xi32, #tpu.memory_space<vmem>> -> memref<128xi32, #tpu.memory_space<vmem>>
      %dma_wait3A_465 = arith.constant 0 : i32
      %dma_wait3A_466 = arith.constant 0 : i32
      %dma_wait3A_467 = tpu.memref_slice %arg3[%dma_wait3A_465, %dma_wait3A_466] : memref<10000x128xf32, #tpu.memory_space<hbm>> -> memref<10000x128xf32, #tpu.memory_space<hbm>>
      tpu.wait_indirect_dma semaphore(%arg12 : memref<!tpu.dma_semaphore, #tpu.memory_space<semaphore_mem>>) src(%dma_wait3A_467 : memref<10000x128xf32, #tpu.memory_space<hbm>>) dst(%arg7 : memref<128x128xf32, #tpu.memory_space<vmem>>)
      %dma_start3A_468 = arith.constant 8 : i32
      %dma_start3A_469 = arith.constant 0 : i32
      %dma_start3A_470 = tpu.memref_slice %arg6[%rem3A_207, %dma_start3A_468, %dma_start3A_469] : memref<2x16x128xi32, #tpu.memory_space<vmem>> -> memref<1x1x128xi32, #tpu.memory_space<vmem>>
      %dma_start3A_471 = tpu.memref_squeeze %dma_start3A_470 : memref<1x1x128xi32, #tpu.memory_space<vmem>> -> memref<128xi32, #tpu.memory_space<vmem>>
      %dma_start3A_472 = arith.constant 0 : i32
      %dma_start3A_473 = arith.constant 0 : i32
      %dma_start3A_474 = tpu.memref_slice %arg9[%dma_start3A_472, %dma_start3A_473] : memref<10240x128xf32, #tpu.memory_space<vmem_shared>> -> memref<10240x128xf32, #tpu.memory_space<vmem_shared>>
      tpu.enqueue_indirect_dma source(%arg7 : memref<128x128xf32, #tpu.memory_space<vmem>>) target(%dma_start3A_474 : memref<10240x128xf32, #tpu.memory_space<vmem_shared>>) offsets(%dma_start3A_471 : memref<128xi32, #tpu.memory_space<vmem>>) semaphore(%arg14 : memref<!tpu.dma_semaphore, #tpu.memory_space<semaphore_mem>>) {add = true}
      %dma_wait3A_475 = arith.constant 0 : i32
      %dma_wait3A_476 = arith.constant 0 : i32
      %dma_wait3A_477 = arith.constant 0 : i32
      %dma_wait3A_478 = tpu.memref_slice %arg6[%dma_wait3A_475, %dma_wait3A_476, %dma_wait3A_477] : memref<2x16x128xi32, #tpu.memory_space<vmem>> -> memref<1x1x128xi32, #tpu.memory_space<vmem>>
      %dma_wait3A_479 = tpu.memref_squeeze %dma_wait3A_478 : memref<1x1x128xi32, #tpu.memory_space<vmem>> -> memref<128xi32, #tpu.memory_space<vmem>>
      %dma_wait3A_480 = arith.constant 0 : i32
      %dma_wait3A_481 = arith.constant 0 : i32
      %dma_wait3A_482 = tpu.memref_slice %arg9[%dma_wait3A_480, %dma_wait3A_481] : memref<10240x128xf32, #tpu.memory_space<vmem_shared>> -> memref<10240x128xf32, #tpu.memory_space<vmem_shared>>
      tpu.wait_indirect_dma semaphore(%arg14 : memref<!tpu.dma_semaphore, #tpu.memory_space<semaphore_mem>>) src(%arg7 : memref<128x128xf32, #tpu.memory_space<vmem>>) dst(%dma_wait3A_482 : memref<10240x128xf32, #tpu.memory_space<vmem_shared>>)
      %dma_start3A_483 = arith.constant 10 : i32
      %dma_start3A_484 = arith.constant 0 : i32
      %dma_start3A_485 = tpu.memref_slice %arg5[%rem3A_207, %dma_start3A_483, %dma_start3A_484] : memref<2x16x128xi32, #tpu.memory_space<vmem>> -> memref<1x1x128xi32, #tpu.memory_space<vmem>>
      %dma_start3A_486 = tpu.memref_squeeze %dma_start3A_485 : memref<1x1x128xi32, #tpu.memory_space<vmem>> -> memref<128xi32, #tpu.memory_space<vmem>>
      %dma_start3A_487 = arith.constant 0 : i32
      %dma_start3A_488 = arith.constant 0 : i32
      %dma_start3A_489 = tpu.memref_slice %arg3[%dma_start3A_487, %dma_start3A_488] : memref<10000x128xf32, #tpu.memory_space<hbm>> -> memref<10000x128xf32, #tpu.memory_space<hbm>>
      tpu.enqueue_indirect_dma source(%dma_start3A_489 : memref<10000x128xf32, #tpu.memory_space<hbm>>) target(%arg7 : memref<128x128xf32, #tpu.memory_space<vmem>>) offsets(%dma_start3A_486 : memref<128xi32, #tpu.memory_space<vmem>>) semaphore(%arg12 : memref<!tpu.dma_semaphore, #tpu.memory_space<semaphore_mem>>)
      %dma_wait3A_490 = arith.constant 0 : i32
      %dma_wait3A_491 = arith.constant 0 : i32
      %dma_wait3A_492 = arith.constant 0 : i32
      %dma_wait3A_493 = tpu.memref_slice %arg5[%dma_wait3A_490, %dma_wait3A_491, %dma_wait3A_492] : memref<2x16x128xi32, #tpu.memory_space<vmem>> -> memref<1x1x128xi32, #tpu.memory_space<vmem>>
      %dma_wait3A_494 = tpu.memref_squeeze %dma_wait3A_493 : memref<1x1x128xi32, #tpu.memory_space<vmem>> -> memref<128xi32, #tpu.memory_space<vmem>>
      %dma_wait3A_495 = arith.constant 0 : i32
      %dma_wait3A_496 = arith.constant 0 : i32
      %dma_wait3A_497 = tpu.memref_slice %arg3[%dma_wait3A_495, %dma_wait3A_496] : memref<10000x128xf32, #tpu.memory_space<hbm>> -> memref<10000x128xf32, #tpu.memory_space<hbm>>
      tpu.wait_indirect_dma semaphore(%arg13 : memref<!tpu.dma_semaphore, #tpu.memory_space<semaphore_mem>>) src(%dma_wait3A_497 : memref<10000x128xf32, #tpu.memory_space<hbm>>) dst(%arg8 : memref<128x128xf32, #tpu.memory_space<vmem>>)
      %dma_start3A_498 = arith.constant 9 : i32
      %dma_start3A_499 = arith.constant 0 : i32
      %dma_start3A_500 = tpu.memref_slice %arg6[%rem3A_207, %dma_start3A_498, %dma_start3A_499] : memref<2x16x128xi32, #tpu.memory_space<vmem>> -> memref<1x1x128xi32, #tpu.memory_space<vmem>>
      %dma_start3A_501 = tpu.memref_squeeze %dma_start3A_500 : memref<1x1x128xi32, #tpu.memory_space<vmem>> -> memref<128xi32, #tpu.memory_space<vmem>>
      %dma_start3A_502 = arith.constant 0 : i32
      %dma_start3A_503 = arith.constant 0 : i32
      %dma_start3A_504 = tpu.memref_slice %arg9[%dma_start3A_502, %dma_start3A_503] : memref<10240x128xf32, #tpu.memory_space<vmem_shared>> -> memref<10240x128xf32, #tpu.memory_space<vmem_shared>>
      tpu.enqueue_indirect_dma source(%arg8 : memref<128x128xf32, #tpu.memory_space<vmem>>) target(%dma_start3A_504 : memref<10240x128xf32, #tpu.memory_space<vmem_shared>>) offsets(%dma_start3A_501 : memref<128xi32, #tpu.memory_space<vmem>>) semaphore(%arg15 : memref<!tpu.dma_semaphore, #tpu.memory_space<semaphore_mem>>) {add = true}
      %dma_wait3A_505 = arith.constant 0 : i32
      %dma_wait3A_506 = arith.constant 0 : i32
      %dma_wait3A_507 = arith.constant 0 : i32
      %dma_wait3A_508 = tpu.memref_slice %arg6[%dma_wait3A_505, %dma_wait3A_506, %dma_wait3A_507] : memref<2x16x128xi32, #tpu.memory_space<vmem>> -> memref<1x1x128xi32, #tpu.memory_space<vmem>>
      %dma_wait3A_509 = tpu.memref_squeeze %dma_wait3A_508 : memref<1x1x128xi32, #tpu.memory_space<vmem>> -> memref<128xi32, #tpu.memory_space<vmem>>
      %dma_wait3A_510 = arith.constant 0 : i32
      %dma_wait3A_511 = arith.constant 0 : i32
      %dma_wait3A_512 = tpu.memref_slice %arg9[%dma_wait3A_510, %dma_wait3A_511] : memref<10240x128xf32, #tpu.memory_space<vmem_shared>> -> memref<10240x128xf32, #tpu.memory_space<vmem_shared>>
      tpu.wait_indirect_dma semaphore(%arg15 : memref<!tpu.dma_semaphore, #tpu.memory_space<semaphore_mem>>) src(%arg8 : memref<128x128xf32, #tpu.memory_space<vmem>>) dst(%dma_wait3A_512 : memref<10240x128xf32, #tpu.memory_space<vmem_shared>>)
      %dma_start3A_513 = arith.constant 11 : i32
      %dma_start3A_514 = arith.constant 0 : i32
      %dma_start3A_515 = tpu.memref_slice %arg5[%rem3A_207, %dma_start3A_513, %dma_start3A_514] : memref<2x16x128xi32, #tpu.memory_space<vmem>> -> memref<1x1x128xi32, #tpu.memory_space<vmem>>
      %dma_start3A_516 = tpu.memref_squeeze %dma_start3A_515 : memref<1x1x128xi32, #tpu.memory_space<vmem>> -> memref<128xi32, #tpu.memory_space<vmem>>
      %dma_start3A_517 = arith.constant 0 : i32
      %dma_start3A_518 = arith.constant 0 : i32
      %dma_start3A_519 = tpu.memref_slice %arg3[%dma_start3A_517, %dma_start3A_518] : memref<10000x128xf32, #tpu.memory_space<hbm>> -> memref<10000x128xf32, #tpu.memory_space<hbm>>
      tpu.enqueue_indirect_dma source(%dma_start3A_519 : memref<10000x128xf32, #tpu.memory_space<hbm>>) target(%arg8 : memref<128x128xf32, #tpu.memory_space<vmem>>) offsets(%dma_start3A_516 : memref<128xi32, #tpu.memory_space<vmem>>) semaphore(%arg13 : memref<!tpu.dma_semaphore, #tpu.memory_space<semaphore_mem>>)
      %dma_wait3A_520 = arith.constant 0 : i32
      %dma_wait3A_521 = arith.constant 0 : i32
      %dma_wait3A_522 = arith.constant 0 : i32
      %dma_wait3A_523 = tpu.memref_slice %arg5[%dma_wait3A_520, %dma_wait3A_521, %dma_wait3A_522] : memref<2x16x128xi32, #tpu.memory_space<vmem>> -> memref<1x1x128xi32, #tpu.memory_space<vmem>>
      %dma_wait3A_524 = tpu.memref_squeeze %dma_wait3A_523 : memref<1x1x128xi32, #tpu.memory_space<vmem>> -> memref<128xi32, #tpu.memory_space<vmem>>
      %dma_wait3A_525 = arith.constant 0 : i32
      %dma_wait3A_526 = arith.constant 0 : i32
      %dma_wait3A_527 = tpu.memref_slice %arg3[%dma_wait3A_525, %dma_wait3A_526] : memref<10000x128xf32, #tpu.memory_space<hbm>> -> memref<10000x128xf32, #tpu.memory_space<hbm>>
      tpu.wait_indirect_dma semaphore(%arg12 : memref<!tpu.dma_semaphore, #tpu.memory_space<semaphore_mem>>) src(%dma_wait3A_527 : memref<10000x128xf32, #tpu.memory_space<hbm>>) dst(%arg7 : memref<128x128xf32, #tpu.memory_space<vmem>>)
      %dma_start3A_528 = arith.constant 10 : i32
      %dma_start3A_529 = arith.constant 0 : i32
      %dma_start3A_530 = tpu.memref_slice %arg6[%rem3A_207, %dma_start3A_528, %dma_start3A_529] : memref<2x16x128xi32, #tpu.memory_space<vmem>> -> memref<1x1x128xi32, #tpu.memory_space<vmem>>
      %dma_start3A_531 = tpu.memref_squeeze %dma_start3A_530 : memref<1x1x128xi32, #tpu.memory_space<vmem>> -> memref<128xi32, #tpu.memory_space<vmem>>
      %dma_start3A_532 = arith.constant 0 : i32
      %dma_start3A_533 = arith.constant 0 : i32
      %dma_start3A_534 = tpu.memref_slice %arg9[%dma_start3A_532, %dma_start3A_533] : memref<10240x128xf32, #tpu.memory_space<vmem_shared>> -> memref<10240x128xf32, #tpu.memory_space<vmem_shared>>
      tpu.enqueue_indirect_dma source(%arg7 : memref<128x128xf32, #tpu.memory_space<vmem>>) target(%dma_start3A_534 : memref<10240x128xf32, #tpu.memory_space<vmem_shared>>) offsets(%dma_start3A_531 : memref<128xi32, #tpu.memory_space<vmem>>) semaphore(%arg14 : memref<!tpu.dma_semaphore, #tpu.memory_space<semaphore_mem>>) {add = true}
      %dma_wait3A_535 = arith.constant 0 : i32
      %dma_wait3A_536 = arith.constant 0 : i32
      %dma_wait3A_537 = arith.constant 0 : i32
      %dma_wait3A_538 = tpu.memref_slice %arg6[%dma_wait3A_535, %dma_wait3A_536, %dma_wait3A_537] : memref<2x16x128xi32, #tpu.memory_space<vmem>> -> memref<1x1x128xi32, #tpu.memory_space<vmem>>
      %dma_wait3A_539 = tpu.memref_squeeze %dma_wait3A_538 : memref<1x1x128xi32, #tpu.memory_space<vmem>> -> memref<128xi32, #tpu.memory_space<vmem>>
      %dma_wait3A_540 = arith.constant 0 : i32
      %dma_wait3A_541 = arith.constant 0 : i32
      %dma_wait3A_542 = tpu.memref_slice %arg9[%dma_wait3A_540, %dma_wait3A_541] : memref<10240x128xf32, #tpu.memory_space<vmem_shared>> -> memref<10240x128xf32, #tpu.memory_space<vmem_shared>>
      tpu.wait_indirect_dma semaphore(%arg14 : memref<!tpu.dma_semaphore, #tpu.memory_space<semaphore_mem>>) src(%arg7 : memref<128x128xf32, #tpu.memory_space<vmem>>) dst(%dma_wait3A_542 : memref<10240x128xf32, #tpu.memory_space<vmem_shared>>)
      %dma_start3A_543 = arith.constant 12 : i32
      %dma_start3A_544 = arith.constant 0 : i32
      %dma_start3A_545 = tpu.memref_slice %arg5[%rem3A_207, %dma_start3A_543, %dma_start3A_544] : memref<2x16x128xi32, #tpu.memory_space<vmem>> -> memref<1x1x128xi32, #tpu.memory_space<vmem>>
      %dma_start3A_546 = tpu.memref_squeeze %dma_start3A_545 : memref<1x1x128xi32, #tpu.memory_space<vmem>> -> memref<128xi32, #tpu.memory_space<vmem>>
      %dma_start3A_547 = arith.constant 0 : i32
      %dma_start3A_548 = arith.constant 0 : i32
      %dma_start3A_549 = tpu.memref_slice %arg3[%dma_start3A_547, %dma_start3A_548] : memref<10000x128xf32, #tpu.memory_space<hbm>> -> memref<10000x128xf32, #tpu.memory_space<hbm>>
      tpu.enqueue_indirect_dma source(%dma_start3A_549 : memref<10000x128xf32, #tpu.memory_space<hbm>>) target(%arg7 : memref<128x128xf32, #tpu.memory_space<vmem>>) offsets(%dma_start3A_546 : memref<128xi32, #tpu.memory_space<vmem>>) semaphore(%arg12 : memref<!tpu.dma_semaphore, #tpu.memory_space<semaphore_mem>>)
      %dma_wait3A_550 = arith.constant 0 : i32
      %dma_wait3A_551 = arith.constant 0 : i32
      %dma_wait3A_552 = arith.constant 0 : i32
      %dma_wait3A_553 = tpu.memref_slice %arg5[%dma_wait3A_550, %dma_wait3A_551, %dma_wait3A_552] : memref<2x16x128xi32, #tpu.memory_space<vmem>> -> memref<1x1x128xi32, #tpu.memory_space<vmem>>
      %dma_wait3A_554 = tpu.memref_squeeze %dma_wait3A_553 : memref<1x1x128xi32, #tpu.memory_space<vmem>> -> memref<128xi32, #tpu.memory_space<vmem>>
      %dma_wait3A_555 = arith.constant 0 : i32
      %dma_wait3A_556 = arith.constant 0 : i32
      %dma_wait3A_557 = tpu.memref_slice %arg3[%dma_wait3A_555, %dma_wait3A_556] : memref<10000x128xf32, #tpu.memory_space<hbm>> -> memref<10000x128xf32, #tpu.memory_space<hbm>>
      tpu.wait_indirect_dma semaphore(%arg13 : memref<!tpu.dma_semaphore, #tpu.memory_space<semaphore_mem>>) src(%dma_wait3A_557 : memref<10000x128xf32, #tpu.memory_space<hbm>>) dst(%arg8 : memref<128x128xf32, #tpu.memory_space<vmem>>)
      %dma_start3A_558 = arith.constant 11 : i32
      %dma_start3A_559 = arith.constant 0 : i32
      %dma_start3A_560 = tpu.memref_slice %arg6[%rem3A_207, %dma_start3A_558, %dma_start3A_559] : memref<2x16x128xi32, #tpu.memory_space<vmem>> -> memref<1x1x128xi32, #tpu.memory_space<vmem>>
      %dma_start3A_561 = tpu.memref_squeeze %dma_start3A_560 : memref<1x1x128xi32, #tpu.memory_space<vmem>> -> memref<128xi32, #tpu.memory_space<vmem>>
      %dma_start3A_562 = arith.constant 0 : i32
      %dma_start3A_563 = arith.constant 0 : i32
      %dma_start3A_564 = tpu.memref_slice %arg9[%dma_start3A_562, %dma_start3A_563] : memref<10240x128xf32, #tpu.memory_space<vmem_shared>> -> memref<10240x128xf32, #tpu.memory_space<vmem_shared>>
      tpu.enqueue_indirect_dma source(%arg8 : memref<128x128xf32, #tpu.memory_space<vmem>>) target(%dma_start3A_564 : memref<10240x128xf32, #tpu.memory_space<vmem_shared>>) offsets(%dma_start3A_561 : memref<128xi32, #tpu.memory_space<vmem>>) semaphore(%arg15 : memref<!tpu.dma_semaphore, #tpu.memory_space<semaphore_mem>>) {add = true}
      %dma_wait3A_565 = arith.constant 0 : i32
      %dma_wait3A_566 = arith.constant 0 : i32
      %dma_wait3A_567 = arith.constant 0 : i32
      %dma_wait3A_568 = tpu.memref_slice %arg6[%dma_wait3A_565, %dma_wait3A_566, %dma_wait3A_567] : memref<2x16x128xi32, #tpu.memory_space<vmem>> -> memref<1x1x128xi32, #tpu.memory_space<vmem>>
      %dma_wait3A_569 = tpu.memref_squeeze %dma_wait3A_568 : memref<1x1x128xi32, #tpu.memory_space<vmem>> -> memref<128xi32, #tpu.memory_space<vmem>>
      %dma_wait3A_570 = arith.constant 0 : i32
      %dma_wait3A_571 = arith.constant 0 : i32
      %dma_wait3A_572 = tpu.memref_slice %arg9[%dma_wait3A_570, %dma_wait3A_571] : memref<10240x128xf32, #tpu.memory_space<vmem_shared>> -> memref<10240x128xf32, #tpu.memory_space<vmem_shared>>
      tpu.wait_indirect_dma semaphore(%arg15 : memref<!tpu.dma_semaphore, #tpu.memory_space<semaphore_mem>>) src(%arg8 : memref<128x128xf32, #tpu.memory_space<vmem>>) dst(%dma_wait3A_572 : memref<10240x128xf32, #tpu.memory_space<vmem_shared>>)
      %dma_start3A_573 = arith.constant 13 : i32
      %dma_start3A_574 = arith.constant 0 : i32
      %dma_start3A_575 = tpu.memref_slice %arg5[%rem3A_207, %dma_start3A_573, %dma_start3A_574] : memref<2x16x128xi32, #tpu.memory_space<vmem>> -> memref<1x1x128xi32, #tpu.memory_space<vmem>>
      %dma_start3A_576 = tpu.memref_squeeze %dma_start3A_575 : memref<1x1x128xi32, #tpu.memory_space<vmem>> -> memref<128xi32, #tpu.memory_space<vmem>>
      %dma_start3A_577 = arith.constant 0 : i32
      %dma_start3A_578 = arith.constant 0 : i32
      %dma_start3A_579 = tpu.memref_slice %arg3[%dma_start3A_577, %dma_start3A_578] : memref<10000x128xf32, #tpu.memory_space<hbm>> -> memref<10000x128xf32, #tpu.memory_space<hbm>>
      tpu.enqueue_indirect_dma source(%dma_start3A_579 : memref<10000x128xf32, #tpu.memory_space<hbm>>) target(%arg8 : memref<128x128xf32, #tpu.memory_space<vmem>>) offsets(%dma_start3A_576 : memref<128xi32, #tpu.memory_space<vmem>>) semaphore(%arg13 : memref<!tpu.dma_semaphore, #tpu.memory_space<semaphore_mem>>)
      %dma_wait3A_580 = arith.constant 0 : i32
      %dma_wait3A_581 = arith.constant 0 : i32
      %dma_wait3A_582 = arith.constant 0 : i32
      %dma_wait3A_583 = tpu.memref_slice %arg5[%dma_wait3A_580, %dma_wait3A_581, %dma_wait3A_582] : memref<2x16x128xi32, #tpu.memory_space<vmem>> -> memref<1x1x128xi32, #tpu.memory_space<vmem>>
      %dma_wait3A_584 = tpu.memref_squeeze %dma_wait3A_583 : memref<1x1x128xi32, #tpu.memory_space<vmem>> -> memref<128xi32, #tpu.memory_space<vmem>>
      %dma_wait3A_585 = arith.constant 0 : i32
      %dma_wait3A_586 = arith.constant 0 : i32
      %dma_wait3A_587 = tpu.memref_slice %arg3[%dma_wait3A_585, %dma_wait3A_586] : memref<10000x128xf32, #tpu.memory_space<hbm>> -> memref<10000x128xf32, #tpu.memory_space<hbm>>
      tpu.wait_indirect_dma semaphore(%arg12 : memref<!tpu.dma_semaphore, #tpu.memory_space<semaphore_mem>>) src(%dma_wait3A_587 : memref<10000x128xf32, #tpu.memory_space<hbm>>) dst(%arg7 : memref<128x128xf32, #tpu.memory_space<vmem>>)
      %dma_start3A_588 = arith.constant 12 : i32
      %dma_start3A_589 = arith.constant 0 : i32
      %dma_start3A_590 = tpu.memref_slice %arg6[%rem3A_207, %dma_start3A_588, %dma_start3A_589] : memref<2x16x128xi32, #tpu.memory_space<vmem>> -> memref<1x1x128xi32, #tpu.memory_space<vmem>>
      %dma_start3A_591 = tpu.memref_squeeze %dma_start3A_590 : memref<1x1x128xi32, #tpu.memory_space<vmem>> -> memref<128xi32, #tpu.memory_space<vmem>>
      %dma_start3A_592 = arith.constant 0 : i32
      %dma_start3A_593 = arith.constant 0 : i32
      %dma_start3A_594 = tpu.memref_slice %arg9[%dma_start3A_592, %dma_start3A_593] : memref<10240x128xf32, #tpu.memory_space<vmem_shared>> -> memref<10240x128xf32, #tpu.memory_space<vmem_shared>>
      tpu.enqueue_indirect_dma source(%arg7 : memref<128x128xf32, #tpu.memory_space<vmem>>) target(%dma_start3A_594 : memref<10240x128xf32, #tpu.memory_space<vmem_shared>>) offsets(%dma_start3A_591 : memref<128xi32, #tpu.memory_space<vmem>>) semaphore(%arg14 : memref<!tpu.dma_semaphore, #tpu.memory_space<semaphore_mem>>) {add = true}
      %dma_wait3A_595 = arith.constant 0 : i32
      %dma_wait3A_596 = arith.constant 0 : i32
      %dma_wait3A_597 = arith.constant 0 : i32
      %dma_wait3A_598 = tpu.memref_slice %arg6[%dma_wait3A_595, %dma_wait3A_596, %dma_wait3A_597] : memref<2x16x128xi32, #tpu.memory_space<vmem>> -> memref<1x1x128xi32, #tpu.memory_space<vmem>>
      %dma_wait3A_599 = tpu.memref_squeeze %dma_wait3A_598 : memref<1x1x128xi32, #tpu.memory_space<vmem>> -> memref<128xi32, #tpu.memory_space<vmem>>
      %dma_wait3A_600 = arith.constant 0 : i32
      %dma_wait3A_601 = arith.constant 0 : i32
      %dma_wait3A_602 = tpu.memref_slice %arg9[%dma_wait3A_600, %dma_wait3A_601] : memref<10240x128xf32, #tpu.memory_space<vmem_shared>> -> memref<10240x128xf32, #tpu.memory_space<vmem_shared>>
      tpu.wait_indirect_dma semaphore(%arg14 : memref<!tpu.dma_semaphore, #tpu.memory_space<semaphore_mem>>) src(%arg7 : memref<128x128xf32, #tpu.memory_space<vmem>>) dst(%dma_wait3A_602 : memref<10240x128xf32, #tpu.memory_space<vmem_shared>>)
      %dma_start3A_603 = arith.constant 14 : i32
      %dma_start3A_604 = arith.constant 0 : i32
      %dma_start3A_605 = tpu.memref_slice %arg5[%rem3A_207, %dma_start3A_603, %dma_start3A_604] : memref<2x16x128xi32, #tpu.memory_space<vmem>> -> memref<1x1x128xi32, #tpu.memory_space<vmem>>
      %dma_start3A_606 = tpu.memref_squeeze %dma_start3A_605 : memref<1x1x128xi32, #tpu.memory_space<vmem>> -> memref<128xi32, #tpu.memory_space<vmem>>
      %dma_start3A_607 = arith.constant 0 : i32
      %dma_start3A_608 = arith.constant 0 : i32
      %dma_start3A_609 = tpu.memref_slice %arg3[%dma_start3A_607, %dma_start3A_608] : memref<10000x128xf32, #tpu.memory_space<hbm>> -> memref<10000x128xf32, #tpu.memory_space<hbm>>
      tpu.enqueue_indirect_dma source(%dma_start3A_609 : memref<10000x128xf32, #tpu.memory_space<hbm>>) target(%arg7 : memref<128x128xf32, #tpu.memory_space<vmem>>) offsets(%dma_start3A_606 : memref<128xi32, #tpu.memory_space<vmem>>) semaphore(%arg12 : memref<!tpu.dma_semaphore, #tpu.memory_space<semaphore_mem>>)
      %dma_wait3A_610 = arith.constant 0 : i32
      %dma_wait3A_611 = arith.constant 0 : i32
      %dma_wait3A_612 = arith.constant 0 : i32
      %dma_wait3A_613 = tpu.memref_slice %arg5[%dma_wait3A_610, %dma_wait3A_611, %dma_wait3A_612] : memref<2x16x128xi32, #tpu.memory_space<vmem>> -> memref<1x1x128xi32, #tpu.memory_space<vmem>>
      %dma_wait3A_614 = tpu.memref_squeeze %dma_wait3A_613 : memref<1x1x128xi32, #tpu.memory_space<vmem>> -> memref<128xi32, #tpu.memory_space<vmem>>
      %dma_wait3A_615 = arith.constant 0 : i32
      %dma_wait3A_616 = arith.constant 0 : i32
      %dma_wait3A_617 = tpu.memref_slice %arg3[%dma_wait3A_615, %dma_wait3A_616] : memref<10000x128xf32, #tpu.memory_space<hbm>> -> memref<10000x128xf32, #tpu.memory_space<hbm>>
      tpu.wait_indirect_dma semaphore(%arg13 : memref<!tpu.dma_semaphore, #tpu.memory_space<semaphore_mem>>) src(%dma_wait3A_617 : memref<10000x128xf32, #tpu.memory_space<hbm>>) dst(%arg8 : memref<128x128xf32, #tpu.memory_space<vmem>>)
      %dma_start3A_618 = arith.constant 13 : i32
      %dma_start3A_619 = arith.constant 0 : i32
      %dma_start3A_620 = tpu.memref_slice %arg6[%rem3A_207, %dma_start3A_618, %dma_start3A_619] : memref<2x16x128xi32, #tpu.memory_space<vmem>> -> memref<1x1x128xi32, #tpu.memory_space<vmem>>
      %dma_start3A_621 = tpu.memref_squeeze %dma_start3A_620 : memref<1x1x128xi32, #tpu.memory_space<vmem>> -> memref<128xi32, #tpu.memory_space<vmem>>
      %dma_start3A_622 = arith.constant 0 : i32
      %dma_start3A_623 = arith.constant 0 : i32
      %dma_start3A_624 = tpu.memref_slice %arg9[%dma_start3A_622, %dma_start3A_623] : memref<10240x128xf32, #tpu.memory_space<vmem_shared>> -> memref<10240x128xf32, #tpu.memory_space<vmem_shared>>
      tpu.enqueue_indirect_dma source(%arg8 : memref<128x128xf32, #tpu.memory_space<vmem>>) target(%dma_start3A_624 : memref<10240x128xf32, #tpu.memory_space<vmem_shared>>) offsets(%dma_start3A_621 : memref<128xi32, #tpu.memory_space<vmem>>) semaphore(%arg15 : memref<!tpu.dma_semaphore, #tpu.memory_space<semaphore_mem>>) {add = true}
      %dma_wait3A_625 = arith.constant 0 : i32
      %dma_wait3A_626 = arith.constant 0 : i32
      %dma_wait3A_627 = arith.constant 0 : i32
      %dma_wait3A_628 = tpu.memref_slice %arg6[%dma_wait3A_625, %dma_wait3A_626, %dma_wait3A_627] : memref<2x16x128xi32, #tpu.memory_space<vmem>> -> memref<1x1x128xi32, #tpu.memory_space<vmem>>
      %dma_wait3A_629 = tpu.memref_squeeze %dma_wait3A_628 : memref<1x1x128xi32, #tpu.memory_space<vmem>> -> memref<128xi32, #tpu.memory_space<vmem>>
      %dma_wait3A_630 = arith.constant 0 : i32
      %dma_wait3A_631 = arith.constant 0 : i32
      %dma_wait3A_632 = tpu.memref_slice %arg9[%dma_wait3A_630, %dma_wait3A_631] : memref<10240x128xf32, #tpu.memory_space<vmem_shared>> -> memref<10240x128xf32, #tpu.memory_space<vmem_shared>>
      tpu.wait_indirect_dma semaphore(%arg15 : memref<!tpu.dma_semaphore, #tpu.memory_space<semaphore_mem>>) src(%arg8 : memref<128x128xf32, #tpu.memory_space<vmem>>) dst(%dma_wait3A_632 : memref<10240x128xf32, #tpu.memory_space<vmem_shared>>)
      %dma_start3A_633 = arith.constant 15 : i32
      %dma_start3A_634 = arith.constant 0 : i32
      %dma_start3A_635 = tpu.memref_slice %arg5[%rem3A_207, %dma_start3A_633, %dma_start3A_634] : memref<2x16x128xi32, #tpu.memory_space<vmem>> -> memref<1x1x128xi32, #tpu.memory_space<vmem>>
      %dma_start3A_636 = tpu.memref_squeeze %dma_start3A_635 : memref<1x1x128xi32, #tpu.memory_space<vmem>> -> memref<128xi32, #tpu.memory_space<vmem>>
      %dma_start3A_637 = arith.constant 0 : i32
      %dma_start3A_638 = arith.constant 0 : i32
      %dma_start3A_639 = tpu.memref_slice %arg3[%dma_start3A_637, %dma_start3A_638] : memref<10000x128xf32, #tpu.memory_space<hbm>> -> memref<10000x128xf32, #tpu.memory_space<hbm>>
      tpu.enqueue_indirect_dma source(%dma_start3A_639 : memref<10000x128xf32, #tpu.memory_space<hbm>>) target(%arg8 : memref<128x128xf32, #tpu.memory_space<vmem>>) offsets(%dma_start3A_636 : memref<128xi32, #tpu.memory_space<vmem>>) semaphore(%arg13 : memref<!tpu.dma_semaphore, #tpu.memory_space<semaphore_mem>>)
      %dma_wait3A_640 = arith.constant 0 : i32
      %dma_wait3A_641 = arith.constant 0 : i32
      %dma_wait3A_642 = arith.constant 0 : i32
      %dma_wait3A_643 = tpu.memref_slice %arg5[%dma_wait3A_640, %dma_wait3A_641, %dma_wait3A_642] : memref<2x16x128xi32, #tpu.memory_space<vmem>> -> memref<1x1x128xi32, #tpu.memory_space<vmem>>
      %dma_wait3A_644 = tpu.memref_squeeze %dma_wait3A_643 : memref<1x1x128xi32, #tpu.memory_space<vmem>> -> memref<128xi32, #tpu.memory_space<vmem>>
      %dma_wait3A_645 = arith.constant 0 : i32
      %dma_wait3A_646 = arith.constant 0 : i32
      %dma_wait3A_647 = tpu.memref_slice %arg3[%dma_wait3A_645, %dma_wait3A_646] : memref<10000x128xf32, #tpu.memory_space<hbm>> -> memref<10000x128xf32, #tpu.memory_space<hbm>>
      tpu.wait_indirect_dma semaphore(%arg12 : memref<!tpu.dma_semaphore, #tpu.memory_space<semaphore_mem>>) src(%dma_wait3A_647 : memref<10000x128xf32, #tpu.memory_space<hbm>>) dst(%arg7 : memref<128x128xf32, #tpu.memory_space<vmem>>)
      %dma_start3A_648 = arith.constant 14 : i32
      %dma_start3A_649 = arith.constant 0 : i32
      %dma_start3A_650 = tpu.memref_slice %arg6[%rem3A_207, %dma_start3A_648, %dma_start3A_649] : memref<2x16x128xi32, #tpu.memory_space<vmem>> -> memref<1x1x128xi32, #tpu.memory_space<vmem>>
      %dma_start3A_651 = tpu.memref_squeeze %dma_start3A_650 : memref<1x1x128xi32, #tpu.memory_space<vmem>> -> memref<128xi32, #tpu.memory_space<vmem>>
      %dma_start3A_652 = arith.constant 0 : i32
      %dma_start3A_653 = arith.constant 0 : i32
      %dma_start3A_654 = tpu.memref_slice %arg9[%dma_start3A_652, %dma_start3A_653] : memref<10240x128xf32, #tpu.memory_space<vmem_shared>> -> memref<10240x128xf32, #tpu.memory_space<vmem_shared>>
      tpu.enqueue_indirect_dma source(%arg7 : memref<128x128xf32, #tpu.memory_space<vmem>>) target(%dma_start3A_654 : memref<10240x128xf32, #tpu.memory_space<vmem_shared>>) offsets(%dma_start3A_651 : memref<128xi32, #tpu.memory_space<vmem>>) semaphore(%arg14 : memref<!tpu.dma_semaphore, #tpu.memory_space<semaphore_mem>>) {add = true}
      %dma_wait3A_655 = arith.constant 0 : i32
      %dma_wait3A_656 = arith.constant 0 : i32
      %dma_wait3A_657 = arith.constant 0 : i32
      %dma_wait3A_658 = tpu.memref_slice %arg5[%dma_wait3A_655, %dma_wait3A_656, %dma_wait3A_657] : memref<2x16x128xi32, #tpu.memory_space<vmem>> -> memref<1x1x128xi32, #tpu.memory_space<vmem>>
      %dma_wait3A_659 = tpu.memref_squeeze %dma_wait3A_658 : memref<1x1x128xi32, #tpu.memory_space<vmem>> -> memref<128xi32, #tpu.memory_space<vmem>>
      %dma_wait3A_660 = arith.constant 0 : i32
      %dma_wait3A_661 = arith.constant 0 : i32
      %dma_wait3A_662 = tpu.memref_slice %arg3[%dma_wait3A_660, %dma_wait3A_661] : memref<10000x128xf32, #tpu.memory_space<hbm>> -> memref<10000x128xf32, #tpu.memory_space<hbm>>
      tpu.wait_indirect_dma semaphore(%arg13 : memref<!tpu.dma_semaphore, #tpu.memory_space<semaphore_mem>>) src(%dma_wait3A_662 : memref<10000x128xf32, #tpu.memory_space<hbm>>) dst(%arg8 : memref<128x128xf32, #tpu.memory_space<vmem>>)
      %dma_start3A_663 = arith.constant 15 : i32
      %dma_start3A_664 = arith.constant 0 : i32
      %dma_start3A_665 = tpu.memref_slice %arg6[%rem3A_207, %dma_start3A_663, %dma_start3A_664] : memref<2x16x128xi32, #tpu.memory_space<vmem>> -> memref<1x1x128xi32, #tpu.memory_space<vmem>>
      %dma_start3A_666 = tpu.memref_squeeze %dma_start3A_665 : memref<1x1x128xi32, #tpu.memory_space<vmem>> -> memref<128xi32, #tpu.memory_space<vmem>>
      %dma_start3A_667 = arith.constant 0 : i32
      %dma_start3A_668 = arith.constant 0 : i32
      %dma_start3A_669 = tpu.memref_slice %arg9[%dma_start3A_667, %dma_start3A_668] : memref<10240x128xf32, #tpu.memory_space<vmem_shared>> -> memref<10240x128xf32, #tpu.memory_space<vmem_shared>>
      tpu.enqueue_indirect_dma source(%arg8 : memref<128x128xf32, #tpu.memory_space<vmem>>) target(%dma_start3A_669 : memref<10240x128xf32, #tpu.memory_space<vmem_shared>>) offsets(%dma_start3A_666 : memref<128xi32, #tpu.memory_space<vmem>>) semaphore(%arg15 : memref<!tpu.dma_semaphore, #tpu.memory_space<semaphore_mem>>) {add = true}
    }
    %scan3A_184 = arith.constant 5 : i32
    %dma_wait3A_185 = arith.constant 0 : i32
    %dma_wait3A_186 = arith.constant 0 : i32
    %dma_wait3A_187 = arith.constant 0 : i32
    %dma_wait3A_188 = tpu.memref_slice %arg6[%dma_wait3A_185, %dma_wait3A_186, %dma_wait3A_187] : memref<2x16x128xi32, #tpu.memory_space<vmem>> -> memref<1x1x128xi32, #tpu.memory_space<vmem>>
    %dma_wait3A_189 = tpu.memref_squeeze %dma_wait3A_188 : memref<1x1x128xi32, #tpu.memory_space<vmem>> -> memref<128xi32, #tpu.memory_space<vmem>>
    %dma_wait3A_190 = arith.constant 0 : i32
    %dma_wait3A_191 = arith.constant 0 : i32
    %dma_wait3A_192 = tpu.memref_slice %arg9[%dma_wait3A_190, %dma_wait3A_191] : memref<10240x128xf32, #tpu.memory_space<vmem_shared>> -> memref<10240x128xf32, #tpu.memory_space<vmem_shared>>
    tpu.wait_indirect_dma semaphore(%arg14 : memref<!tpu.dma_semaphore, #tpu.memory_space<semaphore_mem>>) src(%arg7 : memref<128x128xf32, #tpu.memory_space<vmem>>) dst(%dma_wait3A_192 : memref<10240x128xf32, #tpu.memory_space<vmem_shared>>)
    %dma_wait3A_193 = arith.constant 0 : i32
    %dma_wait3A_194 = arith.constant 0 : i32
    %dma_wait3A_195 = arith.constant 0 : i32
    %dma_wait3A_196 = tpu.memref_slice %arg6[%dma_wait3A_193, %dma_wait3A_194, %dma_wait3A_195] : memref<2x16x128xi32, #tpu.memory_space<vmem>> -> memref<1x1x128xi32, #tpu.memory_space<vmem>>
    %dma_wait3A_197 = tpu.memref_squeeze %dma_wait3A_196 : memref<1x1x128xi32, #tpu.memory_space<vmem>> -> memref<128xi32, #tpu.memory_space<vmem>>
    %dma_wait3A_198 = arith.constant 0 : i32
    %dma_wait3A_199 = arith.constant 0 : i32
    %dma_wait3A_200 = tpu.memref_slice %arg9[%dma_wait3A_198, %dma_wait3A_199] : memref<10240x128xf32, #tpu.memory_space<vmem_shared>> -> memref<10240x128xf32, #tpu.memory_space<vmem_shared>>
    tpu.wait_indirect_dma semaphore(%arg15 : memref<!tpu.dma_semaphore, #tpu.memory_space<semaphore_mem>>) src(%arg8 : memref<128x128xf32, #tpu.memory_space<vmem>>) dst(%dma_wait3A_200 : memref<10240x128xf32, #tpu.memory_space<vmem_shared>>)
    %barrier3A_201 = arith.constant 0 : index
    tpu.barrier barrier_id(%barrier3A_201)
    "tpu.region"() ({
      %run_scoped3A = tpu.sem_alloc : memref<!tpu.dma_semaphore, #tpu.memory_space<semaphore_mem>>
      %dma_start3A_202 = arith.constant 0 : i32
      %dma_start3A_203 = tpu.memref_slice %arg4[%arg0, %mul3A_42, %dma_start3A_202] : memref<2x10240x128xf32, #tpu.memory_space<hbm>> -> memref<1x640x128xf32, #tpu.memory_space<hbm>>
      %dma_start3A_204 = tpu.memref_squeeze %dma_start3A_203 : memref<1x640x128xf32, #tpu.memory_space<hbm>> -> memref<640x128xf32, #tpu.memory_space<hbm>>
      %dma_start3A_205 = arith.constant 0 : i32
      %dma_start3A_206 = tpu.memref_slice %arg9[%mul3A_42, %dma_start3A_205] : memref<10240x128xf32, #tpu.memory_space<vmem_shared>> -> memref<640x128xf32, #tpu.memory_space<vmem_shared>>
      tpu.enqueue_dma source(%dma_start3A_206 : memref<640x128xf32, #tpu.memory_space<vmem_shared>>) target(%dma_start3A_204 : memref<640x128xf32, #tpu.memory_space<hbm>>) target_semaphore(%run_scoped3A : memref<!tpu.dma_semaphore, #tpu.memory_space<semaphore_mem>>)
      %dma_wait3A_207 = arith.constant 0 : i32
      %dma_wait3A_208 = tpu.memref_slice %arg4[%arg0, %mul3A_42, %dma_wait3A_207] : memref<2x10240x128xf32, #tpu.memory_space<hbm>> -> memref<1x640x128xf32, #tpu.memory_space<hbm>>
      %dma_wait3A_209 = tpu.memref_squeeze %dma_wait3A_208 : memref<1x640x128xf32, #tpu.memory_space<hbm>> -> memref<640x128xf32, #tpu.memory_space<hbm>>
      %dma_wait3A_210 = arith.constant 0 : i32
      %dma_wait3A_211 = tpu.memref_slice %arg9[%mul3A_42, %dma_wait3A_210] : memref<10240x128xf32, #tpu.memory_space<vmem_shared>> -> memref<640x128xf32, #tpu.memory_space<vmem_shared>>
      tpu.wait_dma2 semaphore(%run_scoped3A : memref<!tpu.dma_semaphore, #tpu.memory_space<semaphore_mem>>) src(%dma_wait3A_211 : memref<640x128xf32, #tpu.memory_space<vmem_shared>>) dst(%dma_wait3A_209 : memref<640x128xf32, #tpu.memory_space<hbm>>)
      tpu.yield
    }) : () -> ()
    return
  }
}

module attributes {stable_mosaic.version = 14 : i64} {
  func.func @body(%arg0: i32, %arg1: memref<2000x128xf32, #tpu.memory_space<vmem>>, %arg2: memref<128x128xf32, #tpu.memory_space<vmem>>, %arg3: memref<2000x1xf32, #tpu.memory_space<vmem>>, %arg4: memref<2000x128xf32, #tpu.memory_space<vmem>>) attributes {dimension_semantics = [#tpu.dimension_semantics<arbitrary>], iteration_bounds = array<i64: 5>, scalar_prefetch = 0 : i64, scratch_operands = 0 : i64, tpu.core_type = #tpu.core_type<tc>, window_params = [{transform_indices = @transform_0, window_bounds = array<i64: 2000, 128>}, {pipeline_mode = #tpu.pipeline_mode<synchronous>, transform_indices = @transform_1, window_bounds = array<i64: 128, 128>}, {transform_indices = @transform_2, window_bounds = array<i64: 2000, 1>}, {transform_indices = @transform_3, window_bounds = array<i64: 2000, 128>}]} {
    %get3A = arith.constant 0 : index
    %get3A_0 = arith.constant 0 : index
    %get3A_1 = vector.load %arg3[%get3A, %get3A_0] : memref<2000x1xf32, #tpu.memory_space<vmem>>, vector<2000x1xf32>
    %rsqrt3A = math.rsqrt %get3A_1 : vector<2000x1xf32>
    %get3A_2 = arith.constant 0 : index
    %get3A_3 = arith.constant 0 : index
    %get3A_4 = vector.load %arg1[%get3A_2, %get3A_3] : memref<2000x128xf32, #tpu.memory_space<vmem>>, vector<2000x128xf32>
    %get3A_5 = arith.constant 0 : index
    %get3A_6 = arith.constant 0 : index
    %get3A_7 = vector.load %arg2[%get3A_5, %get3A_6] : memref<128x128xf32, #tpu.memory_space<vmem>>, vector<128x128xf32>
    %dot_general3A = arith.constant dense<0.000000e+00> : vector<2000x128xf32>
    %dot_general3A_8 = tpu.matmul %get3A_4, %get3A_7, %dot_general3A {dimension_numbers = #tpu.dot_dimension_numbers<[1], [0], [0], [1], [0, 0, 1, 1], [], []>, transpose_lhs_hint = false} : vector<2000x128xf32>, vector<128x128xf32>, vector<2000x128xf32> -> vector<2000x128xf32>
    %mul3A = vector.broadcast %rsqrt3A : vector<2000x1xf32> to vector<2000x128xf32>
    %mul3A_9 = arith.mulf %mul3A, %dot_general3A_8 : vector<2000x128xf32>
    %swap3A = arith.constant 0 : index
    %swap3A_10 = arith.constant 0 : index
    %swap3A_11 = vector.load %arg4[%swap3A, %swap3A_10] : memref<2000x128xf32, #tpu.memory_space<vmem>>, vector<2000x128xf32>
    tpu.vector_store %arg4[%swap3A, %swap3A_10], %mul3A_9 {strides = array<i32>} : memref<2000x128xf32, #tpu.memory_space<vmem>>, vector<2000x128xf32>,
    return
  }
  func.func @transform_0(%arg0: i32) -> (i32, i32) {
    %c0_i32 = arith.constant 0 : i32
    %c0_i32_0 = arith.constant 0 : i32
    return %arg0, %c0_i32 : i32, i32
  }
  func.func @transform_1(%arg0: i32) -> (i32, i32) {
    %c0_i32 = arith.constant 0 : i32
    %c0_i32_0 = arith.constant 0 : i32
    %c0_i32_1 = arith.constant 0 : i32
    return %c0_i32, %c0_i32_0 : i32, i32
  }
  func.func @transform_2(%arg0: i32) -> (i32, i32) {
    %c0_i32 = arith.constant 0 : i32
    %c0_i32_0 = arith.constant 0 : i32
    return %arg0, %c0_i32 : i32, i32
  }
  func.func @transform_3(%arg0: i32) -> (i32, i32) {
    %c0_i32 = arith.constant 0 : i32
    %c0_i32_0 = arith.constant 0 : i32
    return %arg0, %c0_i32 : i32, i32
  }
}

module attributes {stable_mosaic.version = 14 : i64} {
  func.func @body(%arg0: i32, %arg1: memref<1x2000x128xf32, #tpu.memory_space<vmem>>, %arg2: memref<1x2000x128xf32, #tpu.memory_space<vmem>>, %arg3: memref<2000x128xf32, #tpu.memory_space<vmem>>, %arg4: memref<2000x1xf32, #tpu.memory_space<vmem>>, %arg5: memref<1x128xf32, #tpu.memory_space<vmem>>, %arg6: memref<128x128xf32, #tpu.memory_space<vmem>>, %arg7: memref<2000x128xf32, #tpu.memory_space<vmem>>) attributes {dimension_semantics = [#tpu.dimension_semantics<arbitrary>], iteration_bounds = array<i64: 5>, scalar_prefetch = 0 : i64, scratch_operands = 0 : i64, tpu.core_type = #tpu.core_type<tc>, window_params = [{transform_indices = @transform_0, window_bounds = array<i64: 1, 2000, 128>}, {transform_indices = @transform_1, window_bounds = array<i64: 1, 2000, 128>}, {transform_indices = @transform_2, window_bounds = array<i64: 2000, 128>}, {transform_indices = @transform_3, window_bounds = array<i64: 2000, 1>}, {pipeline_mode = #tpu.pipeline_mode<synchronous>, transform_indices = @transform_4, window_bounds = array<i64: 1, 128>}, {pipeline_mode = #tpu.pipeline_mode<synchronous>, transform_indices = @transform_5, window_bounds = array<i64: 128, 128>}, {transform_indices = @transform_6, window_bounds = array<i64: 2000, 128>}]} {
    %get3A = arith.constant 0 : index
    %get3A_0 = arith.constant 0 : index
    %get3A_1 = vector.load %arg4[%get3A, %get3A_0] : memref<2000x1xf32, #tpu.memory_space<vmem>>, vector<2000x1xf32>
    %rsqrt3A = math.rsqrt %get3A_1 : vector<2000x1xf32>
    %get3A_2 = arith.constant 0 : index
    %get3A_3 = arith.constant 0 : index
    %get3A_4 = arith.constant 0 : index
    %get3A_5 = vector.load %arg1[%get3A_2, %get3A_3, %get3A_4] : memref<1x2000x128xf32, #tpu.memory_space<vmem>>, vector<1x2000x128xf32>
    %get3A_6 = vector.shape_cast %get3A_5 : vector<1x2000x128xf32> to vector<2000x128xf32>
    %get3A_7 = arith.constant 0 : index
    %get3A_8 = arith.constant 0 : index
    %get3A_9 = arith.constant 0 : index
    %get3A_10 = vector.load %arg2[%get3A_7, %get3A_8, %get3A_9] : memref<1x2000x128xf32, #tpu.memory_space<vmem>>, vector<1x2000x128xf32>
    %get3A_11 = vector.shape_cast %get3A_10 : vector<1x2000x128xf32> to vector<2000x128xf32>
    %add3A = arith.addf %get3A_6, %get3A_11 : vector<2000x128xf32>
    %get3A_12 = arith.constant 0 : index
    %get3A_13 = arith.constant 0 : index
    %get3A_14 = vector.load %arg3[%get3A_12, %get3A_13] : memref<2000x128xf32, #tpu.memory_space<vmem>>, vector<2000x128xf32>
    %add3A_15 = arith.addf %add3A, %get3A_14 : vector<2000x128xf32>
    %mul3A = vector.broadcast %rsqrt3A : vector<2000x1xf32> to vector<2000x128xf32>
    %mul3A_16 = arith.mulf %mul3A, %add3A_15 : vector<2000x128xf32>
    %get3A_17 = arith.constant 0 : index
    %get3A_18 = arith.constant 0 : index
    %get3A_19 = vector.load %arg5[%get3A_17, %get3A_18] : memref<1x128xf32, #tpu.memory_space<vmem>>, vector<1x128xf32>
    %add3A_20 = vector.broadcast %get3A_19 : vector<1x128xf32> to vector<2000x128xf32>
    %add3A_21 = arith.addf %mul3A_16, %add3A_20 : vector<2000x128xf32>
    %tanh3A = math.tanh %add3A_21 : vector<2000x128xf32>
    %get3A_22 = arith.constant 0 : index
    %get3A_23 = arith.constant 0 : index
    %get3A_24 = vector.load %arg6[%get3A_22, %get3A_23] : memref<128x128xf32, #tpu.memory_space<vmem>>, vector<128x128xf32>
    %dot_general3A = arith.constant dense<0.000000e+00> : vector<2000x128xf32>
    %dot_general3A_25 = tpu.matmul %tanh3A, %get3A_24, %dot_general3A {dimension_numbers = #tpu.dot_dimension_numbers<[1], [0], [0], [1], [0, 0, 1, 1], [], []>, transpose_lhs_hint = false} : vector<2000x128xf32>, vector<128x128xf32>, vector<2000x128xf32> -> vector<2000x128xf32>
    %mul3A_26 = vector.broadcast %rsqrt3A : vector<2000x1xf32> to vector<2000x128xf32>
    %mul3A_27 = arith.mulf %mul3A_26, %dot_general3A_25 : vector<2000x128xf32>
    %swap3A = arith.constant 0 : index
    %swap3A_28 = arith.constant 0 : index
    %swap3A_29 = vector.load %arg7[%swap3A, %swap3A_28] : memref<2000x128xf32, #tpu.memory_space<vmem>>, vector<2000x128xf32>
    tpu.vector_store %arg7[%swap3A, %swap3A_28], %mul3A_27 {strides = array<i32>} : memref<2000x128xf32, #tpu.memory_space<vmem>>, vector<2000x128xf32>,
    return
  }
  func.func @transform_0(%arg0: i32) -> (i32, i32, i32) {
    %c0_i32 = arith.constant 0 : i32
    %c0_i32_0 = arith.constant 0 : i32
    %c0_i32_1 = arith.constant 0 : i32
    return %c0_i32, %arg0, %c0_i32_0 : i32, i32, i32
  }
  func.func @transform_1(%arg0: i32) -> (i32, i32, i32) {
    %c1_i32 = arith.constant 1 : i32
    %c0_i32 = arith.constant 0 : i32
    %c0_i32_0 = arith.constant 0 : i32
    return %c1_i32, %arg0, %c0_i32 : i32, i32, i32
  }
  func.func @transform_2(%arg0: i32) -> (i32, i32) {
    %c0_i32 = arith.constant 0 : i32
    %c0_i32_0 = arith.constant 0 : i32
    return %arg0, %c0_i32 : i32, i32
  }
  func.func @transform_3(%arg0: i32) -> (i32, i32) {
    %c0_i32 = arith.constant 0 : i32
    %c0_i32_0 = arith.constant 0 : i32
    return %arg0, %c0_i32 : i32, i32
  }
  func.func @transform_4(%arg0: i32) -> (i32, i32) {
    %c0_i32 = arith.constant 0 : i32
    %c0_i32_0 = arith.constant 0 : i32
    %c0_i32_1 = arith.constant 0 : i32
    return %c0_i32, %c0_i32_0 : i32, i32
  }
  func.func @transform_5(%arg0: i32) -> (i32, i32) {
    %c0_i32 = arith.constant 0 : i32
    %c0_i32_0 = arith.constant 0 : i32
    %c0_i32_1 = arith.constant 0 : i32
    return %c0_i32, %c0_i32_0 : i32, i32
  }
  func.func @transform_6(%arg0: i32) -> (i32, i32) {
    %c0_i32 = arith.constant 0 : i32
    %c0_i32_0 = arith.constant 0 : i32
    return %arg0, %c0_i32 : i32, i32
  }
}

module attributes {stable_mosaic.version = 14 : i64} {
  func.func @body(%arg0: i32, %arg1: memref<1x2000x128xf32, #tpu.memory_space<vmem>>, %arg2: memref<1x2000x128xf32, #tpu.memory_space<vmem>>, %arg3: memref<2000x128xf32, #tpu.memory_space<vmem>>, %arg4: memref<2000x1xf32, #tpu.memory_space<vmem>>, %arg5: memref<1x128xf32, #tpu.memory_space<vmem>>, %arg6: memref<2000x128xf32, #tpu.memory_space<vmem>>) attributes {dimension_semantics = [#tpu.dimension_semantics<arbitrary>], iteration_bounds = array<i64: 5>, scalar_prefetch = 0 : i64, scratch_operands = 0 : i64, tpu.core_type = #tpu.core_type<tc>, window_params = [{transform_indices = @transform_0, window_bounds = array<i64: 1, 2000, 128>}, {transform_indices = @transform_1, window_bounds = array<i64: 1, 2000, 128>}, {transform_indices = @transform_2, window_bounds = array<i64: 2000, 128>}, {transform_indices = @transform_3, window_bounds = array<i64: 2000, 1>}, {pipeline_mode = #tpu.pipeline_mode<synchronous>, transform_indices = @transform_4, window_bounds = array<i64: 1, 128>}, {transform_indices = @transform_5, window_bounds = array<i64: 2000, 128>}]} {
    %get3A = arith.constant 0 : index
    %get3A_0 = arith.constant 0 : index
    %get3A_1 = vector.load %arg4[%get3A, %get3A_0] : memref<2000x1xf32, #tpu.memory_space<vmem>>, vector<2000x1xf32>
    %rsqrt3A = math.rsqrt %get3A_1 : vector<2000x1xf32>
    %get3A_2 = arith.constant 0 : index
    %get3A_3 = arith.constant 0 : index
    %get3A_4 = arith.constant 0 : index
    %get3A_5 = vector.load %arg1[%get3A_2, %get3A_3, %get3A_4] : memref<1x2000x128xf32, #tpu.memory_space<vmem>>, vector<1x2000x128xf32>
    %get3A_6 = vector.shape_cast %get3A_5 : vector<1x2000x128xf32> to vector<2000x128xf32>
    %get3A_7 = arith.constant 0 : index
    %get3A_8 = arith.constant 0 : index
    %get3A_9 = arith.constant 0 : index
    %get3A_10 = vector.load %arg2[%get3A_7, %get3A_8, %get3A_9] : memref<1x2000x128xf32, #tpu.memory_space<vmem>>, vector<1x2000x128xf32>
    %get3A_11 = vector.shape_cast %get3A_10 : vector<1x2000x128xf32> to vector<2000x128xf32>
    %add3A = arith.addf %get3A_6, %get3A_11 : vector<2000x128xf32>
    %get3A_12 = arith.constant 0 : index
    %get3A_13 = arith.constant 0 : index
    %get3A_14 = vector.load %arg3[%get3A_12, %get3A_13] : memref<2000x128xf32, #tpu.memory_space<vmem>>, vector<2000x128xf32>
    %add3A_15 = arith.addf %add3A, %get3A_14 : vector<2000x128xf32>
    %mul3A = vector.broadcast %rsqrt3A : vector<2000x1xf32> to vector<2000x128xf32>
    %mul3A_16 = arith.mulf %mul3A, %add3A_15 : vector<2000x128xf32>
    %get3A_17 = arith.constant 0 : index
    %get3A_18 = arith.constant 0 : index
    %get3A_19 = vector.load %arg5[%get3A_17, %get3A_18] : memref<1x128xf32, #tpu.memory_space<vmem>>, vector<1x128xf32>
    %add3A_20 = vector.broadcast %get3A_19 : vector<1x128xf32> to vector<2000x128xf32>
    %add3A_21 = arith.addf %mul3A_16, %add3A_20 : vector<2000x128xf32>
    %tanh3A = math.tanh %add3A_21 : vector<2000x128xf32>
    %swap3A = arith.constant 0 : index
    %swap3A_22 = arith.constant 0 : index
    %swap3A_23 = vector.load %arg6[%swap3A, %swap3A_22] : memref<2000x128xf32, #tpu.memory_space<vmem>>, vector<2000x128xf32>
    tpu.vector_store %arg6[%swap3A, %swap3A_22], %tanh3A {strides = array<i32>} : memref<2000x128xf32, #tpu.memory_space<vmem>>, vector<2000x128xf32>,
    return
  }
  func.func @transform_0(%arg0: i32) -> (i32, i32, i32) {
    %c0_i32 = arith.constant 0 : i32
    %c0_i32_0 = arith.constant 0 : i32
    %c0_i32_1 = arith.constant 0 : i32
    return %c0_i32, %arg0, %c0_i32_0 : i32, i32, i32
  }
  func.func @transform_1(%arg0: i32) -> (i32, i32, i32) {
    %c1_i32 = arith.constant 1 : i32
    %c0_i32 = arith.constant 0 : i32
    %c0_i32_0 = arith.constant 0 : i32
    return %c1_i32, %arg0, %c0_i32 : i32, i32, i32
  }
  func.func @transform_2(%arg0: i32) -> (i32, i32) {
    %c0_i32 = arith.constant 0 : i32
    %c0_i32_0 = arith.constant 0 : i32
    return %arg0, %c0_i32 : i32, i32
  }
  func.func @transform_3(%arg0: i32) -> (i32, i32) {
    %c0_i32 = arith.constant 0 : i32
    %c0_i32_0 = arith.constant 0 : i32
    return %arg0, %c0_i32 : i32, i32
  }
  func.func @transform_4(%arg0: i32) -> (i32, i32) {
    %c0_i32 = arith.constant 0 : i32
    %c0_i32_0 = arith.constant 0 : i32
    %c0_i32_1 = arith.constant 0 : i32
    return %c0_i32, %c0_i32_0 : i32, i32
  }
  func.func @transform_5(%arg0: i32) -> (i32, i32) {
    %c0_i32 = arith.constant 0 : i32
    %c0_i32_0 = arith.constant 0 : i32
    return %arg0, %c0_i32 : i32, i32
  }
}

</mosaic_0001>

<sc_bundles>
// kernel: kernel.12.cloned.1.call-start
scs
__scs_entry_jumppad:
0x0: {  	(pc) =	sbr.rel $0x88, $3  }
0x1: {  	(tag) =	ssettag $0x0;
	lr =	simm.s32 $0x1  }
0x2: {  	[smem:$0x3F9A] =	sst lr;
	_ =	strace $0xD0000000  }
0x3: {  	_ = 	snop  }
0x4: {  	_ = 	snop  }
0x5: {  	_ = 	snop  }
0x6: {  	_ = 	snop  }
0x7: {  	_ = 	snop  }
__scs_overlays_trampoline_lowered:
0x8: {  	[smem:$0x3FA9] =	sst s0  }
0x9: {  	[smem:$0x3FAA] =	sst s1  }
0xa: {  	[smem:$0x3FAB] =	sst s2  }
0xb: {  	[smem:$0x3FAC] =	sst s3  }
0xc: {  	[smem:$0x3FAD] =	sst s4  }
0xd: {  	[smem:$0x3FAE] =	sst s5  }
0xe: {  	[smem:$0x3FAF] =	sst s6  }
0xf: {  	[smem:$0x3FB0] =	sst s7  }
0x10: {  	[smem:$0x3FB1] =	sst s8  }
0x11: {  	[smem:$0x3FB2] =	sst s9;
	s0 =	simm.s32 @!p0 $0x0  }
0x12: {  	s1 =	sld [smem:$0x3F98];
	s0 =	simm.s32 @p0 $0x1  }
0x13: {  	[smem:$0x3FB3] =	sst s0;
	s0 =	simm.s32 @!p1 $0x0  }
0x14: {  	s2 =	sld [smem:$0x3F97];
	s0 =	simm.s32 @p1 $0x1  }
0x15: {  	[smem:$0x3FB4] =	sst s0;
	s0 =	simm.s32 @!p2 $0x0  }
0x16: {  	s3 =	sld [smem:$0x3FDB];
	s0 =	simm.s32 @p2 $0x1  }
0x17: {  	s4 =	simm.s32 $0x1BF5;
	[smem:$0x3FB6] =	sst s0  }
0x18: {  	s0 =	sld [smem:$0x3F99];
	_ =	swait.ge [sflag:s4], $0x0  }
0x19: {  	s7 =	sld [smem:$0x3F9A]  }
0x1a: {  	s8 =	sadd.s32 $0xFFFFE003, lr  }
0x1b: {  	s9 =	sadd.s32 $0xFFFFFEF7, lr;
	s5 =	simm.s32 $0xFFFFFFFF;
	p2 =	slt.u32 s8, $0xFFFFF086  }
0x1c: {  	p1 =	slt.u32 s9, $0xF7A;
	s5 =	simm.s32 @!p2 $0x0  }
0x1d: {  	s5 =	simm.s32 @p1 $0x1;
	p0 =	seq.s32 s7, s2  }
0x1e: {  	s7 =	smul.u32 @!p0 $0xF7A, s2;
	p2 =	seq.s32 @!p0 s5, $0x0  }
0x1f: {  	s9 =	smul.u32 $0xF7A, s1;
	s8 =	simm.s32 @!p0 $0x1BF5;
	p2 =	por !p2, p0  }
0x20: {  	[sflag:s8] =	ssyncset.s32 @!p0 $0xFFFFF086;
	s6 =	sadd.s32 @!p0 s3, s7;
	s7 =	simm.s32 @!p0 $0x108  }
0x21: {  	s3 =	sadd.s32 s3, s9;
	s6 =	sadd.s32 @!p0 $0x88, s6;
	s7 =	simm.s32 @p2 $0x1082  }
0x22: {  	[simem:s7], [sflag:s8] =	dma.local @!p0 [hbm:s6], $0xF7A  }
0x23: {  	s9 =	sor.u32 $0xD0000000, s2;
	s6 =	simm.s32 $0x108;
	_ =	swait.ge @!p0 [sflag:s8], $0x0  }
0x24: {  	s3 =	sadd.s32 $0x88, s3;
	s6 =	simm.s32 @!p1 $0x1082;
	[sflag:s4] =	ssyncset.s32 $0xFFFFF086  }
0x25: {  	[simem:s6], [sflag:s4] =	dma.local [hbm:s3], $0xF7A  }
0x26: {  	[smem:$0x3F9A] =	sst s1;
	(tag) =	ssettag s2;
	_ =	strace s9  }
0x27: {  	s1 =	sld [smem:$0x3FAA]  }
0x28: {  	s2 =	sld [smem:$0x3FAB]  }
0x29: {  	s4 =	sld [smem:$0x3FAD]  }
0x2a: {  	p0 =	seq.s32 s5, $0x0;
	s5 =	sld [smem:$0x3FAE]  }
0x2b: {  	s6 =	sld [smem:$0x3FAF]  }
0x2c: {  	s7 =	sld [smem:$0x3FB0]  }
0x2d: {  	s3 =	simm.s32 $0x108;
	s8 =	sld [smem:$0x3FB1]  }
0x2e: {  	s3 =	simm.s32 @!p0 $0x1082;
	s9 =	sld [smem:$0x3FB2]  }
0x2f: {  	lr =	sadd.s32 s0, s3;
	s0 =	sld [smem:$0x3FA9]  }
0x30: {  	s3 =	sld [smem:$0x3FAC]  }
0x31: {  	[smem:$0x3FB5] =	sst s10  }
0x32: {  	s10 =	sld [smem:$0x3FB3];
	_ =	sdelay $0x3  }
0x33: {  	p0 =	seq.s32 s10, $0x1;
	s10 =	sld [smem:$0x3FB5];
	_ =	sdelay $0x3  }
0x34: {  	[smem:$0x3FB5] =	sst s10  }
0x35: {  	s10 =	sld [smem:$0x3FB4];
	_ =	sdelay $0x3  }
0x36: {  	p1 =	seq.s32 s10, $0x1;
	s10 =	sld [smem:$0x3FB5];
	_ =	sdelay $0x3  }
0x37: {  	[smem:$0x3FB5] =	sst s10  }
0x38: {  	s10 =	sld [smem:$0x3FB6]  }
0x39: {  	_ = 	snop;
	(pc) =	sbr.ind lr, $3  }
0x3a: {  	_ = 	snop  }
0x3b: {  	_ = 	snop  }
0x3c: {  	p2 =	seq.s32 s10, $0x1;
	s10 =	sld [smem:$0x3FB5]  }
0x3d: {  	_ =	shalt  }
0x3e: {  	_ =	shalt  }
0x3f: {  	_ =	shalt  }
0x40: {  	_ =	shalt  }
0x41: {  	_ =	shalt  }
0x42: {  	_ =	shalt  }
0x43: {  	_ =	shalt  }
0x44: {  	_ =	shalt  }
0x45: {  	_ =	shalt  }
0x46: {  	_ =	shalt  }
0x47: {  	_ =	shalt  }
0x48: {  	_ =	shalt  }
0x49: {  	_ =	shalt  }
0x4a: {  	_ =	shalt  }
0x4b: {  	_ =	shalt  }
0x4c: {  	_ =	shalt  }
0x4d: {  	_ =	shalt  }
0x4e: {  	_ =	shalt  }
0x4f: {  	_ =	shalt  }
0x50: {  	_ =	shalt  }
0x51: {  	_ =	shalt  }
0x52: {  	_ =	shalt  }
0x53: {  	_ =	shalt  }
0x54: {  	_ =	shalt  }
0x55: {  	_ =	shalt  }
0x56: {  	_ =	shalt  }
0x57: {  	_ =	shalt  }
0x58: {  	_ =	shalt  }
0x59: {  	_ =	shalt  }
0x5a: {  	_ =	shalt  }
0x5b: {  	_ =	shalt  }
0x5c: {  	_ =	shalt  }
0x5d: {  	_ =	shalt  }
0x5e: {  	_ =	shalt  }
0x5f: {  	_ =	shalt  }
0x60: {  	_ =	shalt  }
0x61: {  	_ =	shalt  }
0x62: {  	_ =	shalt  }
0x63: {  	_ =	shalt  }
0x64: {  	_ =	shalt  }
0x65: {  	_ =	shalt  }
0x66: {  	_ =	shalt  }
0x67: {  	_ =	shalt  }
0x68: {  	_ =	shalt  }
0x69: {  	_ =	shalt  }
0x6a: {  	_ =	shalt  }
0x6b: {  	_ =	shalt  }
0x6c: {  	_ =	shalt  }
0x6d: {  	_ =	shalt  }
0x6e: {  	_ =	shalt  }
0x6f: {  	_ =	shalt  }
0x70: {  	_ =	shalt  }
0x71: {  	_ =	shalt  }
0x72: {  	_ =	shalt  }
0x73: {  	_ =	shalt  }
0x74: {  	_ =	shalt  }
0x75: {  	_ =	shalt  }
0x76: {  	_ =	shalt  }
0x77: {  	_ =	shalt  }
0x78: {  	_ =	shalt  }
0x79: {  	_ =	shalt  }
0x7a: {  	_ =	shalt  }
0x7b: {  	_ =	shalt  }
0x7c: {  	_ =	shalt  }
0x7d: {  	_ =	shalt  }
0x7e: {  	_ =	shalt  }
0x7f: {  	_ =	shalt  }
0x80: {  	_ =	shalt  }
0x81: {  	_ =	shalt  }
0x82: {  	_ =	shalt  }
0x83: {  	_ =	shalt  }
0x84: {  	_ =	shalt  }
0x85: {  	_ =	shalt  }
0x86: {  	_ =	shalt  }
0x87: {  	_ =	shalt  }
.Lfunc_end0:
.L_simem_size_0:
called_computation.1_lowered:
.L_overlay_start_0:
0x88: {  	s2 =	sld [smem:$0x3FD9]  }
0x89: {  	s3 =	sld [smem:$0x3FFE];
	_ =	sdelay $0x1  }
0x8a: {  	s1 =	srdreg.scid  }
0x8b: {  	s0 =	sand.u32 $0x1, s1  }
0x8c: {  	s16 =	sshll.u32 s0, $0xA;
	s2 =	sadd.s32 s3, s2  }
0x8d: {  	s2 =	sadd.s32 s2, s16  }
0x8e: {  	[smem:$0x3FC1] =	sst s2  }
0x8f: {  	_ = 	snop  }
0x90: {  	(tm) =	ssettm $0x1  }
0x91: {  	s17 =	sld [smem:$0x3FFB];
	_ =	sdelay $0x3  }
0x92: {  	_ =	strace s17  }
0x93: {  	s2 =	sld [smem:$0x3FFC];
	_ =	sdelay $0x3  }
0x94: {  	_ =	strace s2  }
0x95: {  	s2 =	sld [smem:$0x3FFD];
	_ =	sdelay $0x3  }
0x96: {  	_ =	strace s2  }
0x97: {  	_ =	strace $0x8FFFFFFF  }
0x98: {  	s18 =	sld [smem:$0x3FDB];
	_ =	sdelay $0x1  }
0x99: {  	s19 =	simm.s32 $_scs_section_size  }
0x9a: {  	s4 =	simm.s32 $_size__tile_overlayer_lowered;
	s5 =	simm.s32 $_tile_overlayer_lowered  }
0x9b: {  	s22 =	simm.s32 $0x1BFF;
	s21 =	sshll.u32 s5, $0x1;
	s2 =	sadd.s32 s19, s18  }
0x9c: {  	s6 =	simm.s32 $0x0;
	s20 =	sshll.u32 s4, $0x1;
	s4 =	sadd.s32 s21, s2  }
0x9d: {  	[timem:s6], [sflag:s22] =	dma.local [hbm:s4], s20  }
0x9e: {  	_ =	swait.ge [sflag:s22], s20  }
0x9f: {  	s3 =	ssub.s32 $0x0, s20;
	[sflag:s22] =	ssyncset.done $0x0  }
0xa0: {  	[sflag:s22] =	ssyncadd.s32 s3;
	_ =	sdelay $0x1  }
0xa1: {  	s23 =	simm.s32 $0x1B8B  }
0xa2: {  	_ =	swait.ge [sflag:s23], $0x1  }
0xa3: {  	[sflag:s23] =	ssyncset.done $0x0  }
0xa4: {  	s25 =	simm.s32 $0x1B8E;
	s24 =	sld [smem:$0x3FFE];
	[sflag:s23] =	ssyncadd.s32 $0xFFFFFFFF  }
0xa5: {  	s26 =	simm.s32 $execute0_lowered;
	[smem:$0x3FD2] =	sst s25  }
0xa6: {  	s4 =	sshll.u32 s26, $0x1;
	_ =	strace $0x80000049;
	[dreg:$0x1] =	wrdreg $0xFFFFFFFF  }
0xa7: {  	s28 =	simm.s32 $_size_execute0_lowered;
	s2 =	sadd.s32 s2, s4;
	[dreg:$0x0] =	wrdreg $0x0  }
0xa8: {  	s4 =	sshll.u32 s28, $0x1;
	[dreg:$0x2] =	wrdreg s2  }
0xa9: {  	[dreg:$0x3] =	wrdreg s4  }
0xaa: {  	[dreg:$0x4] =	wrdreg $0xC0  }
0xab: {  	_ =	task [dreg:s6], $0x5FFFF  }
0xac: {  	[dreg:$0x1] =	wrdreg $0xFFFFFFFF  }
0xad: {  	[dreg:$0x0] =	wrdreg $0x60  }
0xae: {  	[dreg:$0x2] =	wrdreg s24  }
0xaf: {  	[dreg:$0x3] =	wrdreg $0xA0000  }
0xb0: {  	[dreg:$0x4] =	wrdreg $0x9  }
0xb1: {  	_ =	task.clear_ibuf [dreg:s6], $0x5FFFF;
	_ =	strace $0x90000049  }
0xb2: {  	s29 =	simm.s32 $0x9;
	_ =	strace $0x8000004B  }
0xb3: {  	_ =	swait.ge [sflag:s29], $0x1  }
0xb4: {  	[sflag:s29] =	ssyncadd.s32 $0xFFFFFFFF  }
0xb5: {  	_ =	strace $0x9000004B  }
0xb6: {  	_ =	sfence  }
0xb7: {  	s30 =	sld [smem:$0x0];
	_ =	sdelay $0x2  }
0xb8: {  	s31 =	sshll.u32 s1, $0xD;
	s1 =	sshrl.u32 s1, $0x2  }
0xb9: {  	s3 =	sand.u32 $0x4000, s31;
	s1 =	sadd.s32 s1, s30  }
0xba: {  	s0 =	sor.u32 s3, s0;
	s1 =	sshll.u32 s1, $0x11  }
0xbb: {  	s0 =	sor.u32 s1, s0  }
0xbc: {  	s0 =	sadd.s32 $0x8F2B, s0  }
0xbd: {  	[sflag:s0] =	ssyncadd.remote.s32 $0x1  }
0xbe: {  	_ =	sfence.sel $0xFFFF  }
0xbf: {  	[dreg:$0x0] =	wrdreg $0xFFFFFFFF;
	(pc) =	sbr.abs _section_cstart, $3  }
0xc0: {  	[dreg:$0x1] =	wrdreg $0xFFFFFFFF  }
0xc1: {  	_ =	task.clear_ibuf [dreg:s6], $0x2FFFF;
	_ =	strace $0x9FFFFFFF  }
0xc2: {  	(tm) =	ssettm $0x7FFFFFFF  }
0xc3: {  	_ =	shalt  }
tec
execute0_lowered:
.L_overlay_start_1:
0x0: {  	(tag) =	ssettag $0x1  }
0x1: {  	s0 =	rddreg [dreg:$0x0]  }
0x2: {  	s1 =	rddreg [dreg:$0x1];
	s3 =	simm.s32 $0x0  }
0x3: {  	s2 =	srdreg.scid;
	s10 =	stileid.u32;
	s28 =	simm.s32 $0x3  }
0x4: {  	s29 =	simm.s32 $0x5;
	s30 =	simm.s32 $0x4;
	s6 =	smul.u32 $0x14000, s10  }
0x5: {  	s31 =	simm.s32 $0x6;
	[smem:$0x7FF] =	sst s3;
	s9 =	smul.u32 $0x50000, s10  }
0x6: {  	s2 =	sand.u32 $0x1, s2;
	s4 =	sadd.s32 $0x2C00, s0;
	s19 =	smul.u32 $0x2800, s10  }
0x7: {  	s5 =	sadd.s32 $0x16C00, s0;
	s12 =	smul.u32 $0x140000, s2;
	_ =	strace $0x8000004A  }
0x8: {  	s7 =	sshll.u32 s2, $0x4;
	s13 =	ssub.s32 $0x2, s2;
	s2 =	smul.u32 $0x28000, s2  }
0x9: {  	s7 =	sor.u32 s10, s7;
	s8 =	sshrl.u32 s13, $0x1;
	s17 =	sshrl.u32 s9, $0x2  }
0xa: {  	s3 =	sadd.s32 s6, s12;
	s7 =	smul.u32 $0x2800, s7;
	s14 =	ssub.s32 s13, s8  }
0xb: {  	s8 =	sadd.s32 s17, s1;
	s2 =	sadd.s32 s19, s2;
	s19 =	simm.s32 $0x0  }
0xc: {  	s3 =	sshrl.u32 s3, $0x3;
	s20 =	sadd.s32 $0x4000, s8;
	s21 =	sadd.s32 $0x8000, s8  }
0xd: {  	s22 =	sadd.s32 $0xC000, s8;
	s23 =	sadd.s32 $0x10000, s8;
	[dreg:$0x4] =	wrdreg s20  }
0xe: {  	s26 =	sadd.s32 $0x50800, s2;
	s17 =	sadd.s32 $0x800, s2;
	[dreg:$0x5] =	wrdreg s21  }
0xf: {  	s0 =	sadd.s32 s3, s0;
	s16 =	sshrl.u32 s7, $0x3;
	[dreg:$0x6] =	wrdreg s22  }
0x10: {  	[dreg:$0x7] =	wrdreg s23;
	s20 =	simm.s32 $0x6000;
	s6 =	sadd.s32 s4, s16  }
0x11: {  	s21 =	simm.s32 $0x1;
	s15 =	sadd.s32 $0x3DE00, s0;
	s18 =	sadd.s32 $0xA000, s6  }
0x12: {  	s16 =	smax.u32 s14, $0x1;
	s24 =	sadd.s32 $0x100, s6;
	[dreg:$0x3] =	wrdreg s18  }
0x13: {  	s0 =	sshrl.u32 s26, $0x3;
	s25 =	sadd.s32 $0xA100, s6;
	[dreg:$0x8] =	wrdreg s24  }
0x14: {  	s26 =	simm.s32 $0x2;
	[dreg:$0x9] =	wrdreg s25;
	s18 =	sadd.s32 s0, s4  }
0x15: {  	v0 =	vimm.f32 $0.0e+00;
	s24 =	simm.s32 $0x80;
	s25 =	simm.s32 $0x2000;
	s0 =	simm.s32 $0x7  }
.LBB2_1:
0x16: {  	s2 =	simm.s32 $0x0  }
0x17: {  	[tilespmem:s2], [sflag:$0x1] =	stream.linear.gather [hbm4b:s6+s2], $0x800, $0x38;
	[tilespmem:$0x1E000] =	vst v63  }
0x18: {  	s3 =	rddreg [dreg:$0x3];
	s7 =	simm.s32 $0x1000  }
0x19: {  	[tilespmem:s7], [sflag:$0x1] =	stream.linear.gather [hbm4b:s3+s2], $0x800, $0x38;
	[tilespmem:$0x1E000] =	vst v63  }
0x1a: {  	s2 =	simm.s32 $0x0;
	s3 =	simm.s32 $0x200  }
.LBB2_2:
0x1b: {  	p0 =	sne.s32 s3, $0xFE00;
	[tilespmem:s2+$0x6070] =	vst v0  }
0x1c: {  	[tilespmem:s2+$0x6000] =	vst v0  }
0x1d: {  	[tilespmem:s2+$0x6010] =	vst v0  }
.Ltmp0:
0x1e: {  	[tilespmem:s2+$0x6020] =	vst v0;
	(pc) =	sbr.rel @p0 .LBB2_2-.Ltmp0, $4  }
0x1f: {  	[tilespmem:s2+$0x6030] =	vst v0  }
0x20: {  	[tilespmem:s2+$0x6040] =	vst v0  }
0x21: {  	[tilespmem:s2+$0x6050] =	vst v0  }
0x22: {  	[tilespmem:s2+$0x6060] =	vst v0;
	s2 =	sshra.s32 s3, $0x2;
	s3 =	sadd.s32 $0x200, s3  }
0x23: {  	[tilespmem:s2+$0x6070] =	vst v0  }
0x24: {  	[tilespmem:s2+$0x6000] =	vst v0  }
0x25: {  	[tilespmem:s2+$0x6010] =	vst v0  }
0x26: {  	[tilespmem:s2+$0x6020] =	vst v0  }
0x27: {  	[tilespmem:s2+$0x6030] =	vst v0  }
0x28: {  	[tilespmem:s2+$0x6040] =	vst v0  }
0x29: {  	[tilespmem:s2+$0x6050] =	vst v0  }
0x2a: {  	[tilespmem:s2+$0x6060] =	vst v0  }
0x2b: {  	[spmem:s8] =	stream.linear.scatter [tilespmem:s20], [sflag:$0x2], $0x4000, $0x38;
	[tilespmem:$0x1E000] =	vst v63  }
0x2c: {  	s9 =	rddreg [dreg:$0x4]  }
0x2d: {  	[spmem:s9] =	stream.linear.scatter [tilespmem:s20], [sflag:$0x2], $0x4000, $0x38;
	[tilespmem:$0x1E000] =	vst v63  }
0x2e: {  	s10 =	rddreg [dreg:$0x5]  }
0x2f: {  	[spmem:s10] =	stream.linear.scatter [tilespmem:s20], [sflag:$0x2], $0x4000, $0x38;
	[tilespmem:$0x1E000] =	vst v63  }
0x30: {  	s11 =	rddreg [dreg:$0x6]  }
0x31: {  	[spmem:s11] =	stream.linear.scatter [tilespmem:s20], [sflag:$0x2], $0x4000, $0x38;
	[tilespmem:$0x1E000] =	vst v63  }
0x32: {  	s12 =	rddreg [dreg:$0x7]  }
0x33: {  	[spmem:s12] =	stream.linear.scatter [tilespmem:s20], [sflag:$0x2], $0x4000, $0x38;
	[tilespmem:$0x1E000] =	vst v63  }
0x34: {  	_ =	swait.ge [sflag:s21], $0x800  }
0x35: {  	[sflag:s21] =	ssyncset.done $0x0  }
0x36: {  	[sflag:s21] =	ssyncadd.s32 $0xFFFFF800  }
0x37: {  	_ =	swait.ge [sflag:s21], $0x800  }
0x38: {  	s13 =	simm.s32 $0x0;
	[sflag:s21] =	ssyncset.done $0x0  }
0x39: {  	s7 =	simm.s32 $0x800;
	s3 =	rddreg [dreg:$0x8];
	[sflag:s21] =	ssyncadd.s32 $0xFFFFF800  }
0x3a: {  	[tilespmem:s7], [sflag:$0x1] =	stream.linear.gather [hbm4b:s3+s13], $0x800, $0x38;
	[tilespmem:$0x1E000] =	vst v63  }
0x3b: {  	s22 =	simm.s32 $0x1800;
	s14 =	rddreg [dreg:$0x9]  }
0x3c: {  	[tilespmem:s22], [sflag:$0x1] =	stream.linear.gather [hbm4b:s14+s13], $0x800, $0x38;
	[tilespmem:$0x1E000] =	vst v63  }
0x3d: {  	_ = 	snop  }
0x3e: {  	[tilespmem:s25], [sflag:$0x3] =	stream.indirect.gather [hbm4b:s5+s24], $0x80, s13, s24, $0xb8;
	[tilespmem:$0x1E000] =	vst v63  }
0x3f: {  	_ =	swait.ge [sflag:s26], $0x4000  }
0x40: {  	[sflag:s26] =	ssyncset.done $0x0  }
0x41: {  	[sflag:s26] =	ssyncadd.s32 $0xFFFFC000  }
0x42: {  	_ =	swait.ge [sflag:s26], $0x4000  }
0x43: {  	[sflag:s26] =	ssyncset.done $0x0  }
0x44: {  	[sflag:s26] =	ssyncadd.s32 $0xFFFFC000  }
0x45: {  	_ =	swait.ge [sflag:s26], $0x4000  }
0x46: {  	[sflag:s26] =	ssyncset.done $0x0  }
0x47: {  	[sflag:s26] =	ssyncadd.s32 $0xFFFFC000  }
0x48: {  	_ =	swait.ge [sflag:s26], $0x4000  }
0x49: {  	[sflag:s26] =	ssyncset.done $0x0  }
0x4a: {  	[sflag:s26] =	ssyncadd.s32 $0xFFFFC000  }
0x4b: {  	_ =	swait.ge [sflag:s26], $0x4000  }
0x4c: {  	[sflag:s26] =	ssyncset.done $0x0  }
0x4d: {  	p0 =	por $0x1, $0x1;
	[sflag:s26] =	ssyncadd.s32 $0xFFFFC000  }
0x4e: {  	[tilespmem:s20], [sflag:$0x4] =	stream.indirect.gather [hbm4b:s5+s24], $0x80, s24, s24, $0xb8;
	[tilespmem:$0x1E000] =	vst v63  }
0x4f: {  	s3 =	simm.s32 @!p0 $0x1;
	[bflag:$0x0] =	sbarrier.arrive $0xFFFF  }
0x50: {  	_ =	swait.ge @!p0 [sflag:s3], $0x800  }
0x51: {  	p1 =	por @!p0 $0x0, $0x0;
	[sflag:s3] =	ssyncset.done @!p0 $0x0  }
0x52: {  	p1 =	por p1, p0;
	[sflag:s3] =	ssyncadd.s32 @!p0 $0xFFFFF800  }
0x53: {  	s2 =	sand.u32 $0x1, s13;
	s9 =	sshrl.u32 @!p1 s17, $0x3;
	_ =	swait.ge @!p0 [sflag:s3], $0x800  }
0x54: {  	s9 =	sadd.s32 @!p1 s4, s9;
	s7 =	sshll.u32 @!p1 s2, $0xB;
	[sflag:s3] =	ssyncset.done @!p0 $0x0  }
0x55: {  	s22 =	sxor.u32 @!p1 $0x800, s7;
	[sflag:s3] =	ssyncadd.s32 @!p0 $0xFFFFF800;
	s3 =	simm.s32 @!p1 $0x0  }
0x56: {  	[tilespmem:s22], [sflag:$0x1] =	stream.linear.gather @!p1 [hbm4b:s9+s3], $0x800, $0x38;
	[tilespmem:$0x1E000] =	vst v63  }
0x57: {  	s7 =	sxor.u32 @!p1 $0x1800, s7;
	s9 =	simm.s32 @!p0 $0x5  }
0x58: {  	[tilespmem:s7], [sflag:$0x1] =	stream.linear.gather @!p1 [hbm4b:s18+s3], $0x800, $0x38;
	[tilespmem:$0x1E000] =	vst v63  }
0x59: {  	_ =	swait.ge @!p0 [sflag:s9], $0x4000  }
0x5a: {  	s22 =	simm.s32 @!p0 $0x80;
	s3 =	simm.s32 @!p0 $0x2000;
	[sflag:s9] =	ssyncset.done @!p0 $0x0  }
0x5b: {  	s7 =	sshll.u32 @!p0 s2, $0xB;
	[sflag:s9] =	ssyncadd.s32 @!p0 $0xFFFFC000;
	s9 =	simm.s32 @!p0 $0x6  }
0x5c: {  	[tilespmem:s3], [sflag:$0x3] =	stream.indirect.gather @!p0 [hbm4b:s5+s22], $0x80, s7, s22, $0xb8;
	[tilespmem:$0x1E000] =	vst v63  }
0x5d: {  	_ =	swait.ge @!p0 [sflag:s9], $0x4000  }
0x5e: {  	[sflag:s9] =	ssyncset.done @!p0 $0x0  }
0x5f: {  	s3 =	sor.u32 @!p0 $0x80, s7;
	s7 =	simm.s32 @!p0 $0x6000;
	[sflag:s9] =	ssyncadd.s32 @!p0 $0xFFFFC000  }
0x60: {  	[tilespmem:s7], [sflag:$0x4] =	stream.indirect.gather @!p0 [hbm4b:s5+s22], $0x80, s3, s22, $0xb8;
	[tilespmem:$0x1E000] =	vst v63  }
0x61: {  	_ =	swait.ge [sflag:s28], $0x4000  }
0x62: {  	s7 =	sshll.u32 s2, $0xB;
	[sflag:s28] =	ssyncset.done $0x0  }
0x63: {  	s2 =	sor.u32 $0x1000, s7;
	[sflag:s28] =	ssyncadd.s32 $0xFFFFC000  }
0x64: {  	[spmem:s1] =	stream.indirect.scatter.add.f32 [tilespmem:s25], [sflag:$0x5], $0x80, s2, s24, $0xb8;
	[tilespmem:$0x1E000] =	vst v63  }
0x65: {  	_ =	swait.ge [sflag:s29], $0x4000  }
0x66: {  	[sflag:s29] =	ssyncset.done $0x0  }
0x67: {  	s23 =	sor.u32 $0x100, s7;
	[sflag:s29] =	ssyncadd.s32 $0xFFFFC000  }
0x68: {  	[tilespmem:s25], [sflag:$0x3] =	stream.indirect.gather [hbm4b:s5+s24], $0x80, s23, s24, $0xb8;
	[tilespmem:$0x1E000] =	vst v63  }
0x69: {  	_ =	swait.ge [sflag:s30], $0x4000  }
0x6a: {  	[sflag:s30] =	ssyncset.done $0x0  }
0x6b: {  	s3 =	sor.u32 $0x1080, s7;
	[sflag:s30] =	ssyncadd.s32 $0xFFFFC000  }
0x6c: {  	[spmem:s1] =	stream.indirect.scatter.add.f32 [tilespmem:s20], [sflag:$0x6], $0x80, s3, s24, $0xb8;
	[tilespmem:$0x1E000] =	vst v63  }
0x6d: {  	_ =	swait.ge [sflag:s31], $0x4000  }
0x6e: {  	[sflag:s31] =	ssyncset.done $0x0  }
0x6f: {  	s9 =	sor.u32 $0x180, s7;
	[sflag:s31] =	ssyncadd.s32 $0xFFFFC000  }
0x70: {  	[tilespmem:s20], [sflag:$0x4] =	stream.indirect.gather [hbm4b:s5+s24], $0x80, s9, s24, $0xb8;
	[tilespmem:$0x1E000] =	vst v63  }
0x71: {  	_ =	swait.ge [sflag:s28], $0x4000  }
0x72: {  	[sflag:s28] =	ssyncset.done $0x0  }
0x73: {  	s10 =	sor.u32 $0x1100, s7;
	[sflag:s28] =	ssyncadd.s32 $0xFFFFC000  }
0x74: {  	[spmem:s1] =	stream.indirect.scatter.add.f32 [tilespmem:s25], [sflag:$0x5], $0x80, s10, s24, $0xb8;
	[tilespmem:$0x1E000] =	vst v63  }
0x75: {  	_ =	swait.ge [sflag:s29], $0x4000  }
0x76: {  	[sflag:s29] =	ssyncset.done $0x0  }
0x77: {  	s11 =	sor.u32 $0x200, s7;
	[sflag:s29] =	ssyncadd.s32 $0xFFFFC000  }
0x78: {  	[tilespmem:s25], [sflag:$0x3] =	stream.indirect.gather [hbm4b:s5+s24], $0x80, s11, s24, $0xb8;
	[tilespmem:$0x1E000] =	vst v63  }
0x79: {  	_ =	swait.ge [sflag:s30], $0x4000  }
0x7a: {  	[sflag:s30] =	ssyncset.done $0x0  }
0x7b: {  	s12 =	sor.u32 $0x1180, s7;
	[sflag:s30] =	ssyncadd.s32 $0xFFFFC000  }
0x7c: {  	[spmem:s1] =	stream.indirect.scatter.add.f32 [tilespmem:s20], [sflag:$0x6], $0x80, s12, s24, $0xb8;
	[tilespmem:$0x1E000] =	vst v63  }
0x7d: {  	_ =	swait.ge [sflag:s31], $0x4000  }
0x7e: {  	[sflag:s31] =	ssyncset.done $0x0  }
0x7f: {  	s13 =	sor.u32 $0x280, s7;
	[sflag:s31] =	ssyncadd.s32 $0xFFFFC000  }
0x80: {  	[tilespmem:s20], [sflag:$0x4] =	stream.indirect.gather [hbm4b:s5+s24], $0x80, s13, s24, $0xb8;
	[tilespmem:$0x1E000] =	vst v63  }
0x81: {  	_ =	swait.ge [sflag:s28], $0x4000  }
0x82: {  	[sflag:s28] =	ssyncset.done $0x0  }
0x83: {  	s14 =	sor.u32 $0x1200, s7;
	[sflag:s28] =	ssyncadd.s32 $0xFFFFC000  }
0x84: {  	[spmem:s1] =	stream.indirect.scatter.add.f32 [tilespmem:s25], [sflag:$0x5], $0x80, s14, s24, $0xb8;
	[tilespmem:$0x1E000] =	vst v63  }
0x85: {  	_ =	swait.ge [sflag:s29], $0x4000  }
0x86: {  	[sflag:s29] =	ssyncset.done $0x0  }
0x87: {  	s22 =	sor.u32 $0x300, s7;
	[sflag:s29] =	ssyncadd.s32 $0xFFFFC000  }
0x88: {  	[tilespmem:s25], [sflag:$0x3] =	stream.indirect.gather [hbm4b:s5+s24], $0x80, s22, s24, $0xb8;
	[tilespmem:$0x1E000] =	vst v63  }
0x89: {  	_ =	swait.ge [sflag:s30], $0x4000  }
0x8a: {  	[sflag:s30] =	ssyncset.done $0x0  }
0x8b: {  	s23 =	sor.u32 $0x1280, s7;
	[sflag:s30] =	ssyncadd.s32 $0xFFFFC000  }
0x8c: {  	[spmem:s1] =	stream.indirect.scatter.add.f32 [tilespmem:s20], [sflag:$0x6], $0x80, s23, s24, $0xb8;
	[tilespmem:$0x1E000] =	vst v63  }
0x8d: {  	_ =	swait.ge [sflag:s31], $0x4000  }
0x8e: {  	[sflag:s31] =	ssyncset.done $0x0  }
0x8f: {  	s3 =	sor.u32 $0x380, s7;
	[sflag:s31] =	ssyncadd.s32 $0xFFFFC000  }
0x90: {  	[tilespmem:s20], [sflag:$0x4] =	stream.indirect.gather [hbm4b:s5+s24], $0x80, s3, s24, $0xb8;
	[tilespmem:$0x1E000] =	vst v63  }
0x91: {  	_ =	swait.ge [sflag:s28], $0x4000  }
0x92: {  	[sflag:s28] =	ssyncset.done $0x0  }
0x93: {  	s9 =	sor.u32 $0x1300, s7;
	[sflag:s28] =	ssyncadd.s32 $0xFFFFC000  }
0x94: {  	[spmem:s1] =	stream.indirect.scatter.add.f32 [tilespmem:s25], [sflag:$0x5], $0x80, s9, s24, $0xb8;
	[tilespmem:$0x1E000] =	vst v63  }
0x95: {  	_ =	swait.ge [sflag:s29], $0x4000  }
0x96: {  	[sflag:s29] =	ssyncset.done $0x0  }
0x97: {  	s10 =	sor.u32 $0x400, s7;
	[sflag:s29] =	ssyncadd.s32 $0xFFFFC000  }
0x98: {  	[tilespmem:s25], [sflag:$0x3] =	stream.indirect.gather [hbm4b:s5+s24], $0x80, s10, s24, $0xb8;
	[tilespmem:$0x1E000] =	vst v63  }
0x99: {  	_ =	swait.ge [sflag:s30], $0x4000  }
0x9a: {  	[sflag:s30] =	ssyncset.done $0x0  }
0x9b: {  	s11 =	sor.u32 $0x1380, s7;
	[sflag:s30] =	ssyncadd.s32 $0xFFFFC000  }
0x9c: {  	[spmem:s1] =	stream.indirect.scatter.add.f32 [tilespmem:s20], [sflag:$0x6], $0x80, s11, s24, $0xb8;
	[tilespmem:$0x1E000] =	vst v63  }
0x9d: {  	_ =	swait.ge [sflag:s31], $0x4000  }
0x9e: {  	[sflag:s31] =	ssyncset.done $0x0  }
0x9f: {  	s12 =	sor.u32 $0x480, s7;
	[sflag:s31] =	ssyncadd.s32 $0xFFFFC000  }
0xa0: {  	[tilespmem:s20], [sflag:$0x4] =	stream.indirect.gather [hbm4b:s5+s24], $0x80, s12, s24, $0xb8;
	[tilespmem:$0x1E000] =	vst v63  }
0xa1: {  	_ =	swait.ge [sflag:s28], $0x4000  }
0xa2: {  	[sflag:s28] =	ssyncset.done $0x0  }
0xa3: {  	s13 =	sor.u32 $0x1400, s7;
	[sflag:s28] =	ssyncadd.s32 $0xFFFFC000  }
0xa4: {  	[spmem:s1] =	stream.indirect.scatter.add.f32 [tilespmem:s25], [sflag:$0x5], $0x80, s13, s24, $0xb8;
	[tilespmem:$0x1E000] =	vst v63  }
0xa5: {  	_ =	swait.ge [sflag:s29], $0x4000  }
0xa6: {  	[sflag:s29] =	ssyncset.done $0x0  }
0xa7: {  	s14 =	sor.u32 $0x500, s7;
	[sflag:s29] =	ssyncadd.s32 $0xFFFFC000  }
0xa8: {  	[tilespmem:s25], [sflag:$0x3] =	stream.indirect.gather [hbm4b:s5+s24], $0x80, s14, s24, $0xb8;
	[tilespmem:$0x1E000] =	vst v63  }
0xa9: {  	_ =	swait.ge [sflag:s30], $0x4000  }
0xaa: {  	[sflag:s30] =	ssyncset.done $0x0  }
0xab: {  	s22 =	sor.u32 $0x1480, s7;
	[sflag:s30] =	ssyncadd.s32 $0xFFFFC000  }
0xac: {  	[spmem:s1] =	stream.indirect.scatter.add.f32 [tilespmem:s20], [sflag:$0x6], $0x80, s22, s24, $0xb8;
	[tilespmem:$0x1E000] =	vst v63  }
0xad: {  	_ =	swait.ge [sflag:s31], $0x4000  }
0xae: {  	[sflag:s31] =	ssyncset.done $0x0  }
0xaf: {  	s23 =	sor.u32 $0x580, s7;
	[sflag:s31] =	ssyncadd.s32 $0xFFFFC000  }
0xb0: {  	[tilespmem:s20], [sflag:$0x4] =	stream.indirect.gather [hbm4b:s5+s24], $0x80, s23, s24, $0xb8;
	[tilespmem:$0x1E000] =	vst v63  }
0xb1: {  	_ =	swait.ge [sflag:s28], $0x4000  }
0xb2: {  	[sflag:s28] =	ssyncset.done $0x0  }
0xb3: {  	s3 =	sor.u32 $0x1500, s7;
	[sflag:s28] =	ssyncadd.s32 $0xFFFFC000  }
0xb4: {  	[spmem:s1] =	stream.indirect.scatter.add.f32 [tilespmem:s25], [sflag:$0x5], $0x80, s3, s24, $0xb8;
	[tilespmem:$0x1E000] =	vst v63  }
0xb5: {  	_ =	swait.ge [sflag:s29], $0x4000  }
0xb6: {  	[sflag:s29] =	ssyncset.done $0x0  }
0xb7: {  	s9 =	sor.u32 $0x600, s7;
	[sflag:s29] =	ssyncadd.s32 $0xFFFFC000  }
0xb8: {  	[tilespmem:s25], [sflag:$0x3] =	stream.indirect.gather [hbm4b:s5+s24], $0x80, s9, s24, $0xb8;
	[tilespmem:$0x1E000] =	vst v63  }
0xb9: {  	_ =	swait.ge [sflag:s30], $0x4000  }
0xba: {  	[sflag:s30] =	ssyncset.done $0x0  }
0xbb: {  	s10 =	sor.u32 $0x1580, s7;
	[sflag:s30] =	ssyncadd.s32 $0xFFFFC000  }
0xbc: {  	[spmem:s1] =	stream.indirect.scatter.add.f32 [tilespmem:s20], [sflag:$0x6], $0x80, s10, s24, $0xb8;
	[tilespmem:$0x1E000] =	vst v63  }
0xbd: {  	_ =	swait.ge [sflag:s31], $0x4000  }
0xbe: {  	[sflag:s31] =	ssyncset.done $0x0  }
0xbf: {  	s11 =	sor.u32 $0x680, s7;
	[sflag:s31] =	ssyncadd.s32 $0xFFFFC000  }
0xc0: {  	[tilespmem:s20], [sflag:$0x4] =	stream.indirect.gather [hbm4b:s5+s24], $0x80, s11, s24, $0xb8;
	[tilespmem:$0x1E000] =	vst v63  }
0xc1: {  	_ =	swait.ge [sflag:s28], $0x4000  }
0xc2: {  	[sflag:s28] =	ssyncset.done $0x0  }
0xc3: {  	s12 =	sor.u32 $0x1600, s7;
	[sflag:s28] =	ssyncadd.s32 $0xFFFFC000  }
0xc4: {  	[spmem:s1] =	stream.indirect.scatter.add.f32 [tilespmem:s25], [sflag:$0x5], $0x80, s12, s24, $0xb8;
	[tilespmem:$0x1E000] =	vst v63  }
0xc5: {  	_ =	swait.ge [sflag:s29], $0x4000  }
0xc6: {  	[sflag:s29] =	ssyncset.done $0x0  }
0xc7: {  	s13 =	sor.u32 $0x700, s7;
	[sflag:s29] =	ssyncadd.s32 $0xFFFFC000  }
0xc8: {  	[tilespmem:s25], [sflag:$0x3] =	stream.indirect.gather [hbm4b:s5+s24], $0x80, s13, s24, $0xb8;
	[tilespmem:$0x1E000] =	vst v63  }
0xc9: {  	_ =	swait.ge [sflag:s30], $0x4000  }
0xca: {  	[sflag:s30] =	ssyncset.done $0x0  }
0xcb: {  	s14 =	sor.u32 $0x1680, s7;
	[sflag:s30] =	ssyncadd.s32 $0xFFFFC000  }
0xcc: {  	[spmem:s1] =	stream.indirect.scatter.add.f32 [tilespmem:s20], [sflag:$0x6], $0x80, s14, s24, $0xb8;
	[tilespmem:$0x1E000] =	vst v63  }
0xcd: {  	_ =	swait.ge [sflag:s31], $0x4000  }
0xce: {  	[sflag:s31] =	ssyncset.done $0x0  }
0xcf: {  	s22 =	sor.u32 $0x780, s7;
	[sflag:s31] =	ssyncadd.s32 $0xFFFFC000  }
0xd0: {  	[tilespmem:s20], [sflag:$0x4] =	stream.indirect.gather [hbm4b:s5+s24], $0x80, s22, s24, $0xb8;
	[tilespmem:$0x1E000] =	vst v63  }
0xd1: {  	p1 =	por $0x0, $0x0;
	_ =	swait.ge [sflag:s28], $0x4000  }
0xd2: {  	s2 =	simm.s32 $0x2;
	s23 =	sor.u32 $0x1700, s7;
	[sflag:s28] =	ssyncset.done $0x0  }
0xd3: {  	s7 =	sor.u32 $0x1780, s7;
	s3 =	simm.s32 $0x1;
	[sflag:s28] =	ssyncadd.s32 $0xFFFFC000  }
0xd4: {  	[spmem:s1] =	stream.indirect.scatter.add.f32 [tilespmem:s25], [sflag:$0x5], $0x80, s23, s24, $0xb8;
	[tilespmem:$0x1E000] =	vst v63  }
0xd5: {  	s22 =	sadd.s32 $0x100, s18;
	s23 =	sadd.s32 $0x800, s17;
	_ =	swait.ge [sflag:s30], $0x4000  }
.LBB2_4:
0xd6: {  	s9 =	simm.s32 @!p1 $0x1  }
0xd7: {  	[sflag:s30] =	ssyncset.done $0x0;
	s10 =	smov.u32 s2;
	s2 =	sadd.s32 $0x1, s2  }
0xd8: {  	p0 =	sne.s32 s2, $0x5;
	[sflag:s30] =	ssyncadd.s32 $0xFFFFC000  }
0xd9: {  	[spmem:s1] =	stream.indirect.scatter.add.f32 [tilespmem:s20], [sflag:$0x6], $0x80, s7, s24, $0xb8;
	[tilespmem:$0x1E000] =	vst v63  }
0xda: {  	_ =	swait.ge @!p1 [sflag:s9], $0x800  }
0xdb: {  	p2 =	seq.s32 @!p1 s3, $0x4;
	[sflag:s9] =	ssyncset.done @!p1 $0x0  }
0xdc: {  	s11 =	sand.u32 $0x1, s3;
	p2 =	por p2, p1;
	[sflag:s9] =	ssyncadd.s32 @!p1 $0xFFFFF800  }
0xdd: {  	s3 =	sshll.u32 @!p2 s11, $0xB;
	s7 =	sshrl.u32 @!p2 s23, $0x3;
	_ =	swait.ge @!p1 [sflag:s9], $0x800  }
0xde: {  	s12 =	sxor.u32 @!p2 $0x800, s3;
	s7 =	sadd.s32 @!p2 s4, s7;
	[sflag:s9] =	ssyncset.done @!p1 $0x0  }
0xdf: {  	s13 =	simm.s32 @!p2 $0x0;
	s14 =	sxor.u32 @!p2 $0x1800, s3;
	[sflag:s9] =	ssyncadd.s32 @!p1 $0xFFFFF800  }
0xe0: {  	[tilespmem:s12], [sflag:$0x1] =	stream.linear.gather @!p2 [hbm4b:s7+s13], $0x800, $0x38;
	[tilespmem:$0x1E000] =	vst v63  }
0xe1: {  	s3 =	smov.u32 s10;
	s9 =	sshll.u32 s11, $0xB;
	s12 =	simm.s32 @!p1 $0x5  }
0xe2: {  	[tilespmem:s14], [sflag:$0x1] =	stream.linear.gather @!p2 [hbm4b:s22+s13], $0x800, $0x38;
	[tilespmem:$0x1E000] =	vst v63  }
0xe3: {  	s10 =	simm.s32 @!p1 $0x2000;
	s7 =	sor.u32 $0x1780, s9;
	_ =	swait.ge @!p1 [sflag:s12], $0x4000  }
0xe4: {  	s11 =	sshll.u32 @!p1 s11, $0xB;
	s13 =	simm.s32 @!p1 $0x80;
	[sflag:s12] =	ssyncset.done @!p1 $0x0  }
0xe5: {  	s14 =	sor.u32 @!p1 $0x80, s11;
	[sflag:s12] =	ssyncadd.s32 @!p1 $0xFFFFC000;
	s12 =	simm.s32 @!p1 $0x6  }
0xe6: {  	[tilespmem:s10], [sflag:$0x3] =	stream.indirect.gather @!p1 [hbm4b:s5+s13], $0x80, s11, s13, $0xb8;
	[tilespmem:$0x1E000] =	vst v63  }
0xe7: {  	_ =	swait.ge @!p1 [sflag:s12], $0x4000  }
0xe8: {  	s10 =	simm.s32 @!p1 $0x6000;
	[sflag:s12] =	ssyncset.done @!p1 $0x0  }
0xe9: {  	[sflag:s12] =	ssyncadd.s32 @!p1 $0xFFFFC000  }
0xea: {  	[tilespmem:s10], [sflag:$0x4] =	stream.indirect.gather @!p1 [hbm4b:s5+s13], $0x80, s14, s13, $0xb8;
	[tilespmem:$0x1E000] =	vst v63  }
0xeb: {  	_ =	swait.ge [sflag:s28], $0x4000  }
0xec: {  	s10 =	sor.u32 $0x1000, s9;
	[sflag:s28] =	ssyncset.done $0x0  }
0xed: {  	[sflag:s28] =	ssyncadd.s32 $0xFFFFC000  }
0xee: {  	[spmem:s1] =	stream.indirect.scatter.add.f32 [tilespmem:s25], [sflag:$0x5], $0x80, s10, s24, $0xb8;
	[tilespmem:$0x1E000] =	vst v63  }
0xef: {  	_ =	swait.ge [sflag:s29], $0x4000  }
0xf0: {  	s10 =	sor.u32 $0x100, s9;
	[sflag:s29] =	ssyncset.done $0x0  }
0xf1: {  	[sflag:s29] =	ssyncadd.s32 $0xFFFFC000  }
0xf2: {  	[tilespmem:s25], [sflag:$0x3] =	stream.indirect.gather [hbm4b:s5+s24], $0x80, s10, s24, $0xb8;
	[tilespmem:$0x1E000] =	vst v63  }
0xf3: {  	_ =	swait.ge [sflag:s30], $0x4000  }
0xf4: {  	s10 =	sor.u32 $0x1080, s9;
	[sflag:s30] =	ssyncset.done $0x0  }
0xf5: {  	[sflag:s30] =	ssyncadd.s32 $0xFFFFC000  }
0xf6: {  	[spmem:s1] =	stream.indirect.scatter.add.f32 [tilespmem:s20], [sflag:$0x6], $0x80, s10, s24, $0xb8;
	[tilespmem:$0x1E000] =	vst v63  }
0xf7: {  	_ =	swait.ge [sflag:s31], $0x4000  }
0xf8: {  	s10 =	sor.u32 $0x180, s9;
	[sflag:s31] =	ssyncset.done $0x0  }
0xf9: {  	[sflag:s31] =	ssyncadd.s32 $0xFFFFC000  }
0xfa: {  	[tilespmem:s20], [sflag:$0x4] =	stream.indirect.gather [hbm4b:s5+s24], $0x80, s10, s24, $0xb8;
	[tilespmem:$0x1E000] =	vst v63  }
0xfb: {  	_ =	swait.ge [sflag:s28], $0x4000  }
0xfc: {  	s10 =	sor.u32 $0x1100, s9;
	[sflag:s28] =	ssyncset.done $0x0  }
0xfd: {  	[sflag:s28] =	ssyncadd.s32 $0xFFFFC000  }
0xfe: {  	[spmem:s1] =	stream.indirect.scatter.add.f32 [tilespmem:s25], [sflag:$0x5], $0x80, s10, s24, $0xb8;
	[tilespmem:$0x1E000] =	vst v63  }
0xff: {  	_ =	swait.ge [sflag:s29], $0x4000  }
0x100: {  	s10 =	sor.u32 $0x200, s9;
	[sflag:s29] =	ssyncset.done $0x0  }
0x101: {  	[sflag:s29] =	ssyncadd.s32 $0xFFFFC000  }
0x102: {  	[tilespmem:s25], [sflag:$0x3] =	stream.indirect.gather [hbm4b:s5+s24], $0x80, s10, s24, $0xb8;
	[tilespmem:$0x1E000] =	vst v63  }
0x103: {  	_ =	swait.ge [sflag:s30], $0x4000  }
0x104: {  	s10 =	sor.u32 $0x1180, s9;
	[sflag:s30] =	ssyncset.done $0x0  }
0x105: {  	[sflag:s30] =	ssyncadd.s32 $0xFFFFC000  }
0x106: {  	[spmem:s1] =	stream.indirect.scatter.add.f32 [tilespmem:s20], [sflag:$0x6], $0x80, s10, s24, $0xb8;
	[tilespmem:$0x1E000] =	vst v63  }
0x107: {  	_ =	swait.ge [sflag:s31], $0x4000  }
0x108: {  	s10 =	sor.u32 $0x280, s9;
	[sflag:s31] =	ssyncset.done $0x0  }
0x109: {  	[sflag:s31] =	ssyncadd.s32 $0xFFFFC000  }
0x10a: {  	[tilespmem:s20], [sflag:$0x4] =	stream.indirect.gather [hbm4b:s5+s24], $0x80, s10, s24, $0xb8;
	[tilespmem:$0x1E000] =	vst v63  }
0x10b: {  	_ =	swait.ge [sflag:s28], $0x4000  }
0x10c: {  	s10 =	sor.u32 $0x1200, s9;
	[sflag:s28] =	ssyncset.done $0x0  }
0x10d: {  	[sflag:s28] =	ssyncadd.s32 $0xFFFFC000  }
0x10e: {  	[spmem:s1] =	stream.indirect.scatter.add.f32 [tilespmem:s25], [sflag:$0x5], $0x80, s10, s24, $0xb8;
	[tilespmem:$0x1E000] =	vst v63  }
0x10f: {  	_ =	swait.ge [sflag:s29], $0x4000  }
0x110: {  	s10 =	sor.u32 $0x300, s9;
	[sflag:s29] =	ssyncset.done $0x0  }
0x111: {  	[sflag:s29] =	ssyncadd.s32 $0xFFFFC000  }
0x112: {  	[tilespmem:s25], [sflag:$0x3] =	stream.indirect.gather [hbm4b:s5+s24], $0x80, s10, s24, $0xb8;
	[tilespmem:$0x1E000] =	vst v63  }
0x113: {  	_ =	swait.ge [sflag:s30], $0x4000  }
0x114: {  	s10 =	sor.u32 $0x1280, s9;
	[sflag:s30] =	ssyncset.done $0x0  }
0x115: {  	[sflag:s30] =	ssyncadd.s32 $0xFFFFC000  }
0x116: {  	[spmem:s1] =	stream.indirect.scatter.add.f32 [tilespmem:s20], [sflag:$0x6], $0x80, s10, s24, $0xb8;
	[tilespmem:$0x1E000] =	vst v63  }
0x117: {  	_ =	swait.ge [sflag:s31], $0x4000  }
0x118: {  	s10 =	sor.u32 $0x380, s9;
	[sflag:s31] =	ssyncset.done $0x0  }
0x119: {  	[sflag:s31] =	ssyncadd.s32 $0xFFFFC000  }
0x11a: {  	[tilespmem:s20], [sflag:$0x4] =	stream.indirect.gather [hbm4b:s5+s24], $0x80, s10, s24, $0xb8;
	[tilespmem:$0x1E000] =	vst v63  }
0x11b: {  	_ =	swait.ge [sflag:s28], $0x4000  }
0x11c: {  	s10 =	sor.u32 $0x1300, s9;
	[sflag:s28] =	ssyncset.done $0x0  }
0x11d: {  	[sflag:s28] =	ssyncadd.s32 $0xFFFFC000  }
0x11e: {  	[spmem:s1] =	stream.indirect.scatter.add.f32 [tilespmem:s25], [sflag:$0x5], $0x80, s10, s24, $0xb8;
	[tilespmem:$0x1E000] =	vst v63  }
0x11f: {  	_ =	swait.ge [sflag:s29], $0x4000  }
0x120: {  	s10 =	sor.u32 $0x400, s9;
	[sflag:s29] =	ssyncset.done $0x0  }
0x121: {  	[sflag:s29] =	ssyncadd.s32 $0xFFFFC000  }
0x122: {  	[tilespmem:s25], [sflag:$0x3] =	stream.indirect.gather [hbm4b:s5+s24], $0x80, s10, s24, $0xb8;
	[tilespmem:$0x1E000] =	vst v63  }
0x123: {  	_ =	swait.ge [sflag:s30], $0x4000  }
0x124: {  	s10 =	sor.u32 $0x1380, s9;
	[sflag:s30] =	ssyncset.done $0x0  }
0x125: {  	[sflag:s30] =	ssyncadd.s32 $0xFFFFC000  }
0x126: {  	[spmem:s1] =	stream.indirect.scatter.add.f32 [tilespmem:s20], [sflag:$0x6], $0x80, s10, s24, $0xb8;
	[tilespmem:$0x1E000] =	vst v63  }
0x127: {  	_ =	swait.ge [sflag:s31], $0x4000  }
0x128: {  	s10 =	sor.u32 $0x480, s9;
	[sflag:s31] =	ssyncset.done $0x0  }
0x129: {  	[sflag:s31] =	ssyncadd.s32 $0xFFFFC000  }
0x12a: {  	[tilespmem:s20], [sflag:$0x4] =	stream.indirect.gather [hbm4b:s5+s24], $0x80, s10, s24, $0xb8;
	[tilespmem:$0x1E000] =	vst v63  }
0x12b: {  	_ =	swait.ge [sflag:s28], $0x4000  }
0x12c: {  	s10 =	sor.u32 $0x1400, s9;
	[sflag:s28] =	ssyncset.done $0x0  }
0x12d: {  	[sflag:s28] =	ssyncadd.s32 $0xFFFFC000  }
0x12e: {  	[spmem:s1] =	stream.indirect.scatter.add.f32 [tilespmem:s25], [sflag:$0x5], $0x80, s10, s24, $0xb8;
	[tilespmem:$0x1E000] =	vst v63  }
0x12f: {  	_ =	swait.ge [sflag:s29], $0x4000  }
0x130: {  	s10 =	sor.u32 $0x500, s9;
	[sflag:s29] =	ssyncset.done $0x0  }
0x131: {  	[sflag:s29] =	ssyncadd.s32 $0xFFFFC000  }
0x132: {  	[tilespmem:s25], [sflag:$0x3] =	stream.indirect.gather [hbm4b:s5+s24], $0x80, s10, s24, $0xb8;
	[tilespmem:$0x1E000] =	vst v63  }
0x133: {  	_ =	swait.ge [sflag:s30], $0x4000  }
0x134: {  	s10 =	sor.u32 $0x1480, s9;
	[sflag:s30] =	ssyncset.done $0x0  }
0x135: {  	[sflag:s30] =	ssyncadd.s32 $0xFFFFC000  }
0x136: {  	[spmem:s1] =	stream.indirect.scatter.add.f32 [tilespmem:s20], [sflag:$0x6], $0x80, s10, s24, $0xb8;
	[tilespmem:$0x1E000] =	vst v63  }
0x137: {  	_ =	swait.ge [sflag:s31], $0x4000  }
0x138: {  	s10 =	sor.u32 $0x580, s9;
	[sflag:s31] =	ssyncset.done $0x0  }
0x139: {  	[sflag:s31] =	ssyncadd.s32 $0xFFFFC000  }
0x13a: {  	[tilespmem:s20], [sflag:$0x4] =	stream.indirect.gather [hbm4b:s5+s24], $0x80, s10, s24, $0xb8;
	[tilespmem:$0x1E000] =	vst v63  }
0x13b: {  	_ =	swait.ge [sflag:s28], $0x4000  }
0x13c: {  	s10 =	sor.u32 $0x1500, s9;
	[sflag:s28] =	ssyncset.done $0x0  }
0x13d: {  	[sflag:s28] =	ssyncadd.s32 $0xFFFFC000  }
0x13e: {  	[spmem:s1] =	stream.indirect.scatter.add.f32 [tilespmem:s25], [sflag:$0x5], $0x80, s10, s24, $0xb8;
	[tilespmem:$0x1E000] =	vst v63  }
0x13f: {  	_ =	swait.ge [sflag:s29], $0x4000  }
0x140: {  	s10 =	sor.u32 $0x600, s9;
	[sflag:s29] =	ssyncset.done $0x0  }
0x141: {  	[sflag:s29] =	ssyncadd.s32 $0xFFFFC000  }
0x142: {  	[tilespmem:s25], [sflag:$0x3] =	stream.indirect.gather [hbm4b:s5+s24], $0x80, s10, s24, $0xb8;
	[tilespmem:$0x1E000] =	vst v63  }
0x143: {  	_ =	swait.ge [sflag:s30], $0x4000  }
0x144: {  	s10 =	sor.u32 $0x1580, s9;
	[sflag:s30] =	ssyncset.done $0x0  }
0x145: {  	[sflag:s30] =	ssyncadd.s32 $0xFFFFC000  }
0x146: {  	[spmem:s1] =	stream.indirect.scatter.add.f32 [tilespmem:s20], [sflag:$0x6], $0x80, s10, s24, $0xb8;
	[tilespmem:$0x1E000] =	vst v63  }
0x147: {  	_ =	swait.ge [sflag:s31], $0x4000  }
0x148: {  	s10 =	sor.u32 $0x680, s9;
	[sflag:s31] =	ssyncset.done $0x0  }
0x149: {  	[sflag:s31] =	ssyncadd.s32 $0xFFFFC000  }
0x14a: {  	[tilespmem:s20], [sflag:$0x4] =	stream.indirect.gather [hbm4b:s5+s24], $0x80, s10, s24, $0xb8;
	[tilespmem:$0x1E000] =	vst v63  }
0x14b: {  	_ =	swait.ge [sflag:s28], $0x4000  }
0x14c: {  	s10 =	sor.u32 $0x1600, s9;
	[sflag:s28] =	ssyncset.done $0x0  }
0x14d: {  	[sflag:s28] =	ssyncadd.s32 $0xFFFFC000  }
0x14e: {  	[spmem:s1] =	stream.indirect.scatter.add.f32 [tilespmem:s25], [sflag:$0x5], $0x80, s10, s24, $0xb8;
	[tilespmem:$0x1E000] =	vst v63  }
0x14f: {  	_ =	swait.ge [sflag:s29], $0x4000  }
0x150: {  	s10 =	sor.u32 $0x700, s9;
	[sflag:s29] =	ssyncset.done $0x0  }
0x151: {  	[sflag:s29] =	ssyncadd.s32 $0xFFFFC000  }
0x152: {  	[tilespmem:s25], [sflag:$0x3] =	stream.indirect.gather [hbm4b:s5+s24], $0x80, s10, s24, $0xb8;
	[tilespmem:$0x1E000] =	vst v63  }
0x153: {  	_ =	swait.ge [sflag:s30], $0x4000  }
0x154: {  	s10 =	sor.u32 $0x1680, s9;
	[sflag:s30] =	ssyncset.done $0x0  }
0x155: {  	[sflag:s30] =	ssyncadd.s32 $0xFFFFC000  }
0x156: {  	[spmem:s1] =	stream.indirect.scatter.add.f32 [tilespmem:s20], [sflag:$0x6], $0x80, s10, s24, $0xb8;
	[tilespmem:$0x1E000] =	vst v63  }
0x157: {  	_ =	swait.ge [sflag:s31], $0x4000  }
0x158: {  	s10 =	sor.u32 $0x780, s9;
	[sflag:s31] =	ssyncset.done $0x0  }
0x159: {  	[sflag:s31] =	ssyncadd.s32 $0xFFFFC000  }
0x15a: {  	[tilespmem:s20], [sflag:$0x4] =	stream.indirect.gather [hbm4b:s5+s24], $0x80, s10, s24, $0xb8;
	[tilespmem:$0x1E000] =	vst v63  }
.Ltmp1:
0x15b: {  	_ =	swait.ge [sflag:s28], $0x4000;
	(pc) =	sbr.rel @p0 .LBB2_4-.Ltmp1, $4  }
0x15c: {  	s9 =	sor.u32 $0x1700, s9;
	[sflag:s28] =	ssyncset.done $0x0  }
0x15d: {  	s22 =	sadd.s32 $0x100, s22;
	[sflag:s28] =	ssyncadd.s32 $0xFFFFC000  }
0x15e: {  	[spmem:s1] =	stream.indirect.scatter.add.f32 [tilespmem:s25], [sflag:$0x5], $0x80, s9, s24, $0xb8;
	[tilespmem:$0x1E000] =	vst v63  }
0x15f: {  	s23 =	sadd.s32 $0x800, s23;
	p1 =	seq.s32 s3, $0x0;
	_ =	swait.ge [sflag:s30], $0x4000  }
0x160: {  	[sflag:s30] =	ssyncset.done $0x0  }
0x161: {  	s2 =	simm.s32 @!p1 $0x1;
	[sflag:s30] =	ssyncadd.s32 $0xFFFFC000  }
0x162: {  	[spmem:s1] =	stream.indirect.scatter.add.f32 [tilespmem:s20], [sflag:$0x6], $0x80, s7, s24, $0xb8;
	[tilespmem:$0x1E000] =	vst v63  }
0x163: {  	_ =	swait.ge @!p1 [sflag:s2], $0x800  }
0x164: {  	p0 =	seq.s32 @!p1 s3, $0x4;
	[sflag:s2] =	ssyncset.done @!p1 $0x0  }
0x165: {  	s3 =	sand.u32 $0x1, s3;
	p0 =	por p0, p1;
	[sflag:s2] =	ssyncadd.s32 @!p1 $0xFFFFF800  }
0x166: {  	s7 =	sshll.u32 @!p0 s3, $0xB;
	_ =	swait.ge @!p1 [sflag:s2], $0x800  }
0x167: {  	s9 =	sshrl.u32 @!p0 s23, $0x3;
	s10 =	sxor.u32 @!p0 $0x800, s7;
	[sflag:s2] =	ssyncset.done @!p1 $0x0  }
0x168: {  	s9 =	sadd.s32 @!p0 s4, s9;
	[sflag:s2] =	ssyncadd.s32 @!p1 $0xFFFFF800;
	s2 =	simm.s32 @!p0 $0x0  }
0x169: {  	[tilespmem:s10], [sflag:$0x1] =	stream.linear.gather @!p0 [hbm4b:s9+s2], $0x800, $0x38;
	[tilespmem:$0x1E000] =	vst v63  }
0x16a: {  	s7 =	sxor.u32 @!p0 $0x1800, s7;
	s9 =	simm.s32 @!p1 $0x5  }
0x16b: {  	[tilespmem:s7], [sflag:$0x1] =	stream.linear.gather @!p0 [hbm4b:s22+s2], $0x800, $0x38;
	[tilespmem:$0x1E000] =	vst v63  }
0x16c: {  	_ =	swait.ge @!p1 [sflag:s9], $0x4000  }
0x16d: {  	s10 =	simm.s32 @!p1 $0x80;
	s2 =	simm.s32 @!p1 $0x2000;
	[sflag:s9] =	ssyncset.done @!p1 $0x0  }
0x16e: {  	s7 =	sshll.u32 @!p1 s3, $0xB;
	[sflag:s9] =	ssyncadd.s32 @!p1 $0xFFFFC000;
	s9 =	simm.s32 @!p1 $0x6  }
0x16f: {  	[tilespmem:s2], [sflag:$0x3] =	stream.indirect.gather @!p1 [hbm4b:s5+s10], $0x80, s7, s10, $0xb8;
	[tilespmem:$0x1E000] =	vst v63  }
0x170: {  	_ =	swait.ge @!p1 [sflag:s9], $0x4000  }
0x171: {  	[sflag:s9] =	ssyncset.done @!p1 $0x0  }
0x172: {  	s2 =	sor.u32 @!p1 $0x80, s7;
	s7 =	simm.s32 @!p1 $0x6000;
	[sflag:s9] =	ssyncadd.s32 @!p1 $0xFFFFC000  }
0x173: {  	[tilespmem:s7], [sflag:$0x4] =	stream.indirect.gather @!p1 [hbm4b:s5+s10], $0x80, s2, s10, $0xb8;
	[tilespmem:$0x1E000] =	vst v63  }
0x174: {  	_ =	swait.ge [sflag:s28], $0x4000  }
0x175: {  	s2 =	sshll.u32 s3, $0xB;
	[sflag:s28] =	ssyncset.done $0x0  }
0x176: {  	s3 =	sor.u32 $0x1000, s2;
	[sflag:s28] =	ssyncadd.s32 $0xFFFFC000  }
0x177: {  	[spmem:s1] =	stream.indirect.scatter.add.f32 [tilespmem:s25], [sflag:$0x5], $0x80, s3, s24, $0xb8;
	[tilespmem:$0x1E000] =	vst v63  }
0x178: {  	_ =	swait.ge [sflag:s29], $0x4000  }
0x179: {  	[sflag:s29] =	ssyncset.done $0x0  }
0x17a: {  	s14 =	sor.u32 $0x100, s2;
	[sflag:s29] =	ssyncadd.s32 $0xFFFFC000  }
0x17b: {  	[tilespmem:s25], [sflag:$0x3] =	stream.indirect.gather [hbm4b:s5+s24], $0x80, s14, s24, $0xb8;
	[tilespmem:$0x1E000] =	vst v63  }
0x17c: {  	_ =	swait.ge [sflag:s30], $0x4000  }
0x17d: {  	[sflag:s30] =	ssyncset.done $0x0  }
0x17e: {  	s22 =	sor.u32 $0x1080, s2;
	[sflag:s30] =	ssyncadd.s32 $0xFFFFC000  }
0x17f: {  	[spmem:s1] =	stream.indirect.scatter.add.f32 [tilespmem:s20], [sflag:$0x6], $0x80, s22, s24, $0xb8;
	[tilespmem:$0x1E000] =	vst v63  }
0x180: {  	_ =	swait.ge [sflag:s31], $0x4000  }
0x181: {  	[sflag:s31] =	ssyncset.done $0x0  }
0x182: {  	s23 =	sor.u32 $0x180, s2;
	[sflag:s31] =	ssyncadd.s32 $0xFFFFC000  }
0x183: {  	[tilespmem:s20], [sflag:$0x4] =	stream.indirect.gather [hbm4b:s5+s24], $0x80, s23, s24, $0xb8;
	[tilespmem:$0x1E000] =	vst v63  }
0x184: {  	_ =	swait.ge [sflag:s28], $0x4000  }
0x185: {  	[sflag:s28] =	ssyncset.done $0x0  }
0x186: {  	s7 =	sor.u32 $0x1100, s2;
	[sflag:s28] =	ssyncadd.s32 $0xFFFFC000  }
0x187: {  	[spmem:s1] =	stream.indirect.scatter.add.f32 [tilespmem:s25], [sflag:$0x5], $0x80, s7, s24, $0xb8;
	[tilespmem:$0x1E000] =	vst v63  }
0x188: {  	_ =	swait.ge [sflag:s29], $0x4000  }
0x189: {  	[sflag:s29] =	ssyncset.done $0x0  }
0x18a: {  	s9 =	sor.u32 $0x200, s2;
	[sflag:s29] =	ssyncadd.s32 $0xFFFFC000  }
0x18b: {  	[tilespmem:s25], [sflag:$0x3] =	stream.indirect.gather [hbm4b:s5+s24], $0x80, s9, s24, $0xb8;
	[tilespmem:$0x1E000] =	vst v63  }
0x18c: {  	_ =	swait.ge [sflag:s30], $0x4000  }
0x18d: {  	[sflag:s30] =	ssyncset.done $0x0  }
0x18e: {  	s10 =	sor.u32 $0x1180, s2;
	[sflag:s30] =	ssyncadd.s32 $0xFFFFC000  }
0x18f: {  	[spmem:s1] =	stream.indirect.scatter.add.f32 [tilespmem:s20], [sflag:$0x6], $0x80, s10, s24, $0xb8;
	[tilespmem:$0x1E000] =	vst v63  }
0x190: {  	_ =	swait.ge [sflag:s31], $0x4000  }
0x191: {  	[sflag:s31] =	ssyncset.done $0x0  }
0x192: {  	s11 =	sor.u32 $0x280, s2;
	[sflag:s31] =	ssyncadd.s32 $0xFFFFC000  }
0x193: {  	[tilespmem:s20], [sflag:$0x4] =	stream.indirect.gather [hbm4b:s5+s24], $0x80, s11, s24, $0xb8;
	[tilespmem:$0x1E000] =	vst v63  }
0x194: {  	_ =	swait.ge [sflag:s28], $0x4000  }
0x195: {  	[sflag:s28] =	ssyncset.done $0x0  }
0x196: {  	s12 =	sor.u32 $0x1200, s2;
	[sflag:s28] =	ssyncadd.s32 $0xFFFFC000  }
0x197: {  	[spmem:s1] =	stream.indirect.scatter.add.f32 [tilespmem:s25], [sflag:$0x5], $0x80, s12, s24, $0xb8;
	[tilespmem:$0x1E000] =	vst v63  }
0x198: {  	_ =	swait.ge [sflag:s29], $0x4000  }
0x199: {  	[sflag:s29] =	ssyncset.done $0x0  }
0x19a: {  	s13 =	sor.u32 $0x300, s2;
	[sflag:s29] =	ssyncadd.s32 $0xFFFFC000  }
0x19b: {  	[tilespmem:s25], [sflag:$0x3] =	stream.indirect.gather [hbm4b:s5+s24], $0x80, s13, s24, $0xb8;
	[tilespmem:$0x1E000] =	vst v63  }
0x19c: {  	_ =	swait.ge [sflag:s30], $0x4000  }
0x19d: {  	[sflag:s30] =	ssyncset.done $0x0  }
0x19e: {  	s14 =	sor.u32 $0x1280, s2;
	[sflag:s30] =	ssyncadd.s32 $0xFFFFC000  }
0x19f: {  	[spmem:s1] =	stream.indirect.scatter.add.f32 [tilespmem:s20], [sflag:$0x6], $0x80, s14, s24, $0xb8;
	[tilespmem:$0x1E000] =	vst v63  }
0x1a0: {  	_ =	swait.ge [sflag:s31], $0x4000  }
0x1a1: {  	[sflag:s31] =	ssyncset.done $0x0  }
0x1a2: {  	s22 =	sor.u32 $0x380, s2;
	[sflag:s31] =	ssyncadd.s32 $0xFFFFC000  }
0x1a3: {  	[tilespmem:s20], [sflag:$0x4] =	stream.indirect.gather [hbm4b:s5+s24], $0x80, s22, s24, $0xb8;
	[tilespmem:$0x1E000] =	vst v63  }
0x1a4: {  	_ =	swait.ge [sflag:s28], $0x4000  }
0x1a5: {  	[sflag:s28] =	ssyncset.done $0x0  }
0x1a6: {  	s23 =	sor.u32 $0x1300, s2;
	[sflag:s28] =	ssyncadd.s32 $0xFFFFC000  }
0x1a7: {  	[spmem:s1] =	stream.indirect.scatter.add.f32 [tilespmem:s25], [sflag:$0x5], $0x80, s23, s24, $0xb8;
	[tilespmem:$0x1E000] =	vst v63  }
0x1a8: {  	_ =	swait.ge [sflag:s29], $0x4000  }
0x1a9: {  	[sflag:s29] =	ssyncset.done $0x0  }
0x1aa: {  	s7 =	sor.u32 $0x400, s2;
	[sflag:s29] =	ssyncadd.s32 $0xFFFFC000  }
0x1ab: {  	[tilespmem:s25], [sflag:$0x3] =	stream.indirect.gather [hbm4b:s5+s24], $0x80, s7, s24, $0xb8;
	[tilespmem:$0x1E000] =	vst v63  }
0x1ac: {  	_ =	swait.ge [sflag:s30], $0x4000  }
0x1ad: {  	[sflag:s30] =	ssyncset.done $0x0  }
0x1ae: {  	s9 =	sor.u32 $0x1380, s2;
	[sflag:s30] =	ssyncadd.s32 $0xFFFFC000  }
0x1af: {  	[spmem:s1] =	stream.indirect.scatter.add.f32 [tilespmem:s20], [sflag:$0x6], $0x80, s9, s24, $0xb8;
	[tilespmem:$0x1E000] =	vst v63  }
0x1b0: {  	_ =	swait.ge [sflag:s31], $0x4000  }
0x1b1: {  	[sflag:s31] =	ssyncset.done $0x0  }
0x1b2: {  	s10 =	sor.u32 $0x480, s2;
	[sflag:s31] =	ssyncadd.s32 $0xFFFFC000  }
0x1b3: {  	[tilespmem:s20], [sflag:$0x4] =	stream.indirect.gather [hbm4b:s5+s24], $0x80, s10, s24, $0xb8;
	[tilespmem:$0x1E000] =	vst v63  }
0x1b4: {  	_ =	swait.ge [sflag:s28], $0x4000  }
0x1b5: {  	[sflag:s28] =	ssyncset.done $0x0  }
0x1b6: {  	s11 =	sor.u32 $0x1400, s2;
	[sflag:s28] =	ssyncadd.s32 $0xFFFFC000  }
0x1b7: {  	[spmem:s1] =	stream.indirect.scatter.add.f32 [tilespmem:s25], [sflag:$0x5], $0x80, s11, s24, $0xb8;
	[tilespmem:$0x1E000] =	vst v63  }
0x1b8: {  	_ =	swait.ge [sflag:s29], $0x4000  }
0x1b9: {  	[sflag:s29] =	ssyncset.done $0x0  }
0x1ba: {  	s12 =	sor.u32 $0x500, s2;
	[sflag:s29] =	ssyncadd.s32 $0xFFFFC000  }
0x1bb: {  	[tilespmem:s25], [sflag:$0x3] =	stream.indirect.gather [hbm4b:s5+s24], $0x80, s12, s24, $0xb8;
	[tilespmem:$0x1E000] =	vst v63  }
0x1bc: {  	_ =	swait.ge [sflag:s30], $0x4000  }
0x1bd: {  	[sflag:s30] =	ssyncset.done $0x0  }
0x1be: {  	s13 =	sor.u32 $0x1480, s2;
	[sflag:s30] =	ssyncadd.s32 $0xFFFFC000  }
0x1bf: {  	[spmem:s1] =	stream.indirect.scatter.add.f32 [tilespmem:s20], [sflag:$0x6], $0x80, s13, s24, $0xb8;
	[tilespmem:$0x1E000] =	vst v63  }
0x1c0: {  	_ =	swait.ge [sflag:s31], $0x4000  }
0x1c1: {  	[sflag:s31] =	ssyncset.done $0x0  }
0x1c2: {  	s14 =	sor.u32 $0x580, s2;
	[sflag:s31] =	ssyncadd.s32 $0xFFFFC000  }
0x1c3: {  	[tilespmem:s20], [sflag:$0x4] =	stream.indirect.gather [hbm4b:s5+s24], $0x80, s14, s24, $0xb8;
	[tilespmem:$0x1E000] =	vst v63  }
0x1c4: {  	_ =	swait.ge [sflag:s28], $0x4000  }
0x1c5: {  	[sflag:s28] =	ssyncset.done $0x0  }
0x1c6: {  	s22 =	sor.u32 $0x1500, s2;
	[sflag:s28] =	ssyncadd.s32 $0xFFFFC000  }
0x1c7: {  	[spmem:s1] =	stream.indirect.scatter.add.f32 [tilespmem:s25], [sflag:$0x5], $0x80, s22, s24, $0xb8;
	[tilespmem:$0x1E000] =	vst v63  }
0x1c8: {  	_ =	swait.ge [sflag:s29], $0x4000  }
0x1c9: {  	[sflag:s29] =	ssyncset.done $0x0  }
0x1ca: {  	s23 =	sor.u32 $0x600, s2;
	[sflag:s29] =	ssyncadd.s32 $0xFFFFC000  }
0x1cb: {  	[tilespmem:s25], [sflag:$0x3] =	stream.indirect.gather [hbm4b:s5+s24], $0x80, s23, s24, $0xb8;
	[tilespmem:$0x1E000] =	vst v63  }
0x1cc: {  	_ =	swait.ge [sflag:s30], $0x4000  }
0x1cd: {  	[sflag:s30] =	ssyncset.done $0x0  }
0x1ce: {  	s7 =	sor.u32 $0x1580, s2;
	[sflag:s30] =	ssyncadd.s32 $0xFFFFC000  }
0x1cf: {  	[spmem:s1] =	stream.indirect.scatter.add.f32 [tilespmem:s20], [sflag:$0x6], $0x80, s7, s24, $0xb8;
	[tilespmem:$0x1E000] =	vst v63  }
0x1d0: {  	_ =	swait.ge [sflag:s31], $0x4000  }
0x1d1: {  	[sflag:s31] =	ssyncset.done $0x0  }
0x1d2: {  	s9 =	sor.u32 $0x680, s2;
	[sflag:s31] =	ssyncadd.s32 $0xFFFFC000  }
0x1d3: {  	[tilespmem:s20], [sflag:$0x4] =	stream.indirect.gather [hbm4b:s5+s24], $0x80, s9, s24, $0xb8;
	[tilespmem:$0x1E000] =	vst v63  }
0x1d4: {  	_ =	swait.ge [sflag:s28], $0x4000  }
0x1d5: {  	[sflag:s28] =	ssyncset.done $0x0  }
0x1d6: {  	s10 =	sor.u32 $0x1600, s2;
	[sflag:s28] =	ssyncadd.s32 $0xFFFFC000  }
0x1d7: {  	[spmem:s1] =	stream.indirect.scatter.add.f32 [tilespmem:s25], [sflag:$0x5], $0x80, s10, s24, $0xb8;
	[tilespmem:$0x1E000] =	vst v63  }
0x1d8: {  	_ =	swait.ge [sflag:s29], $0x4000  }
0x1d9: {  	[sflag:s29] =	ssyncset.done $0x0  }
0x1da: {  	s11 =	sor.u32 $0x700, s2;
	[sflag:s29] =	ssyncadd.s32 $0xFFFFC000  }
0x1db: {  	[tilespmem:s25], [sflag:$0x3] =	stream.indirect.gather [hbm4b:s5+s24], $0x80, s11, s24, $0xb8;
	[tilespmem:$0x1E000] =	vst v63  }
0x1dc: {  	_ =	swait.ge [sflag:s30], $0x4000  }
0x1dd: {  	[sflag:s30] =	ssyncset.done $0x0  }
0x1de: {  	s12 =	sor.u32 $0x1680, s2;
	[sflag:s30] =	ssyncadd.s32 $0xFFFFC000  }
0x1df: {  	[spmem:s1] =	stream.indirect.scatter.add.f32 [tilespmem:s20], [sflag:$0x6], $0x80, s12, s24, $0xb8;
	[tilespmem:$0x1E000] =	vst v63  }
0x1e0: {  	_ =	swait.ge [sflag:s31], $0x4000  }
0x1e1: {  	[sflag:s31] =	ssyncset.done $0x0  }
0x1e2: {  	s13 =	sor.u32 $0x780, s2;
	[sflag:s31] =	ssyncadd.s32 $0xFFFFC000  }
0x1e3: {  	[tilespmem:s20], [sflag:$0x4] =	stream.indirect.gather [hbm4b:s5+s24], $0x80, s13, s24, $0xb8;
	[tilespmem:$0x1E000] =	vst v63  }
0x1e4: {  	_ =	swait.ge [sflag:s28], $0x4000  }
0x1e5: {  	[sflag:s28] =	ssyncset.done $0x0  }
0x1e6: {  	s14 =	sor.u32 $0x1700, s2;
	[sflag:s28] =	ssyncadd.s32 $0xFFFFC000  }
0x1e7: {  	[spmem:s1] =	stream.indirect.scatter.add.f32 [tilespmem:s25], [sflag:$0x5], $0x80, s14, s24, $0xb8;
	[tilespmem:$0x1E000] =	vst v63  }
0x1e8: {  	_ =	swait.ge [sflag:s30], $0x4000  }
0x1e9: {  	[sflag:s30] =	ssyncset.done $0x0  }
0x1ea: {  	s2 =	sor.u32 $0x1780, s2;
	[sflag:s30] =	ssyncadd.s32 $0xFFFFC000  }
0x1eb: {  	[spmem:s1] =	stream.indirect.scatter.add.f32 [tilespmem:s20], [sflag:$0x6], $0x80, s2, s24, $0xb8;
	[tilespmem:$0x1E000] =	vst v63  }
0x1ec: {  	_ =	swait.ge [sflag:s29], $0x4000  }
0x1ed: {  	[sflag:s29] =	ssyncset.done $0x0  }
0x1ee: {  	[sflag:s29] =	ssyncadd.s32 $0xFFFFC000  }
0x1ef: {  	s19 =	sadd.s32 $0x1, s19;
	_ =	swait.ge [sflag:s31], $0x4000  }
0x1f0: {  	p0 =	sne.s32 s19, s16;
	s22 =	stileid.u32;
	[sflag:s31] =	ssyncset.done $0x0  }
0x1f1: {  	s23 =	sshrl.u32 s8, $0x3;
	s2 =	sshll.u32 s22, $0x6;
	[sflag:s31] =	ssyncadd.s32 $0xFFFFC000  }
.Ltmp2:
0x1f2: {  	s2 =	sor.u32 $0x1C07, s2;
	[bflag:$0x0] =	sbarrier.arrive $0xFFFF;
	(pc) =	sbr.rel @p0 .LBB2_1-.Ltmp2, $4  }
0x1f3: {  	[hbm:s15], [sflag:s2] =	dma.local [spmem:s23], $0x2800  }
0x1f4: {  	_ =	swait.ge [sflag:s0], $0x2800  }
0x1f5: {  	[sflag:s0] =	ssyncset.done $0x0  }
0x1f6: {  	[sflag:s0] =	ssyncadd.s32 $0xFFFFD800  }
0x1f7: {  	_ =	sfence.sel $0x180000  }
0x1f8: {  	[bflag:$0x0] =	sbarrier.arrive $0xFFFF  }
0x1f9: {  	_ =	strace $0x9000004A  }
0x1fa: {  	s0 =	stileid.u32;
	[bflag:$0x2] =	sbarrier.arrive $0xFFFF  }
0x1fb: {  	p0 =	sne.s32 s0, $0x0;
	s0 =	rddreg [dreg:$0x2]  }
0x1fc: {  	s0 =	sadd.s32 @!p0 $0x100000, s0  }
0x1fd: {  	[sflag:s0] =	ssyncadd.tile.s32 @!p0 $0x1;
	_ =	shalt  }
.Lfunc_end2:
_tile_overlayer_lowered:
.L_overlay_start_2:
0x1fe: {  	(tag) =	ssettag $0x2  }
0x1ff: {  	s0 =	rddreg [dreg:$0x0];
	s2 =	stileid.u32  }
0x200: {  	s1 =	rddreg [dreg:$0x1];
	p0 =	sne.s32 s2, $0x0  }
0x201: {  	s3 =	rddreg [dreg:$0x2];
	[bflag:$0x3] =	sbarrier.arrive $0xFFFF;
	s2 =	simm.s32 @!p0 $0x1C07  }
0x202: {  	[timem:s3], [sflag:s2] =	dma.local @!p0 [hbm:s0], s1  }
0x203: {  	s0 =	simm.s32 @!p0 $0x7  }
0x204: {  	_ =	swait.ge @!p0 [sflag:s0], s1  }
0x205: {  	s1 =	ssub.s32 @!p0 $0x0, s1;
	[sflag:s0] =	ssyncset.done @!p0 $0x0  }
0x206: {  	[sflag:s0] =	ssyncadd.s32 @!p0 s1  }
0x207: {  	[bflag:$0x3] =	sbarrier.arrive $0xFFFF  }
0x208: {  	_ =	shalt  }

// kernel: kernel.15.cloned.1.call-start
scs
__scs_entry_jumppad:
0x0: {  	(pc) =	sbr.rel $0x88, $3  }
0x1: {  	(tag) =	ssettag $0x0;
	lr =	simm.s32 $0x1  }
0x2: {  	[smem:$0x3F9A] =	sst lr;
	_ =	strace $0xD0000000  }
0x3: {  	_ = 	snop  }
0x4: {  	_ = 	snop  }
0x5: {  	_ = 	snop  }
0x6: {  	_ = 	snop  }
0x7: {  	_ = 	snop  }
__scs_overlays_trampoline_lowered:
0x8: {  	[smem:$0x3FA9] =	sst s0  }
0x9: {  	[smem:$0x3FAA] =	sst s1  }
0xa: {  	[smem:$0x3FAB] =	sst s2  }
0xb: {  	[smem:$0x3FAC] =	sst s3  }
0xc: {  	[smem:$0x3FAD] =	sst s4  }
0xd: {  	[smem:$0x3FAE] =	sst s5  }
0xe: {  	[smem:$0x3FAF] =	sst s6  }
0xf: {  	[smem:$0x3FB0] =	sst s7  }
0x10: {  	[smem:$0x3FB1] =	sst s8  }
0x11: {  	[smem:$0x3FB2] =	sst s9;
	s0 =	simm.s32 @!p0 $0x0  }
0x12: {  	s1 =	sld [smem:$0x3F98];
	s0 =	simm.s32 @p0 $0x1  }
0x13: {  	[smem:$0x3FB3] =	sst s0;
	s0 =	simm.s32 @!p1 $0x0  }
0x14: {  	s2 =	sld [smem:$0x3F97];
	s0 =	simm.s32 @p1 $0x1  }
0x15: {  	[smem:$0x3FB4] =	sst s0;
	s0 =	simm.s32 @!p2 $0x0  }
0x16: {  	s3 =	sld [smem:$0x3FDB];
	s0 =	simm.s32 @p2 $0x1  }
0x17: {  	s4 =	simm.s32 $0x1BF5;
	[smem:$0x3FB6] =	sst s0  }
0x18: {  	s0 =	sld [smem:$0x3F99];
	_ =	swait.ge [sflag:s4], $0x0  }
0x19: {  	s7 =	sld [smem:$0x3F9A]  }
0x1a: {  	s8 =	sadd.s32 $0xFFFFE003, lr  }
0x1b: {  	s9 =	sadd.s32 $0xFFFFFEF7, lr;
	s5 =	simm.s32 $0xFFFFFFFF;
	p2 =	slt.u32 s8, $0xFFFFF086  }
0x1c: {  	p1 =	slt.u32 s9, $0xF7A;
	s5 =	simm.s32 @!p2 $0x0  }
0x1d: {  	s5 =	simm.s32 @p1 $0x1;
	p0 =	seq.s32 s7, s2  }
0x1e: {  	s7 =	smul.u32 @!p0 $0xF7A, s2;
	p2 =	seq.s32 @!p0 s5, $0x0  }
0x1f: {  	s9 =	smul.u32 $0xF7A, s1;
	s8 =	simm.s32 @!p0 $0x1BF5;
	p2 =	por !p2, p0  }
0x20: {  	[sflag:s8] =	ssyncset.s32 @!p0 $0xFFFFF086;
	s6 =	sadd.s32 @!p0 s3, s7;
	s7 =	simm.s32 @!p0 $0x108  }
0x21: {  	s3 =	sadd.s32 s3, s9;
	s6 =	sadd.s32 @!p0 $0x88, s6;
	s7 =	simm.s32 @p2 $0x1082  }
0x22: {  	[simem:s7], [sflag:s8] =	dma.local @!p0 [hbm:s6], $0xF7A  }
0x23: {  	s9 =	sor.u32 $0xD0000000, s2;
	s6 =	simm.s32 $0x108;
	_ =	swait.ge @!p0 [sflag:s8], $0x0  }
0x24: {  	s3 =	sadd.s32 $0x88, s3;
	s6 =	simm.s32 @!p1 $0x1082;
	[sflag:s4] =	ssyncset.s32 $0xFFFFF086  }
0x25: {  	[simem:s6], [sflag:s4] =	dma.local [hbm:s3], $0xF7A  }
0x26: {  	[smem:$0x3F9A] =	sst s1;
	(tag) =	ssettag s2;
	_ =	strace s9  }
0x27: {  	s1 =	sld [smem:$0x3FAA]  }
0x28: {  	s2 =	sld [smem:$0x3FAB]  }
0x29: {  	s4 =	sld [smem:$0x3FAD]  }
0x2a: {  	p0 =	seq.s32 s5, $0x0;
	s5 =	sld [smem:$0x3FAE]  }
0x2b: {  	s6 =	sld [smem:$0x3FAF]  }
0x2c: {  	s7 =	sld [smem:$0x3FB0]  }
0x2d: {  	s3 =	simm.s32 $0x108;
	s8 =	sld [smem:$0x3FB1]  }
0x2e: {  	s3 =	simm.s32 @!p0 $0x1082;
	s9 =	sld [smem:$0x3FB2]  }
0x2f: {  	lr =	sadd.s32 s0, s3;
	s0 =	sld [smem:$0x3FA9]  }
0x30: {  	s3 =	sld [smem:$0x3FAC]  }
0x31: {  	[smem:$0x3FB5] =	sst s10  }
0x32: {  	s10 =	sld [smem:$0x3FB3];
	_ =	sdelay $0x3  }
0x33: {  	p0 =	seq.s32 s10, $0x1;
	s10 =	sld [smem:$0x3FB5];
	_ =	sdelay $0x3  }
0x34: {  	[smem:$0x3FB5] =	sst s10  }
0x35: {  	s10 =	sld [smem:$0x3FB4];
	_ =	sdelay $0x3  }
0x36: {  	p1 =	seq.s32 s10, $0x1;
	s10 =	sld [smem:$0x3FB5];
	_ =	sdelay $0x3  }
0x37: {  	[smem:$0x3FB5] =	sst s10  }
0x38: {  	s10 =	sld [smem:$0x3FB6]  }
0x39: {  	_ = 	snop;
	(pc) =	sbr.ind lr, $3  }
0x3a: {  	_ = 	snop  }
0x3b: {  	_ = 	snop  }
0x3c: {  	p2 =	seq.s32 s10, $0x1;
	s10 =	sld [smem:$0x3FB5]  }
0x3d: {  	_ =	shalt  }
0x3e: {  	_ =	shalt  }
0x3f: {  	_ =	shalt  }
0x40: {  	_ =	shalt  }
0x41: {  	_ =	shalt  }
0x42: {  	_ =	shalt  }
0x43: {  	_ =	shalt  }
0x44: {  	_ =	shalt  }
0x45: {  	_ =	shalt  }
0x46: {  	_ =	shalt  }
0x47: {  	_ =	shalt  }
0x48: {  	_ =	shalt  }
0x49: {  	_ =	shalt  }
0x4a: {  	_ =	shalt  }
0x4b: {  	_ =	shalt  }
0x4c: {  	_ =	shalt  }
0x4d: {  	_ =	shalt  }
0x4e: {  	_ =	shalt  }
0x4f: {  	_ =	shalt  }
0x50: {  	_ =	shalt  }
0x51: {  	_ =	shalt  }
0x52: {  	_ =	shalt  }
0x53: {  	_ =	shalt  }
0x54: {  	_ =	shalt  }
0x55: {  	_ =	shalt  }
0x56: {  	_ =	shalt  }
0x57: {  	_ =	shalt  }
0x58: {  	_ =	shalt  }
0x59: {  	_ =	shalt  }
0x5a: {  	_ =	shalt  }
0x5b: {  	_ =	shalt  }
0x5c: {  	_ =	shalt  }
0x5d: {  	_ =	shalt  }
0x5e: {  	_ =	shalt  }
0x5f: {  	_ =	shalt  }
0x60: {  	_ =	shalt  }
0x61: {  	_ =	shalt  }
0x62: {  	_ =	shalt  }
0x63: {  	_ =	shalt  }
0x64: {  	_ =	shalt  }
0x65: {  	_ =	shalt  }
0x66: {  	_ =	shalt  }
0x67: {  	_ =	shalt  }
0x68: {  	_ =	shalt  }
0x69: {  	_ =	shalt  }
0x6a: {  	_ =	shalt  }
0x6b: {  	_ =	shalt  }
0x6c: {  	_ =	shalt  }
0x6d: {  	_ =	shalt  }
0x6e: {  	_ =	shalt  }
0x6f: {  	_ =	shalt  }
0x70: {  	_ =	shalt  }
0x71: {  	_ =	shalt  }
0x72: {  	_ =	shalt  }
0x73: {  	_ =	shalt  }
0x74: {  	_ =	shalt  }
0x75: {  	_ =	shalt  }
0x76: {  	_ =	shalt  }
0x77: {  	_ =	shalt  }
0x78: {  	_ =	shalt  }
0x79: {  	_ =	shalt  }
0x7a: {  	_ =	shalt  }
0x7b: {  	_ =	shalt  }
0x7c: {  	_ =	shalt  }
0x7d: {  	_ =	shalt  }
0x7e: {  	_ =	shalt  }
0x7f: {  	_ =	shalt  }
0x80: {  	_ =	shalt  }
0x81: {  	_ =	shalt  }
0x82: {  	_ =	shalt  }
0x83: {  	_ =	shalt  }
0x84: {  	_ =	shalt  }
0x85: {  	_ =	shalt  }
0x86: {  	_ =	shalt  }
0x87: {  	_ =	shalt  }
.Lfunc_end0:
.L_simem_size_0:
called_computation.2_lowered:
.L_overlay_start_0:
0x88: {  	s2 =	sld [smem:$0x3FD9]  }
0x89: {  	s3 =	sld [smem:$0x3FFE];
	_ =	sdelay $0x1  }
0x8a: {  	s1 =	srdreg.scid  }
0x8b: {  	s0 =	sand.u32 $0x1, s1  }
0x8c: {  	s16 =	sshll.u32 s0, $0xA;
	s2 =	sadd.s32 s3, s2  }
0x8d: {  	s2 =	sadd.s32 s2, s16  }
0x8e: {  	[smem:$0x3FC1] =	sst s2  }
0x8f: {  	_ = 	snop  }
0x90: {  	(tm) =	ssettm $0x1  }
0x91: {  	s17 =	sld [smem:$0x3FFB];
	_ =	sdelay $0x3  }
0x92: {  	_ =	strace s17  }
0x93: {  	s2 =	sld [smem:$0x3FFC];
	_ =	sdelay $0x3  }
0x94: {  	_ =	strace s2  }
0x95: {  	s2 =	sld [smem:$0x3FFD];
	_ =	sdelay $0x3  }
0x96: {  	_ =	strace s2  }
0x97: {  	_ =	strace $0x8FFFFFFF  }
0x98: {  	s18 =	sld [smem:$0x3FDB];
	_ =	sdelay $0x1  }
0x99: {  	s19 =	simm.s32 $_scs_section_size  }
0x9a: {  	s4 =	simm.s32 $_size__tile_overlayer_lowered;
	s5 =	simm.s32 $_tile_overlayer_lowered  }
0x9b: {  	s22 =	simm.s32 $0x1BFF;
	s21 =	sshll.u32 s5, $0x1;
	s2 =	sadd.s32 s19, s18  }
0x9c: {  	s6 =	simm.s32 $0x0;
	s20 =	sshll.u32 s4, $0x1;
	s4 =	sadd.s32 s21, s2  }
0x9d: {  	[timem:s6], [sflag:s22] =	dma.local [hbm:s4], s20  }
0x9e: {  	_ =	swait.ge [sflag:s22], s20  }
0x9f: {  	s3 =	ssub.s32 $0x0, s20;
	[sflag:s22] =	ssyncset.done $0x0  }
0xa0: {  	[sflag:s22] =	ssyncadd.s32 s3;
	_ =	sdelay $0x1  }
0xa1: {  	s23 =	simm.s32 $0x1B8B  }
0xa2: {  	_ =	swait.ge [sflag:s23], $0x1  }
0xa3: {  	[sflag:s23] =	ssyncset.done $0x0  }
0xa4: {  	s25 =	simm.s32 $0x1B8E;
	s24 =	sld [smem:$0x3FFE];
	[sflag:s23] =	ssyncadd.s32 $0xFFFFFFFF  }
0xa5: {  	s26 =	simm.s32 $execute0_lowered;
	[smem:$0x3FD2] =	sst s25  }
0xa6: {  	s4 =	sshll.u32 s26, $0x1;
	_ =	strace $0x8000004C;
	[dreg:$0x1] =	wrdreg $0xFFFFFFFF  }
0xa7: {  	s28 =	simm.s32 $_size_execute0_lowered;
	s2 =	sadd.s32 s2, s4;
	[dreg:$0x0] =	wrdreg $0x0  }
0xa8: {  	s4 =	sshll.u32 s28, $0x1;
	[dreg:$0x2] =	wrdreg s2  }
0xa9: {  	[dreg:$0x3] =	wrdreg s4  }
0xaa: {  	[dreg:$0x4] =	wrdreg $0xC0  }
0xab: {  	_ =	task [dreg:s6], $0x5FFFF  }
0xac: {  	[dreg:$0x1] =	wrdreg $0xFFFFFFFF  }
0xad: {  	[dreg:$0x0] =	wrdreg $0x60  }
0xae: {  	[dreg:$0x2] =	wrdreg s24  }
0xaf: {  	[dreg:$0x3] =	wrdreg $0xA0000  }
0xb0: {  	[dreg:$0x4] =	wrdreg $0x9  }
0xb1: {  	_ =	task.clear_ibuf [dreg:s6], $0x5FFFF;
	_ =	strace $0x9000004C  }
0xb2: {  	s29 =	simm.s32 $0x9;
	_ =	strace $0x8000004E  }
0xb3: {  	_ =	swait.ge [sflag:s29], $0x1  }
0xb4: {  	[sflag:s29] =	ssyncadd.s32 $0xFFFFFFFF  }
0xb5: {  	_ =	strace $0x9000004E  }
0xb6: {  	_ =	sfence  }
0xb7: {  	s30 =	sld [smem:$0x0];
	_ =	sdelay $0x2  }
0xb8: {  	s31 =	sshll.u32 s1, $0xD;
	s1 =	sshrl.u32 s1, $0x2  }
0xb9: {  	s3 =	sand.u32 $0x4000, s31;
	s1 =	sadd.s32 s1, s30  }
0xba: {  	s0 =	sor.u32 s3, s0;
	s1 =	sshll.u32 s1, $0x11  }
0xbb: {  	s0 =	sor.u32 s1, s0  }
0xbc: {  	s0 =	sadd.s32 $0x8F2B, s0  }
0xbd: {  	[sflag:s0] =	ssyncadd.remote.s32 $0x1  }
0xbe: {  	_ =	sfence.sel $0xFFFF  }
0xbf: {  	[dreg:$0x0] =	wrdreg $0xFFFFFFFF;
	(pc) =	sbr.abs _section_cstart, $3  }
0xc0: {  	[dreg:$0x1] =	wrdreg $0xFFFFFFFF  }
0xc1: {  	_ =	task.clear_ibuf [dreg:s6], $0x2FFFF;
	_ =	strace $0x9FFFFFFF  }
0xc2: {  	(tm) =	ssettm $0x7FFFFFFF  }
0xc3: {  	_ =	shalt  }
tec
execute0_lowered:
.L_overlay_start_1:
0x0: {  	(tag) =	ssettag $0x1  }
0x1: {  	s0 =	rddreg [dreg:$0x0]  }
0x2: {  	s1 =	rddreg [dreg:$0x1];
	s3 =	simm.s32 $0x0  }
0x3: {  	s2 =	srdreg.scid;
	s10 =	stileid.u32;
	s28 =	simm.s32 $0x3  }
0x4: {  	s29 =	simm.s32 $0x5;
	s30 =	simm.s32 $0x4;
	s6 =	smul.u32 $0x14000, s10  }
0x5: {  	s31 =	simm.s32 $0x6;
	[smem:$0x7FF] =	sst s3;
	s9 =	smul.u32 $0x50000, s10  }
0x6: {  	s2 =	sand.u32 $0x1, s2;
	s4 =	sadd.s32 $0x2C00, s0;
	s19 =	smul.u32 $0x2800, s10  }
0x7: {  	s5 =	sadd.s32 $0x16C00, s0;
	s12 =	smul.u32 $0x140000, s2;
	_ =	strace $0x8000004D  }
0x8: {  	s7 =	sshll.u32 s2, $0x4;
	s13 =	ssub.s32 $0x2, s2;
	s2 =	smul.u32 $0x28000, s2  }
0x9: {  	s7 =	sor.u32 s10, s7;
	s8 =	sshrl.u32 s13, $0x1;
	s17 =	sshrl.u32 s9, $0x2  }
0xa: {  	s3 =	sadd.s32 s6, s12;
	s7 =	smul.u32 $0x2800, s7;
	s14 =	ssub.s32 s13, s8  }
0xb: {  	s8 =	sadd.s32 s17, s1;
	s2 =	sadd.s32 s19, s2;
	s19 =	simm.s32 $0x0  }
0xc: {  	s3 =	sshrl.u32 s3, $0x3;
	s20 =	sadd.s32 $0x4000, s8;
	s21 =	sadd.s32 $0x8000, s8  }
0xd: {  	s22 =	sadd.s32 $0xC000, s8;
	s23 =	sadd.s32 $0x10000, s8;
	[dreg:$0x4] =	wrdreg s20  }
0xe: {  	s26 =	sadd.s32 $0x50800, s2;
	s17 =	sadd.s32 $0x800, s2;
	[dreg:$0x5] =	wrdreg s21  }
0xf: {  	s0 =	sadd.s32 s3, s0;
	s16 =	sshrl.u32 s7, $0x3;
	[dreg:$0x6] =	wrdreg s22  }
0x10: {  	[dreg:$0x7] =	wrdreg s23;
	s20 =	simm.s32 $0x6000;
	s6 =	sadd.s32 s4, s16  }
0x11: {  	s21 =	simm.s32 $0x1;
	s15 =	sadd.s32 $0x3DE00, s0;
	s18 =	sadd.s32 $0xA000, s6  }
0x12: {  	s16 =	smax.u32 s14, $0x1;
	s24 =	sadd.s32 $0x100, s6;
	[dreg:$0x3] =	wrdreg s18  }
0x13: {  	s0 =	sshrl.u32 s26, $0x3;
	s25 =	sadd.s32 $0xA100, s6;
	[dreg:$0x8] =	wrdreg s24  }
0x14: {  	s26 =	simm.s32 $0x2;
	[dreg:$0x9] =	wrdreg s25;
	s18 =	sadd.s32 s0, s4  }
0x15: {  	v0 =	vimm.f32 $0.0e+00;
	s24 =	simm.s32 $0x80;
	s25 =	simm.s32 $0x2000;
	s0 =	simm.s32 $0x7  }
.LBB2_1:
0x16: {  	s2 =	simm.s32 $0x0  }
0x17: {  	[tilespmem:s2], [sflag:$0x1] =	stream.linear.gather [hbm4b:s6+s2], $0x800, $0x38;
	[tilespmem:$0x1E000] =	vst v63  }
0x18: {  	s3 =	rddreg [dreg:$0x3];
	s7 =	simm.s32 $0x1000  }
0x19: {  	[tilespmem:s7], [sflag:$0x1] =	stream.linear.gather [hbm4b:s3+s2], $0x800, $0x38;
	[tilespmem:$0x1E000] =	vst v63  }
0x1a: {  	s2 =	simm.s32 $0x0;
	s3 =	simm.s32 $0x200  }
.LBB2_2:
0x1b: {  	p0 =	sne.s32 s3, $0xFE00;
	[tilespmem:s2+$0x6070] =	vst v0  }
0x1c: {  	[tilespmem:s2+$0x6000] =	vst v0  }
0x1d: {  	[tilespmem:s2+$0x6010] =	vst v0  }
.Ltmp0:
0x1e: {  	[tilespmem:s2+$0x6020] =	vst v0;
	(pc) =	sbr.rel @p0 .LBB2_2-.Ltmp0, $4  }
0x1f: {  	[tilespmem:s2+$0x6030] =	vst v0  }
0x20: {  	[tilespmem:s2+$0x6040] =	vst v0  }
0x21: {  	[tilespmem:s2+$0x6050] =	vst v0  }
0x22: {  	[tilespmem:s2+$0x6060] =	vst v0;
	s2 =	sshra.s32 s3, $0x2;
	s3 =	sadd.s32 $0x200, s3  }
0x23: {  	[tilespmem:s2+$0x6070] =	vst v0  }
0x24: {  	[tilespmem:s2+$0x6000] =	vst v0  }
0x25: {  	[tilespmem:s2+$0x6010] =	vst v0  }
0x26: {  	[tilespmem:s2+$0x6020] =	vst v0  }
0x27: {  	[tilespmem:s2+$0x6030] =	vst v0  }
0x28: {  	[tilespmem:s2+$0x6040] =	vst v0  }
0x29: {  	[tilespmem:s2+$0x6050] =	vst v0  }
0x2a: {  	[tilespmem:s2+$0x6060] =	vst v0  }
0x2b: {  	[spmem:s8] =	stream.linear.scatter [tilespmem:s20], [sflag:$0x2], $0x4000, $0x38;
	[tilespmem:$0x1E000] =	vst v63  }
0x2c: {  	s9 =	rddreg [dreg:$0x4]  }
0x2d: {  	[spmem:s9] =	stream.linear.scatter [tilespmem:s20], [sflag:$0x2], $0x4000, $0x38;
	[tilespmem:$0x1E000] =	vst v63  }
0x2e: {  	s10 =	rddreg [dreg:$0x5]  }
0x2f: {  	[spmem:s10] =	stream.linear.scatter [tilespmem:s20], [sflag:$0x2], $0x4000, $0x38;
	[tilespmem:$0x1E000] =	vst v63  }
0x30: {  	s11 =	rddreg [dreg:$0x6]  }
0x31: {  	[spmem:s11] =	stream.linear.scatter [tilespmem:s20], [sflag:$0x2], $0x4000, $0x38;
	[tilespmem:$0x1E000] =	vst v63  }
0x32: {  	s12 =	rddreg [dreg:$0x7]  }
0x33: {  	[spmem:s12] =	stream.linear.scatter [tilespmem:s20], [sflag:$0x2], $0x4000, $0x38;
	[tilespmem:$0x1E000] =	vst v63  }
0x34: {  	_ =	swait.ge [sflag:s21], $0x800  }
0x35: {  	[sflag:s21] =	ssyncset.done $0x0  }
0x36: {  	[sflag:s21] =	ssyncadd.s32 $0xFFFFF800  }
0x37: {  	_ =	swait.ge [sflag:s21], $0x800  }
0x38: {  	s13 =	simm.s32 $0x0;
	[sflag:s21] =	ssyncset.done $0x0  }
0x39: {  	s7 =	simm.s32 $0x800;
	s3 =	rddreg [dreg:$0x8];
	[sflag:s21] =	ssyncadd.s32 $0xFFFFF800  }
0x3a: {  	[tilespmem:s7], [sflag:$0x1] =	stream.linear.gather [hbm4b:s3+s13], $0x800, $0x38;
	[tilespmem:$0x1E000] =	vst v63  }
0x3b: {  	s22 =	simm.s32 $0x1800;
	s14 =	rddreg [dreg:$0x9]  }
0x3c: {  	[tilespmem:s22], [sflag:$0x1] =	stream.linear.gather [hbm4b:s14+s13], $0x800, $0x38;
	[tilespmem:$0x1E000] =	vst v63  }
0x3d: {  	_ = 	snop  }
0x3e: {  	[tilespmem:s25], [sflag:$0x3] =	stream.indirect.gather [hbm4b:s5+s24], $0x80, s13, s24, $0xb8;
	[tilespmem:$0x1E000] =	vst v63  }
0x3f: {  	_ =	swait.ge [sflag:s26], $0x4000  }
0x40: {  	[sflag:s26] =	ssyncset.done $0x0  }
0x41: {  	[sflag:s26] =	ssyncadd.s32 $0xFFFFC000  }
0x42: {  	_ =	swait.ge [sflag:s26], $0x4000  }
0x43: {  	[sflag:s26] =	ssyncset.done $0x0  }
0x44: {  	[sflag:s26] =	ssyncadd.s32 $0xFFFFC000  }
0x45: {  	_ =	swait.ge [sflag:s26], $0x4000  }
0x46: {  	[sflag:s26] =	ssyncset.done $0x0  }
0x47: {  	[sflag:s26] =	ssyncadd.s32 $0xFFFFC000  }
0x48: {  	_ =	swait.ge [sflag:s26], $0x4000  }
0x49: {  	[sflag:s26] =	ssyncset.done $0x0  }
0x4a: {  	[sflag:s26] =	ssyncadd.s32 $0xFFFFC000  }
0x4b: {  	_ =	swait.ge [sflag:s26], $0x4000  }
0x4c: {  	[sflag:s26] =	ssyncset.done $0x0  }
0x4d: {  	p0 =	por $0x1, $0x1;
	[sflag:s26] =	ssyncadd.s32 $0xFFFFC000  }
0x4e: {  	[tilespmem:s20], [sflag:$0x4] =	stream.indirect.gather [hbm4b:s5+s24], $0x80, s24, s24, $0xb8;
	[tilespmem:$0x1E000] =	vst v63  }
0x4f: {  	s3 =	simm.s32 @!p0 $0x1;
	[bflag:$0x0] =	sbarrier.arrive $0xFFFF  }
0x50: {  	_ =	swait.ge @!p0 [sflag:s3], $0x800  }
0x51: {  	p1 =	por @!p0 $0x0, $0x0;
	[sflag:s3] =	ssyncset.done @!p0 $0x0  }
0x52: {  	p1 =	por p1, p0;
	[sflag:s3] =	ssyncadd.s32 @!p0 $0xFFFFF800  }
0x53: {  	s2 =	sand.u32 $0x1, s13;
	s9 =	sshrl.u32 @!p1 s17, $0x3;
	_ =	swait.ge @!p0 [sflag:s3], $0x800  }
0x54: {  	s9 =	sadd.s32 @!p1 s4, s9;
	s7 =	sshll.u32 @!p1 s2, $0xB;
	[sflag:s3] =	ssyncset.done @!p0 $0x0  }
0x55: {  	s22 =	sxor.u32 @!p1 $0x800, s7;
	[sflag:s3] =	ssyncadd.s32 @!p0 $0xFFFFF800;
	s3 =	simm.s32 @!p1 $0x0  }
0x56: {  	[tilespmem:s22], [sflag:$0x1] =	stream.linear.gather @!p1 [hbm4b:s9+s3], $0x800, $0x38;
	[tilespmem:$0x1E000] =	vst v63  }
0x57: {  	s7 =	sxor.u32 @!p1 $0x1800, s7;
	s9 =	simm.s32 @!p0 $0x5  }
0x58: {  	[tilespmem:s7], [sflag:$0x1] =	stream.linear.gather @!p1 [hbm4b:s18+s3], $0x800, $0x38;
	[tilespmem:$0x1E000] =	vst v63  }
0x59: {  	_ =	swait.ge @!p0 [sflag:s9], $0x4000  }
0x5a: {  	s22 =	simm.s32 @!p0 $0x80;
	s3 =	simm.s32 @!p0 $0x2000;
	[sflag:s9] =	ssyncset.done @!p0 $0x0  }
0x5b: {  	s7 =	sshll.u32 @!p0 s2, $0xB;
	[sflag:s9] =	ssyncadd.s32 @!p0 $0xFFFFC000;
	s9 =	simm.s32 @!p0 $0x6  }
0x5c: {  	[tilespmem:s3], [sflag:$0x3] =	stream.indirect.gather @!p0 [hbm4b:s5+s22], $0x80, s7, s22, $0xb8;
	[tilespmem:$0x1E000] =	vst v63  }
0x5d: {  	_ =	swait.ge @!p0 [sflag:s9], $0x4000  }
0x5e: {  	[sflag:s9] =	ssyncset.done @!p0 $0x0  }
0x5f: {  	s3 =	sor.u32 @!p0 $0x80, s7;
	s7 =	simm.s32 @!p0 $0x6000;
	[sflag:s9] =	ssyncadd.s32 @!p0 $0xFFFFC000  }
0x60: {  	[tilespmem:s7], [sflag:$0x4] =	stream.indirect.gather @!p0 [hbm4b:s5+s22], $0x80, s3, s22, $0xb8;
	[tilespmem:$0x1E000] =	vst v63  }
0x61: {  	_ =	swait.ge [sflag:s28], $0x4000  }
0x62: {  	s7 =	sshll.u32 s2, $0xB;
	[sflag:s28] =	ssyncset.done $0x0  }
0x63: {  	s2 =	sor.u32 $0x1000, s7;
	[sflag:s28] =	ssyncadd.s32 $0xFFFFC000  }
0x64: {  	[spmem:s1] =	stream.indirect.scatter.add.f32 [tilespmem:s25], [sflag:$0x5], $0x80, s2, s24, $0xb8;
	[tilespmem:$0x1E000] =	vst v63  }
0x65: {  	_ =	swait.ge [sflag:s29], $0x4000  }
0x66: {  	[sflag:s29] =	ssyncset.done $0x0  }
0x67: {  	s23 =	sor.u32 $0x100, s7;
	[sflag:s29] =	ssyncadd.s32 $0xFFFFC000  }
0x68: {  	[tilespmem:s25], [sflag:$0x3] =	stream.indirect.gather [hbm4b:s5+s24], $0x80, s23, s24, $0xb8;
	[tilespmem:$0x1E000] =	vst v63  }
0x69: {  	_ =	swait.ge [sflag:s30], $0x4000  }
0x6a: {  	[sflag:s30] =	ssyncset.done $0x0  }
0x6b: {  	s3 =	sor.u32 $0x1080, s7;
	[sflag:s30] =	ssyncadd.s32 $0xFFFFC000  }
0x6c: {  	[spmem:s1] =	stream.indirect.scatter.add.f32 [tilespmem:s20], [sflag:$0x6], $0x80, s3, s24, $0xb8;
	[tilespmem:$0x1E000] =	vst v63  }
0x6d: {  	_ =	swait.ge [sflag:s31], $0x4000  }
0x6e: {  	[sflag:s31] =	ssyncset.done $0x0  }
0x6f: {  	s9 =	sor.u32 $0x180, s7;
	[sflag:s31] =	ssyncadd.s32 $0xFFFFC000  }
0x70: {  	[tilespmem:s20], [sflag:$0x4] =	stream.indirect.gather [hbm4b:s5+s24], $0x80, s9, s24, $0xb8;
	[tilespmem:$0x1E000] =	vst v63  }
0x71: {  	_ =	swait.ge [sflag:s28], $0x4000  }
0x72: {  	[sflag:s28] =	ssyncset.done $0x0  }
0x73: {  	s10 =	sor.u32 $0x1100, s7;
	[sflag:s28] =	ssyncadd.s32 $0xFFFFC000  }
0x74: {  	[spmem:s1] =	stream.indirect.scatter.add.f32 [tilespmem:s25], [sflag:$0x5], $0x80, s10, s24, $0xb8;
	[tilespmem:$0x1E000] =	vst v63  }
0x75: {  	_ =	swait.ge [sflag:s29], $0x4000  }
0x76: {  	[sflag:s29] =	ssyncset.done $0x0  }
0x77: {  	s11 =	sor.u32 $0x200, s7;
	[sflag:s29] =	ssyncadd.s32 $0xFFFFC000  }
0x78: {  	[tilespmem:s25], [sflag:$0x3] =	stream.indirect.gather [hbm4b:s5+s24], $0x80, s11, s24, $0xb8;
	[tilespmem:$0x1E000] =	vst v63  }
0x79: {  	_ =	swait.ge [sflag:s30], $0x4000  }
0x7a: {  	[sflag:s30] =	ssyncset.done $0x0  }
0x7b: {  	s12 =	sor.u32 $0x1180, s7;
	[sflag:s30] =	ssyncadd.s32 $0xFFFFC000  }
0x7c: {  	[spmem:s1] =	stream.indirect.scatter.add.f32 [tilespmem:s20], [sflag:$0x6], $0x80, s12, s24, $0xb8;
	[tilespmem:$0x1E000] =	vst v63  }
0x7d: {  	_ =	swait.ge [sflag:s31], $0x4000  }
0x7e: {  	[sflag:s31] =	ssyncset.done $0x0  }
0x7f: {  	s13 =	sor.u32 $0x280, s7;
	[sflag:s31] =	ssyncadd.s32 $0xFFFFC000  }
0x80: {  	[tilespmem:s20], [sflag:$0x4] =	stream.indirect.gather [hbm4b:s5+s24], $0x80, s13, s24, $0xb8;
	[tilespmem:$0x1E000] =	vst v63  }
0x81: {  	_ =	swait.ge [sflag:s28], $0x4000  }
0x82: {  	[sflag:s28] =	ssyncset.done $0x0  }
0x83: {  	s14 =	sor.u32 $0x1200, s7;
	[sflag:s28] =	ssyncadd.s32 $0xFFFFC000  }
0x84: {  	[spmem:s1] =	stream.indirect.scatter.add.f32 [tilespmem:s25], [sflag:$0x5], $0x80, s14, s24, $0xb8;
	[tilespmem:$0x1E000] =	vst v63  }
0x85: {  	_ =	swait.ge [sflag:s29], $0x4000  }
0x86: {  	[sflag:s29] =	ssyncset.done $0x0  }
0x87: {  	s22 =	sor.u32 $0x300, s7;
	[sflag:s29] =	ssyncadd.s32 $0xFFFFC000  }
0x88: {  	[tilespmem:s25], [sflag:$0x3] =	stream.indirect.gather [hbm4b:s5+s24], $0x80, s22, s24, $0xb8;
	[tilespmem:$0x1E000] =	vst v63  }
0x89: {  	_ =	swait.ge [sflag:s30], $0x4000  }
0x8a: {  	[sflag:s30] =	ssyncset.done $0x0  }
0x8b: {  	s23 =	sor.u32 $0x1280, s7;
	[sflag:s30] =	ssyncadd.s32 $0xFFFFC000  }
0x8c: {  	[spmem:s1] =	stream.indirect.scatter.add.f32 [tilespmem:s20], [sflag:$0x6], $0x80, s23, s24, $0xb8;
	[tilespmem:$0x1E000] =	vst v63  }
0x8d: {  	_ =	swait.ge [sflag:s31], $0x4000  }
0x8e: {  	[sflag:s31] =	ssyncset.done $0x0  }
0x8f: {  	s3 =	sor.u32 $0x380, s7;
	[sflag:s31] =	ssyncadd.s32 $0xFFFFC000  }
0x90: {  	[tilespmem:s20], [sflag:$0x4] =	stream.indirect.gather [hbm4b:s5+s24], $0x80, s3, s24, $0xb8;
	[tilespmem:$0x1E000] =	vst v63  }
0x91: {  	_ =	swait.ge [sflag:s28], $0x4000  }
0x92: {  	[sflag:s28] =	ssyncset.done $0x0  }
0x93: {  	s9 =	sor.u32 $0x1300, s7;
	[sflag:s28] =	ssyncadd.s32 $0xFFFFC000  }
0x94: {  	[spmem:s1] =	stream.indirect.scatter.add.f32 [tilespmem:s25], [sflag:$0x5], $0x80, s9, s24, $0xb8;
	[tilespmem:$0x1E000] =	vst v63  }
0x95: {  	_ =	swait.ge [sflag:s29], $0x4000  }
0x96: {  	[sflag:s29] =	ssyncset.done $0x0  }
0x97: {  	s10 =	sor.u32 $0x400, s7;
	[sflag:s29] =	ssyncadd.s32 $0xFFFFC000  }
0x98: {  	[tilespmem:s25], [sflag:$0x3] =	stream.indirect.gather [hbm4b:s5+s24], $0x80, s10, s24, $0xb8;
	[tilespmem:$0x1E000] =	vst v63  }
0x99: {  	_ =	swait.ge [sflag:s30], $0x4000  }
0x9a: {  	[sflag:s30] =	ssyncset.done $0x0  }
0x9b: {  	s11 =	sor.u32 $0x1380, s7;
	[sflag:s30] =	ssyncadd.s32 $0xFFFFC000  }
0x9c: {  	[spmem:s1] =	stream.indirect.scatter.add.f32 [tilespmem:s20], [sflag:$0x6], $0x80, s11, s24, $0xb8;
	[tilespmem:$0x1E000] =	vst v63  }
0x9d: {  	_ =	swait.ge [sflag:s31], $0x4000  }
0x9e: {  	[sflag:s31] =	ssyncset.done $0x0  }
0x9f: {  	s12 =	sor.u32 $0x480, s7;
	[sflag:s31] =	ssyncadd.s32 $0xFFFFC000  }
0xa0: {  	[tilespmem:s20], [sflag:$0x4] =	stream.indirect.gather [hbm4b:s5+s24], $0x80, s12, s24, $0xb8;
	[tilespmem:$0x1E000] =	vst v63  }
0xa1: {  	_ =	swait.ge [sflag:s28], $0x4000  }
0xa2: {  	[sflag:s28] =	ssyncset.done $0x0  }
0xa3: {  	s13 =	sor.u32 $0x1400, s7;
	[sflag:s28] =	ssyncadd.s32 $0xFFFFC000  }
0xa4: {  	[spmem:s1] =	stream.indirect.scatter.add.f32 [tilespmem:s25], [sflag:$0x5], $0x80, s13, s24, $0xb8;
	[tilespmem:$0x1E000] =	vst v63  }
0xa5: {  	_ =	swait.ge [sflag:s29], $0x4000  }
0xa6: {  	[sflag:s29] =	ssyncset.done $0x0  }
0xa7: {  	s14 =	sor.u32 $0x500, s7;
	[sflag:s29] =	ssyncadd.s32 $0xFFFFC000  }
0xa8: {  	[tilespmem:s25], [sflag:$0x3] =	stream.indirect.gather [hbm4b:s5+s24], $0x80, s14, s24, $0xb8;
	[tilespmem:$0x1E000] =	vst v63  }
0xa9: {  	_ =	swait.ge [sflag:s30], $0x4000  }
0xaa: {  	[sflag:s30] =	ssyncset.done $0x0  }
0xab: {  	s22 =	sor.u32 $0x1480, s7;
	[sflag:s30] =	ssyncadd.s32 $0xFFFFC000  }
0xac: {  	[spmem:s1] =	stream.indirect.scatter.add.f32 [tilespmem:s20], [sflag:$0x6], $0x80, s22, s24, $0xb8;
	[tilespmem:$0x1E000] =	vst v63  }
0xad: {  	_ =	swait.ge [sflag:s31], $0x4000  }
0xae: {  	[sflag:s31] =	ssyncset.done $0x0  }
0xaf: {  	s23 =	sor.u32 $0x580, s7;
	[sflag:s31] =	ssyncadd.s32 $0xFFFFC000  }
0xb0: {  	[tilespmem:s20], [sflag:$0x4] =	stream.indirect.gather [hbm4b:s5+s24], $0x80, s23, s24, $0xb8;
	[tilespmem:$0x1E000] =	vst v63  }
0xb1: {  	_ =	swait.ge [sflag:s28], $0x4000  }
0xb2: {  	[sflag:s28] =	ssyncset.done $0x0  }
0xb3: {  	s3 =	sor.u32 $0x1500, s7;
	[sflag:s28] =	ssyncadd.s32 $0xFFFFC000  }
0xb4: {  	[spmem:s1] =	stream.indirect.scatter.add.f32 [tilespmem:s25], [sflag:$0x5], $0x80, s3, s24, $0xb8;
	[tilespmem:$0x1E000] =	vst v63  }
0xb5: {  	_ =	swait.ge [sflag:s29], $0x4000  }
0xb6: {  	[sflag:s29] =	ssyncset.done $0x0  }
0xb7: {  	s9 =	sor.u32 $0x600, s7;
	[sflag:s29] =	ssyncadd.s32 $0xFFFFC000  }
0xb8: {  	[tilespmem:s25], [sflag:$0x3] =	stream.indirect.gather [hbm4b:s5+s24], $0x80, s9, s24, $0xb8;
	[tilespmem:$0x1E000] =	vst v63  }
0xb9: {  	_ =	swait.ge [sflag:s30], $0x4000  }
0xba: {  	[sflag:s30] =	ssyncset.done $0x0  }
0xbb: {  	s10 =	sor.u32 $0x1580, s7;
	[sflag:s30] =	ssyncadd.s32 $0xFFFFC000  }
0xbc: {  	[spmem:s1] =	stream.indirect.scatter.add.f32 [tilespmem:s20], [sflag:$0x6], $0x80, s10, s24, $0xb8;
	[tilespmem:$0x1E000] =	vst v63  }
0xbd: {  	_ =	swait.ge [sflag:s31], $0x4000  }
0xbe: {  	[sflag:s31] =	ssyncset.done $0x0  }
0xbf: {  	s11 =	sor.u32 $0x680, s7;
	[sflag:s31] =	ssyncadd.s32 $0xFFFFC000  }
0xc0: {  	[tilespmem:s20], [sflag:$0x4] =	stream.indirect.gather [hbm4b:s5+s24], $0x80, s11, s24, $0xb8;
	[tilespmem:$0x1E000] =	vst v63  }
0xc1: {  	_ =	swait.ge [sflag:s28], $0x4000  }
0xc2: {  	[sflag:s28] =	ssyncset.done $0x0  }
0xc3: {  	s12 =	sor.u32 $0x1600, s7;
	[sflag:s28] =	ssyncadd.s32 $0xFFFFC000  }
0xc4: {  	[spmem:s1] =	stream.indirect.scatter.add.f32 [tilespmem:s25], [sflag:$0x5], $0x80, s12, s24, $0xb8;
	[tilespmem:$0x1E000] =	vst v63  }
0xc5: {  	_ =	swait.ge [sflag:s29], $0x4000  }
0xc6: {  	[sflag:s29] =	ssyncset.done $0x0  }
0xc7: {  	s13 =	sor.u32 $0x700, s7;
	[sflag:s29] =	ssyncadd.s32 $0xFFFFC000  }
0xc8: {  	[tilespmem:s25], [sflag:$0x3] =	stream.indirect.gather [hbm4b:s5+s24], $0x80, s13, s24, $0xb8;
	[tilespmem:$0x1E000] =	vst v63  }
0xc9: {  	_ =	swait.ge [sflag:s30], $0x4000  }
0xca: {  	[sflag:s30] =	ssyncset.done $0x0  }
0xcb: {  	s14 =	sor.u32 $0x1680, s7;
	[sflag:s30] =	ssyncadd.s32 $0xFFFFC000  }
0xcc: {  	[spmem:s1] =	stream.indirect.scatter.add.f32 [tilespmem:s20], [sflag:$0x6], $0x80, s14, s24, $0xb8;
	[tilespmem:$0x1E000] =	vst v63  }
0xcd: {  	_ =	swait.ge [sflag:s31], $0x4000  }
0xce: {  	[sflag:s31] =	ssyncset.done $0x0  }
0xcf: {  	s22 =	sor.u32 $0x780, s7;
	[sflag:s31] =	ssyncadd.s32 $0xFFFFC000  }
0xd0: {  	[tilespmem:s20], [sflag:$0x4] =	stream.indirect.gather [hbm4b:s5+s24], $0x80, s22, s24, $0xb8;
	[tilespmem:$0x1E000] =	vst v63  }
0xd1: {  	p1 =	por $0x0, $0x0;
	_ =	swait.ge [sflag:s28], $0x4000  }
0xd2: {  	s2 =	simm.s32 $0x2;
	s23 =	sor.u32 $0x1700, s7;
	[sflag:s28] =	ssyncset.done $0x0  }
0xd3: {  	s7 =	sor.u32 $0x1780, s7;
	s3 =	simm.s32 $0x1;
	[sflag:s28] =	ssyncadd.s32 $0xFFFFC000  }
0xd4: {  	[spmem:s1] =	stream.indirect.scatter.add.f32 [tilespmem:s25], [sflag:$0x5], $0x80, s23, s24, $0xb8;
	[tilespmem:$0x1E000] =	vst v63  }
0xd5: {  	s22 =	sadd.s32 $0x100, s18;
	s23 =	sadd.s32 $0x800, s17;
	_ =	swait.ge [sflag:s30], $0x4000  }
.LBB2_4:
0xd6: {  	s9 =	simm.s32 @!p1 $0x1  }
0xd7: {  	[sflag:s30] =	ssyncset.done $0x0;
	s10 =	smov.u32 s2;
	s2 =	sadd.s32 $0x1, s2  }
0xd8: {  	p0 =	sne.s32 s2, $0x5;
	[sflag:s30] =	ssyncadd.s32 $0xFFFFC000  }
0xd9: {  	[spmem:s1] =	stream.indirect.scatter.add.f32 [tilespmem:s20], [sflag:$0x6], $0x80, s7, s24, $0xb8;
	[tilespmem:$0x1E000] =	vst v63  }
0xda: {  	_ =	swait.ge @!p1 [sflag:s9], $0x800  }
0xdb: {  	p2 =	seq.s32 @!p1 s3, $0x4;
	[sflag:s9] =	ssyncset.done @!p1 $0x0  }
0xdc: {  	s11 =	sand.u32 $0x1, s3;
	p2 =	por p2, p1;
	[sflag:s9] =	ssyncadd.s32 @!p1 $0xFFFFF800  }
0xdd: {  	s3 =	sshll.u32 @!p2 s11, $0xB;
	s7 =	sshrl.u32 @!p2 s23, $0x3;
	_ =	swait.ge @!p1 [sflag:s9], $0x800  }
0xde: {  	s12 =	sxor.u32 @!p2 $0x800, s3;
	s7 =	sadd.s32 @!p2 s4, s7;
	[sflag:s9] =	ssyncset.done @!p1 $0x0  }
0xdf: {  	s13 =	simm.s32 @!p2 $0x0;
	s14 =	sxor.u32 @!p2 $0x1800, s3;
	[sflag:s9] =	ssyncadd.s32 @!p1 $0xFFFFF800  }
0xe0: {  	[tilespmem:s12], [sflag:$0x1] =	stream.linear.gather @!p2 [hbm4b:s7+s13], $0x800, $0x38;
	[tilespmem:$0x1E000] =	vst v63  }
0xe1: {  	s3 =	smov.u32 s10;
	s9 =	sshll.u32 s11, $0xB;
	s12 =	simm.s32 @!p1 $0x5  }
0xe2: {  	[tilespmem:s14], [sflag:$0x1] =	stream.linear.gather @!p2 [hbm4b:s22+s13], $0x800, $0x38;
	[tilespmem:$0x1E000] =	vst v63  }
0xe3: {  	s10 =	simm.s32 @!p1 $0x2000;
	s7 =	sor.u32 $0x1780, s9;
	_ =	swait.ge @!p1 [sflag:s12], $0x4000  }
0xe4: {  	s11 =	sshll.u32 @!p1 s11, $0xB;
	s13 =	simm.s32 @!p1 $0x80;
	[sflag:s12] =	ssyncset.done @!p1 $0x0  }
0xe5: {  	s14 =	sor.u32 @!p1 $0x80, s11;
	[sflag:s12] =	ssyncadd.s32 @!p1 $0xFFFFC000;
	s12 =	simm.s32 @!p1 $0x6  }
0xe6: {  	[tilespmem:s10], [sflag:$0x3] =	stream.indirect.gather @!p1 [hbm4b:s5+s13], $0x80, s11, s13, $0xb8;
	[tilespmem:$0x1E000] =	vst v63  }
0xe7: {  	_ =	swait.ge @!p1 [sflag:s12], $0x4000  }
0xe8: {  	s10 =	simm.s32 @!p1 $0x6000;
	[sflag:s12] =	ssyncset.done @!p1 $0x0  }
0xe9: {  	[sflag:s12] =	ssyncadd.s32 @!p1 $0xFFFFC000  }
0xea: {  	[tilespmem:s10], [sflag:$0x4] =	stream.indirect.gather @!p1 [hbm4b:s5+s13], $0x80, s14, s13, $0xb8;
	[tilespmem:$0x1E000] =	vst v63  }
0xeb: {  	_ =	swait.ge [sflag:s28], $0x4000  }
0xec: {  	s10 =	sor.u32 $0x1000, s9;
	[sflag:s28] =	ssyncset.done $0x0  }
0xed: {  	[sflag:s28] =	ssyncadd.s32 $0xFFFFC000  }
0xee: {  	[spmem:s1] =	stream.indirect.scatter.add.f32 [tilespmem:s25], [sflag:$0x5], $0x80, s10, s24, $0xb8;
	[tilespmem:$0x1E000] =	vst v63  }
0xef: {  	_ =	swait.ge [sflag:s29], $0x4000  }
0xf0: {  	s10 =	sor.u32 $0x100, s9;
	[sflag:s29] =	ssyncset.done $0x0  }
0xf1: {  	[sflag:s29] =	ssyncadd.s32 $0xFFFFC000  }
0xf2: {  	[tilespmem:s25], [sflag:$0x3] =	stream.indirect.gather [hbm4b:s5+s24], $0x80, s10, s24, $0xb8;
	[tilespmem:$0x1E000] =	vst v63  }
0xf3: {  	_ =	swait.ge [sflag:s30], $0x4000  }
0xf4: {  	s10 =	sor.u32 $0x1080, s9;
	[sflag:s30] =	ssyncset.done $0x0  }
0xf5: {  	[sflag:s30] =	ssyncadd.s32 $0xFFFFC000  }
0xf6: {  	[spmem:s1] =	stream.indirect.scatter.add.f32 [tilespmem:s20], [sflag:$0x6], $0x80, s10, s24, $0xb8;
	[tilespmem:$0x1E000] =	vst v63  }
0xf7: {  	_ =	swait.ge [sflag:s31], $0x4000  }
0xf8: {  	s10 =	sor.u32 $0x180, s9;
	[sflag:s31] =	ssyncset.done $0x0  }
0xf9: {  	[sflag:s31] =	ssyncadd.s32 $0xFFFFC000  }
0xfa: {  	[tilespmem:s20], [sflag:$0x4] =	stream.indirect.gather [hbm4b:s5+s24], $0x80, s10, s24, $0xb8;
	[tilespmem:$0x1E000] =	vst v63  }
0xfb: {  	_ =	swait.ge [sflag:s28], $0x4000  }
0xfc: {  	s10 =	sor.u32 $0x1100, s9;
	[sflag:s28] =	ssyncset.done $0x0  }
0xfd: {  	[sflag:s28] =	ssyncadd.s32 $0xFFFFC000  }
0xfe: {  	[spmem:s1] =	stream.indirect.scatter.add.f32 [tilespmem:s25], [sflag:$0x5], $0x80, s10, s24, $0xb8;
	[tilespmem:$0x1E000] =	vst v63  }
0xff: {  	_ =	swait.ge [sflag:s29], $0x4000  }
0x100: {  	s10 =	sor.u32 $0x200, s9;
	[sflag:s29] =	ssyncset.done $0x0  }
0x101: {  	[sflag:s29] =	ssyncadd.s32 $0xFFFFC000  }
0x102: {  	[tilespmem:s25], [sflag:$0x3] =	stream.indirect.gather [hbm4b:s5+s24], $0x80, s10, s24, $0xb8;
	[tilespmem:$0x1E000] =	vst v63  }
0x103: {  	_ =	swait.ge [sflag:s30], $0x4000  }
0x104: {  	s10 =	sor.u32 $0x1180, s9;
	[sflag:s30] =	ssyncset.done $0x0  }
0x105: {  	[sflag:s30] =	ssyncadd.s32 $0xFFFFC000  }
0x106: {  	[spmem:s1] =	stream.indirect.scatter.add.f32 [tilespmem:s20], [sflag:$0x6], $0x80, s10, s24, $0xb8;
	[tilespmem:$0x1E000] =	vst v63  }
0x107: {  	_ =	swait.ge [sflag:s31], $0x4000  }
0x108: {  	s10 =	sor.u32 $0x280, s9;
	[sflag:s31] =	ssyncset.done $0x0  }
0x109: {  	[sflag:s31] =	ssyncadd.s32 $0xFFFFC000  }
0x10a: {  	[tilespmem:s20], [sflag:$0x4] =	stream.indirect.gather [hbm4b:s5+s24], $0x80, s10, s24, $0xb8;
	[tilespmem:$0x1E000] =	vst v63  }
0x10b: {  	_ =	swait.ge [sflag:s28], $0x4000  }
0x10c: {  	s10 =	sor.u32 $0x1200, s9;
	[sflag:s28] =	ssyncset.done $0x0  }
0x10d: {  	[sflag:s28] =	ssyncadd.s32 $0xFFFFC000  }
0x10e: {  	[spmem:s1] =	stream.indirect.scatter.add.f32 [tilespmem:s25], [sflag:$0x5], $0x80, s10, s24, $0xb8;
	[tilespmem:$0x1E000] =	vst v63  }
0x10f: {  	_ =	swait.ge [sflag:s29], $0x4000  }
0x110: {  	s10 =	sor.u32 $0x300, s9;
	[sflag:s29] =	ssyncset.done $0x0  }
0x111: {  	[sflag:s29] =	ssyncadd.s32 $0xFFFFC000  }
0x112: {  	[tilespmem:s25], [sflag:$0x3] =	stream.indirect.gather [hbm4b:s5+s24], $0x80, s10, s24, $0xb8;
	[tilespmem:$0x1E000] =	vst v63  }
0x113: {  	_ =	swait.ge [sflag:s30], $0x4000  }
0x114: {  	s10 =	sor.u32 $0x1280, s9;
	[sflag:s30] =	ssyncset.done $0x0  }
0x115: {  	[sflag:s30] =	ssyncadd.s32 $0xFFFFC000  }
0x116: {  	[spmem:s1] =	stream.indirect.scatter.add.f32 [tilespmem:s20], [sflag:$0x6], $0x80, s10, s24, $0xb8;
	[tilespmem:$0x1E000] =	vst v63  }
0x117: {  	_ =	swait.ge [sflag:s31], $0x4000  }
0x118: {  	s10 =	sor.u32 $0x380, s9;
	[sflag:s31] =	ssyncset.done $0x0  }
0x119: {  	[sflag:s31] =	ssyncadd.s32 $0xFFFFC000  }
0x11a: {  	[tilespmem:s20], [sflag:$0x4] =	stream.indirect.gather [hbm4b:s5+s24], $0x80, s10, s24, $0xb8;
	[tilespmem:$0x1E000] =	vst v63  }
0x11b: {  	_ =	swait.ge [sflag:s28], $0x4000  }
0x11c: {  	s10 =	sor.u32 $0x1300, s9;
	[sflag:s28] =	ssyncset.done $0x0  }
0x11d: {  	[sflag:s28] =	ssyncadd.s32 $0xFFFFC000  }
0x11e: {  	[spmem:s1] =	stream.indirect.scatter.add.f32 [tilespmem:s25], [sflag:$0x5], $0x80, s10, s24, $0xb8;
	[tilespmem:$0x1E000] =	vst v63  }
0x11f: {  	_ =	swait.ge [sflag:s29], $0x4000  }
0x120: {  	s10 =	sor.u32 $0x400, s9;
	[sflag:s29] =	ssyncset.done $0x0  }
0x121: {  	[sflag:s29] =	ssyncadd.s32 $0xFFFFC000  }
0x122: {  	[tilespmem:s25], [sflag:$0x3] =	stream.indirect.gather [hbm4b:s5+s24], $0x80, s10, s24, $0xb8;
	[tilespmem:$0x1E000] =	vst v63  }
0x123: {  	_ =	swait.ge [sflag:s30], $0x4000  }
0x124: {  	s10 =	sor.u32 $0x1380, s9;
	[sflag:s30] =	ssyncset.done $0x0  }
0x125: {  	[sflag:s30] =	ssyncadd.s32 $0xFFFFC000  }
0x126: {  	[spmem:s1] =	stream.indirect.scatter.add.f32 [tilespmem:s20], [sflag:$0x6], $0x80, s10, s24, $0xb8;
	[tilespmem:$0x1E000] =	vst v63  }
0x127: {  	_ =	swait.ge [sflag:s31], $0x4000  }
0x128: {  	s10 =	sor.u32 $0x480, s9;
	[sflag:s31] =	ssyncset.done $0x0  }
0x129: {  	[sflag:s31] =	ssyncadd.s32 $0xFFFFC000  }
0x12a: {  	[tilespmem:s20], [sflag:$0x4] =	stream.indirect.gather [hbm4b:s5+s24], $0x80, s10, s24, $0xb8;
	[tilespmem:$0x1E000] =	vst v63  }
0x12b: {  	_ =	swait.ge [sflag:s28], $0x4000  }
0x12c: {  	s10 =	sor.u32 $0x1400, s9;
	[sflag:s28] =	ssyncset.done $0x0  }
0x12d: {  	[sflag:s28] =	ssyncadd.s32 $0xFFFFC000  }
0x12e: {  	[spmem:s1] =	stream.indirect.scatter.add.f32 [tilespmem:s25], [sflag:$0x5], $0x80, s10, s24, $0xb8;
	[tilespmem:$0x1E000] =	vst v63  }
0x12f: {  	_ =	swait.ge [sflag:s29], $0x4000  }
0x130: {  	s10 =	sor.u32 $0x500, s9;
	[sflag:s29] =	ssyncset.done $0x0  }
0x131: {  	[sflag:s29] =	ssyncadd.s32 $0xFFFFC000  }
0x132: {  	[tilespmem:s25], [sflag:$0x3] =	stream.indirect.gather [hbm4b:s5+s24], $0x80, s10, s24, $0xb8;
	[tilespmem:$0x1E000] =	vst v63  }
0x133: {  	_ =	swait.ge [sflag:s30], $0x4000  }
0x134: {  	s10 =	sor.u32 $0x1480, s9;
	[sflag:s30] =	ssyncset.done $0x0  }
0x135: {  	[sflag:s30] =	ssyncadd.s32 $0xFFFFC000  }
0x136: {  	[spmem:s1] =	stream.indirect.scatter.add.f32 [tilespmem:s20], [sflag:$0x6], $0x80, s10, s24, $0xb8;
	[tilespmem:$0x1E000] =	vst v63  }
0x137: {  	_ =	swait.ge [sflag:s31], $0x4000  }
0x138: {  	s10 =	sor.u32 $0x580, s9;
	[sflag:s31] =	ssyncset.done $0x0  }
0x139: {  	[sflag:s31] =	ssyncadd.s32 $0xFFFFC000  }
0x13a: {  	[tilespmem:s20], [sflag:$0x4] =	stream.indirect.gather [hbm4b:s5+s24], $0x80, s10, s24, $0xb8;
	[tilespmem:$0x1E000] =	vst v63  }
0x13b: {  	_ =	swait.ge [sflag:s28], $0x4000  }
0x13c: {  	s10 =	sor.u32 $0x1500, s9;
	[sflag:s28] =	ssyncset.done $0x0  }
0x13d: {  	[sflag:s28] =	ssyncadd.s32 $0xFFFFC000  }
0x13e: {  	[spmem:s1] =	stream.indirect.scatter.add.f32 [tilespmem:s25], [sflag:$0x5], $0x80, s10, s24, $0xb8;
	[tilespmem:$0x1E000] =	vst v63  }
0x13f: {  	_ =	swait.ge [sflag:s29], $0x4000  }
0x140: {  	s10 =	sor.u32 $0x600, s9;
	[sflag:s29] =	ssyncset.done $0x0  }
0x141: {  	[sflag:s29] =	ssyncadd.s32 $0xFFFFC000  }
0x142: {  	[tilespmem:s25], [sflag:$0x3] =	stream.indirect.gather [hbm4b:s5+s24], $0x80, s10, s24, $0xb8;
	[tilespmem:$0x1E000] =	vst v63  }
0x143: {  	_ =	swait.ge [sflag:s30], $0x4000  }
0x144: {  	s10 =	sor.u32 $0x1580, s9;
	[sflag:s30] =	ssyncset.done $0x0  }
0x145: {  	[sflag:s30] =	ssyncadd.s32 $0xFFFFC000  }
0x146: {  	[spmem:s1] =	stream.indirect.scatter.add.f32 [tilespmem:s20], [sflag:$0x6], $0x80, s10, s24, $0xb8;
	[tilespmem:$0x1E000] =	vst v63  }
0x147: {  	_ =	swait.ge [sflag:s31], $0x4000  }
0x148: {  	s10 =	sor.u32 $0x680, s9;
	[sflag:s31] =	ssyncset.done $0x0  }
0x149: {  	[sflag:s31] =	ssyncadd.s32 $0xFFFFC000  }
0x14a: {  	[tilespmem:s20], [sflag:$0x4] =	stream.indirect.gather [hbm4b:s5+s24], $0x80, s10, s24, $0xb8;
	[tilespmem:$0x1E000] =	vst v63  }
0x14b: {  	_ =	swait.ge [sflag:s28], $0x4000  }
0x14c: {  	s10 =	sor.u32 $0x1600, s9;
	[sflag:s28] =	ssyncset.done $0x0  }
0x14d: {  	[sflag:s28] =	ssyncadd.s32 $0xFFFFC000  }
0x14e: {  	[spmem:s1] =	stream.indirect.scatter.add.f32 [tilespmem:s25], [sflag:$0x5], $0x80, s10, s24, $0xb8;
	[tilespmem:$0x1E000] =	vst v63  }
0x14f: {  	_ =	swait.ge [sflag:s29], $0x4000  }
0x150: {  	s10 =	sor.u32 $0x700, s9;
	[sflag:s29] =	ssyncset.done $0x0  }
0x151: {  	[sflag:s29] =	ssyncadd.s32 $0xFFFFC000  }
0x152: {  	[tilespmem:s25], [sflag:$0x3] =	stream.indirect.gather [hbm4b:s5+s24], $0x80, s10, s24, $0xb8;
	[tilespmem:$0x1E000] =	vst v63  }
0x153: {  	_ =	swait.ge [sflag:s30], $0x4000  }
0x154: {  	s10 =	sor.u32 $0x1680, s9;
	[sflag:s30] =	ssyncset.done $0x0  }
0x155: {  	[sflag:s30] =	ssyncadd.s32 $0xFFFFC000  }
0x156: {  	[spmem:s1] =	stream.indirect.scatter.add.f32 [tilespmem:s20], [sflag:$0x6], $0x80, s10, s24, $0xb8;
	[tilespmem:$0x1E000] =	vst v63  }
0x157: {  	_ =	swait.ge [sflag:s31], $0x4000  }
0x158: {  	s10 =	sor.u32 $0x780, s9;
	[sflag:s31] =	ssyncset.done $0x0  }
0x159: {  	[sflag:s31] =	ssyncadd.s32 $0xFFFFC000  }
0x15a: {  	[tilespmem:s20], [sflag:$0x4] =	stream.indirect.gather [hbm4b:s5+s24], $0x80, s10, s24, $0xb8;
	[tilespmem:$0x1E000] =	vst v63  }
.Ltmp1:
0x15b: {  	_ =	swait.ge [sflag:s28], $0x4000;
	(pc) =	sbr.rel @p0 .LBB2_4-.Ltmp1, $4  }
0x15c: {  	s9 =	sor.u32 $0x1700, s9;
	[sflag:s28] =	ssyncset.done $0x0  }
0x15d: {  	s22 =	sadd.s32 $0x100, s22;
	[sflag:s28] =	ssyncadd.s32 $0xFFFFC000  }
0x15e: {  	[spmem:s1] =	stream.indirect.scatter.add.f32 [tilespmem:s25], [sflag:$0x5], $0x80, s9, s24, $0xb8;
	[tilespmem:$0x1E000] =	vst v63  }
0x15f: {  	s23 =	sadd.s32 $0x800, s23;
	p1 =	seq.s32 s3, $0x0;
	_ =	swait.ge [sflag:s30], $0x4000  }
0x160: {  	[sflag:s30] =	ssyncset.done $0x0  }
0x161: {  	s2 =	simm.s32 @!p1 $0x1;
	[sflag:s30] =	ssyncadd.s32 $0xFFFFC000  }
0x162: {  	[spmem:s1] =	stream.indirect.scatter.add.f32 [tilespmem:s20], [sflag:$0x6], $0x80, s7, s24, $0xb8;
	[tilespmem:$0x1E000] =	vst v63  }
0x163: {  	_ =	swait.ge @!p1 [sflag:s2], $0x800  }
0x164: {  	p0 =	seq.s32 @!p1 s3, $0x4;
	[sflag:s2] =	ssyncset.done @!p1 $0x0  }
0x165: {  	s3 =	sand.u32 $0x1, s3;
	p0 =	por p0, p1;
	[sflag:s2] =	ssyncadd.s32 @!p1 $0xFFFFF800  }
0x166: {  	s7 =	sshll.u32 @!p0 s3, $0xB;
	_ =	swait.ge @!p1 [sflag:s2], $0x800  }
0x167: {  	s9 =	sshrl.u32 @!p0 s23, $0x3;
	s10 =	sxor.u32 @!p0 $0x800, s7;
	[sflag:s2] =	ssyncset.done @!p1 $0x0  }
0x168: {  	s9 =	sadd.s32 @!p0 s4, s9;
	[sflag:s2] =	ssyncadd.s32 @!p1 $0xFFFFF800;
	s2 =	simm.s32 @!p0 $0x0  }
0x169: {  	[tilespmem:s10], [sflag:$0x1] =	stream.linear.gather @!p0 [hbm4b:s9+s2], $0x800, $0x38;
	[tilespmem:$0x1E000] =	vst v63  }
0x16a: {  	s7 =	sxor.u32 @!p0 $0x1800, s7;
	s9 =	simm.s32 @!p1 $0x5  }
0x16b: {  	[tilespmem:s7], [sflag:$0x1] =	stream.linear.gather @!p0 [hbm4b:s22+s2], $0x800, $0x38;
	[tilespmem:$0x1E000] =	vst v63  }
0x16c: {  	_ =	swait.ge @!p1 [sflag:s9], $0x4000  }
0x16d: {  	s10 =	simm.s32 @!p1 $0x80;
	s2 =	simm.s32 @!p1 $0x2000;
	[sflag:s9] =	ssyncset.done @!p1 $0x0  }
0x16e: {  	s7 =	sshll.u32 @!p1 s3, $0xB;
	[sflag:s9] =	ssyncadd.s32 @!p1 $0xFFFFC000;
	s9 =	simm.s32 @!p1 $0x6  }
0x16f: {  	[tilespmem:s2], [sflag:$0x3] =	stream.indirect.gather @!p1 [hbm4b:s5+s10], $0x80, s7, s10, $0xb8;
	[tilespmem:$0x1E000] =	vst v63  }
0x170: {  	_ =	swait.ge @!p1 [sflag:s9], $0x4000  }
0x171: {  	[sflag:s9] =	ssyncset.done @!p1 $0x0  }
0x172: {  	s2 =	sor.u32 @!p1 $0x80, s7;
	s7 =	simm.s32 @!p1 $0x6000;
	[sflag:s9] =	ssyncadd.s32 @!p1 $0xFFFFC000  }
0x173: {  	[tilespmem:s7], [sflag:$0x4] =	stream.indirect.gather @!p1 [hbm4b:s5+s10], $0x80, s2, s10, $0xb8;
	[tilespmem:$0x1E000] =	vst v63  }
0x174: {  	_ =	swait.ge [sflag:s28], $0x4000  }
0x175: {  	s2 =	sshll.u32 s3, $0xB;
	[sflag:s28] =	ssyncset.done $0x0  }
0x176: {  	s3 =	sor.u32 $0x1000, s2;
	[sflag:s28] =	ssyncadd.s32 $0xFFFFC000  }
0x177: {  	[spmem:s1] =	stream.indirect.scatter.add.f32 [tilespmem:s25], [sflag:$0x5], $0x80, s3, s24, $0xb8;
	[tilespmem:$0x1E000] =	vst v63  }
0x178: {  	_ =	swait.ge [sflag:s29], $0x4000  }
0x179: {  	[sflag:s29] =	ssyncset.done $0x0  }
0x17a: {  	s14 =	sor.u32 $0x100, s2;
	[sflag:s29] =	ssyncadd.s32 $0xFFFFC000  }
0x17b: {  	[tilespmem:s25], [sflag:$0x3] =	stream.indirect.gather [hbm4b:s5+s24], $0x80, s14, s24, $0xb8;
	[tilespmem:$0x1E000] =	vst v63  }
0x17c: {  	_ =	swait.ge [sflag:s30], $0x4000  }
0x17d: {  	[sflag:s30] =	ssyncset.done $0x0  }
0x17e: {  	s22 =	sor.u32 $0x1080, s2;
	[sflag:s30] =	ssyncadd.s32 $0xFFFFC000  }
0x17f: {  	[spmem:s1] =	stream.indirect.scatter.add.f32 [tilespmem:s20], [sflag:$0x6], $0x80, s22, s24, $0xb8;
	[tilespmem:$0x1E000] =	vst v63  }
0x180: {  	_ =	swait.ge [sflag:s31], $0x4000  }
0x181: {  	[sflag:s31] =	ssyncset.done $0x0  }
0x182: {  	s23 =	sor.u32 $0x180, s2;
	[sflag:s31] =	ssyncadd.s32 $0xFFFFC000  }
0x183: {  	[tilespmem:s20], [sflag:$0x4] =	stream.indirect.gather [hbm4b:s5+s24], $0x80, s23, s24, $0xb8;
	[tilespmem:$0x1E000] =	vst v63  }
0x184: {  	_ =	swait.ge [sflag:s28], $0x4000  }
0x185: {  	[sflag:s28] =	ssyncset.done $0x0  }
0x186: {  	s7 =	sor.u32 $0x1100, s2;
	[sflag:s28] =	ssyncadd.s32 $0xFFFFC000  }
0x187: {  	[spmem:s1] =	stream.indirect.scatter.add.f32 [tilespmem:s25], [sflag:$0x5], $0x80, s7, s24, $0xb8;
	[tilespmem:$0x1E000] =	vst v63  }
0x188: {  	_ =	swait.ge [sflag:s29], $0x4000  }
0x189: {  	[sflag:s29] =	ssyncset.done $0x0  }
0x18a: {  	s9 =	sor.u32 $0x200, s2;
	[sflag:s29] =	ssyncadd.s32 $0xFFFFC000  }
0x18b: {  	[tilespmem:s25], [sflag:$0x3] =	stream.indirect.gather [hbm4b:s5+s24], $0x80, s9, s24, $0xb8;
	[tilespmem:$0x1E000] =	vst v63  }
0x18c: {  	_ =	swait.ge [sflag:s30], $0x4000  }
0x18d: {  	[sflag:s30] =	ssyncset.done $0x0  }
0x18e: {  	s10 =	sor.u32 $0x1180, s2;
	[sflag:s30] =	ssyncadd.s32 $0xFFFFC000  }
0x18f: {  	[spmem:s1] =	stream.indirect.scatter.add.f32 [tilespmem:s20], [sflag:$0x6], $0x80, s10, s24, $0xb8;
	[tilespmem:$0x1E000] =	vst v63  }
0x190: {  	_ =	swait.ge [sflag:s31], $0x4000  }
0x191: {  	[sflag:s31] =	ssyncset.done $0x0  }
0x192: {  	s11 =	sor.u32 $0x280, s2;
	[sflag:s31] =	ssyncadd.s32 $0xFFFFC000  }
0x193: {  	[tilespmem:s20], [sflag:$0x4] =	stream.indirect.gather [hbm4b:s5+s24], $0x80, s11, s24, $0xb8;
	[tilespmem:$0x1E000] =	vst v63  }
0x194: {  	_ =	swait.ge [sflag:s28], $0x4000  }
0x195: {  	[sflag:s28] =	ssyncset.done $0x0  }
0x196: {  	s12 =	sor.u32 $0x1200, s2;
	[sflag:s28] =	ssyncadd.s32 $0xFFFFC000  }
0x197: {  	[spmem:s1] =	stream.indirect.scatter.add.f32 [tilespmem:s25], [sflag:$0x5], $0x80, s12, s24, $0xb8;
	[tilespmem:$0x1E000] =	vst v63  }
0x198: {  	_ =	swait.ge [sflag:s29], $0x4000  }
0x199: {  	[sflag:s29] =	ssyncset.done $0x0  }
0x19a: {  	s13 =	sor.u32 $0x300, s2;
	[sflag:s29] =	ssyncadd.s32 $0xFFFFC000  }
0x19b: {  	[tilespmem:s25], [sflag:$0x3] =	stream.indirect.gather [hbm4b:s5+s24], $0x80, s13, s24, $0xb8;
	[tilespmem:$0x1E000] =	vst v63  }
0x19c: {  	_ =	swait.ge [sflag:s30], $0x4000  }
0x19d: {  	[sflag:s30] =	ssyncset.done $0x0  }
0x19e: {  	s14 =	sor.u32 $0x1280, s2;
	[sflag:s30] =	ssyncadd.s32 $0xFFFFC000  }
0x19f: {  	[spmem:s1] =	stream.indirect.scatter.add.f32 [tilespmem:s20], [sflag:$0x6], $0x80, s14, s24, $0xb8;
	[tilespmem:$0x1E000] =	vst v63  }
0x1a0: {  	_ =	swait.ge [sflag:s31], $0x4000  }
0x1a1: {  	[sflag:s31] =	ssyncset.done $0x0  }
0x1a2: {  	s22 =	sor.u32 $0x380, s2;
	[sflag:s31] =	ssyncadd.s32 $0xFFFFC000  }
0x1a3: {  	[tilespmem:s20], [sflag:$0x4] =	stream.indirect.gather [hbm4b:s5+s24], $0x80, s22, s24, $0xb8;
	[tilespmem:$0x1E000] =	vst v63  }
0x1a4: {  	_ =	swait.ge [sflag:s28], $0x4000  }
0x1a5: {  	[sflag:s28] =	ssyncset.done $0x0  }
0x1a6: {  	s23 =	sor.u32 $0x1300, s2;
	[sflag:s28] =	ssyncadd.s32 $0xFFFFC000  }
0x1a7: {  	[spmem:s1] =	stream.indirect.scatter.add.f32 [tilespmem:s25], [sflag:$0x5], $0x80, s23, s24, $0xb8;
	[tilespmem:$0x1E000] =	vst v63  }
0x1a8: {  	_ =	swait.ge [sflag:s29], $0x4000  }
0x1a9: {  	[sflag:s29] =	ssyncset.done $0x0  }
0x1aa: {  	s7 =	sor.u32 $0x400, s2;
	[sflag:s29] =	ssyncadd.s32 $0xFFFFC000  }
0x1ab: {  	[tilespmem:s25], [sflag:$0x3] =	stream.indirect.gather [hbm4b:s5+s24], $0x80, s7, s24, $0xb8;
	[tilespmem:$0x1E000] =	vst v63  }
0x1ac: {  	_ =	swait.ge [sflag:s30], $0x4000  }
0x1ad: {  	[sflag:s30] =	ssyncset.done $0x0  }
0x1ae: {  	s9 =	sor.u32 $0x1380, s2;
	[sflag:s30] =	ssyncadd.s32 $0xFFFFC000  }
0x1af: {  	[spmem:s1] =	stream.indirect.scatter.add.f32 [tilespmem:s20], [sflag:$0x6], $0x80, s9, s24, $0xb8;
	[tilespmem:$0x1E000] =	vst v63  }
0x1b0: {  	_ =	swait.ge [sflag:s31], $0x4000  }
0x1b1: {  	[sflag:s31] =	ssyncset.done $0x0  }
0x1b2: {  	s10 =	sor.u32 $0x480, s2;
	[sflag:s31] =	ssyncadd.s32 $0xFFFFC000  }
0x1b3: {  	[tilespmem:s20], [sflag:$0x4] =	stream.indirect.gather [hbm4b:s5+s24], $0x80, s10, s24, $0xb8;
	[tilespmem:$0x1E000] =	vst v63  }
0x1b4: {  	_ =	swait.ge [sflag:s28], $0x4000  }
0x1b5: {  	[sflag:s28] =	ssyncset.done $0x0  }
0x1b6: {  	s11 =	sor.u32 $0x1400, s2;
	[sflag:s28] =	ssyncadd.s32 $0xFFFFC000  }
0x1b7: {  	[spmem:s1] =	stream.indirect.scatter.add.f32 [tilespmem:s25], [sflag:$0x5], $0x80, s11, s24, $0xb8;
	[tilespmem:$0x1E000] =	vst v63  }
0x1b8: {  	_ =	swait.ge [sflag:s29], $0x4000  }
0x1b9: {  	[sflag:s29] =	ssyncset.done $0x0  }
0x1ba: {  	s12 =	sor.u32 $0x500, s2;
	[sflag:s29] =	ssyncadd.s32 $0xFFFFC000  }
0x1bb: {  	[tilespmem:s25], [sflag:$0x3] =	stream.indirect.gather [hbm4b:s5+s24], $0x80, s12, s24, $0xb8;
	[tilespmem:$0x1E000] =	vst v63  }
0x1bc: {  	_ =	swait.ge [sflag:s30], $0x4000  }
0x1bd: {  	[sflag:s30] =	ssyncset.done $0x0  }
0x1be: {  	s13 =	sor.u32 $0x1480, s2;
	[sflag:s30] =	ssyncadd.s32 $0xFFFFC000  }
0x1bf: {  	[spmem:s1] =	stream.indirect.scatter.add.f32 [tilespmem:s20], [sflag:$0x6], $0x80, s13, s24, $0xb8;
	[tilespmem:$0x1E000] =	vst v63  }
0x1c0: {  	_ =	swait.ge [sflag:s31], $0x4000  }
0x1c1: {  	[sflag:s31] =	ssyncset.done $0x0  }
0x1c2: {  	s14 =	sor.u32 $0x580, s2;
	[sflag:s31] =	ssyncadd.s32 $0xFFFFC000  }
0x1c3: {  	[tilespmem:s20], [sflag:$0x4] =	stream.indirect.gather [hbm4b:s5+s24], $0x80, s14, s24, $0xb8;
	[tilespmem:$0x1E000] =	vst v63  }
0x1c4: {  	_ =	swait.ge [sflag:s28], $0x4000  }
0x1c5: {  	[sflag:s28] =	ssyncset.done $0x0  }
0x1c6: {  	s22 =	sor.u32 $0x1500, s2;
	[sflag:s28] =	ssyncadd.s32 $0xFFFFC000  }
0x1c7: {  	[spmem:s1] =	stream.indirect.scatter.add.f32 [tilespmem:s25], [sflag:$0x5], $0x80, s22, s24, $0xb8;
	[tilespmem:$0x1E000] =	vst v63  }
0x1c8: {  	_ =	swait.ge [sflag:s29], $0x4000  }
0x1c9: {  	[sflag:s29] =	ssyncset.done $0x0  }
0x1ca: {  	s23 =	sor.u32 $0x600, s2;
	[sflag:s29] =	ssyncadd.s32 $0xFFFFC000  }
0x1cb: {  	[tilespmem:s25], [sflag:$0x3] =	stream.indirect.gather [hbm4b:s5+s24], $0x80, s23, s24, $0xb8;
	[tilespmem:$0x1E000] =	vst v63  }
0x1cc: {  	_ =	swait.ge [sflag:s30], $0x4000  }
0x1cd: {  	[sflag:s30] =	ssyncset.done $0x0  }
0x1ce: {  	s7 =	sor.u32 $0x1580, s2;
	[sflag:s30] =	ssyncadd.s32 $0xFFFFC000  }
0x1cf: {  	[spmem:s1] =	stream.indirect.scatter.add.f32 [tilespmem:s20], [sflag:$0x6], $0x80, s7, s24, $0xb8;
	[tilespmem:$0x1E000] =	vst v63  }
0x1d0: {  	_ =	swait.ge [sflag:s31], $0x4000  }
0x1d1: {  	[sflag:s31] =	ssyncset.done $0x0  }
0x1d2: {  	s9 =	sor.u32 $0x680, s2;
	[sflag:s31] =	ssyncadd.s32 $0xFFFFC000  }
0x1d3: {  	[tilespmem:s20], [sflag:$0x4] =	stream.indirect.gather [hbm4b:s5+s24], $0x80, s9, s24, $0xb8;
	[tilespmem:$0x1E000] =	vst v63  }
0x1d4: {  	_ =	swait.ge [sflag:s28], $0x4000  }
0x1d5: {  	[sflag:s28] =	ssyncset.done $0x0  }
0x1d6: {  	s10 =	sor.u32 $0x1600, s2;
	[sflag:s28] =	ssyncadd.s32 $0xFFFFC000  }
0x1d7: {  	[spmem:s1] =	stream.indirect.scatter.add.f32 [tilespmem:s25], [sflag:$0x5], $0x80, s10, s24, $0xb8;
	[tilespmem:$0x1E000] =	vst v63  }
0x1d8: {  	_ =	swait.ge [sflag:s29], $0x4000  }
0x1d9: {  	[sflag:s29] =	ssyncset.done $0x0  }
0x1da: {  	s11 =	sor.u32 $0x700, s2;
	[sflag:s29] =	ssyncadd.s32 $0xFFFFC000  }
0x1db: {  	[tilespmem:s25], [sflag:$0x3] =	stream.indirect.gather [hbm4b:s5+s24], $0x80, s11, s24, $0xb8;
	[tilespmem:$0x1E000] =	vst v63  }
0x1dc: {  	_ =	swait.ge [sflag:s30], $0x4000  }
0x1dd: {  	[sflag:s30] =	ssyncset.done $0x0  }
0x1de: {  	s12 =	sor.u32 $0x1680, s2;
	[sflag:s30] =	ssyncadd.s32 $0xFFFFC000  }
0x1df: {  	[spmem:s1] =	stream.indirect.scatter.add.f32 [tilespmem:s20], [sflag:$0x6], $0x80, s12, s24, $0xb8;
	[tilespmem:$0x1E000] =	vst v63  }
0x1e0: {  	_ =	swait.ge [sflag:s31], $0x4000  }
0x1e1: {  	[sflag:s31] =	ssyncset.done $0x0  }
0x1e2: {  	s13 =	sor.u32 $0x780, s2;
	[sflag:s31] =	ssyncadd.s32 $0xFFFFC000  }
0x1e3: {  	[tilespmem:s20], [sflag:$0x4] =	stream.indirect.gather [hbm4b:s5+s24], $0x80, s13, s24, $0xb8;
	[tilespmem:$0x1E000] =	vst v63  }
0x1e4: {  	_ =	swait.ge [sflag:s28], $0x4000  }
0x1e5: {  	[sflag:s28] =	ssyncset.done $0x0  }
0x1e6: {  	s14 =	sor.u32 $0x1700, s2;
	[sflag:s28] =	ssyncadd.s32 $0xFFFFC000  }
0x1e7: {  	[spmem:s1] =	stream.indirect.scatter.add.f32 [tilespmem:s25], [sflag:$0x5], $0x80, s14, s24, $0xb8;
	[tilespmem:$0x1E000] =	vst v63  }
0x1e8: {  	_ =	swait.ge [sflag:s30], $0x4000  }
0x1e9: {  	[sflag:s30] =	ssyncset.done $0x0  }
0x1ea: {  	s2 =	sor.u32 $0x1780, s2;
	[sflag:s30] =	ssyncadd.s32 $0xFFFFC000  }
0x1eb: {  	[spmem:s1] =	stream.indirect.scatter.add.f32 [tilespmem:s20], [sflag:$0x6], $0x80, s2, s24, $0xb8;
	[tilespmem:$0x1E000] =	vst v63  }
0x1ec: {  	_ =	swait.ge [sflag:s29], $0x4000  }
0x1ed: {  	[sflag:s29] =	ssyncset.done $0x0  }
0x1ee: {  	[sflag:s29] =	ssyncadd.s32 $0xFFFFC000  }
0x1ef: {  	s19 =	sadd.s32 $0x1, s19;
	_ =	swait.ge [sflag:s31], $0x4000  }
0x1f0: {  	p0 =	sne.s32 s19, s16;
	s22 =	stileid.u32;
	[sflag:s31] =	ssyncset.done $0x0  }
0x1f1: {  	s23 =	sshrl.u32 s8, $0x3;
	s2 =	sshll.u32 s22, $0x6;
	[sflag:s31] =	ssyncadd.s32 $0xFFFFC000  }
.Ltmp2:
0x1f2: {  	s2 =	sor.u32 $0x1C07, s2;
	[bflag:$0x0] =	sbarrier.arrive $0xFFFF;
	(pc) =	sbr.rel @p0 .LBB2_1-.Ltmp2, $4  }
0x1f3: {  	[hbm:s15], [sflag:s2] =	dma.local [spmem:s23], $0x2800  }
0x1f4: {  	_ =	swait.ge [sflag:s0], $0x2800  }
0x1f5: {  	[sflag:s0] =	ssyncset.done $0x0  }
0x1f6: {  	[sflag:s0] =	ssyncadd.s32 $0xFFFFD800  }
0x1f7: {  	_ =	sfence.sel $0x180000  }
0x1f8: {  	[bflag:$0x0] =	sbarrier.arrive $0xFFFF  }
0x1f9: {  	_ =	strace $0x9000004D  }
0x1fa: {  	s0 =	stileid.u32;
	[bflag:$0x2] =	sbarrier.arrive $0xFFFF  }
0x1fb: {  	p0 =	sne.s32 s0, $0x0;
	s0 =	rddreg [dreg:$0x2]  }
0x1fc: {  	s0 =	sadd.s32 @!p0 $0x100000, s0  }
0x1fd: {  	[sflag:s0] =	ssyncadd.tile.s32 @!p0 $0x1;
	_ =	shalt  }
.Lfunc_end2:
_tile_overlayer_lowered:
.L_overlay_start_2:
0x1fe: {  	(tag) =	ssettag $0x2  }
0x1ff: {  	s0 =	rddreg [dreg:$0x0];
	s2 =	stileid.u32  }
0x200: {  	s1 =	rddreg [dreg:$0x1];
	p0 =	sne.s32 s2, $0x0  }
0x201: {  	s3 =	rddreg [dreg:$0x2];
	[bflag:$0x3] =	sbarrier.arrive $0xFFFF;
	s2 =	simm.s32 @!p0 $0x1C07  }
0x202: {  	[timem:s3], [sflag:s2] =	dma.local @!p0 [hbm:s0], s1  }
0x203: {  	s0 =	simm.s32 @!p0 $0x7  }
0x204: {  	_ =	swait.ge @!p0 [sflag:s0], s1  }
0x205: {  	s1 =	ssub.s32 @!p0 $0x0, s1;
	[sflag:s0] =	ssyncset.done @!p0 $0x0  }
0x206: {  	[sflag:s0] =	ssyncadd.s32 @!p0 s1  }
0x207: {  	[bflag:$0x3] =	sbarrier.arrive $0xFFFF  }
0x208: {  	_ =	shalt  }

// kernel: kernel.18.cloned.1.call-start
scs
__scs_entry_jumppad:
0x0: {  	(pc) =	sbr.rel $0x88, $3  }
0x1: {  	(tag) =	ssettag $0x0;
	lr =	simm.s32 $0x1  }
0x2: {  	[smem:$0x3F9A] =	sst lr;
	_ =	strace $0xD0000000  }
0x3: {  	_ = 	snop  }
0x4: {  	_ = 	snop  }
0x5: {  	_ = 	snop  }
0x6: {  	_ = 	snop  }
0x7: {  	_ = 	snop  }
__scs_overlays_trampoline_lowered:
0x8: {  	[smem:$0x3FA9] =	sst s0  }
0x9: {  	[smem:$0x3FAA] =	sst s1  }
0xa: {  	[smem:$0x3FAB] =	sst s2  }
0xb: {  	[smem:$0x3FAC] =	sst s3  }
0xc: {  	[smem:$0x3FAD] =	sst s4  }
0xd: {  	[smem:$0x3FAE] =	sst s5  }
0xe: {  	[smem:$0x3FAF] =	sst s6  }
0xf: {  	[smem:$0x3FB0] =	sst s7  }
0x10: {  	[smem:$0x3FB1] =	sst s8  }
0x11: {  	[smem:$0x3FB2] =	sst s9;
	s0 =	simm.s32 @!p0 $0x0  }
0x12: {  	s1 =	sld [smem:$0x3F98];
	s0 =	simm.s32 @p0 $0x1  }
0x13: {  	[smem:$0x3FB3] =	sst s0;
	s0 =	simm.s32 @!p1 $0x0  }
0x14: {  	s2 =	sld [smem:$0x3F97];
	s0 =	simm.s32 @p1 $0x1  }
0x15: {  	[smem:$0x3FB4] =	sst s0;
	s0 =	simm.s32 @!p2 $0x0  }
0x16: {  	s3 =	sld [smem:$0x3FDB];
	s0 =	simm.s32 @p2 $0x1  }
0x17: {  	s4 =	simm.s32 $0x1BF5;
	[smem:$0x3FB6] =	sst s0  }
0x18: {  	s0 =	sld [smem:$0x3F99];
	_ =	swait.ge [sflag:s4], $0x0  }
0x19: {  	s7 =	sld [smem:$0x3F9A]  }
0x1a: {  	s8 =	sadd.s32 $0xFFFFE003, lr  }
0x1b: {  	s9 =	sadd.s32 $0xFFFFFEF7, lr;
	s5 =	simm.s32 $0xFFFFFFFF;
	p2 =	slt.u32 s8, $0xFFFFF086  }
0x1c: {  	p1 =	slt.u32 s9, $0xF7A;
	s5 =	simm.s32 @!p2 $0x0  }
0x1d: {  	s5 =	simm.s32 @p1 $0x1;
	p0 =	seq.s32 s7, s2  }
0x1e: {  	s7 =	smul.u32 @!p0 $0xF7A, s2;
	p2 =	seq.s32 @!p0 s5, $0x0  }
0x1f: {  	s9 =	smul.u32 $0xF7A, s1;
	s8 =	simm.s32 @!p0 $0x1BF5;
	p2 =	por !p2, p0  }
0x20: {  	[sflag:s8] =	ssyncset.s32 @!p0 $0xFFFFF086;
	s6 =	sadd.s32 @!p0 s3, s7;
	s7 =	simm.s32 @!p0 $0x108  }
0x21: {  	s3 =	sadd.s32 s3, s9;
	s6 =	sadd.s32 @!p0 $0x88, s6;
	s7 =	simm.s32 @p2 $0x1082  }
0x22: {  	[simem:s7], [sflag:s8] =	dma.local @!p0 [hbm:s6], $0xF7A  }
0x23: {  	s9 =	sor.u32 $0xD0000000, s2;
	s6 =	simm.s32 $0x108;
	_ =	swait.ge @!p0 [sflag:s8], $0x0  }
0x24: {  	s3 =	sadd.s32 $0x88, s3;
	s6 =	simm.s32 @!p1 $0x1082;
	[sflag:s4] =	ssyncset.s32 $0xFFFFF086  }
0x25: {  	[simem:s6], [sflag:s4] =	dma.local [hbm:s3], $0xF7A  }
0x26: {  	[smem:$0x3F9A] =	sst s1;
	(tag) =	ssettag s2;
	_ =	strace s9  }
0x27: {  	s1 =	sld [smem:$0x3FAA]  }
0x28: {  	s2 =	sld [smem:$0x3FAB]  }
0x29: {  	s4 =	sld [smem:$0x3FAD]  }
0x2a: {  	p0 =	seq.s32 s5, $0x0;
	s5 =	sld [smem:$0x3FAE]  }
0x2b: {  	s6 =	sld [smem:$0x3FAF]  }
0x2c: {  	s7 =	sld [smem:$0x3FB0]  }
0x2d: {  	s3 =	simm.s32 $0x108;
	s8 =	sld [smem:$0x3FB1]  }
0x2e: {  	s3 =	simm.s32 @!p0 $0x1082;
	s9 =	sld [smem:$0x3FB2]  }
0x2f: {  	lr =	sadd.s32 s0, s3;
	s0 =	sld [smem:$0x3FA9]  }
0x30: {  	s3 =	sld [smem:$0x3FAC]  }
0x31: {  	[smem:$0x3FB5] =	sst s10  }
0x32: {  	s10 =	sld [smem:$0x3FB3];
	_ =	sdelay $0x3  }
0x33: {  	p0 =	seq.s32 s10, $0x1;
	s10 =	sld [smem:$0x3FB5];
	_ =	sdelay $0x3  }
0x34: {  	[smem:$0x3FB5] =	sst s10  }
0x35: {  	s10 =	sld [smem:$0x3FB4];
	_ =	sdelay $0x3  }
0x36: {  	p1 =	seq.s32 s10, $0x1;
	s10 =	sld [smem:$0x3FB5];
	_ =	sdelay $0x3  }
0x37: {  	[smem:$0x3FB5] =	sst s10  }
0x38: {  	s10 =	sld [smem:$0x3FB6]  }
0x39: {  	_ = 	snop;
	(pc) =	sbr.ind lr, $3  }
0x3a: {  	_ = 	snop  }
0x3b: {  	_ = 	snop  }
0x3c: {  	p2 =	seq.s32 s10, $0x1;
	s10 =	sld [smem:$0x3FB5]  }
0x3d: {  	_ =	shalt  }
0x3e: {  	_ =	shalt  }
0x3f: {  	_ =	shalt  }
0x40: {  	_ =	shalt  }
0x41: {  	_ =	shalt  }
0x42: {  	_ =	shalt  }
0x43: {  	_ =	shalt  }
0x44: {  	_ =	shalt  }
0x45: {  	_ =	shalt  }
0x46: {  	_ =	shalt  }
0x47: {  	_ =	shalt  }
0x48: {  	_ =	shalt  }
0x49: {  	_ =	shalt  }
0x4a: {  	_ =	shalt  }
0x4b: {  	_ =	shalt  }
0x4c: {  	_ =	shalt  }
0x4d: {  	_ =	shalt  }
0x4e: {  	_ =	shalt  }
0x4f: {  	_ =	shalt  }
0x50: {  	_ =	shalt  }
0x51: {  	_ =	shalt  }
0x52: {  	_ =	shalt  }
0x53: {  	_ =	shalt  }
0x54: {  	_ =	shalt  }
0x55: {  	_ =	shalt  }
0x56: {  	_ =	shalt  }
0x57: {  	_ =	shalt  }
0x58: {  	_ =	shalt  }
0x59: {  	_ =	shalt  }
0x5a: {  	_ =	shalt  }
0x5b: {  	_ =	shalt  }
0x5c: {  	_ =	shalt  }
0x5d: {  	_ =	shalt  }
0x5e: {  	_ =	shalt  }
0x5f: {  	_ =	shalt  }
0x60: {  	_ =	shalt  }
0x61: {  	_ =	shalt  }
0x62: {  	_ =	shalt  }
0x63: {  	_ =	shalt  }
0x64: {  	_ =	shalt  }
0x65: {  	_ =	shalt  }
0x66: {  	_ =	shalt  }
0x67: {  	_ =	shalt  }
0x68: {  	_ =	shalt  }
0x69: {  	_ =	shalt  }
0x6a: {  	_ =	shalt  }
0x6b: {  	_ =	shalt  }
0x6c: {  	_ =	shalt  }
0x6d: {  	_ =	shalt  }
0x6e: {  	_ =	shalt  }
0x6f: {  	_ =	shalt  }
0x70: {  	_ =	shalt  }
0x71: {  	_ =	shalt  }
0x72: {  	_ =	shalt  }
0x73: {  	_ =	shalt  }
0x74: {  	_ =	shalt  }
0x75: {  	_ =	shalt  }
0x76: {  	_ =	shalt  }
0x77: {  	_ =	shalt  }
0x78: {  	_ =	shalt  }
0x79: {  	_ =	shalt  }
0x7a: {  	_ =	shalt  }
0x7b: {  	_ =	shalt  }
0x7c: {  	_ =	shalt  }
0x7d: {  	_ =	shalt  }
0x7e: {  	_ =	shalt  }
0x7f: {  	_ =	shalt  }
0x80: {  	_ =	shalt  }
0x81: {  	_ =	shalt  }
0x82: {  	_ =	shalt  }
0x83: {  	_ =	shalt  }
0x84: {  	_ =	shalt  }
0x85: {  	_ =	shalt  }
0x86: {  	_ =	shalt  }
0x87: {  	_ =	shalt  }
.Lfunc_end0:
.L_simem_size_0:
called_computation.3_lowered:
.L_overlay_start_0:
0x88: {  	s2 =	sld [smem:$0x3FD9]  }
0x89: {  	s3 =	sld [smem:$0x3FFE];
	_ =	sdelay $0x1  }
0x8a: {  	s1 =	srdreg.scid  }
0x8b: {  	s0 =	sand.u32 $0x1, s1  }
0x8c: {  	s17 =	sshll.u32 s0, $0xA;
	s2 =	sadd.s32 s3, s2  }
0x8d: {  	s2 =	sadd.s32 s2, s17  }
0x8e: {  	[smem:$0x3FC1] =	sst s2  }
0x8f: {  	_ = 	snop  }
0x90: {  	s2 =	sld [smem:$0x3FC9]  }
0x91: {  	s18 =	sld [smem:$0x3FD0];
	(tm) =	ssettm $0x1  }
0x92: {  	s4 =	sld [smem:$0x3FFB];
	_ =	sdelay $0x3  }
0x93: {  	_ =	strace s4  }
0x94: {  	s4 =	sld [smem:$0x3FFC];
	_ =	sdelay $0x3  }
0x95: {  	_ =	strace s4  }
0x96: {  	s4 =	sld [smem:$0x3FFD];
	_ =	sdelay $0x3  }
0x97: {  	_ =	strace s4  }
0x98: {  	_ =	strace $0x8FFFFFFF  }
0x99: {  	s19 =	sld [smem:$0x3FDB];
	_ =	sdelay $0x1  }
0x9a: {  	s5 =	simm.s32 $_scs_section_size  }
0x9b: {  	s6 =	simm.s32 $_size__tile_overlayer_lowered;
	s7 =	simm.s32 $_tile_overlayer_lowered  }
0x9c: {  	s22 =	simm.s32 $0x1BFF;
	s21 =	sshll.u32 s7, $0x1;
	s4 =	sadd.s32 s5, s19  }
0x9d: {  	s8 =	simm.s32 $0x0;
	s20 =	sshll.u32 s6, $0x1;
	s6 =	sadd.s32 s21, s4  }
0x9e: {  	[timem:s8], [sflag:s22] =	dma.local [hbm:s6], s20  }
0x9f: {  	_ =	swait.ge [sflag:s22], s20  }
0xa0: {  	s5 =	ssub.s32 $0x0, s20;
	[sflag:s22] =	ssyncset.done $0x0  }
0xa1: {  	[sflag:s22] =	ssyncadd.s32 s5;
	_ =	sdelay $0x1  }
0xa2: {  	s23 =	simm.s32 $0x1B8B  }
0xa3: {  	_ =	swait.ge [sflag:s23], $0x1  }
0xa4: {  	[sflag:s23] =	ssyncset.done $0x0  }
0xa5: {  	s25 =	simm.s32 $0x1B8E;
	s24 =	sld [smem:$0x3FFE];
	[sflag:s23] =	ssyncadd.s32 $0xFFFFFFFF  }
0xa6: {  	s26 =	simm.s32 $execute0_lowered;
	[smem:$0x3FD2] =	sst s25  }
0xa7: {  	s6 =	sshll.u32 s26, $0x1;
	_ =	strace $0x8000004F;
	[dreg:$0x1] =	wrdreg $0xFFFFFFFF  }
0xa8: {  	s28 =	simm.s32 $_size_execute0_lowered;
	s4 =	sadd.s32 s4, s6;
	[dreg:$0x0] =	wrdreg $0x0  }
0xa9: {  	s6 =	sshll.u32 s28, $0x1;
	[dreg:$0x2] =	wrdreg s4  }
0xaa: {  	[dreg:$0x3] =	wrdreg s6  }
0xab: {  	[dreg:$0x4] =	wrdreg $0xC0  }
0xac: {  	_ =	task [dreg:s8], $0x5FFFF  }
0xad: {  	[dreg:$0x1] =	wrdreg $0xFFFFFFFF  }
0xae: {  	[dreg:$0x0] =	wrdreg $0x60  }
0xaf: {  	[dreg:$0x2] =	wrdreg s24  }
0xb0: {  	[dreg:$0x3] =	wrdreg s2  }
0xb1: {  	[dreg:$0x4] =	wrdreg s18  }
0xb2: {  	[dreg:$0x5] =	wrdreg $0x9  }
0xb3: {  	_ =	task.clear_ibuf [dreg:s8], $0x6FFFF;
	_ =	strace $0x9000004F  }
0xb4: {  	s29 =	simm.s32 $0x9;
	_ =	strace $0x80000051  }
0xb5: {  	_ =	swait.ge [sflag:s29], $0x1  }
0xb6: {  	[sflag:s29] =	ssyncadd.s32 $0xFFFFFFFF  }
0xb7: {  	_ =	strace $0x90000051  }
0xb8: {  	_ =	sfence  }
0xb9: {  	s30 =	sld [smem:$0x0];
	_ =	sdelay $0x2  }
0xba: {  	s31 =	sshll.u32 s1, $0xD;
	s1 =	sshrl.u32 s1, $0x2  }
0xbb: {  	s3 =	sand.u32 $0x4000, s31;
	s1 =	sadd.s32 s1, s30  }
0xbc: {  	s0 =	sor.u32 s3, s0;
	s1 =	sshll.u32 s1, $0x11  }
0xbd: {  	s0 =	sor.u32 s1, s0  }
0xbe: {  	s0 =	sadd.s32 $0x8F2B, s0  }
0xbf: {  	[sflag:s0] =	ssyncadd.remote.s32 $0x1  }
0xc0: {  	_ =	sfence.sel $0xFFFF  }
0xc1: {  	[dreg:$0x0] =	wrdreg $0xFFFFFFFF;
	(pc) =	sbr.abs _section_cstart, $3  }
0xc2: {  	[dreg:$0x1] =	wrdreg $0xFFFFFFFF  }
0xc3: {  	_ =	task.clear_ibuf [dreg:s8], $0x2FFFF;
	_ =	strace $0x9FFFFFFF  }
0xc4: {  	(tm) =	ssettm $0x7FFFFFFF  }
0xc5: {  	_ =	shalt  }
tec
execute0_lowered:
.L_overlay_start_1:
0x0: {  	(tag) =	ssettag $0x1  }
0x1: {  	s5 =	rddreg [dreg:$0x0]  }
0x2: {  	s1 =	srdreg.scid;
	s3 =	rddreg [dreg:$0x1]  }
0x3: {  	s0 =	stileid.u32;
	s8 =	rddreg [dreg:$0x2];
	s6 =	sand.u32 $0x1, s1  }
0x4: {  	s2 =	simm.s32 $0x0;
	s7 =	sshll.u32 s0, $0x7;
	s4 =	sshll.u32 s6, $0xB  }
0x5: {  	[smem:$0x7FF] =	sst s2;
	s9 =	sor.u32 s7, s4  }
0x6: {  	s1 =	rddreg [dreg:$0x3];
	_ =	strace $0x80000050;
	s4 =	sshrl.u32 s9, $0x3  }
0x7: {  	s10 =	ssub.s32 $0x2, s6;
	s4 =	sadd.s32 s3, s4;
	s3 =	simm.s32 $0x2  }
0x8: {  	[tilespmem:s2], [sflag:$0x2] =	stream.linear.gather [hbm4b:s4+s2], $0x80, $0x38;
	[tilespmem:$0x4080] =	vst v63  }
0x9: {  	s5 =	sadd.s32 $0x2C00, s5;
	s11 =	sshrl.u32 s10, $0x1;
	_ =	swait.ge [sflag:s3], $0x80  }
0xa: {  	s6 =	simm.s32 $0x80;
	s10 =	ssub.s32 s10, s11;
	[sflag:s3] =	ssyncset.done $0x0  }
0xb: {  	s7 =	simm.s32 $0x1;
	s31 =	smax.u32 s10, $0x1;
	[sflag:s3] =	ssyncadd.s32 $0xFFFFFF80  }
0xc: {  	[tilespmem:s6], [sflag:$0x1] =	stream.indirect.gather [hbm4b:s5+s6], $0x80, s2, s6, $0xb8;
	[tilespmem:$0x4080] =	vst v63  }
0xd: {  	p0 =	sne.s32 s31, $0x1;
	_ =	swait.ge [sflag:s7], $0x4000  }
.Ltmp0:
0xe: {  	s9 =	sshll.u32 s9, $0x4;
	[sflag:s7] =	ssyncset.done $0x0;
	(pc) =	sbr.rel @!p0 .LBB2_2-.Ltmp0, $4  }
0xf: {  	s8 =	sadd.s32 s8, s9;
	[sflag:s7] =	ssyncadd.s32 $0xFFFFC000  }
0x10: {  	[hbm4b:s8+s2] =	stream.linear.scatter [tilespmem:s6], [sflag:$0x2], $0x4000, $0x38;
	[tilespmem:$0x4080] =	vst v63  }
0x11: {  	_ =	swait.ge [sflag:s3], $0x4000  }
0x12: {  	s9 =	sadd.s32 $0xFFFFFFFF, s31;
	[sflag:s3] =	ssyncset.done $0x0  }
.LBB2_1:
0x13: {  	p0 =	sne.s32 s9, $0x1;
	s9 =	sadd.s32 $0xFFFFFFFF, s9;
	[sflag:s3] =	ssyncadd.s32 $0xFFFFC000  }
0x14: {  	[tilespmem:s2], [sflag:$0x2] =	stream.linear.gather [hbm4b:s4+s2], $0x80, $0x38;
	[tilespmem:$0x4080] =	vst v63  }
0x15: {  	_ =	swait.ge [sflag:s3], $0x80  }
0x16: {  	[sflag:s3] =	ssyncset.done $0x0  }
0x17: {  	[sflag:s3] =	ssyncadd.s32 $0xFFFFFF80  }
0x18: {  	[tilespmem:s6], [sflag:$0x1] =	stream.indirect.gather [hbm4b:s5+s6], $0x80, s2, s6, $0xb8;
	[tilespmem:$0x4080] =	vst v63  }
0x19: {  	_ =	swait.ge [sflag:s7], $0x4000  }
.Ltmp1:
0x1a: {  	[sflag:s7] =	ssyncset.done $0x0;
	(pc) =	sbr.rel @p0 .LBB2_1-.Ltmp1, $4  }
0x1b: {  	[sflag:s7] =	ssyncadd.s32 $0xFFFFC000  }
0x1c: {  	[hbm4b:s8+s2] =	stream.linear.scatter [tilespmem:s6], [sflag:$0x2], $0x4000, $0x38;
	[tilespmem:$0x4080] =	vst v63  }
0x1d: {  	_ =	swait.ge [sflag:s3], $0x4000  }
0x1e: {  	[sflag:s3] =	ssyncset.done $0x0  }
.LBB2_2:
0x1f: {  	[sflag:s3] =	ssyncadd.s32 $0xFFFFC000  }
0x20: {  	_ =	sfence.sel $0x180000  }
0x21: {  	[bflag:$0x0] =	sbarrier.arrive $0xFFFF  }
0x22: {  	p0 =	sne.s32 s0, $0x0;
	_ =	strace $0x90000050  }
0x23: {  	s0 =	sadd.s32 @!p0 $0x100000, s1;
	[bflag:$0x2] =	sbarrier.arrive $0xFFFF  }
0x24: {  	[sflag:s0] =	ssyncadd.tile.s32 @!p0 $0x1;
	_ =	shalt  }
.Lfunc_end2:
_tile_overlayer_lowered:
.L_overlay_start_2:
0x25: {  	(tag) =	ssettag $0x2  }
0x26: {  	s0 =	rddreg [dreg:$0x0];
	s2 =	stileid.u32  }
0x27: {  	s1 =	rddreg [dreg:$0x1];
	p0 =	sne.s32 s2, $0x0  }
0x28: {  	s3 =	rddreg [dreg:$0x2];
	[bflag:$0x3] =	sbarrier.arrive $0xFFFF;
	s2 =	simm.s32 @!p0 $0x1C02  }
0x29: {  	[timem:s3], [sflag:s2] =	dma.local @!p0 [hbm:s0], s1  }
0x2a: {  	s0 =	simm.s32 @!p0 $0x2  }
0x2b: {  	_ =	swait.ge @!p0 [sflag:s0], s1  }
0x2c: {  	s1 =	ssub.s32 @!p0 $0x0, s1;
	[sflag:s0] =	ssyncset.done @!p0 $0x0  }
0x2d: {  	[sflag:s0] =	ssyncadd.s32 @!p0 s1  }
0x2e: {  	[bflag:$0x3] =	sbarrier.arrive $0xFFFF  }
0x2f: {  	_ =	shalt  }

// kernel: kernel.9.cloned.1.call-start
scs
__scs_entry_jumppad:
0x0: {  	(pc) =	sbr.rel $0x88, $3  }
0x1: {  	(tag) =	ssettag $0x0;
	lr =	simm.s32 $0x1  }
0x2: {  	[smem:$0x3F9A] =	sst lr;
	_ =	strace $0xD0000000  }
0x3: {  	_ = 	snop  }
0x4: {  	_ = 	snop  }
0x5: {  	_ = 	snop  }
0x6: {  	_ = 	snop  }
0x7: {  	_ = 	snop  }
__scs_overlays_trampoline_lowered:
0x8: {  	[smem:$0x3FA9] =	sst s0  }
0x9: {  	[smem:$0x3FAA] =	sst s1  }
0xa: {  	[smem:$0x3FAB] =	sst s2  }
0xb: {  	[smem:$0x3FAC] =	sst s3  }
0xc: {  	[smem:$0x3FAD] =	sst s4  }
0xd: {  	[smem:$0x3FAE] =	sst s5  }
0xe: {  	[smem:$0x3FAF] =	sst s6  }
0xf: {  	[smem:$0x3FB0] =	sst s7  }
0x10: {  	[smem:$0x3FB1] =	sst s8  }
0x11: {  	[smem:$0x3FB2] =	sst s9;
	s0 =	simm.s32 @!p0 $0x0  }
0x12: {  	s1 =	sld [smem:$0x3F98];
	s0 =	simm.s32 @p0 $0x1  }
0x13: {  	[smem:$0x3FB3] =	sst s0;
	s0 =	simm.s32 @!p1 $0x0  }
0x14: {  	s2 =	sld [smem:$0x3F97];
	s0 =	simm.s32 @p1 $0x1  }
0x15: {  	[smem:$0x3FB4] =	sst s0;
	s0 =	simm.s32 @!p2 $0x0  }
0x16: {  	s3 =	sld [smem:$0x3FDB];
	s0 =	simm.s32 @p2 $0x1  }
0x17: {  	s4 =	simm.s32 $0x1BF5;
	[smem:$0x3FB6] =	sst s0  }
0x18: {  	s0 =	sld [smem:$0x3F99];
	_ =	swait.ge [sflag:s4], $0x0  }
0x19: {  	s7 =	sld [smem:$0x3F9A]  }
0x1a: {  	s8 =	sadd.s32 $0xFFFFE003, lr  }
0x1b: {  	s9 =	sadd.s32 $0xFFFFFEF7, lr;
	s5 =	simm.s32 $0xFFFFFFFF;
	p2 =	slt.u32 s8, $0xFFFFF086  }
0x1c: {  	p1 =	slt.u32 s9, $0xF7A;
	s5 =	simm.s32 @!p2 $0x0  }
0x1d: {  	s5 =	simm.s32 @p1 $0x1;
	p0 =	seq.s32 s7, s2  }
0x1e: {  	s7 =	smul.u32 @!p0 $0xF7A, s2;
	p2 =	seq.s32 @!p0 s5, $0x0  }
0x1f: {  	s9 =	smul.u32 $0xF7A, s1;
	s8 =	simm.s32 @!p0 $0x1BF5;
	p2 =	por !p2, p0  }
0x20: {  	[sflag:s8] =	ssyncset.s32 @!p0 $0xFFFFF086;
	s6 =	sadd.s32 @!p0 s3, s7;
	s7 =	simm.s32 @!p0 $0x108  }
0x21: {  	s3 =	sadd.s32 s3, s9;
	s6 =	sadd.s32 @!p0 $0x88, s6;
	s7 =	simm.s32 @p2 $0x1082  }
0x22: {  	[simem:s7], [sflag:s8] =	dma.local @!p0 [hbm:s6], $0xF7A  }
0x23: {  	s9 =	sor.u32 $0xD0000000, s2;
	s6 =	simm.s32 $0x108;
	_ =	swait.ge @!p0 [sflag:s8], $0x0  }
0x24: {  	s3 =	sadd.s32 $0x88, s3;
	s6 =	simm.s32 @!p1 $0x1082;
	[sflag:s4] =	ssyncset.s32 $0xFFFFF086  }
0x25: {  	[simem:s6], [sflag:s4] =	dma.local [hbm:s3], $0xF7A  }
0x26: {  	[smem:$0x3F9A] =	sst s1;
	(tag) =	ssettag s2;
	_ =	strace s9  }
0x27: {  	s1 =	sld [smem:$0x3FAA]  }
0x28: {  	s2 =	sld [smem:$0x3FAB]  }
0x29: {  	s4 =	sld [smem:$0x3FAD]  }
0x2a: {  	p0 =	seq.s32 s5, $0x0;
	s5 =	sld [smem:$0x3FAE]  }
0x2b: {  	s6 =	sld [smem:$0x3FAF]  }
0x2c: {  	s7 =	sld [smem:$0x3FB0]  }
0x2d: {  	s3 =	simm.s32 $0x108;
	s8 =	sld [smem:$0x3FB1]  }
0x2e: {  	s3 =	simm.s32 @!p0 $0x1082;
	s9 =	sld [smem:$0x3FB2]  }
0x2f: {  	lr =	sadd.s32 s0, s3;
	s0 =	sld [smem:$0x3FA9]  }
0x30: {  	s3 =	sld [smem:$0x3FAC]  }
0x31: {  	[smem:$0x3FB5] =	sst s10  }
0x32: {  	s10 =	sld [smem:$0x3FB3];
	_ =	sdelay $0x3  }
0x33: {  	p0 =	seq.s32 s10, $0x1;
	s10 =	sld [smem:$0x3FB5];
	_ =	sdelay $0x3  }
0x34: {  	[smem:$0x3FB5] =	sst s10  }
0x35: {  	s10 =	sld [smem:$0x3FB4];
	_ =	sdelay $0x3  }
0x36: {  	p1 =	seq.s32 s10, $0x1;
	s10 =	sld [smem:$0x3FB5];
	_ =	sdelay $0x3  }
0x37: {  	[smem:$0x3FB5] =	sst s10  }
0x38: {  	s10 =	sld [smem:$0x3FB6]  }
0x39: {  	_ = 	snop;
	(pc) =	sbr.ind lr, $3  }
0x3a: {  	_ = 	snop  }
0x3b: {  	_ = 	snop  }
0x3c: {  	p2 =	seq.s32 s10, $0x1;
	s10 =	sld [smem:$0x3FB5]  }
0x3d: {  	_ =	shalt  }
0x3e: {  	_ =	shalt  }
0x3f: {  	_ =	shalt  }
0x40: {  	_ =	shalt  }
0x41: {  	_ =	shalt  }
0x42: {  	_ =	shalt  }
0x43: {  	_ =	shalt  }
0x44: {  	_ =	shalt  }
0x45: {  	_ =	shalt  }
0x46: {  	_ =	shalt  }
0x47: {  	_ =	shalt  }
0x48: {  	_ =	shalt  }
0x49: {  	_ =	shalt  }
0x4a: {  	_ =	shalt  }
0x4b: {  	_ =	shalt  }
0x4c: {  	_ =	shalt  }
0x4d: {  	_ =	shalt  }
0x4e: {  	_ =	shalt  }
0x4f: {  	_ =	shalt  }
0x50: {  	_ =	shalt  }
0x51: {  	_ =	shalt  }
0x52: {  	_ =	shalt  }
0x53: {  	_ =	shalt  }
0x54: {  	_ =	shalt  }
0x55: {  	_ =	shalt  }
0x56: {  	_ =	shalt  }
0x57: {  	_ =	shalt  }
0x58: {  	_ =	shalt  }
0x59: {  	_ =	shalt  }
0x5a: {  	_ =	shalt  }
0x5b: {  	_ =	shalt  }
0x5c: {  	_ =	shalt  }
0x5d: {  	_ =	shalt  }
0x5e: {  	_ =	shalt  }
0x5f: {  	_ =	shalt  }
0x60: {  	_ =	shalt  }
0x61: {  	_ =	shalt  }
0x62: {  	_ =	shalt  }
0x63: {  	_ =	shalt  }
0x64: {  	_ =	shalt  }
0x65: {  	_ =	shalt  }
0x66: {  	_ =	shalt  }
0x67: {  	_ =	shalt  }
0x68: {  	_ =	shalt  }
0x69: {  	_ =	shalt  }
0x6a: {  	_ =	shalt  }
0x6b: {  	_ =	shalt  }
0x6c: {  	_ =	shalt  }
0x6d: {  	_ =	shalt  }
0x6e: {  	_ =	shalt  }
0x6f: {  	_ =	shalt  }
0x70: {  	_ =	shalt  }
0x71: {  	_ =	shalt  }
0x72: {  	_ =	shalt  }
0x73: {  	_ =	shalt  }
0x74: {  	_ =	shalt  }
0x75: {  	_ =	shalt  }
0x76: {  	_ =	shalt  }
0x77: {  	_ =	shalt  }
0x78: {  	_ =	shalt  }
0x79: {  	_ =	shalt  }
0x7a: {  	_ =	shalt  }
0x7b: {  	_ =	shalt  }
0x7c: {  	_ =	shalt  }
0x7d: {  	_ =	shalt  }
0x7e: {  	_ =	shalt  }
0x7f: {  	_ =	shalt  }
0x80: {  	_ =	shalt  }
0x81: {  	_ =	shalt  }
0x82: {  	_ =	shalt  }
0x83: {  	_ =	shalt  }
0x84: {  	_ =	shalt  }
0x85: {  	_ =	shalt  }
0x86: {  	_ =	shalt  }
0x87: {  	_ =	shalt  }
.Lfunc_end0:
.L_simem_size_0:
called_computation_lowered:
.L_overlay_start_0:
0x88: {  	s2 =	sld [smem:$0x3FD9]  }
0x89: {  	s3 =	sld [smem:$0x3FFE];
	_ =	sdelay $0x1  }
0x8a: {  	s1 =	srdreg.scid  }
0x8b: {  	s0 =	sand.u32 $0x1, s1  }
0x8c: {  	s17 =	sshll.u32 s0, $0xA;
	s2 =	sadd.s32 s3, s2  }
0x8d: {  	s2 =	sadd.s32 s2, s17  }
0x8e: {  	[smem:$0x3FC1] =	sst s2  }
0x8f: {  	_ = 	snop  }
0x90: {  	s2 =	sld [smem:$0x3FD0];
	(tm) =	ssettm $0x1  }
0x91: {  	s18 =	sld [smem:$0x3FFB];
	_ =	sdelay $0x3  }
0x92: {  	_ =	strace s18  }
0x93: {  	s3 =	sld [smem:$0x3FFC];
	_ =	sdelay $0x3  }
0x94: {  	_ =	strace s3  }
0x95: {  	s3 =	sld [smem:$0x3FFD];
	_ =	sdelay $0x3  }
0x96: {  	_ =	strace s3  }
0x97: {  	_ =	strace $0x8FFFFFFF  }
0x98: {  	s19 =	sld [smem:$0x3FDB];
	_ =	sdelay $0x1  }
0x99: {  	s4 =	simm.s32 $_scs_section_size  }
0x9a: {  	s5 =	simm.s32 $_size__tile_overlayer_lowered;
	s6 =	simm.s32 $_tile_overlayer_lowered  }
0x9b: {  	s22 =	simm.s32 $0x1BFF;
	s21 =	sshll.u32 s6, $0x1;
	s3 =	sadd.s32 s4, s19  }
0x9c: {  	s7 =	simm.s32 $0x0;
	s20 =	sshll.u32 s5, $0x1;
	s5 =	sadd.s32 s21, s3  }
0x9d: {  	[timem:s7], [sflag:s22] =	dma.local [hbm:s5], s20  }
0x9e: {  	_ =	swait.ge [sflag:s22], s20  }
0x9f: {  	s4 =	ssub.s32 $0x0, s20;
	[sflag:s22] =	ssyncset.done $0x0  }
0xa0: {  	[sflag:s22] =	ssyncadd.s32 s4;
	_ =	sdelay $0x1  }
0xa1: {  	s23 =	simm.s32 $0x1B8B  }
0xa2: {  	_ =	swait.ge [sflag:s23], $0x1  }
0xa3: {  	[sflag:s23] =	ssyncset.done $0x0  }
0xa4: {  	s25 =	simm.s32 $0x1B8E;
	s24 =	sld [smem:$0x3FFE];
	[sflag:s23] =	ssyncadd.s32 $0xFFFFFFFF  }
0xa5: {  	s26 =	simm.s32 $execute0_lowered;
	[smem:$0x3FD2] =	sst s25  }
0xa6: {  	s5 =	sshll.u32 s26, $0x1;
	_ =	strace $0x80000046;
	[dreg:$0x1] =	wrdreg $0xFFFFFFFF  }
0xa7: {  	s28 =	simm.s32 $_size_execute0_lowered;
	s3 =	sadd.s32 s3, s5;
	[dreg:$0x0] =	wrdreg $0x0  }
0xa8: {  	s5 =	sshll.u32 s28, $0x1;
	[dreg:$0x2] =	wrdreg s3  }
0xa9: {  	[dreg:$0x3] =	wrdreg s5  }
0xaa: {  	[dreg:$0x4] =	wrdreg $0xC0  }
0xab: {  	_ =	task [dreg:s7], $0x5FFFF  }
0xac: {  	[dreg:$0x1] =	wrdreg $0xFFFFFFFF  }
0xad: {  	[dreg:$0x0] =	wrdreg $0x60  }
0xae: {  	[dreg:$0x2] =	wrdreg s24  }
0xaf: {  	[dreg:$0x3] =	wrdreg s2  }
0xb0: {  	[dreg:$0x4] =	wrdreg $0x54800  }
0xb1: {  	[dreg:$0x5] =	wrdreg $0x9  }
0xb2: {  	_ =	task.clear_ibuf [dreg:s7], $0x6FFFF;
	_ =	strace $0x90000046  }
0xb3: {  	s29 =	simm.s32 $0x9;
	_ =	strace $0x80000048  }
0xb4: {  	_ =	swait.ge [sflag:s29], $0x1  }
0xb5: {  	[sflag:s29] =	ssyncadd.s32 $0xFFFFFFFF  }
0xb6: {  	_ =	strace $0x90000048  }
0xb7: {  	_ =	sfence  }
0xb8: {  	s30 =	sld [smem:$0x0];
	_ =	sdelay $0x2  }
0xb9: {  	s31 =	sshll.u32 s1, $0xD;
	s1 =	sshrl.u32 s1, $0x2  }
0xba: {  	s3 =	sand.u32 $0x4000, s31;
	s1 =	sadd.s32 s1, s30  }
0xbb: {  	s0 =	sor.u32 s3, s0;
	s1 =	sshll.u32 s1, $0x11  }
0xbc: {  	s0 =	sor.u32 s1, s0  }
0xbd: {  	s0 =	sadd.s32 $0x8F2B, s0  }
0xbe: {  	[sflag:s0] =	ssyncadd.remote.s32 $0x1  }
0xbf: {  	_ =	sfence.sel $0xFFFF  }
0xc0: {  	[dreg:$0x0] =	wrdreg $0xFFFFFFFF;
	(pc) =	sbr.abs _section_cstart, $3  }
0xc1: {  	[dreg:$0x1] =	wrdreg $0xFFFFFFFF  }
0xc2: {  	_ =	task.clear_ibuf [dreg:s7], $0x2FFFF;
	_ =	strace $0x9FFFFFFF  }
0xc3: {  	(tm) =	ssettm $0x7FFFFFFF  }
tec
execute0_lowered:
.L_overlay_start_1:
0x0: {  	(tag) =	ssettag $0x1  }
0x1: {  	s4 =	rddreg [dreg:$0x0]  }
0x2: {  	s0 =	srdreg.scid;
	s6 =	rddreg [dreg:$0x1]  }
0x3: {  	s2 =	rddreg [dreg:$0x2];
	s1 =	stileid.u32;
	s3 =	simm.s32 $0x0  }
0x4: {  	s11 =	simm.s32 $0x5000;
	s5 =	sand.u32 $0x1, s0;
	s0 =	rddreg [dreg:$0x3]  }
0x5: {  	s12 =	simm.s32 $0x2;
	s15 =	simm.s32 $0x0;
	[smem:$0x7FF] =	sst s3  }
0x6: {  	s10 =	sshll.u32 s1, $0xA;
	p0 =	sgt.u32 s1, $0x9;
	s7 =	sshll.u32 s5, $0x4  }
0x7: {  	s8 =	ssub.s32 $0x2, s5;
	s5 =	smul.u32 $0x2800, s5;
	s7 =	sor.u32 s1, s7  }
0x8: {  	s13 =	sshll.u32 @!p0 s1, $0x6;
	s9 =	sshrl.u32 s8, $0x1;
	s7 =	smul.u32 $0x2800, s7  }
0x9: {  	_ =	strace $0x80000047;
	s13 =	sor.u32 @!p0 $0x1C02, s13;
	s8 =	ssub.s32 s8, s9  }
0xa: {  	s31 =	sadd.s32 s10, s5;
	s5 =	sadd.s32 s10, s2;
	s7 =	sshrl.u32 s7, $0x3  }
0xb: {  	v0 =	vlaneseq.u32;
	s9 =	simm.s32 $0x1;
	s10 =	simm.s32 $0x50;
	s4 =	sadd.s32 s4, s7  }
0xc: {  	v5 =	vimm.f32 $0.0e+00;
	v6 =	vimm.f32 $1.000000000e+00;
	v1 =	vor.u32 $0x10, v0;
	s14 =	sshrl.u32 @!p0 s5, $0x3;
	s7 =	sshrl.u32 s31, $0x3;
	s4 =	sadd.s32 $0xCC00, s4  }
0xd: {  	v2 =	vor.u32 $0x20, v0;
	v3 =	vor.u32 $0x30, v0;
	v4 =	vor.u32 $0x40, v0;
	s6 =	sadd.s32 s6, s7;
	s7 =	smax.u32 s8, $0x1;
	s8 =	simm.s32 $0x2800  }
.LBB2_1:
0xe: {  	[tilespmem:s8], [sflag:$0x1] =	stream.linear.gather [hbm4b:s4+s3], $0x2800, $0x38;
	[tilespmem:$0x5700] =	vst v63  }
0xf: {  	[tilespmem:$0x5000] =	vst v0  }
0x10: {  	[tilespmem:$0x5010] =	vst v1  }
0x11: {  	[tilespmem:$0x5020] =	vst v2  }
0x12: {  	[tilespmem:$0x5030] =	vst v3  }
0x13: {  	[tilespmem:$0x5040] =	vst v4  }
0x14: {  	[tilespmem:$0x5080] =	vst v5  }
0x15: {  	[tilespmem:$0x5090] =	vst v5  }
0x16: {  	[tilespmem:$0x50A0] =	vst v5  }
0x17: {  	[tilespmem:$0x50B0] =	vst v5  }
0x18: {  	[tilespmem:$0x50C0] =	vst v5  }
0x19: {  	[tilespmem:$0x50D0] =	vst v5  }
0x1a: {  	[tilespmem:$0x50E0] =	vst v5  }
0x1b: {  	[tilespmem:$0x50F0] =	vst v5  }
0x1c: {  	[tilespmem:$0x5100] =	vst v5  }
0x1d: {  	[tilespmem:$0x5110] =	vst v5  }
0x1e: {  	[tilespmem:$0x5120] =	vst v5  }
0x1f: {  	[tilespmem:$0x5130] =	vst v5  }
0x20: {  	[tilespmem:$0x5140] =	vst v5  }
0x21: {  	[tilespmem:$0x5150] =	vst v5  }
0x22: {  	[tilespmem:$0x5160] =	vst v5  }
0x23: {  	[tilespmem:$0x5170] =	vst v5  }
0x24: {  	[tilespmem:$0x5180] =	vst v5  }
0x25: {  	[tilespmem:$0x5190] =	vst v5  }
0x26: {  	[tilespmem:$0x51A0] =	vst v5  }
0x27: {  	[tilespmem:$0x51B0] =	vst v5  }
0x28: {  	[tilespmem:$0x51C0] =	vst v5  }
0x29: {  	[tilespmem:$0x51D0] =	vst v5  }
0x2a: {  	[tilespmem:$0x51E0] =	vst v5  }
0x2b: {  	[tilespmem:$0x51F0] =	vst v5  }
0x2c: {  	[tilespmem:$0x5200] =	vst v5  }
0x2d: {  	[tilespmem:$0x5210] =	vst v5  }
0x2e: {  	[tilespmem:$0x5220] =	vst v5  }
0x2f: {  	[tilespmem:$0x5230] =	vst v5  }
0x30: {  	[tilespmem:$0x5240] =	vst v5  }
0x31: {  	[tilespmem:$0x5250] =	vst v5  }
0x32: {  	[tilespmem:$0x5260] =	vst v5  }
0x33: {  	[tilespmem:$0x5270] =	vst v5  }
0x34: {  	[tilespmem:$0x5280] =	vst v5  }
0x35: {  	[tilespmem:$0x5290] =	vst v5  }
0x36: {  	[tilespmem:$0x52A0] =	vst v5  }
0x37: {  	[tilespmem:$0x52B0] =	vst v5  }
0x38: {  	[tilespmem:$0x52C0] =	vst v5  }
0x39: {  	[tilespmem:$0x52D0] =	vst v5  }
0x3a: {  	[tilespmem:$0x52E0] =	vst v5  }
0x3b: {  	[tilespmem:$0x52F0] =	vst v5  }
0x3c: {  	[tilespmem:$0x5300] =	vst v5  }
0x3d: {  	[tilespmem:$0x5310] =	vst v5  }
0x3e: {  	[tilespmem:$0x5320] =	vst v5  }
0x3f: {  	[tilespmem:$0x5330] =	vst v5  }
0x40: {  	[tilespmem:$0x5340] =	vst v5  }
0x41: {  	[tilespmem:$0x5350] =	vst v5  }
0x42: {  	[tilespmem:$0x5360] =	vst v5  }
0x43: {  	[tilespmem:$0x5370] =	vst v5  }
0x44: {  	[tilespmem:$0x5380] =	vst v5  }
0x45: {  	[tilespmem:$0x5390] =	vst v5  }
0x46: {  	[tilespmem:$0x53A0] =	vst v5  }
0x47: {  	[tilespmem:$0x53B0] =	vst v5  }
0x48: {  	[tilespmem:$0x53C0] =	vst v5  }
0x49: {  	[tilespmem:$0x53D0] =	vst v5  }
0x4a: {  	[tilespmem:$0x53E0] =	vst v5  }
0x4b: {  	[tilespmem:$0x53F0] =	vst v5  }
0x4c: {  	[tilespmem:$0x5400] =	vst v5  }
0x4d: {  	[tilespmem:$0x5410] =	vst v5  }
0x4e: {  	[tilespmem:$0x5420] =	vst v5  }
0x4f: {  	[tilespmem:$0x5430] =	vst v5  }
0x50: {  	[tilespmem:$0x5440] =	vst v5  }
0x51: {  	[tilespmem:$0x5450] =	vst v5  }
0x52: {  	[tilespmem:$0x5460] =	vst v5  }
0x53: {  	s16 =	simm.s32 $0x0;
	s17 =	simm.s32 $0x200;
	[tilespmem:$0x5470] =	vst v5  }
.LBB2_2:
0x54: {  	p1 =	sne.s32 s17, $0x9E00;
	[tilespmem:s16+$0x70] =	vst v5  }
0x55: {  	[tilespmem:s16+$0x0] =	vst v5  }
0x56: {  	[tilespmem:s16+$0x10] =	vst v5  }
.Ltmp0:
0x57: {  	[tilespmem:s16+$0x20] =	vst v5;
	(pc) =	sbr.rel @p1 .LBB2_2-.Ltmp0, $4  }
0x58: {  	[tilespmem:s16+$0x30] =	vst v5  }
0x59: {  	[tilespmem:s16+$0x40] =	vst v5  }
0x5a: {  	[tilespmem:s16+$0x50] =	vst v5  }
0x5b: {  	[tilespmem:s16+$0x60] =	vst v5;
	s16 =	sshra.s32 s17, $0x2;
	s17 =	sadd.s32 $0x200, s17  }
0x5c: {  	[tilespmem:s16+$0x70] =	vst v5  }
0x5d: {  	[tilespmem:s16+$0x0] =	vst v5  }
0x5e: {  	[tilespmem:s16+$0x10] =	vst v5  }
0x5f: {  	[tilespmem:s16+$0x20] =	vst v5  }
0x60: {  	[tilespmem:s16+$0x30] =	vst v5  }
0x61: {  	[tilespmem:s16+$0x40] =	vst v5  }
0x62: {  	[tilespmem:s16+$0x50] =	vst v5  }
0x63: {  	[tilespmem:s16+$0x60] =	vst v5;
	s16 =	simm.s32 @!p0 $0x5080  }
0x64: {  	[spmem:s5] =	stream.linear.scatter @!p0 [tilespmem:s16], [sflag:$0x2], $0x400, $0x38;
	[tilespmem:$0x5700] =	vst v63  }
0x65: {  	s16 =	simm.s32 @!p0 $0x2  }
0x66: {  	_ =	swait.ge @!p0 [sflag:s16], $0x400  }
0x67: {  	[sflag:s16] =	ssyncset.done @!p0 $0x0  }
0x68: {  	[sflag:s16] =	ssyncadd.s32 @!p0 $0xFFFFFC00  }
0x69: {  	[bflag:$0x0] =	sbarrier.arrive $0xFFFF  }
0x6a: {  	_ =	swait.ge [sflag:s9], $0x2800  }
0x6b: {  	[sflag:s9] =	ssyncset.done $0x0  }
0x6c: {  	s16 =	simm.s32 $0x0;
	[sflag:s9] =	ssyncadd.s32 $0xFFFFD800  }
.LBB2_4:
0x6d: {  	s17 =	sshra.s32 s16, $0x2  }
0x6e: {  	v7 =	vld [tilespmem:s17+$0x2800];
	_ =	sdelay $0x7  }
0x6f: {  	[tilespmem:v7+s3+$0x0] =	vst.idx.add.f32.msk $0xffff, v6  }
0x70: {  	v7 =	vld [tilespmem:s17+$0x2810];
	_ =	sdelay $0x7  }
0x71: {  	[tilespmem:v7+s3+$0x0] =	vst.idx.add.f32.msk $0xffff, v6  }
0x72: {  	v7 =	vld [tilespmem:s17+$0x2820];
	_ =	sdelay $0x7  }
0x73: {  	[tilespmem:v7+s3+$0x0] =	vst.idx.add.f32.msk $0xffff, v6  }
0x74: {  	v7 =	vld [tilespmem:s17+$0x2830];
	_ =	sdelay $0x7  }
0x75: {  	[tilespmem:v7+s3+$0x0] =	vst.idx.add.f32.msk $0xffff, v6  }
0x76: {  	v7 =	vld [tilespmem:s17+$0x2840];
	_ =	sdelay $0x7  }
0x77: {  	[tilespmem:v7+s3+$0x0] =	vst.idx.add.f32.msk $0xffff, v6  }
0x78: {  	v7 =	vld [tilespmem:s17+$0x2850];
	_ =	sdelay $0x7  }
0x79: {  	[tilespmem:v7+s3+$0x0] =	vst.idx.add.f32.msk $0xffff, v6  }
0x7a: {  	v7 =	vld [tilespmem:s17+$0x2860];
	_ =	sdelay $0x7  }
0x7b: {  	[tilespmem:v7+s3+$0x0] =	vst.idx.add.f32.msk $0xffff, v6  }
0x7c: {  	v7 =	vld [tilespmem:s17+$0x2870];
	_ =	sdelay $0x2  }
0x7d: {  	p1 =	sne.s32 s16, $0x9E00  }
.Ltmp1:
0x7e: {  	_ = 	snop;
	(pc) =	sbr.rel @p1 .LBB2_4-.Ltmp1, $2  }
0x7f: {  	_ =	sdelay $0x2  }
0x80: {  	s16 =	sadd.s32 $0x200, s16;
	[tilespmem:v7+s3+$0x0] =	vst.idx.add.f32.msk $0xffff, v6  }
0x81: {  	[spmem:s2] =	stream.indirect.scatter.add.f32 [tilespmem:s3], [sflag:$0x2], $0x80, s11, s10, $0xb8;
	[tilespmem:$0x5700] =	vst v63  }
0x82: {  	_ =	swait.ge [sflag:s12], $0x2800  }
0x83: {  	s15 =	sadd.s32 $0x1, s15;
	[sflag:s12] =	ssyncset.done $0x0  }
0x84: {  	p1 =	sne.s32 s15, s7;
	[sflag:s12] =	ssyncadd.s32 $0xFFFFD800  }
.Ltmp2:
0x85: {  	s16 =	simm.s32 @!p0 $0x2;
	[bflag:$0x0] =	sbarrier.arrive $0xFFFF;
	(pc) =	sbr.rel @p1 .LBB2_1-.Ltmp2, $4  }
0x86: {  	[hbm:s6], [sflag:s13] =	dma.local @!p0 [spmem:s14], $0x80  }
0x87: {  	_ =	swait.ge @!p0 [sflag:s16], $0x80  }
0x88: {  	[sflag:s16] =	ssyncset.done @!p0 $0x0  }
0x89: {  	[sflag:s16] =	ssyncadd.s32 @!p0 $0xFFFFFF80  }
0x8a: {  	_ =	sfence.sel $0x180000  }
0x8b: {  	[bflag:$0x0] =	sbarrier.arrive $0xFFFF  }
0x8c: {  	p0 =	sne.s32 s1, $0x0;
	_ =	strace $0x90000047  }
0x8d: {  	s0 =	sadd.s32 @!p0 $0x100000, s0;
	[bflag:$0x2] =	sbarrier.arrive $0xFFFF  }
0x8e: {  	[sflag:s0] =	ssyncadd.tile.s32 @!p0 $0x1;
	_ =	shalt  }
.Lfunc_end2:
_tile_overlayer_lowered:
.L_overlay_start_2:
0x8f: {  	(tag) =	ssettag $0x2  }
0x90: {  	s0 =	rddreg [dreg:$0x0];
	s2 =	stileid.u32  }
0x91: {  	s1 =	rddreg [dreg:$0x1];
	p0 =	sne.s32 s2, $0x0  }
0x92: {  	s3 =	rddreg [dreg:$0x2];
	[bflag:$0x3] =	sbarrier.arrive $0xFFFF;
	s2 =	simm.s32 @!p0 $0x1C02  }
0x93: {  	[timem:s3], [sflag:s2] =	dma.local @!p0 [hbm:s0], s1  }
0x94: {  	s0 =	simm.s32 @!p0 $0x2  }
0x95: {  	_ =	swait.ge @!p0 [sflag:s0], s1  }
0x96: {  	s1 =	ssub.s32 @!p0 $0x0, s1;
	[sflag:s0] =	ssyncset.done @!p0 $0x0  }
0x97: {  	[sflag:s0] =	ssyncadd.s32 @!p0 s1  }
0x98: {  	[bflag:$0x3] =	sbarrier.arrive $0xFFFF  }
0x99: {  	_ =	shalt  }

</sc_bundles>
